<compile_context>
chip_gen: v7x
topology: tpu7x:2x2x1
jax: 0.10.2.dev20260603
libtpu: 0.0.44.dev20260713+nightly
codegen_flags: <defaults>
</compile_context>

<pallas_src>
import functools

import jax
import jax.numpy as jnp
from jax import lax
from jax.experimental import pallas as pl
from jax.experimental.pallas import tpu as pltpu
from jax.experimental.pallas import tpu_sc as plsc

N = 16777216
SPARSITY = 0.01
SIGMOID_BIAS = 5.0
K = int(SPARSITY * N)

NC, NS, LANES = 2, 16, 16
NTILES = NC * NS
PER_TILE = N // NTILES
NBUF = 2
UNROLL = 8

B1, B2, B3 = 2048, 2048, 512

_mesh = plsc.VectorSubcoreMesh(core_axis_name="c", subcore_axis_name="s")
_sc_params = pltpu.CompilerParams(needs_layout_passes=False)


def _wid():
    return lax.axis_index("s") * NC + lax.axis_index("c")


def _zero_hist(hist_v, nwords):
    zeros = jnp.zeros((LANES,), jnp.int32)

    @plsc.parallel_loop(0, nwords // LANES, 1, unroll=UNROLL)
    def _(i):
        hist_v[pl.ds(i * LANES, LANES)] = zeros


_P1_BLK = 4096
_P1_NBLK = PER_TILE // _P1_BLK
_P1_NBUF = 4


@functools.partial(
    pl.kernel,
    out_type=[
        jax.ShapeDtypeStruct((N,), jnp.float32),
        jax.ShapeDtypeStruct((NTILES, LANES * B1), jnp.int32),
    ],
    mesh=_mesh,
    scratch_types=[
        pltpu.VMEM((_P1_NBUF, _P1_BLK), jnp.float32),
        pltpu.VMEM((_P1_NBUF, _P1_BLK), jnp.float32),
        pltpu.VMEM((_P1_NBUF, _P1_BLK), jnp.float32),
        pltpu.VMEM((LANES * B1,), jnp.int32),
        pltpu.SemaphoreType.DMA,
        pltpu.SemaphoreType.DMA,
        pltpu.SemaphoreType.DMA,
        pltpu.SemaphoreType.DMA,
        pltpu.SemaphoreType.DMA,
        pltpu.SemaphoreType.DMA,
        pltpu.SemaphoreType.DMA,
        pltpu.SemaphoreType.DMA,
        pltpu.SemaphoreType.DMA,
        pltpu.SemaphoreType.DMA,
        pltpu.SemaphoreType.DMA,
        pltpu.SemaphoreType.DMA,
    ],
    compiler_params=_sc_params,
)
def _p1(p_hbm, f_hbm, tv_hbm, hist_hbm, p_v, f_v, t_v, hist_v,
        sp0, sp1, sp2, sp3, sf0, sf1, sf2, sf3, ss0, ss1, ss2, ss3):
    wid = _wid()
    base = wid * PER_TILE
    sp = (sp0, sp1, sp2, sp3)
    sf = (sf0, sf1, sf2, sf3)
    ss = (ss0, ss1, ss2, ss3)
    for j in range(_P1_NBUF):
        off = base + j * _P1_BLK
        pltpu.async_copy(p_hbm.at[pl.ds(off, _P1_BLK)], p_v.at[j], sp[j])
        pltpu.async_copy(f_hbm.at[pl.ds(off, _P1_BLK)], f_v.at[j], sf[j])
    _zero_hist(hist_v, LANES * B1)
    lane = lax.iota(jnp.int32, LANES)
    ones = jnp.ones((LANES,), jnp.int32)

    def outer(g, _):
        for j in range(_P1_NBUF):
            blk = g * _P1_NBUF + j
            off = base + blk * _P1_BLK
            pltpu.make_async_copy(
                p_hbm.at[pl.ds(off, _P1_BLK)], p_v.at[j], sp[j]).wait()
            pltpu.make_async_copy(
                f_hbm.at[pl.ds(off, _P1_BLK)], f_v.at[j], sf[j]).wait()

            @pl.when(blk >= _P1_NBUF)
            def _wait_store():
                pltpu.make_async_copy(
                    t_v.at[j], tv_hbm.at[pl.ds(base, _P1_BLK)], ss[j]).wait()

            @plsc.parallel_loop(0, _P1_BLK // LANES, 1, unroll=UNROLL)
            def _vec(i):
                s = i * LANES
                t = f_v[j, pl.ds(s, LANES)] - p_v[j, pl.ds(s, LANES)]
                t_v[j, pl.ds(s, LANES)] = t
                bits = plsc.bitcast(jnp.abs(t), jnp.int32)
                bkt = lax.shift_right_logical(bits, 20)
                idx = lax.shift_left(bkt, 4) + lane
                plsc.addupdate_scatter(hist_v, [idx], ones)
            pltpu.async_copy(t_v.at[j], tv_hbm.at[pl.ds(off, _P1_BLK)], ss[j])

            @pl.when(blk + _P1_NBUF < _P1_NBLK)
            def _next_load():
                noff = base + (blk + _P1_NBUF) * _P1_BLK
                pltpu.async_copy(
                    p_hbm.at[pl.ds(noff, _P1_BLK)], p_v.at[j], sp[j])
                pltpu.async_copy(
                    f_hbm.at[pl.ds(noff, _P1_BLK)], f_v.at[j], sf[j])
        return 0

    lax.fori_loop(0, _P1_NBLK // _P1_NBUF, outer, 0)
    for j in range(_P1_NBUF):
        pltpu.make_async_copy(
            t_v.at[j], tv_hbm.at[pl.ds(base, _P1_BLK)], ss[j]).wait()
    pltpu.sync_copy(hist_v, hist_hbm.at[wid])


_H_NBUF = 4


def _make_masked_hist(shift_match, shift_bucket, bmask, nbuckets, blk):
    nblk = PER_TILE // blk

    @functools.partial(
        pl.kernel,
        out_type=jax.ShapeDtypeStruct((NTILES, LANES * nbuckets), jnp.int32),
        mesh=_mesh,
        scratch_types=[
            pltpu.VMEM((_H_NBUF, blk), jnp.float32),
            pltpu.VMEM((LANES,), jnp.int32),
            pltpu.VMEM((LANES * nbuckets,), jnp.int32),
            pltpu.SemaphoreType.DMA,
            pltpu.SemaphoreType.DMA,
            pltpu.SemaphoreType.DMA,
            pltpu.SemaphoreType.DMA,
        ],
        compiler_params=_sc_params,
    )
    def hist_pass(tv_hbm, sel_hbm, hist_hbm, tv_v, sel_v, hist_v,
                  s0, s1, s2, s3):
        wid = _wid()
        base = wid * PER_TILE
        sems = (s0, s1, s2, s3)
        for j in range(_H_NBUF):
            off = base + j * blk
            pltpu.async_copy(tv_hbm.at[pl.ds(off, blk)], tv_v.at[j], sems[j])
        pltpu.sync_copy(sel_hbm, sel_v)
        _zero_hist(hist_v, LANES * nbuckets)
        sel = sel_v[...]
        lane = lax.iota(jnp.int32, LANES)
        ones = jnp.ones((LANES,), jnp.int32)

        def outer(g, _):
            for j in range(_H_NBUF):
                b = g * _H_NBUF + j
                off = base + b * blk
                pltpu.make_async_copy(
                    tv_hbm.at[pl.ds(off, blk)], tv_v.at[j], sems[j]).wait()

                @plsc.parallel_loop(0, blk // LANES, 1, unroll=UNROLL)
                def _vec(i):
                    s = i * LANES
                    t = tv_v[j, pl.ds(s, LANES)]
                    bits = plsc.bitcast(jnp.abs(t), jnp.int32)
                    match = lax.shift_right_logical(bits, shift_match) == sel
                    bucket = jnp.bitwise_and(
                        lax.shift_right_logical(bits, shift_bucket), bmask)
                    idx = lax.shift_left(bucket, 4) + lane
                    plsc.addupdate_scatter(hist_v, [idx], ones, mask=match)

                @pl.when(b + _H_NBUF < nblk)
                def _next_load():
                    noff = base + (b + _H_NBUF) * blk
                    pltpu.async_copy(
                        tv_hbm.at[pl.ds(noff, blk)], tv_v.at[j], sems[j])
            return 0

        lax.fori_loop(0, nblk // _H_NBUF, outer, 0)
        pltpu.sync_copy(hist_v, hist_hbm.at[wid])

    return hist_pass


_p2 = _make_masked_hist(20, 9, B2 - 1, B2, 16384)
_p3 = _make_masked_hist(9, 0, B3 - 1, B3, 16384)


def _select(hist, rank, prev, nbuckets, nbits, last=False):

    def body(h_ref, r_ref, p_ref, selv_ref, sels_ref, rn_ref, *prop_ref):
        h = jnp.sum(h_ref[...], axis=0, keepdims=True)
        col = lax.shift_right_logical(
            lax.broadcasted_iota(jnp.int32, h.shape, 1), 4)
        k = r_ref[0, 0]

        def step(_, lohi):
            lo, hi = lohi
            mid = (lo + hi) // 2
            s = jnp.sum(jnp.where(col >= mid, h, 0))
            ok = s >= k
            return jnp.where(ok, mid, lo), jnp.where(ok, hi, mid)

        lo, _hi = lax.fori_loop(
            0, nbits, step, (jnp.int32(0), jnp.int32(nbuckets)))
        above = jnp.sum(jnp.where(col >= lo + 1, h, 0))
        combined = (p_ref[0, 0] << nbits) | lo
        rnext = k - above
        selv_ref[...] = jnp.full((LANES,), combined, jnp.int32)
        sels_ref[0, 0] = combined
        rn_ref[0, 0] = rnext
        if last:
            cnt_above = K - rnext
            prop_ref[0][0, 0] = (
                (5 * (2 * cnt_above - N)).astype(jnp.float32) / jnp.float32(N))

    out_specs = [
        pl.BlockSpec(memory_space=pltpu.VMEM),
        pl.BlockSpec(memory_space=pltpu.SMEM),
        pl.BlockSpec(memory_space=pltpu.SMEM),
    ]
    out_shape = [
        jax.ShapeDtypeStruct((LANES,), jnp.int32),
        jax.ShapeDtypeStruct((1, 1), jnp.int32),
        jax.ShapeDtypeStruct((1, 1), jnp.int32),
    ]
    if last:
        out_specs.append(pl.BlockSpec(memory_space=pltpu.SMEM))
        out_shape.append(jax.ShapeDtypeStruct((1, 1), jnp.float32))
    return pl.pallas_call(
        body,
        in_specs=[
            pl.BlockSpec(memory_space=pltpu.VMEM),
            pl.BlockSpec(memory_space=pltpu.SMEM),
            pl.BlockSpec(memory_space=pltpu.SMEM),
        ],
        out_specs=out_specs,
        out_shape=out_shape,
    )(hist, rank, prev)


_SIG_HI = 0.9933071490757153
_SIG_LO = 0.0066928509242848554

_P4_BLK = 8192
_P4_NBLK = PER_TILE // _P4_BLK
_P4_NBUF = 4


@functools.partial(
    pl.kernel,
    out_type=[
        jax.ShapeDtypeStruct((N,), jnp.float32),
        jax.ShapeDtypeStruct((N,), jnp.float32),
    ],
    mesh=_mesh,
    scratch_types=[
        pltpu.VMEM((_P4_NBUF, _P4_BLK), jnp.float32),
        pltpu.VMEM((_P4_NBUF, _P4_BLK), jnp.float32),
        pltpu.VMEM((_P4_NBUF, _P4_BLK), jnp.float32),
        pltpu.VMEM((LANES,), jnp.int32),
        pltpu.SemaphoreType.DMA,
        pltpu.SemaphoreType.DMA,
        pltpu.SemaphoreType.DMA,
        pltpu.SemaphoreType.DMA,
        pltpu.SemaphoreType.DMA,
        pltpu.SemaphoreType.DMA,
        pltpu.SemaphoreType.DMA,
        pltpu.SemaphoreType.DMA,
        pltpu.SemaphoreType.DMA,
        pltpu.SemaphoreType.DMA,
        pltpu.SemaphoreType.DMA,
        pltpu.SemaphoreType.DMA,
    ],
    compiler_params=_sc_params,
)
def _p4(tv_hbm, thr_hbm, mask_hbm, delta_hbm, tv_v, m_v, d_v, thr_v,
        sl0, sl1, sl2, sl3, sm0, sm1, sm2, sm3, sd0, sd1, sd2, sd3):
    wid = _wid()
    base = wid * PER_TILE
    sl = (sl0, sl1, sl2, sl3)
    sm = (sm0, sm1, sm2, sm3)
    sd = (sd0, sd1, sd2, sd3)
    for j in range(_P4_NBUF):
        off = base + j * _P4_BLK
        pltpu.async_copy(tv_hbm.at[pl.ds(off, _P4_BLK)], tv_v.at[j], sl[j])
    pltpu.sync_copy(thr_hbm, thr_v)
    thr = plsc.bitcast(thr_v[...], jnp.float32)
    hi = jnp.full((LANES,), SIGMOID_BIAS, jnp.float32)
    lo = jnp.full((LANES,), -SIGMOID_BIAS, jnp.float32)
    shi = jnp.full((LANES,), _SIG_HI, jnp.float32)
    slo = jnp.full((LANES,), _SIG_LO, jnp.float32)

    def outer(g, _):
        for j in range(_P4_NBUF):
            blk = g * _P4_NBUF + j
            off = base + blk * _P4_BLK
            pltpu.make_async_copy(
                tv_hbm.at[pl.ds(off, _P4_BLK)], tv_v.at[j], sl[j]).wait()

            @pl.when(blk >= _P4_NBUF)
            def _wait_stores():
                pltpu.make_async_copy(
                    m_v.at[j], mask_hbm.at[pl.ds(base, _P4_BLK)], sm[j]).wait()
                pltpu.make_async_copy(
                    d_v.at[j], delta_hbm.at[pl.ds(base, _P4_BLK)], sd[j]).wait()

            @plsc.parallel_loop(0, _P4_BLK // LANES, 1, unroll=UNROLL)
            def _vec(i):
                s = i * LANES
                t = tv_v[j, pl.ds(s, LANES)]
                above = jnp.abs(t) > thr
                m_v[j, pl.ds(s, LANES)] = jnp.where(above, hi, lo)
                d_v[j, pl.ds(s, LANES)] = t * jnp.where(above, shi, slo)

            pltpu.async_copy(m_v.at[j], mask_hbm.at[pl.ds(off, _P4_BLK)], sm[j])
            pltpu.async_copy(d_v.at[j], delta_hbm.at[pl.ds(off, _P4_BLK)], sd[j])

            @pl.when(blk + _P4_NBUF < _P4_NBLK)
            def _next_load():
                noff = base + (blk + _P4_NBUF) * _P4_BLK
                pltpu.async_copy(
                    tv_hbm.at[pl.ds(noff, _P4_BLK)], tv_v.at[j], sl[j])
        return 0

    lax.fori_loop(0, _P4_NBLK // _P4_NBUF, outer, 0)
    for j in range(_P4_NBUF):
        pltpu.make_async_copy(
            m_v.at[j], mask_hbm.at[pl.ds(base, _P4_BLK)], sm[j]).wait()
        pltpu.make_async_copy(
            d_v.at[j], delta_hbm.at[pl.ds(base, _P4_BLK)], sd[j]).wait()


def kernel(pretrained, finetuned):
    tv, h1 = _p1(pretrained, finetuned)

    k0 = jnp.full((1, 1), K, jnp.int32)
    zero = jnp.zeros((1, 1), jnp.int32)
    sel1v, j1s, r2 = _select(h1, k0, zero, B1, 11)
    h2 = _p2(tv, sel1v)
    sel12v, j12s, r3 = _select(h2, r2, j1s, B2, 11)
    h3 = _p3(tv, sel12v)
    thrv, _bits, _r4, prop11 = _select(h3, r3, j12s, B3, 9, last=True)

    mask, delta = _p4(tv, thrv)
    return (delta, mask, prop11[0, 0])

# --- scband reference (transcript-rebuilt; emitter-appended) ---
"""Pipeline reference for scband-localiser-34772055229066 (READ-ONLY COPY).

The authoritative reference and input builder live on the scoring server;
editing this copy changes nothing except your own understanding.
"""

import jax, jax.numpy as jnp
import numpy as np

SPARSITY = 0.01
SIGMOID_BIAS = 5.0
N = 16777216


def setup_inputs(seed: int = 0) -> dict:
    key = jax.random.key(seed)
    k1, k2 = jax.random.split(key)
    pretrained = jax.random.normal(k1, (N,), dtype=jnp.float32)
    # finetuned = pretrained + small task vector, mimicking fine-tuning deltas
    finetuned = pretrained + 0.02 * jax.random.normal(k2, (N,), dtype=jnp.float32)
    return {"pretrained": pretrained, "finetuned": finetuned}


def reference(pretrained, finetuned):
    # task vector (delta between finetuned and pretrained weights)
    tv = finetuned - pretrained
    abs_tv = jnp.abs(tv)
    # create_basepatch: top-k threshold over |task vector|
    k = int(SPARSITY * abs_tv.shape[0])
    topk_vals, _ = jax.lax.top_k(abs_tv, k)
    threshold = topk_vals[-1]
    # mask logits: +bias where above threshold, -bias otherwise
    mask = jnp.where(abs_tv > threshold,
                     jnp.full_like(tv, SIGMOID_BIAS),
                     jnp.full_like(tv, -SIGMOID_BIAS))
    # interpolate_state_dict (round_=False): frac = sigmoid(mask), masked delta
    frac = jax.nn.sigmoid(mask)
    masked_delta = tv * frac
    # prop = sum of mask logits / num_params (faithful to torch code, which
    # sums self.mask entries despite the loop variable being named `frac`)
    prop = jnp.sum(mask) / tv.shape[0]
    return (masked_delta, mask, prop)

if __name__ == "__main__":
    import jax
    _d = setup_inputs()
    print(jax.jit(kernel)(*tuple(_d.values())))

</pallas_src>

<mosaic_0001>
#map = affine_map<(d0, d1) -> (0)>
#map1 = affine_map<(d0, d1) -> (0, 0)>
module attributes {stable_mosaic.version = 14 : i64} {
  func.func @hist_pass(%arg0: i32, %arg1: i32, %arg2: memref<16777216xf32, #tpu.memory_space<hbm>>, %arg3: memref<16xi32, #tpu.memory_space<hbm>>, %arg4: memref<32x32768xi32, #tpu.memory_space<hbm>>, %arg5: memref<4x16384xf32, #tpu.memory_space<vmem>>, %arg6: memref<16xi32, #tpu.memory_space<vmem>>, %arg7: memref<32768xi32, #tpu.memory_space<vmem>>, %arg8: memref<!tpu.dma_semaphore, #tpu.memory_space<semaphore_mem>>, %arg9: memref<!tpu.dma_semaphore, #tpu.memory_space<semaphore_mem>>, %arg10: memref<!tpu.dma_semaphore, #tpu.memory_space<semaphore_mem>>, %arg11: memref<!tpu.dma_semaphore, #tpu.memory_space<semaphore_mem>>) attributes {dimension_semantics = [#tpu.dimension_semantics<core_parallel>, #tpu.dimension_semantics<subcore_parallel>], iteration_bounds = array<i64: 2, 16>, scalar_prefetch = 0 : i64, scratch_operands = 7 : i64, tpu.core_type = #tpu.core_type<sc_vector_subcore>, window_params = [{transform_indices = #map}, {transform_indices = #map}, {transform_indices = #map1}]} {
    %mul3A = arith.constant 2 : i32
    %mul3A_0 = arith.muli %arg1, %mul3A : i32
    %add3A = arith.addi %mul3A_0, %arg0 : i32
    %mul3A_1 = arith.constant 524288 : i32
    %mul3A_2 = arith.muli %add3A, %mul3A_1 : i32
    %add3A_3 = arith.constant 0 : i32
    %add3A_4 = arith.addi %mul3A_2, %add3A_3 : i32
    %dma_start3A = arith.constant 0 : i32
    %dma_start3A_5 = arith.constant 0 : i32
    %dma_start3A_6 = tpu.memref_slice %arg5[%dma_start3A, %dma_start3A_5] : memref<4x16384xf32, #tpu.memory_space<vmem>> -> memref<1x16384xf32, #tpu.memory_space<vmem>>
    %dma_start3A_7 = tpu.memref_squeeze %dma_start3A_6 : memref<1x16384xf32, #tpu.memory_space<vmem>> -> memref<16384xf32, #tpu.memory_space<vmem>>
    %dma_start3A_8 = tpu.memref_slice %arg2[%add3A_4] : memref<16777216xf32, #tpu.memory_space<hbm>> -> memref<16384xf32, #tpu.memory_space<hbm>>
    %dma_start3A_9 = arith.constant 0 : i32
    %dma_start3A_10 = tpu.memref_slice %arg5[%dma_start3A, %dma_start3A_9] : memref<4x16384xf32, #tpu.memory_space<vmem>> -> memref<1x16384xf32, #tpu.memory_space<vmem>>
    %dma_start3A_11 = tpu.memref_squeeze %dma_start3A_10 : memref<1x16384xf32, #tpu.memory_space<vmem>> -> memref<16384xf32, #tpu.memory_space<vmem>>
    %dma_start3A_12 = tpu.memref_slice %arg2[%add3A_4] : memref<16777216xf32, #tpu.memory_space<hbm>> -> memref<16384xf32, #tpu.memory_space<hbm>>
    tpu.enqueue_dma source(%dma_start3A_12 : memref<16384xf32, #tpu.memory_space<hbm>>) target(%dma_start3A_11 : memref<16384xf32, #tpu.memory_space<vmem>>) target_semaphore(%arg8 : memref<!tpu.dma_semaphore, #tpu.memory_space<semaphore_mem>>)
    %add3A_13 = arith.constant 16384 : i32
    %add3A_14 = arith.addi %mul3A_2, %add3A_13 : i32
    %dma_start3A_15 = arith.constant 1 : i32
    %dma_start3A_16 = arith.constant 0 : i32
    %dma_start3A_17 = tpu.memref_slice %arg5[%dma_start3A_15, %dma_start3A_16] : memref<4x16384xf32, #tpu.memory_space<vmem>> -> memref<1x16384xf32, #tpu.memory_space<vmem>>
    %dma_start3A_18 = tpu.memref_squeeze %dma_start3A_17 : memref<1x16384xf32, #tpu.memory_space<vmem>> -> memref<16384xf32, #tpu.memory_space<vmem>>
    %dma_start3A_19 = tpu.memref_slice %arg2[%add3A_14] : memref<16777216xf32, #tpu.memory_space<hbm>> -> memref<16384xf32, #tpu.memory_space<hbm>>
    %dma_start3A_20 = arith.constant 0 : i32
    %dma_start3A_21 = tpu.memref_slice %arg5[%dma_start3A_15, %dma_start3A_20] : memref<4x16384xf32, #tpu.memory_space<vmem>> -> memref<1x16384xf32, #tpu.memory_space<vmem>>
    %dma_start3A_22 = tpu.memref_squeeze %dma_start3A_21 : memref<1x16384xf32, #tpu.memory_space<vmem>> -> memref<16384xf32, #tpu.memory_space<vmem>>
    %dma_start3A_23 = tpu.memref_slice %arg2[%add3A_14] : memref<16777216xf32, #tpu.memory_space<hbm>> -> memref<16384xf32, #tpu.memory_space<hbm>>
    tpu.enqueue_dma source(%dma_start3A_23 : memref<16384xf32, #tpu.memory_space<hbm>>) target(%dma_start3A_22 : memref<16384xf32, #tpu.memory_space<vmem>>) target_semaphore(%arg9 : memref<!tpu.dma_semaphore, #tpu.memory_space<semaphore_mem>>)
    %add3A_24 = arith.constant 32768 : i32
    %add3A_25 = arith.addi %mul3A_2, %add3A_24 : i32
    %dma_start3A_26 = arith.constant 2 : i32
    %dma_start3A_27 = arith.constant 0 : i32
    %dma_start3A_28 = tpu.memref_slice %arg5[%dma_start3A_26, %dma_start3A_27] : memref<4x16384xf32, #tpu.memory_space<vmem>> -> memref<1x16384xf32, #tpu.memory_space<vmem>>
    %dma_start3A_29 = tpu.memref_squeeze %dma_start3A_28 : memref<1x16384xf32, #tpu.memory_space<vmem>> -> memref<16384xf32, #tpu.memory_space<vmem>>
    %dma_start3A_30 = tpu.memref_slice %arg2[%add3A_25] : memref<16777216xf32, #tpu.memory_space<hbm>> -> memref<16384xf32, #tpu.memory_space<hbm>>
    %dma_start3A_31 = arith.constant 0 : i32
    %dma_start3A_32 = tpu.memref_slice %arg5[%dma_start3A_26, %dma_start3A_31] : memref<4x16384xf32, #tpu.memory_space<vmem>> -> memref<1x16384xf32, #tpu.memory_space<vmem>>
    %dma_start3A_33 = tpu.memref_squeeze %dma_start3A_32 : memref<1x16384xf32, #tpu.memory_space<vmem>> -> memref<16384xf32, #tpu.memory_space<vmem>>
    %dma_start3A_34 = tpu.memref_slice %arg2[%add3A_25] : memref<16777216xf32, #tpu.memory_space<hbm>> -> memref<16384xf32, #tpu.memory_space<hbm>>
    tpu.enqueue_dma source(%dma_start3A_34 : memref<16384xf32, #tpu.memory_space<hbm>>) target(%dma_start3A_33 : memref<16384xf32, #tpu.memory_space<vmem>>) target_semaphore(%arg10 : memref<!tpu.dma_semaphore, #tpu.memory_space<semaphore_mem>>)
    %add3A_35 = arith.constant 49152 : i32
    %add3A_36 = arith.addi %mul3A_2, %add3A_35 : i32
    %dma_start3A_37 = arith.constant 3 : i32
    %dma_start3A_38 = arith.constant 0 : i32
    %dma_start3A_39 = tpu.memref_slice %arg5[%dma_start3A_37, %dma_start3A_38] : memref<4x16384xf32, #tpu.memory_space<vmem>> -> memref<1x16384xf32, #tpu.memory_space<vmem>>
    %dma_start3A_40 = tpu.memref_squeeze %dma_start3A_39 : memref<1x16384xf32, #tpu.memory_space<vmem>> -> memref<16384xf32, #tpu.memory_space<vmem>>
    %dma_start3A_41 = tpu.memref_slice %arg2[%add3A_36] : memref<16777216xf32, #tpu.memory_space<hbm>> -> memref<16384xf32, #tpu.memory_space<hbm>>
    %dma_start3A_42 = arith.constant 0 : i32
    %dma_start3A_43 = tpu.memref_slice %arg5[%dma_start3A_37, %dma_start3A_42] : memref<4x16384xf32, #tpu.memory_space<vmem>> -> memref<1x16384xf32, #tpu.memory_space<vmem>>
    %dma_start3A_44 = tpu.memref_squeeze %dma_start3A_43 : memref<1x16384xf32, #tpu.memory_space<vmem>> -> memref<16384xf32, #tpu.memory_space<vmem>>
    %dma_start3A_45 = tpu.memref_slice %arg2[%add3A_36] : memref<16777216xf32, #tpu.memory_space<hbm>> -> memref<16384xf32, #tpu.memory_space<hbm>>
    tpu.enqueue_dma source(%dma_start3A_45 : memref<16384xf32, #tpu.memory_space<hbm>>) target(%dma_start3A_44 : memref<16384xf32, #tpu.memory_space<vmem>>) target_semaphore(%arg11 : memref<!tpu.dma_semaphore, #tpu.memory_space<semaphore_mem>>)
    "tpu.region"() ({
      %run_scoped3A = tpu.sem_alloc : memref<!tpu.dma_semaphore, #tpu.memory_space<semaphore_mem>>
      tpu.enqueue_dma source(%arg3 : memref<16xi32, #tpu.memory_space<hbm>>) target(%arg6 : memref<16xi32, #tpu.memory_space<vmem>>) target_semaphore(%run_scoped3A : memref<!tpu.dma_semaphore, #tpu.memory_space<semaphore_mem>>)
      tpu.wait_dma2 semaphore(%run_scoped3A : memref<!tpu.dma_semaphore, #tpu.memory_space<semaphore_mem>>) src(%arg3 : memref<16xi32, #tpu.memory_space<hbm>>) dst(%arg6 : memref<16xi32, #tpu.memory_space<vmem>>)
      tpu.yield
    }) : () -> ()
    %broadcast_in_dim3A = arith.constant 0 : i32
    %broadcast_in_dim3A_46 = vector.broadcast %broadcast_in_dim3A : i32 to vector<16xi32>
    %parallel_loop3A = arith.constant 0 : i32
    %parallel_loop3A_47 = arith.constant 2048 : i32
    %parallel_loop3A_48 = arith.constant 1 : i32
    scf.for %parallel_loop3A_58 = %parallel_loop3A to %parallel_loop3A_47 step %parallel_loop3A_48  : i32 {
      %parallel_loop3A_59 = arith.constant 16 : i32
      %parallel_loop3A_60 = arith.muli %parallel_loop3A_58, %parallel_loop3A_59 : i32
      %parallel_loop3A_61 = arith.index_cast %parallel_loop3A_60 : i32 to index
      %parallel_loop3A_62 = tpu.vector_load %arg7[%parallel_loop3A_61] {strides = array<i32>} : memref<32768xi32, #tpu.memory_space<vmem>>, vector<16xi32>,
      tpu.vector_store %arg7[%parallel_loop3A_61], %broadcast_in_dim3A_46 {strides = array<i32>} : memref<32768xi32, #tpu.memory_space<vmem>>, vector<16xi32>,
    } {sc.loop_unroll_factor = 8 : i64, sc.parallel_access}
    %get3A = arith.constant 0 : index
    %get3A_49 = tpu.vector_load %arg6[%get3A] {strides = array<i32>} : memref<16xi32, #tpu.memory_space<vmem>>, vector<16xi32>,
    %iota3A = tpu.iota {dimensions = array<i32: 0>} : vector<16xi32>
    %broadcast_in_dim3A_50 = arith.constant 1 : i32
    %broadcast_in_dim3A_51 = vector.broadcast %broadcast_in_dim3A_50 : i32 to vector<16xi32>
    %scan3A = arith.constant 0 : i32
    %scan3A_52 = arith.constant 0 : i32
    %scan3A_53 = arith.constant 8 : i32
    %scan3A_54 = arith.addi %scan3A_52, %scan3A_53 : i32
    %scan3A_55 = arith.constant 1 : i32
    %scan3A_56 = scf.for %scan3A_58 = %scan3A_52 to %scan3A_54 step %scan3A_55 iter_args(%scan3A_59 = %scan3A) -> (i32)  : i32 {
      %mul3A_60 = arith.constant 4 : i32
      %mul3A_61 = arith.muli %scan3A_58, %mul3A_60 : i32
      %add3A_62 = arith.constant 0 : i32
      %add3A_63 = arith.addi %mul3A_61, %add3A_62 : i32
      %mul3A_64 = arith.constant 16384 : i32
      %mul3A_65 = arith.muli %add3A_63, %mul3A_64 : i32
      %add3A_66 = arith.addi %mul3A_2, %mul3A_65 : i32
      %dma_wait3A = arith.constant 0 : i32
      %dma_wait3A_67 = arith.constant 0 : i32
      %dma_wait3A_68 = tpu.memref_slice %arg5[%dma_wait3A, %dma_wait3A_67] : memref<4x16384xf32, #tpu.memory_space<vmem>> -> memref<1x16384xf32, #tpu.memory_space<vmem>>
      %dma_wait3A_69 = tpu.memref_squeeze %dma_wait3A_68 : memref<1x16384xf32, #tpu.memory_space<vmem>> -> memref<16384xf32, #tpu.memory_space<vmem>>
      %dma_wait3A_70 = tpu.memref_slice %arg2[%add3A_66] : memref<16777216xf32, #tpu.memory_space<hbm>> -> memref<16384xf32, #tpu.memory_space<hbm>>
      %dma_wait3A_71 = arith.constant 0 : i32
      %dma_wait3A_72 = tpu.memref_slice %arg5[%dma_wait3A, %dma_wait3A_71] : memref<4x16384xf32, #tpu.memory_space<vmem>> -> memref<1x16384xf32, #tpu.memory_space<vmem>>
      %dma_wait3A_73 = tpu.memref_squeeze %dma_wait3A_72 : memref<1x16384xf32, #tpu.memory_space<vmem>> -> memref<16384xf32, #tpu.memory_space<vmem>>
      %dma_wait3A_74 = tpu.memref_slice %arg2[%add3A_66] : memref<16777216xf32, #tpu.memory_space<hbm>> -> memref<16384xf32, #tpu.memory_space<hbm>>
      tpu.wait_dma2 semaphore(%arg8 : memref<!tpu.dma_semaphore, #tpu.memory_space<semaphore_mem>>) src(%dma_wait3A_74 : memref<16384xf32, #tpu.memory_space<hbm>>) dst(%dma_wait3A_73 : memref<16384xf32, #tpu.memory_space<vmem>>)
      %parallel_loop3A_75 = arith.constant 0 : i32
      %parallel_loop3A_76 = arith.constant 1024 : i32
      %parallel_loop3A_77 = arith.constant 1 : i32
      scf.for %parallel_loop3A_161 = %parallel_loop3A_75 to %parallel_loop3A_76 step %parallel_loop3A_77  : i32 {
        %parallel_loop3A_162 = arith.constant 16 : i32
        %parallel_loop3A_163 = arith.muli %parallel_loop3A_161, %parallel_loop3A_162 : i32
        %parallel_loop3A_164 = arith.constant 0 : i32
        %parallel_loop3A_165 = arith.index_cast %parallel_loop3A_164 : i32 to index
        %parallel_loop3A_166 = arith.index_cast %parallel_loop3A_163 : i32 to index
        %parallel_loop3A_167 = tpu.vector_load %arg5[%parallel_loop3A_165, %parallel_loop3A_166] {strides = array<i32>} : memref<4x16384xf32, #tpu.memory_space<vmem>>, vector<16xf32>,
        %parallel_loop3A_168 = math.absf %parallel_loop3A_167 : vector<16xf32>
        %parallel_loop3A_169 = vector.bitcast %parallel_loop3A_168 : vector<16xf32> to vector<16xi32>
        %parallel_loop3A_170 = arith.constant 20 : i32
        %parallel_loop3A_171 = vector.broadcast %parallel_loop3A_170 : i32 to vector<16xi32>
        %parallel_loop3A_172 = arith.shrui %parallel_loop3A_169, %parallel_loop3A_171 : vector<16xi32>
        %parallel_loop3A_173 = arith.cmpi eq, %parallel_loop3A_172, %get3A_49 : vector<16xi32>
        %parallel_loop3A_174 = arith.constant 9 : i32
        %parallel_loop3A_175 = vector.broadcast %parallel_loop3A_174 : i32 to vector<16xi32>
        %parallel_loop3A_176 = arith.shrui %parallel_loop3A_169, %parallel_loop3A_175 : vector<16xi32>
        %parallel_loop3A_177 = arith.constant 2047 : i32
        %parallel_loop3A_178 = vector.broadcast %parallel_loop3A_177 : i32 to vector<16xi32>
        %parallel_loop3A_179 = arith.andi %parallel_loop3A_176, %parallel_loop3A_178 : vector<16xi32>
        %parallel_loop3A_180 = arith.constant 4 : i32
        %parallel_loop3A_181 = vector.broadcast %parallel_loop3A_180 : i32 to vector<16xi32>
        %parallel_loop3A_182 = arith.shli %parallel_loop3A_179, %parallel_loop3A_181 : vector<16xi32>
        %parallel_loop3A_183 = arith.addi %parallel_loop3A_182, %iota3A : vector<16xi32>
        tpu.vector_store_idx %arg7[%parallel_loop3A_183], %broadcast_in_dim3A_51 masked %parallel_loop3A_173 {add = true} : memref<32768xi32, #tpu.memory_space<vmem>>[vector<16xi32>], vector<16xi32>, vector<16xi1>
      } {sc.loop_unroll_factor = 8 : i64, sc.parallel_access}
      %add3A_78 = arith.constant 4 : i32
      %add3A_79 = arith.addi %add3A_63, %add3A_78 : i32
      %lt3A = arith.constant 32 : i32
      %lt3A_80 = arith.cmpi slt, %add3A_79, %lt3A : i32
      %convert_element_type3A = arith.extui %lt3A_80 : i1 to i32
      %cond3A = arith.constant 0 : i32
      %cond3A_81 = arith.cmpi ne, %convert_element_type3A, %cond3A : i32
      scf.if %cond3A_81 {
        %add3A_161 = arith.constant 4 : i32
        %add3A_162 = arith.addi %add3A_63, %add3A_161 : i32
        %mul3A_163 = arith.constant 16384 : i32
        %mul3A_164 = arith.muli %add3A_162, %mul3A_163 : i32
        %add3A_165 = arith.addi %mul3A_2, %mul3A_164 : i32
        %dma_start3A_166 = arith.constant 0 : i32
        %dma_start3A_167 = arith.constant 0 : i32
        %dma_start3A_168 = tpu.memref_slice %arg5[%dma_start3A_166, %dma_start3A_167] : memref<4x16384xf32, #tpu.memory_space<vmem>> -> memref<1x16384xf32, #tpu.memory_space<vmem>>
        %dma_start3A_169 = tpu.memref_squeeze %dma_start3A_168 : memref<1x16384xf32, #tpu.memory_space<vmem>> -> memref<16384xf32, #tpu.memory_space<vmem>>
        %dma_start3A_170 = tpu.memref_slice %arg2[%add3A_165] : memref<16777216xf32, #tpu.memory_space<hbm>> -> memref<16384xf32, #tpu.memory_space<hbm>>
        %dma_start3A_171 = arith.constant 0 : i32
        %dma_start3A_172 = tpu.memref_slice %arg5[%dma_start3A_166, %dma_start3A_171] : memref<4x16384xf32, #tpu.memory_space<vmem>> -> memref<1x16384xf32, #tpu.memory_space<vmem>>
        %dma_start3A_173 = tpu.memref_squeeze %dma_start3A_172 : memref<1x16384xf32, #tpu.memory_space<vmem>> -> memref<16384xf32, #tpu.memory_space<vmem>>
        %dma_start3A_174 = tpu.memref_slice %arg2[%add3A_165] : memref<16777216xf32, #tpu.memory_space<hbm>> -> memref<16384xf32, #tpu.memory_space<hbm>>
        tpu.enqueue_dma source(%dma_start3A_174 : memref<16384xf32, #tpu.memory_space<hbm>>) target(%dma_start3A_173 : memref<16384xf32, #tpu.memory_space<vmem>>) target_semaphore(%arg8 : memref<!tpu.dma_semaphore, #tpu.memory_space<semaphore_mem>>)
      } else {
      }
      %mul3A_82 = arith.constant 4 : i32
      %mul3A_83 = arith.muli %scan3A_58, %mul3A_82 : i32
      %add3A_84 = arith.constant 1 : i32
      %add3A_85 = arith.addi %mul3A_83, %add3A_84 : i32
      %mul3A_86 = arith.constant 16384 : i32
      %mul3A_87 = arith.muli %add3A_85, %mul3A_86 : i32
      %add3A_88 = arith.addi %mul3A_2, %mul3A_87 : i32
      %dma_wait3A_89 = arith.constant 1 : i32
      %dma_wait3A_90 = arith.constant 0 : i32
      %dma_wait3A_91 = tpu.memref_slice %arg5[%dma_wait3A_89, %dma_wait3A_90] : memref<4x16384xf32, #tpu.memory_space<vmem>> -> memref<1x16384xf32, #tpu.memory_space<vmem>>
      %dma_wait3A_92 = tpu.memref_squeeze %dma_wait3A_91 : memref<1x16384xf32, #tpu.memory_space<vmem>> -> memref<16384xf32, #tpu.memory_space<vmem>>
      %dma_wait3A_93 = tpu.memref_slice %arg2[%add3A_88] : memref<16777216xf32, #tpu.memory_space<hbm>> -> memref<16384xf32, #tpu.memory_space<hbm>>
      %dma_wait3A_94 = arith.constant 0 : i32
      %dma_wait3A_95 = tpu.memref_slice %arg5[%dma_wait3A_89, %dma_wait3A_94] : memref<4x16384xf32, #tpu.memory_space<vmem>> -> memref<1x16384xf32, #tpu.memory_space<vmem>>
      %dma_wait3A_96 = tpu.memref_squeeze %dma_wait3A_95 : memref<1x16384xf32, #tpu.memory_space<vmem>> -> memref<16384xf32, #tpu.memory_space<vmem>>
      %dma_wait3A_97 = tpu.memref_slice %arg2[%add3A_88] : memref<16777216xf32, #tpu.memory_space<hbm>> -> memref<16384xf32, #tpu.memory_space<hbm>>
      tpu.wait_dma2 semaphore(%arg9 : memref<!tpu.dma_semaphore, #tpu.memory_space<semaphore_mem>>) src(%dma_wait3A_97 : memref<16384xf32, #tpu.memory_space<hbm>>) dst(%dma_wait3A_96 : memref<16384xf32, #tpu.memory_space<vmem>>)
      %parallel_loop3A_98 = arith.constant 0 : i32
      %parallel_loop3A_99 = arith.constant 1024 : i32
      %parallel_loop3A_100 = arith.constant 1 : i32
      scf.for %parallel_loop3A_161 = %parallel_loop3A_98 to %parallel_loop3A_99 step %parallel_loop3A_100  : i32 {
        %parallel_loop3A_162 = arith.constant 16 : i32
        %parallel_loop3A_163 = arith.muli %parallel_loop3A_161, %parallel_loop3A_162 : i32
        %parallel_loop3A_164 = arith.constant 1 : i32
        %parallel_loop3A_165 = arith.index_cast %parallel_loop3A_164 : i32 to index
        %parallel_loop3A_166 = arith.index_cast %parallel_loop3A_163 : i32 to index
        %parallel_loop3A_167 = tpu.vector_load %arg5[%parallel_loop3A_165, %parallel_loop3A_166] {strides = array<i32>} : memref<4x16384xf32, #tpu.memory_space<vmem>>, vector<16xf32>,
        %parallel_loop3A_168 = math.absf %parallel_loop3A_167 : vector<16xf32>
        %parallel_loop3A_169 = vector.bitcast %parallel_loop3A_168 : vector<16xf32> to vector<16xi32>
        %parallel_loop3A_170 = arith.constant 20 : i32
        %parallel_loop3A_171 = vector.broadcast %parallel_loop3A_170 : i32 to vector<16xi32>
        %parallel_loop3A_172 = arith.shrui %parallel_loop3A_169, %parallel_loop3A_171 : vector<16xi32>
        %parallel_loop3A_173 = arith.cmpi eq, %parallel_loop3A_172, %get3A_49 : vector<16xi32>
        %parallel_loop3A_174 = arith.constant 9 : i32
        %parallel_loop3A_175 = vector.broadcast %parallel_loop3A_174 : i32 to vector<16xi32>
        %parallel_loop3A_176 = arith.shrui %parallel_loop3A_169, %parallel_loop3A_175 : vector<16xi32>
        %parallel_loop3A_177 = arith.constant 2047 : i32
        %parallel_loop3A_178 = vector.broadcast %parallel_loop3A_177 : i32 to vector<16xi32>
        %parallel_loop3A_179 = arith.andi %parallel_loop3A_176, %parallel_loop3A_178 : vector<16xi32>
        %parallel_loop3A_180 = arith.constant 4 : i32
        %parallel_loop3A_181 = vector.broadcast %parallel_loop3A_180 : i32 to vector<16xi32>
        %parallel_loop3A_182 = arith.shli %parallel_loop3A_179, %parallel_loop3A_181 : vector<16xi32>
        %parallel_loop3A_183 = arith.addi %parallel_loop3A_182, %iota3A : vector<16xi32>
        tpu.vector_store_idx %arg7[%parallel_loop3A_183], %broadcast_in_dim3A_51 masked %parallel_loop3A_173 {add = true} : memref<32768xi32, #tpu.memory_space<vmem>>[vector<16xi32>], vector<16xi32>, vector<16xi1>
      } {sc.loop_unroll_factor = 8 : i64, sc.parallel_access}
      %add3A_101 = arith.constant 4 : i32
      %add3A_102 = arith.addi %add3A_85, %add3A_101 : i32
      %lt3A_103 = arith.constant 32 : i32
      %lt3A_104 = arith.cmpi slt, %add3A_102, %lt3A_103 : i32
      %convert_element_type3A_105 = arith.extui %lt3A_104 : i1 to i32
      %cond3A_106 = arith.constant 0 : i32
      %cond3A_107 = arith.cmpi ne, %convert_element_type3A_105, %cond3A_106 : i32
      scf.if %cond3A_107 {
        %add3A_161 = arith.constant 4 : i32
        %add3A_162 = arith.addi %add3A_85, %add3A_161 : i32
        %mul3A_163 = arith.constant 16384 : i32
        %mul3A_164 = arith.muli %add3A_162, %mul3A_163 : i32
        %add3A_165 = arith.addi %mul3A_2, %mul3A_164 : i32
        %dma_start3A_166 = arith.constant 1 : i32
        %dma_start3A_167 = arith.constant 0 : i32
        %dma_start3A_168 = tpu.memref_slice %arg5[%dma_start3A_166, %dma_start3A_167] : memref<4x16384xf32, #tpu.memory_space<vmem>> -> memref<1x16384xf32, #tpu.memory_space<vmem>>
        %dma_start3A_169 = tpu.memref_squeeze %dma_start3A_168 : memref<1x16384xf32, #tpu.memory_space<vmem>> -> memref<16384xf32, #tpu.memory_space<vmem>>
        %dma_start3A_170 = tpu.memref_slice %arg2[%add3A_165] : memref<16777216xf32, #tpu.memory_space<hbm>> -> memref<16384xf32, #tpu.memory_space<hbm>>
        %dma_start3A_171 = arith.constant 0 : i32
        %dma_start3A_172 = tpu.memref_slice %arg5[%dma_start3A_166, %dma_start3A_171] : memref<4x16384xf32, #tpu.memory_space<vmem>> -> memref<1x16384xf32, #tpu.memory_space<vmem>>
        %dma_start3A_173 = tpu.memref_squeeze %dma_start3A_172 : memref<1x16384xf32, #tpu.memory_space<vmem>> -> memref<16384xf32, #tpu.memory_space<vmem>>
        %dma_start3A_174 = tpu.memref_slice %arg2[%add3A_165] : memref<16777216xf32, #tpu.memory_space<hbm>> -> memref<16384xf32, #tpu.memory_space<hbm>>
        tpu.enqueue_dma source(%dma_start3A_174 : memref<16384xf32, #tpu.memory_space<hbm>>) target(%dma_start3A_173 : memref<16384xf32, #tpu.memory_space<vmem>>) target_semaphore(%arg9 : memref<!tpu.dma_semaphore, #tpu.memory_space<semaphore_mem>>)
      } else {
      }
      %mul3A_108 = arith.constant 4 : i32
      %mul3A_109 = arith.muli %scan3A_58, %mul3A_108 : i32
      %add3A_110 = arith.constant 2 : i32
      %add3A_111 = arith.addi %mul3A_109, %add3A_110 : i32
      %mul3A_112 = arith.constant 16384 : i32
      %mul3A_113 = arith.muli %add3A_111, %mul3A_112 : i32
      %add3A_114 = arith.addi %mul3A_2, %mul3A_113 : i32
      %dma_wait3A_115 = arith.constant 2 : i32
      %dma_wait3A_116 = arith.constant 0 : i32
      %dma_wait3A_117 = tpu.memref_slice %arg5[%dma_wait3A_115, %dma_wait3A_116] : memref<4x16384xf32, #tpu.memory_space<vmem>> -> memref<1x16384xf32, #tpu.memory_space<vmem>>
      %dma_wait3A_118 = tpu.memref_squeeze %dma_wait3A_117 : memref<1x16384xf32, #tpu.memory_space<vmem>> -> memref<16384xf32, #tpu.memory_space<vmem>>
      %dma_wait3A_119 = tpu.memref_slice %arg2[%add3A_114] : memref<16777216xf32, #tpu.memory_space<hbm>> -> memref<16384xf32, #tpu.memory_space<hbm>>
      %dma_wait3A_120 = arith.constant 0 : i32
      %dma_wait3A_121 = tpu.memref_slice %arg5[%dma_wait3A_115, %dma_wait3A_120] : memref<4x16384xf32, #tpu.memory_space<vmem>> -> memref<1x16384xf32, #tpu.memory_space<vmem>>
      %dma_wait3A_122 = tpu.memref_squeeze %dma_wait3A_121 : memref<1x16384xf32, #tpu.memory_space<vmem>> -> memref<16384xf32, #tpu.memory_space<vmem>>
      %dma_wait3A_123 = tpu.memref_slice %arg2[%add3A_114] : memref<16777216xf32, #tpu.memory_space<hbm>> -> memref<16384xf32, #tpu.memory_space<hbm>>
      tpu.wait_dma2 semaphore(%arg10 : memref<!tpu.dma_semaphore, #tpu.memory_space<semaphore_mem>>) src(%dma_wait3A_123 : memref<16384xf32, #tpu.memory_space<hbm>>) dst(%dma_wait3A_122 : memref<16384xf32, #tpu.memory_space<vmem>>)
      %parallel_loop3A_124 = arith.constant 0 : i32
      %parallel_loop3A_125 = arith.constant 1024 : i32
      %parallel_loop3A_126 = arith.constant 1 : i32
      scf.for %parallel_loop3A_161 = %parallel_loop3A_124 to %parallel_loop3A_125 step %parallel_loop3A_126  : i32 {
        %parallel_loop3A_162 = arith.constant 16 : i32
        %parallel_loop3A_163 = arith.muli %parallel_loop3A_161, %parallel_loop3A_162 : i32
        %parallel_loop3A_164 = arith.constant 2 : i32
        %parallel_loop3A_165 = arith.index_cast %parallel_loop3A_164 : i32 to index
        %parallel_loop3A_166 = arith.index_cast %parallel_loop3A_163 : i32 to index
        %parallel_loop3A_167 = tpu.vector_load %arg5[%parallel_loop3A_165, %parallel_loop3A_166] {strides = array<i32>} : memref<4x16384xf32, #tpu.memory_space<vmem>>, vector<16xf32>,
        %parallel_loop3A_168 = math.absf %parallel_loop3A_167 : vector<16xf32>
        %parallel_loop3A_169 = vector.bitcast %parallel_loop3A_168 : vector<16xf32> to vector<16xi32>
        %parallel_loop3A_170 = arith.constant 20 : i32
        %parallel_loop3A_171 = vector.broadcast %parallel_loop3A_170 : i32 to vector<16xi32>
        %parallel_loop3A_172 = arith.shrui %parallel_loop3A_169, %parallel_loop3A_171 : vector<16xi32>
        %parallel_loop3A_173 = arith.cmpi eq, %parallel_loop3A_172, %get3A_49 : vector<16xi32>
        %parallel_loop3A_174 = arith.constant 9 : i32
        %parallel_loop3A_175 = vector.broadcast %parallel_loop3A_174 : i32 to vector<16xi32>
        %parallel_loop3A_176 = arith.shrui %parallel_loop3A_169, %parallel_loop3A_175 : vector<16xi32>
        %parallel_loop3A_177 = arith.constant 2047 : i32
        %parallel_loop3A_178 = vector.broadcast %parallel_loop3A_177 : i32 to vector<16xi32>
        %parallel_loop3A_179 = arith.andi %parallel_loop3A_176, %parallel_loop3A_178 : vector<16xi32>
        %parallel_loop3A_180 = arith.constant 4 : i32
        %parallel_loop3A_181 = vector.broadcast %parallel_loop3A_180 : i32 to vector<16xi32>
        %parallel_loop3A_182 = arith.shli %parallel_loop3A_179, %parallel_loop3A_181 : vector<16xi32>
        %parallel_loop3A_183 = arith.addi %parallel_loop3A_182, %iota3A : vector<16xi32>
        tpu.vector_store_idx %arg7[%parallel_loop3A_183], %broadcast_in_dim3A_51 masked %parallel_loop3A_173 {add = true} : memref<32768xi32, #tpu.memory_space<vmem>>[vector<16xi32>], vector<16xi32>, vector<16xi1>
      } {sc.loop_unroll_factor = 8 : i64, sc.parallel_access}
      %add3A_127 = arith.constant 4 : i32
      %add3A_128 = arith.addi %add3A_111, %add3A_127 : i32
      %lt3A_129 = arith.constant 32 : i32
      %lt3A_130 = arith.cmpi slt, %add3A_128, %lt3A_129 : i32
      %convert_element_type3A_131 = arith.extui %lt3A_130 : i1 to i32
      %cond3A_132 = arith.constant 0 : i32
      %cond3A_133 = arith.cmpi ne, %convert_element_type3A_131, %cond3A_132 : i32
      scf.if %cond3A_133 {
        %add3A_161 = arith.constant 4 : i32
        %add3A_162 = arith.addi %add3A_111, %add3A_161 : i32
        %mul3A_163 = arith.constant 16384 : i32
        %mul3A_164 = arith.muli %add3A_162, %mul3A_163 : i32
        %add3A_165 = arith.addi %mul3A_2, %mul3A_164 : i32
        %dma_start3A_166 = arith.constant 2 : i32
        %dma_start3A_167 = arith.constant 0 : i32
        %dma_start3A_168 = tpu.memref_slice %arg5[%dma_start3A_166, %dma_start3A_167] : memref<4x16384xf32, #tpu.memory_space<vmem>> -> memref<1x16384xf32, #tpu.memory_space<vmem>>
        %dma_start3A_169 = tpu.memref_squeeze %dma_start3A_168 : memref<1x16384xf32, #tpu.memory_space<vmem>> -> memref<16384xf32, #tpu.memory_space<vmem>>
        %dma_start3A_170 = tpu.memref_slice %arg2[%add3A_165] : memref<16777216xf32, #tpu.memory_space<hbm>> -> memref<16384xf32, #tpu.memory_space<hbm>>
        %dma_start3A_171 = arith.constant 0 : i32
        %dma_start3A_172 = tpu.memref_slice %arg5[%dma_start3A_166, %dma_start3A_171] : memref<4x16384xf32, #tpu.memory_space<vmem>> -> memref<1x16384xf32, #tpu.memory_space<vmem>>
        %dma_start3A_173 = tpu.memref_squeeze %dma_start3A_172 : memref<1x16384xf32, #tpu.memory_space<vmem>> -> memref<16384xf32, #tpu.memory_space<vmem>>
        %dma_start3A_174 = tpu.memref_slice %arg2[%add3A_165] : memref<16777216xf32, #tpu.memory_space<hbm>> -> memref<16384xf32, #tpu.memory_space<hbm>>
        tpu.enqueue_dma source(%dma_start3A_174 : memref<16384xf32, #tpu.memory_space<hbm>>) target(%dma_start3A_173 : memref<16384xf32, #tpu.memory_space<vmem>>) target_semaphore(%arg10 : memref<!tpu.dma_semaphore, #tpu.memory_space<semaphore_mem>>)
      } else {
      }
      %mul3A_134 = arith.constant 4 : i32
      %mul3A_135 = arith.muli %scan3A_58, %mul3A_134 : i32
      %add3A_136 = arith.constant 3 : i32
      %add3A_137 = arith.addi %mul3A_135, %add3A_136 : i32
      %mul3A_138 = arith.constant 16384 : i32
      %mul3A_139 = arith.muli %add3A_137, %mul3A_138 : i32
      %add3A_140 = arith.addi %mul3A_2, %mul3A_139 : i32
      %dma_wait3A_141 = arith.constant 3 : i32
      %dma_wait3A_142 = arith.constant 0 : i32
      %dma_wait3A_143 = tpu.memref_slice %arg5[%dma_wait3A_141, %dma_wait3A_142] : memref<4x16384xf32, #tpu.memory_space<vmem>> -> memref<1x16384xf32, #tpu.memory_space<vmem>>
      %dma_wait3A_144 = tpu.memref_squeeze %dma_wait3A_143 : memref<1x16384xf32, #tpu.memory_space<vmem>> -> memref<16384xf32, #tpu.memory_space<vmem>>
      %dma_wait3A_145 = tpu.memref_slice %arg2[%add3A_140] : memref<16777216xf32, #tpu.memory_space<hbm>> -> memref<16384xf32, #tpu.memory_space<hbm>>
      %dma_wait3A_146 = arith.constant 0 : i32
      %dma_wait3A_147 = tpu.memref_slice %arg5[%dma_wait3A_141, %dma_wait3A_146] : memref<4x16384xf32, #tpu.memory_space<vmem>> -> memref<1x16384xf32, #tpu.memory_space<vmem>>
      %dma_wait3A_148 = tpu.memref_squeeze %dma_wait3A_147 : memref<1x16384xf32, #tpu.memory_space<vmem>> -> memref<16384xf32, #tpu.memory_space<vmem>>
      %dma_wait3A_149 = tpu.memref_slice %arg2[%add3A_140] : memref<16777216xf32, #tpu.memory_space<hbm>> -> memref<16384xf32, #tpu.memory_space<hbm>>
      tpu.wait_dma2 semaphore(%arg11 : memref<!tpu.dma_semaphore, #tpu.memory_space<semaphore_mem>>) src(%dma_wait3A_149 : memref<16384xf32, #tpu.memory_space<hbm>>) dst(%dma_wait3A_148 : memref<16384xf32, #tpu.memory_space<vmem>>)
      %parallel_loop3A_150 = arith.constant 0 : i32
      %parallel_loop3A_151 = arith.constant 1024 : i32
      %parallel_loop3A_152 = arith.constant 1 : i32
      scf.for %parallel_loop3A_161 = %parallel_loop3A_150 to %parallel_loop3A_151 step %parallel_loop3A_152  : i32 {
        %parallel_loop3A_162 = arith.constant 16 : i32
        %parallel_loop3A_163 = arith.muli %parallel_loop3A_161, %parallel_loop3A_162 : i32
        %parallel_loop3A_164 = arith.constant 3 : i32
        %parallel_loop3A_165 = arith.index_cast %parallel_loop3A_164 : i32 to index
        %parallel_loop3A_166 = arith.index_cast %parallel_loop3A_163 : i32 to index
        %parallel_loop3A_167 = tpu.vector_load %arg5[%parallel_loop3A_165, %parallel_loop3A_166] {strides = array<i32>} : memref<4x16384xf32, #tpu.memory_space<vmem>>, vector<16xf32>,
        %parallel_loop3A_168 = math.absf %parallel_loop3A_167 : vector<16xf32>
        %parallel_loop3A_169 = vector.bitcast %parallel_loop3A_168 : vector<16xf32> to vector<16xi32>
        %parallel_loop3A_170 = arith.constant 20 : i32
        %parallel_loop3A_171 = vector.broadcast %parallel_loop3A_170 : i32 to vector<16xi32>
        %parallel_loop3A_172 = arith.shrui %parallel_loop3A_169, %parallel_loop3A_171 : vector<16xi32>
        %parallel_loop3A_173 = arith.cmpi eq, %parallel_loop3A_172, %get3A_49 : vector<16xi32>
        %parallel_loop3A_174 = arith.constant 9 : i32
        %parallel_loop3A_175 = vector.broadcast %parallel_loop3A_174 : i32 to vector<16xi32>
        %parallel_loop3A_176 = arith.shrui %parallel_loop3A_169, %parallel_loop3A_175 : vector<16xi32>
        %parallel_loop3A_177 = arith.constant 2047 : i32
        %parallel_loop3A_178 = vector.broadcast %parallel_loop3A_177 : i32 to vector<16xi32>
        %parallel_loop3A_179 = arith.andi %parallel_loop3A_176, %parallel_loop3A_178 : vector<16xi32>
        %parallel_loop3A_180 = arith.constant 4 : i32
        %parallel_loop3A_181 = vector.broadcast %parallel_loop3A_180 : i32 to vector<16xi32>
        %parallel_loop3A_182 = arith.shli %parallel_loop3A_179, %parallel_loop3A_181 : vector<16xi32>
        %parallel_loop3A_183 = arith.addi %parallel_loop3A_182, %iota3A : vector<16xi32>
        tpu.vector_store_idx %arg7[%parallel_loop3A_183], %broadcast_in_dim3A_51 masked %parallel_loop3A_173 {add = true} : memref<32768xi32, #tpu.memory_space<vmem>>[vector<16xi32>], vector<16xi32>, vector<16xi1>
      } {sc.loop_unroll_factor = 8 : i64, sc.parallel_access}
      %add3A_153 = arith.constant 4 : i32
      %add3A_154 = arith.addi %add3A_137, %add3A_153 : i32
      %lt3A_155 = arith.constant 32 : i32
      %lt3A_156 = arith.cmpi slt, %add3A_154, %lt3A_155 : i32
      %convert_element_type3A_157 = arith.extui %lt3A_156 : i1 to i32
      %cond3A_158 = arith.constant 0 : i32
      %cond3A_159 = arith.cmpi ne, %convert_element_type3A_157, %cond3A_158 : i32
      scf.if %cond3A_159 {
        %add3A_161 = arith.constant 4 : i32
        %add3A_162 = arith.addi %add3A_137, %add3A_161 : i32
        %mul3A_163 = arith.constant 16384 : i32
        %mul3A_164 = arith.muli %add3A_162, %mul3A_163 : i32
        %add3A_165 = arith.addi %mul3A_2, %mul3A_164 : i32
        %dma_start3A_166 = arith.constant 3 : i32
        %dma_start3A_167 = arith.constant 0 : i32
        %dma_start3A_168 = tpu.memref_slice %arg5[%dma_start3A_166, %dma_start3A_167] : memref<4x16384xf32, #tpu.memory_space<vmem>> -> memref<1x16384xf32, #tpu.memory_space<vmem>>
        %dma_start3A_169 = tpu.memref_squeeze %dma_start3A_168 : memref<1x16384xf32, #tpu.memory_space<vmem>> -> memref<16384xf32, #tpu.memory_space<vmem>>
        %dma_start3A_170 = tpu.memref_slice %arg2[%add3A_165] : memref<16777216xf32, #tpu.memory_space<hbm>> -> memref<16384xf32, #tpu.memory_space<hbm>>
        %dma_start3A_171 = arith.constant 0 : i32
        %dma_start3A_172 = tpu.memref_slice %arg5[%dma_start3A_166, %dma_start3A_171] : memref<4x16384xf32, #tpu.memory_space<vmem>> -> memref<1x16384xf32, #tpu.memory_space<vmem>>
        %dma_start3A_173 = tpu.memref_squeeze %dma_start3A_172 : memref<1x16384xf32, #tpu.memory_space<vmem>> -> memref<16384xf32, #tpu.memory_space<vmem>>
        %dma_start3A_174 = tpu.memref_slice %arg2[%add3A_165] : memref<16777216xf32, #tpu.memory_space<hbm>> -> memref<16384xf32, #tpu.memory_space<hbm>>
        tpu.enqueue_dma source(%dma_start3A_174 : memref<16384xf32, #tpu.memory_space<hbm>>) target(%dma_start3A_173 : memref<16384xf32, #tpu.memory_space<vmem>>) target_semaphore(%arg11 : memref<!tpu.dma_semaphore, #tpu.memory_space<semaphore_mem>>)
      } else {
      }
      %scan3A_160 = arith.constant 0 : i32
      scf.yield %scan3A_160 : i32
    }
    %scan3A_57 = arith.constant 8 : i32
    "tpu.region"() ({
      %run_scoped3A = tpu.sem_alloc : memref<!tpu.dma_semaphore, #tpu.memory_space<semaphore_mem>>
      %dma_start3A_58 = arith.constant 0 : i32
      %dma_start3A_59 = tpu.memref_slice %arg4[%add3A, %dma_start3A_58] : memref<32x32768xi32, #tpu.memory_space<hbm>> -> memref<1x32768xi32, #tpu.memory_space<hbm>>
      %dma_start3A_60 = tpu.memref_squeeze %dma_start3A_59 : memref<1x32768xi32, #tpu.memory_space<hbm>> -> memref<32768xi32, #tpu.memory_space<hbm>>
      %dma_start3A_61 = arith.constant 0 : i32
      %dma_start3A_62 = tpu.memref_slice %arg4[%add3A, %dma_start3A_61] : memref<32x32768xi32, #tpu.memory_space<hbm>> -> memref<1x32768xi32, #tpu.memory_space<hbm>>
      %dma_start3A_63 = tpu.memref_squeeze %dma_start3A_62 : memref<1x32768xi32, #tpu.memory_space<hbm>> -> memref<32768xi32, #tpu.memory_space<hbm>>
      tpu.enqueue_dma source(%arg7 : memref<32768xi32, #tpu.memory_space<vmem>>) target(%dma_start3A_63 : memref<32768xi32, #tpu.memory_space<hbm>>) target_semaphore(%run_scoped3A : memref<!tpu.dma_semaphore, #tpu.memory_space<semaphore_mem>>)
      %dma_wait3A = arith.constant 0 : i32
      %dma_wait3A_64 = tpu.memref_slice %arg4[%add3A, %dma_wait3A] : memref<32x32768xi32, #tpu.memory_space<hbm>> -> memref<1x32768xi32, #tpu.memory_space<hbm>>
      %dma_wait3A_65 = tpu.memref_squeeze %dma_wait3A_64 : memref<1x32768xi32, #tpu.memory_space<hbm>> -> memref<32768xi32, #tpu.memory_space<hbm>>
      %dma_wait3A_66 = arith.constant 0 : i32
      %dma_wait3A_67 = tpu.memref_slice %arg4[%add3A, %dma_wait3A_66] : memref<32x32768xi32, #tpu.memory_space<hbm>> -> memref<1x32768xi32, #tpu.memory_space<hbm>>
      %dma_wait3A_68 = tpu.memref_squeeze %dma_wait3A_67 : memref<1x32768xi32, #tpu.memory_space<hbm>> -> memref<32768xi32, #tpu.memory_space<hbm>>
      tpu.wait_dma2 semaphore(%run_scoped3A : memref<!tpu.dma_semaphore, #tpu.memory_space<semaphore_mem>>) src(%arg7 : memref<32768xi32, #tpu.memory_space<vmem>>) dst(%dma_wait3A_68 : memref<32768xi32, #tpu.memory_space<hbm>>)
      tpu.yield
    }) : () -> ()
    return
  }
}

#map = affine_map<(d0, d1) -> (0)>
#map1 = affine_map<(d0, d1) -> (0, 0)>
module attributes {stable_mosaic.version = 14 : i64} {
  func.func @_p1(%arg0: i32, %arg1: i32, %arg2: memref<16777216xf32, #tpu.memory_space<hbm>>, %arg3: memref<16777216xf32, #tpu.memory_space<hbm>>, %arg4: memref<16777216xf32, #tpu.memory_space<hbm>>, %arg5: memref<32x32768xi32, #tpu.memory_space<hbm>>, %arg6: memref<4x4096xf32, #tpu.memory_space<vmem>>, %arg7: memref<4x4096xf32, #tpu.memory_space<vmem>>, %arg8: memref<4x4096xf32, #tpu.memory_space<vmem>>, %arg9: memref<32768xi32, #tpu.memory_space<vmem>>, %arg10: memref<!tpu.dma_semaphore, #tpu.memory_space<semaphore_mem>>, %arg11: memref<!tpu.dma_semaphore, #tpu.memory_space<semaphore_mem>>, %arg12: memref<!tpu.dma_semaphore, #tpu.memory_space<semaphore_mem>>, %arg13: memref<!tpu.dma_semaphore, #tpu.memory_space<semaphore_mem>>, %arg14: memref<!tpu.dma_semaphore, #tpu.memory_space<semaphore_mem>>, %arg15: memref<!tpu.dma_semaphore, #tpu.memory_space<semaphore_mem>>, %arg16: memref<!tpu.dma_semaphore, #tpu.memory_space<semaphore_mem>>, %arg17: memref<!tpu.dma_semaphore, #tpu.memory_space<semaphore_mem>>, %arg18: memref<!tpu.dma_semaphore, #tpu.memory_space<semaphore_mem>>, %arg19: memref<!tpu.dma_semaphore, #tpu.memory_space<semaphore_mem>>, %arg20: memref<!tpu.dma_semaphore, #tpu.memory_space<semaphore_mem>>, %arg21: memref<!tpu.dma_semaphore, #tpu.memory_space<semaphore_mem>>) attributes {dimension_semantics = [#tpu.dimension_semantics<core_parallel>, #tpu.dimension_semantics<subcore_parallel>], iteration_bounds = array<i64: 2, 16>, scalar_prefetch = 0 : i64, scratch_operands = 16 : i64, tpu.core_type = #tpu.core_type<sc_vector_subcore>, window_params = [{transform_indices = #map}, {transform_indices = #map}, {transform_indices = #map}, {transform_indices = #map1}]} {
    %mul3A = arith.constant 2 : i32
    %mul3A_0 = arith.muli %arg1, %mul3A : i32
    %add3A = arith.addi %mul3A_0, %arg0 : i32
    %mul3A_1 = arith.constant 524288 : i32
    %mul3A_2 = arith.muli %add3A, %mul3A_1 : i32
    %add3A_3 = arith.constant 0 : i32
    %add3A_4 = arith.addi %mul3A_2, %add3A_3 : i32
    %dma_start3A = arith.constant 0 : i32
    %dma_start3A_5 = arith.constant 0 : i32
    %dma_start3A_6 = tpu.memref_slice %arg6[%dma_start3A, %dma_start3A_5] : memref<4x4096xf32, #tpu.memory_space<vmem>> -> memref<1x4096xf32, #tpu.memory_space<vmem>>
    %dma_start3A_7 = tpu.memref_squeeze %dma_start3A_6 : memref<1x4096xf32, #tpu.memory_space<vmem>> -> memref<4096xf32, #tpu.memory_space<vmem>>
    %dma_start3A_8 = tpu.memref_slice %arg2[%add3A_4] : memref<16777216xf32, #tpu.memory_space<hbm>> -> memref<4096xf32, #tpu.memory_space<hbm>>
    %dma_start3A_9 = arith.constant 0 : i32
    %dma_start3A_10 = tpu.memref_slice %arg6[%dma_start3A, %dma_start3A_9] : memref<4x4096xf32, #tpu.memory_space<vmem>> -> memref<1x4096xf32, #tpu.memory_space<vmem>>
    %dma_start3A_11 = tpu.memref_squeeze %dma_start3A_10 : memref<1x4096xf32, #tpu.memory_space<vmem>> -> memref<4096xf32, #tpu.memory_space<vmem>>
    %dma_start3A_12 = tpu.memref_slice %arg2[%add3A_4] : memref<16777216xf32, #tpu.memory_space<hbm>> -> memref<4096xf32, #tpu.memory_space<hbm>>
    tpu.enqueue_dma source(%dma_start3A_12 : memref<4096xf32, #tpu.memory_space<hbm>>) target(%dma_start3A_11 : memref<4096xf32, #tpu.memory_space<vmem>>) target_semaphore(%arg10 : memref<!tpu.dma_semaphore, #tpu.memory_space<semaphore_mem>>)
    %dma_start3A_13 = arith.constant 0 : i32
    %dma_start3A_14 = arith.constant 0 : i32
    %dma_start3A_15 = tpu.memref_slice %arg7[%dma_start3A_13, %dma_start3A_14] : memref<4x4096xf32, #tpu.memory_space<vmem>> -> memref<1x4096xf32, #tpu.memory_space<vmem>>
    %dma_start3A_16 = tpu.memref_squeeze %dma_start3A_15 : memref<1x4096xf32, #tpu.memory_space<vmem>> -> memref<4096xf32, #tpu.memory_space<vmem>>
    %dma_start3A_17 = tpu.memref_slice %arg3[%add3A_4] : memref<16777216xf32, #tpu.memory_space<hbm>> -> memref<4096xf32, #tpu.memory_space<hbm>>
    %dma_start3A_18 = arith.constant 0 : i32
    %dma_start3A_19 = tpu.memref_slice %arg7[%dma_start3A_13, %dma_start3A_18] : memref<4x4096xf32, #tpu.memory_space<vmem>> -> memref<1x4096xf32, #tpu.memory_space<vmem>>
    %dma_start3A_20 = tpu.memref_squeeze %dma_start3A_19 : memref<1x4096xf32, #tpu.memory_space<vmem>> -> memref<4096xf32, #tpu.memory_space<vmem>>
    %dma_start3A_21 = tpu.memref_slice %arg3[%add3A_4] : memref<16777216xf32, #tpu.memory_space<hbm>> -> memref<4096xf32, #tpu.memory_space<hbm>>
    tpu.enqueue_dma source(%dma_start3A_21 : memref<4096xf32, #tpu.memory_space<hbm>>) target(%dma_start3A_20 : memref<4096xf32, #tpu.memory_space<vmem>>) target_semaphore(%arg14 : memref<!tpu.dma_semaphore, #tpu.memory_space<semaphore_mem>>)
    %add3A_22 = arith.constant 4096 : i32
    %add3A_23 = arith.addi %mul3A_2, %add3A_22 : i32
    %dma_start3A_24 = arith.constant 1 : i32
    %dma_start3A_25 = arith.constant 0 : i32
    %dma_start3A_26 = tpu.memref_slice %arg6[%dma_start3A_24, %dma_start3A_25] : memref<4x4096xf32, #tpu.memory_space<vmem>> -> memref<1x4096xf32, #tpu.memory_space<vmem>>
    %dma_start3A_27 = tpu.memref_squeeze %dma_start3A_26 : memref<1x4096xf32, #tpu.memory_space<vmem>> -> memref<4096xf32, #tpu.memory_space<vmem>>
    %dma_start3A_28 = tpu.memref_slice %arg2[%add3A_23] : memref<16777216xf32, #tpu.memory_space<hbm>> -> memref<4096xf32, #tpu.memory_space<hbm>>
    %dma_start3A_29 = arith.constant 0 : i32
    %dma_start3A_30 = tpu.memref_slice %arg6[%dma_start3A_24, %dma_start3A_29] : memref<4x4096xf32, #tpu.memory_space<vmem>> -> memref<1x4096xf32, #tpu.memory_space<vmem>>
    %dma_start3A_31 = tpu.memref_squeeze %dma_start3A_30 : memref<1x4096xf32, #tpu.memory_space<vmem>> -> memref<4096xf32, #tpu.memory_space<vmem>>
    %dma_start3A_32 = tpu.memref_slice %arg2[%add3A_23] : memref<16777216xf32, #tpu.memory_space<hbm>> -> memref<4096xf32, #tpu.memory_space<hbm>>
    tpu.enqueue_dma source(%dma_start3A_32 : memref<4096xf32, #tpu.memory_space<hbm>>) target(%dma_start3A_31 : memref<4096xf32, #tpu.memory_space<vmem>>) target_semaphore(%arg11 : memref<!tpu.dma_semaphore, #tpu.memory_space<semaphore_mem>>)
    %dma_start3A_33 = arith.constant 1 : i32
    %dma_start3A_34 = arith.constant 0 : i32
    %dma_start3A_35 = tpu.memref_slice %arg7[%dma_start3A_33, %dma_start3A_34] : memref<4x4096xf32, #tpu.memory_space<vmem>> -> memref<1x4096xf32, #tpu.memory_space<vmem>>
    %dma_start3A_36 = tpu.memref_squeeze %dma_start3A_35 : memref<1x4096xf32, #tpu.memory_space<vmem>> -> memref<4096xf32, #tpu.memory_space<vmem>>
    %dma_start3A_37 = tpu.memref_slice %arg3[%add3A_23] : memref<16777216xf32, #tpu.memory_space<hbm>> -> memref<4096xf32, #tpu.memory_space<hbm>>
    %dma_start3A_38 = arith.constant 0 : i32
    %dma_start3A_39 = tpu.memref_slice %arg7[%dma_start3A_33, %dma_start3A_38] : memref<4x4096xf32, #tpu.memory_space<vmem>> -> memref<1x4096xf32, #tpu.memory_space<vmem>>
    %dma_start3A_40 = tpu.memref_squeeze %dma_start3A_39 : memref<1x4096xf32, #tpu.memory_space<vmem>> -> memref<4096xf32, #tpu.memory_space<vmem>>
    %dma_start3A_41 = tpu.memref_slice %arg3[%add3A_23] : memref<16777216xf32, #tpu.memory_space<hbm>> -> memref<4096xf32, #tpu.memory_space<hbm>>
    tpu.enqueue_dma source(%dma_start3A_41 : memref<4096xf32, #tpu.memory_space<hbm>>) target(%dma_start3A_40 : memref<4096xf32, #tpu.memory_space<vmem>>) target_semaphore(%arg15 : memref<!tpu.dma_semaphore, #tpu.memory_space<semaphore_mem>>)
    %add3A_42 = arith.constant 8192 : i32
    %add3A_43 = arith.addi %mul3A_2, %add3A_42 : i32
    %dma_start3A_44 = arith.constant 2 : i32
    %dma_start3A_45 = arith.constant 0 : i32
    %dma_start3A_46 = tpu.memref_slice %arg6[%dma_start3A_44, %dma_start3A_45] : memref<4x4096xf32, #tpu.memory_space<vmem>> -> memref<1x4096xf32, #tpu.memory_space<vmem>>
    %dma_start3A_47 = tpu.memref_squeeze %dma_start3A_46 : memref<1x4096xf32, #tpu.memory_space<vmem>> -> memref<4096xf32, #tpu.memory_space<vmem>>
    %dma_start3A_48 = tpu.memref_slice %arg2[%add3A_43] : memref<16777216xf32, #tpu.memory_space<hbm>> -> memref<4096xf32, #tpu.memory_space<hbm>>
    %dma_start3A_49 = arith.constant 0 : i32
    %dma_start3A_50 = tpu.memref_slice %arg6[%dma_start3A_44, %dma_start3A_49] : memref<4x4096xf32, #tpu.memory_space<vmem>> -> memref<1x4096xf32, #tpu.memory_space<vmem>>
    %dma_start3A_51 = tpu.memref_squeeze %dma_start3A_50 : memref<1x4096xf32, #tpu.memory_space<vmem>> -> memref<4096xf32, #tpu.memory_space<vmem>>
    %dma_start3A_52 = tpu.memref_slice %arg2[%add3A_43] : memref<16777216xf32, #tpu.memory_space<hbm>> -> memref<4096xf32, #tpu.memory_space<hbm>>
    tpu.enqueue_dma source(%dma_start3A_52 : memref<4096xf32, #tpu.memory_space<hbm>>) target(%dma_start3A_51 : memref<4096xf32, #tpu.memory_space<vmem>>) target_semaphore(%arg12 : memref<!tpu.dma_semaphore, #tpu.memory_space<semaphore_mem>>)
    %dma_start3A_53 = arith.constant 2 : i32
    %dma_start3A_54 = arith.constant 0 : i32
    %dma_start3A_55 = tpu.memref_slice %arg7[%dma_start3A_53, %dma_start3A_54] : memref<4x4096xf32, #tpu.memory_space<vmem>> -> memref<1x4096xf32, #tpu.memory_space<vmem>>
    %dma_start3A_56 = tpu.memref_squeeze %dma_start3A_55 : memref<1x4096xf32, #tpu.memory_space<vmem>> -> memref<4096xf32, #tpu.memory_space<vmem>>
    %dma_start3A_57 = tpu.memref_slice %arg3[%add3A_43] : memref<16777216xf32, #tpu.memory_space<hbm>> -> memref<4096xf32, #tpu.memory_space<hbm>>
    %dma_start3A_58 = arith.constant 0 : i32
    %dma_start3A_59 = tpu.memref_slice %arg7[%dma_start3A_53, %dma_start3A_58] : memref<4x4096xf32, #tpu.memory_space<vmem>> -> memref<1x4096xf32, #tpu.memory_space<vmem>>
    %dma_start3A_60 = tpu.memref_squeeze %dma_start3A_59 : memref<1x4096xf32, #tpu.memory_space<vmem>> -> memref<4096xf32, #tpu.memory_space<vmem>>
    %dma_start3A_61 = tpu.memref_slice %arg3[%add3A_43] : memref<16777216xf32, #tpu.memory_space<hbm>> -> memref<4096xf32, #tpu.memory_space<hbm>>
    tpu.enqueue_dma source(%dma_start3A_61 : memref<4096xf32, #tpu.memory_space<hbm>>) target(%dma_start3A_60 : memref<4096xf32, #tpu.memory_space<vmem>>) target_semaphore(%arg16 : memref<!tpu.dma_semaphore, #tpu.memory_space<semaphore_mem>>)
    %add3A_62 = arith.constant 12288 : i32
    %add3A_63 = arith.addi %mul3A_2, %add3A_62 : i32
    %dma_start3A_64 = arith.constant 3 : i32
    %dma_start3A_65 = arith.constant 0 : i32
    %dma_start3A_66 = tpu.memref_slice %arg6[%dma_start3A_64, %dma_start3A_65] : memref<4x4096xf32, #tpu.memory_space<vmem>> -> memref<1x4096xf32, #tpu.memory_space<vmem>>
    %dma_start3A_67 = tpu.memref_squeeze %dma_start3A_66 : memref<1x4096xf32, #tpu.memory_space<vmem>> -> memref<4096xf32, #tpu.memory_space<vmem>>
    %dma_start3A_68 = tpu.memref_slice %arg2[%add3A_63] : memref<16777216xf32, #tpu.memory_space<hbm>> -> memref<4096xf32, #tpu.memory_space<hbm>>
    %dma_start3A_69 = arith.constant 0 : i32
    %dma_start3A_70 = tpu.memref_slice %arg6[%dma_start3A_64, %dma_start3A_69] : memref<4x4096xf32, #tpu.memory_space<vmem>> -> memref<1x4096xf32, #tpu.memory_space<vmem>>
    %dma_start3A_71 = tpu.memref_squeeze %dma_start3A_70 : memref<1x4096xf32, #tpu.memory_space<vmem>> -> memref<4096xf32, #tpu.memory_space<vmem>>
    %dma_start3A_72 = tpu.memref_slice %arg2[%add3A_63] : memref<16777216xf32, #tpu.memory_space<hbm>> -> memref<4096xf32, #tpu.memory_space<hbm>>
    tpu.enqueue_dma source(%dma_start3A_72 : memref<4096xf32, #tpu.memory_space<hbm>>) target(%dma_start3A_71 : memref<4096xf32, #tpu.memory_space<vmem>>) target_semaphore(%arg13 : memref<!tpu.dma_semaphore, #tpu.memory_space<semaphore_mem>>)
    %dma_start3A_73 = arith.constant 3 : i32
    %dma_start3A_74 = arith.constant 0 : i32
    %dma_start3A_75 = tpu.memref_slice %arg7[%dma_start3A_73, %dma_start3A_74] : memref<4x4096xf32, #tpu.memory_space<vmem>> -> memref<1x4096xf32, #tpu.memory_space<vmem>>
    %dma_start3A_76 = tpu.memref_squeeze %dma_start3A_75 : memref<1x4096xf32, #tpu.memory_space<vmem>> -> memref<4096xf32, #tpu.memory_space<vmem>>
    %dma_start3A_77 = tpu.memref_slice %arg3[%add3A_63] : memref<16777216xf32, #tpu.memory_space<hbm>> -> memref<4096xf32, #tpu.memory_space<hbm>>
    %dma_start3A_78 = arith.constant 0 : i32
    %dma_start3A_79 = tpu.memref_slice %arg7[%dma_start3A_73, %dma_start3A_78] : memref<4x4096xf32, #tpu.memory_space<vmem>> -> memref<1x4096xf32, #tpu.memory_space<vmem>>
    %dma_start3A_80 = tpu.memref_squeeze %dma_start3A_79 : memref<1x4096xf32, #tpu.memory_space<vmem>> -> memref<4096xf32, #tpu.memory_space<vmem>>
    %dma_start3A_81 = tpu.memref_slice %arg3[%add3A_63] : memref<16777216xf32, #tpu.memory_space<hbm>> -> memref<4096xf32, #tpu.memory_space<hbm>>
    tpu.enqueue_dma source(%dma_start3A_81 : memref<4096xf32, #tpu.memory_space<hbm>>) target(%dma_start3A_80 : memref<4096xf32, #tpu.memory_space<vmem>>) target_semaphore(%arg17 : memref<!tpu.dma_semaphore, #tpu.memory_space<semaphore_mem>>)
    %broadcast_in_dim3A = arith.constant 0 : i32
    %broadcast_in_dim3A_82 = vector.broadcast %broadcast_in_dim3A : i32 to vector<16xi32>
    %parallel_loop3A = arith.constant 0 : i32
    %parallel_loop3A_83 = arith.constant 2048 : i32
    %parallel_loop3A_84 = arith.constant 1 : i32
    scf.for %parallel_loop3A_128 = %parallel_loop3A to %parallel_loop3A_83 step %parallel_loop3A_84  : i32 {
      %parallel_loop3A_129 = arith.constant 16 : i32
      %parallel_loop3A_130 = arith.muli %parallel_loop3A_128, %parallel_loop3A_129 : i32
      %parallel_loop3A_131 = arith.index_cast %parallel_loop3A_130 : i32 to index
      %parallel_loop3A_132 = tpu.vector_load %arg9[%parallel_loop3A_131] {strides = array<i32>} : memref<32768xi32, #tpu.memory_space<vmem>>, vector<16xi32>,
      tpu.vector_store %arg9[%parallel_loop3A_131], %broadcast_in_dim3A_82 {strides = array<i32>} : memref<32768xi32, #tpu.memory_space<vmem>>, vector<16xi32>,
    } {sc.loop_unroll_factor = 8 : i64, sc.parallel_access}
    %iota3A = tpu.iota {dimensions = array<i32: 0>} : vector<16xi32>
    %broadcast_in_dim3A_85 = arith.constant 1 : i32
    %broadcast_in_dim3A_86 = vector.broadcast %broadcast_in_dim3A_85 : i32 to vector<16xi32>
    %scan3A = arith.constant 0 : i32
    %scan3A_87 = arith.constant 0 : i32
    %scan3A_88 = arith.constant 32 : i32
    %scan3A_89 = arith.addi %scan3A_87, %scan3A_88 : i32
    %scan3A_90 = arith.constant 1 : i32
    %scan3A_91 = scf.for %scan3A_128 = %scan3A_87 to %scan3A_89 step %scan3A_90 iter_args(%scan3A_129 = %scan3A) -> (i32)  : i32 {
      %mul3A_130 = arith.constant 4 : i32
      %mul3A_131 = arith.muli %scan3A_128, %mul3A_130 : i32
      %add3A_132 = arith.constant 0 : i32
      %add3A_133 = arith.addi %mul3A_131, %add3A_132 : i32
      %mul3A_134 = arith.constant 4096 : i32
      %mul3A_135 = arith.muli %add3A_133, %mul3A_134 : i32
      %add3A_136 = arith.addi %mul3A_2, %mul3A_135 : i32
      %dma_wait3A_137 = arith.constant 0 : i32
      %dma_wait3A_138 = arith.constant 0 : i32
      %dma_wait3A_139 = tpu.memref_slice %arg6[%dma_wait3A_137, %dma_wait3A_138] : memref<4x4096xf32, #tpu.memory_space<vmem>> -> memref<1x4096xf32, #tpu.memory_space<vmem>>
      %dma_wait3A_140 = tpu.memref_squeeze %dma_wait3A_139 : memref<1x4096xf32, #tpu.memory_space<vmem>> -> memref<4096xf32, #tpu.memory_space<vmem>>
      %dma_wait3A_141 = tpu.memref_slice %arg2[%add3A_136] : memref<16777216xf32, #tpu.memory_space<hbm>> -> memref<4096xf32, #tpu.memory_space<hbm>>
      %dma_wait3A_142 = arith.constant 0 : i32
      %dma_wait3A_143 = tpu.memref_slice %arg6[%dma_wait3A_137, %dma_wait3A_142] : memref<4x4096xf32, #tpu.memory_space<vmem>> -> memref<1x4096xf32, #tpu.memory_space<vmem>>
      %dma_wait3A_144 = tpu.memref_squeeze %dma_wait3A_143 : memref<1x4096xf32, #tpu.memory_space<vmem>> -> memref<4096xf32, #tpu.memory_space<vmem>>
      %dma_wait3A_145 = tpu.memref_slice %arg2[%add3A_136] : memref<16777216xf32, #tpu.memory_space<hbm>> -> memref<4096xf32, #tpu.memory_space<hbm>>
      tpu.wait_dma2 semaphore(%arg10 : memref<!tpu.dma_semaphore, #tpu.memory_space<semaphore_mem>>) src(%dma_wait3A_145 : memref<4096xf32, #tpu.memory_space<hbm>>) dst(%dma_wait3A_144 : memref<4096xf32, #tpu.memory_space<vmem>>)
      %dma_wait3A_146 = arith.constant 0 : i32
      %dma_wait3A_147 = arith.constant 0 : i32
      %dma_wait3A_148 = tpu.memref_slice %arg7[%dma_wait3A_146, %dma_wait3A_147] : memref<4x4096xf32, #tpu.memory_space<vmem>> -> memref<1x4096xf32, #tpu.memory_space<vmem>>
      %dma_wait3A_149 = tpu.memref_squeeze %dma_wait3A_148 : memref<1x4096xf32, #tpu.memory_space<vmem>> -> memref<4096xf32, #tpu.memory_space<vmem>>
      %dma_wait3A_150 = tpu.memref_slice %arg3[%add3A_136] : memref<16777216xf32, #tpu.memory_space<hbm>> -> memref<4096xf32, #tpu.memory_space<hbm>>
      %dma_wait3A_151 = arith.constant 0 : i32
      %dma_wait3A_152 = tpu.memref_slice %arg7[%dma_wait3A_146, %dma_wait3A_151] : memref<4x4096xf32, #tpu.memory_space<vmem>> -> memref<1x4096xf32, #tpu.memory_space<vmem>>
      %dma_wait3A_153 = tpu.memref_squeeze %dma_wait3A_152 : memref<1x4096xf32, #tpu.memory_space<vmem>> -> memref<4096xf32, #tpu.memory_space<vmem>>
      %dma_wait3A_154 = tpu.memref_slice %arg3[%add3A_136] : memref<16777216xf32, #tpu.memory_space<hbm>> -> memref<4096xf32, #tpu.memory_space<hbm>>
      tpu.wait_dma2 semaphore(%arg14 : memref<!tpu.dma_semaphore, #tpu.memory_space<semaphore_mem>>) src(%dma_wait3A_154 : memref<4096xf32, #tpu.memory_space<hbm>>) dst(%dma_wait3A_153 : memref<4096xf32, #tpu.memory_space<vmem>>)
      %ge3A = arith.constant 4 : i32
      %ge3A_155 = arith.cmpi sge, %add3A_133, %ge3A : i32
      %convert_element_type3A = arith.extui %ge3A_155 : i1 to i32
      %cond3A = arith.constant 0 : i32
      %cond3A_156 = arith.cmpi ne, %convert_element_type3A, %cond3A : i32
      scf.if %cond3A_156 {
        %dma_wait3A_323 = arith.constant 0 : i32
        %dma_wait3A_324 = arith.constant 0 : i32
        %dma_wait3A_325 = tpu.memref_slice %arg8[%dma_wait3A_323, %dma_wait3A_324] : memref<4x4096xf32, #tpu.memory_space<vmem>> -> memref<1x4096xf32, #tpu.memory_space<vmem>>
        %dma_wait3A_326 = tpu.memref_squeeze %dma_wait3A_325 : memref<1x4096xf32, #tpu.memory_space<vmem>> -> memref<4096xf32, #tpu.memory_space<vmem>>
        %dma_wait3A_327 = tpu.memref_slice %arg4[%mul3A_2] : memref<16777216xf32, #tpu.memory_space<hbm>> -> memref<4096xf32, #tpu.memory_space<hbm>>
        %dma_wait3A_328 = tpu.memref_slice %arg4[%mul3A_2] : memref<16777216xf32, #tpu.memory_space<hbm>> -> memref<4096xf32, #tpu.memory_space<hbm>>
        %dma_wait3A_329 = arith.constant 0 : i32
        %dma_wait3A_330 = tpu.memref_slice %arg8[%dma_wait3A_323, %dma_wait3A_329] : memref<4x4096xf32, #tpu.memory_space<vmem>> -> memref<1x4096xf32, #tpu.memory_space<vmem>>
        %dma_wait3A_331 = tpu.memref_squeeze %dma_wait3A_330 : memref<1x4096xf32, #tpu.memory_space<vmem>> -> memref<4096xf32, #tpu.memory_space<vmem>>
        tpu.wait_dma2 semaphore(%arg18 : memref<!tpu.dma_semaphore, #tpu.memory_space<semaphore_mem>>) src(%dma_wait3A_331 : memref<4096xf32, #tpu.memory_space<vmem>>) dst(%dma_wait3A_328 : memref<4096xf32, #tpu.memory_space<hbm>>)
      } else {
      }
      %parallel_loop3A_157 = arith.constant 0 : i32
      %parallel_loop3A_158 = arith.constant 256 : i32
      %parallel_loop3A_159 = arith.constant 1 : i32
      scf.for %parallel_loop3A_323 = %parallel_loop3A_157 to %parallel_loop3A_158 step %parallel_loop3A_159  : i32 {
        %parallel_loop3A_324 = arith.constant 16 : i32
        %parallel_loop3A_325 = arith.muli %parallel_loop3A_323, %parallel_loop3A_324 : i32
        %parallel_loop3A_326 = arith.constant 0 : i32
        %parallel_loop3A_327 = arith.index_cast %parallel_loop3A_326 : i32 to index
        %parallel_loop3A_328 = arith.index_cast %parallel_loop3A_325 : i32 to index
        %parallel_loop3A_329 = tpu.vector_load %arg7[%parallel_loop3A_327, %parallel_loop3A_328] {strides = array<i32>} : memref<4x4096xf32, #tpu.memory_space<vmem>>, vector<16xf32>,
        %parallel_loop3A_330 = arith.constant 0 : i32
        %parallel_loop3A_331 = arith.index_cast %parallel_loop3A_330 : i32 to index
        %parallel_loop3A_332 = arith.index_cast %parallel_loop3A_325 : i32 to index
        %parallel_loop3A_333 = tpu.vector_load %arg6[%parallel_loop3A_331, %parallel_loop3A_332] {strides = array<i32>} : memref<4x4096xf32, #tpu.memory_space<vmem>>, vector<16xf32>,
        %parallel_loop3A_334 = arith.subf %parallel_loop3A_329, %parallel_loop3A_333 : vector<16xf32>
        %parallel_loop3A_335 = arith.constant 0 : i32
        %parallel_loop3A_336 = arith.index_cast %parallel_loop3A_335 : i32 to index
        %parallel_loop3A_337 = arith.index_cast %parallel_loop3A_325 : i32 to index
        %parallel_loop3A_338 = tpu.vector_load %arg8[%parallel_loop3A_336, %parallel_loop3A_337] {strides = array<i32>} : memref<4x4096xf32, #tpu.memory_space<vmem>>, vector<16xf32>,
        tpu.vector_store %arg8[%parallel_loop3A_336, %parallel_loop3A_337], %parallel_loop3A_334 {strides = array<i32>} : memref<4x4096xf32, #tpu.memory_space<vmem>>, vector<16xf32>,
        %parallel_loop3A_339 = math.absf %parallel_loop3A_334 : vector<16xf32>
        %parallel_loop3A_340 = vector.bitcast %parallel_loop3A_339 : vector<16xf32> to vector<16xi32>
        %parallel_loop3A_341 = arith.constant 20 : i32
        %parallel_loop3A_342 = vector.broadcast %parallel_loop3A_341 : i32 to vector<16xi32>
        %parallel_loop3A_343 = arith.shrui %parallel_loop3A_340, %parallel_loop3A_342 : vector<16xi32>
        %parallel_loop3A_344 = arith.constant 4 : i32
        %parallel_loop3A_345 = vector.broadcast %parallel_loop3A_344 : i32 to vector<16xi32>
        %parallel_loop3A_346 = arith.shli %parallel_loop3A_343, %parallel_loop3A_345 : vector<16xi32>
        %parallel_loop3A_347 = arith.addi %parallel_loop3A_346, %iota3A : vector<16xi32>
        tpu.vector_store_idx %arg9[%parallel_loop3A_347], %broadcast_in_dim3A_86 {add = true} : memref<32768xi32, #tpu.memory_space<vmem>>[vector<16xi32>], vector<16xi32>,
      } {sc.loop_unroll_factor = 8 : i64, sc.parallel_access}
      %dma_start3A_160 = arith.constant 0 : i32
      %dma_start3A_161 = arith.constant 0 : i32
      %dma_start3A_162 = tpu.memref_slice %arg8[%dma_start3A_160, %dma_start3A_161] : memref<4x4096xf32, #tpu.memory_space<vmem>> -> memref<1x4096xf32, #tpu.memory_space<vmem>>
      %dma_start3A_163 = tpu.memref_squeeze %dma_start3A_162 : memref<1x4096xf32, #tpu.memory_space<vmem>> -> memref<4096xf32, #tpu.memory_space<vmem>>
      %dma_start3A_164 = tpu.memref_slice %arg4[%add3A_136] : memref<16777216xf32, #tpu.memory_space<hbm>> -> memref<4096xf32, #tpu.memory_space<hbm>>
      %dma_start3A_165 = tpu.memref_slice %arg4[%add3A_136] : memref<16777216xf32, #tpu.memory_space<hbm>> -> memref<4096xf32, #tpu.memory_space<hbm>>
      %dma_start3A_166 = arith.constant 0 : i32
      %dma_start3A_167 = tpu.memref_slice %arg8[%dma_start3A_160, %dma_start3A_166] : memref<4x4096xf32, #tpu.memory_space<vmem>> -> memref<1x4096xf32, #tpu.memory_space<vmem>>
      %dma_start3A_168 = tpu.memref_squeeze %dma_start3A_167 : memref<1x4096xf32, #tpu.memory_space<vmem>> -> memref<4096xf32, #tpu.memory_space<vmem>>
      tpu.enqueue_dma source(%dma_start3A_168 : memref<4096xf32, #tpu.memory_space<vmem>>) target(%dma_start3A_165 : memref<4096xf32, #tpu.memory_space<hbm>>) target_semaphore(%arg18 : memref<!tpu.dma_semaphore, #tpu.memory_space<semaphore_mem>>)
      %add3A_169 = arith.constant 4 : i32
      %add3A_170 = arith.addi %add3A_133, %add3A_169 : i32
      %lt3A = arith.constant 128 : i32
      %lt3A_171 = arith.cmpi slt, %add3A_170, %lt3A : i32
      %convert_element_type3A_172 = arith.extui %lt3A_171 : i1 to i32
      %cond3A_173 = arith.constant 0 : i32
      %cond3A_174 = arith.cmpi ne, %convert_element_type3A_172, %cond3A_173 : i32
      scf.if %cond3A_174 {
        %add3A_323 = arith.constant 4 : i32
        %add3A_324 = arith.addi %add3A_133, %add3A_323 : i32
        %mul3A_325 = arith.constant 4096 : i32
        %mul3A_326 = arith.muli %add3A_324, %mul3A_325 : i32
        %add3A_327 = arith.addi %mul3A_2, %mul3A_326 : i32
        %dma_start3A_328 = arith.constant 0 : i32
        %dma_start3A_329 = arith.constant 0 : i32
        %dma_start3A_330 = tpu.memref_slice %arg6[%dma_start3A_328, %dma_start3A_329] : memref<4x4096xf32, #tpu.memory_space<vmem>> -> memref<1x4096xf32, #tpu.memory_space<vmem>>
        %dma_start3A_331 = tpu.memref_squeeze %dma_start3A_330 : memref<1x4096xf32, #tpu.memory_space<vmem>> -> memref<4096xf32, #tpu.memory_space<vmem>>
        %dma_start3A_332 = tpu.memref_slice %arg2[%add3A_327] : memref<16777216xf32, #tpu.memory_space<hbm>> -> memref<4096xf32, #tpu.memory_space<hbm>>
        %dma_start3A_333 = arith.constant 0 : i32
        %dma_start3A_334 = tpu.memref_slice %arg6[%dma_start3A_328, %dma_start3A_333] : memref<4x4096xf32, #tpu.memory_space<vmem>> -> memref<1x4096xf32, #tpu.memory_space<vmem>>
        %dma_start3A_335 = tpu.memref_squeeze %dma_start3A_334 : memref<1x4096xf32, #tpu.memory_space<vmem>> -> memref<4096xf32, #tpu.memory_space<vmem>>
        %dma_start3A_336 = tpu.memref_slice %arg2[%add3A_327] : memref<16777216xf32, #tpu.memory_space<hbm>> -> memref<4096xf32, #tpu.memory_space<hbm>>
        tpu.enqueue_dma source(%dma_start3A_336 : memref<4096xf32, #tpu.memory_space<hbm>>) target(%dma_start3A_335 : memref<4096xf32, #tpu.memory_space<vmem>>) target_semaphore(%arg10 : memref<!tpu.dma_semaphore, #tpu.memory_space<semaphore_mem>>)
        %dma_start3A_337 = arith.constant 0 : i32
        %dma_start3A_338 = arith.constant 0 : i32
        %dma_start3A_339 = tpu.memref_slice %arg7[%dma_start3A_337, %dma_start3A_338] : memref<4x4096xf32, #tpu.memory_space<vmem>> -> memref<1x4096xf32, #tpu.memory_space<vmem>>
        %dma_start3A_340 = tpu.memref_squeeze %dma_start3A_339 : memref<1x4096xf32, #tpu.memory_space<vmem>> -> memref<4096xf32, #tpu.memory_space<vmem>>
        %dma_start3A_341 = tpu.memref_slice %arg3[%add3A_327] : memref<16777216xf32, #tpu.memory_space<hbm>> -> memref<4096xf32, #tpu.memory_space<hbm>>
        %dma_start3A_342 = arith.constant 0 : i32
        %dma_start3A_343 = tpu.memref_slice %arg7[%dma_start3A_337, %dma_start3A_342] : memref<4x4096xf32, #tpu.memory_space<vmem>> -> memref<1x4096xf32, #tpu.memory_space<vmem>>
        %dma_start3A_344 = tpu.memref_squeeze %dma_start3A_343 : memref<1x4096xf32, #tpu.memory_space<vmem>> -> memref<4096xf32, #tpu.memory_space<vmem>>
        %dma_start3A_345 = tpu.memref_slice %arg3[%add3A_327] : memref<16777216xf32, #tpu.memory_space<hbm>> -> memref<4096xf32, #tpu.memory_space<hbm>>
        tpu.enqueue_dma source(%dma_start3A_345 : memref<4096xf32, #tpu.memory_space<hbm>>) target(%dma_start3A_344 : memref<4096xf32, #tpu.memory_space<vmem>>) target_semaphore(%arg14 : memref<!tpu.dma_semaphore, #tpu.memory_space<semaphore_mem>>)
      } else {
      }
      %mul3A_175 = arith.constant 4 : i32
      %mul3A_176 = arith.muli %scan3A_128, %mul3A_175 : i32
      %add3A_177 = arith.constant 1 : i32
      %add3A_178 = arith.addi %mul3A_176, %add3A_177 : i32
      %mul3A_179 = arith.constant 4096 : i32
      %mul3A_180 = arith.muli %add3A_178, %mul3A_179 : i32
      %add3A_181 = arith.addi %mul3A_2, %mul3A_180 : i32
      %dma_wait3A_182 = arith.constant 1 : i32
      %dma_wait3A_183 = arith.constant 0 : i32
      %dma_wait3A_184 = tpu.memref_slice %arg6[%dma_wait3A_182, %dma_wait3A_183] : memref<4x4096xf32, #tpu.memory_space<vmem>> -> memref<1x4096xf32, #tpu.memory_space<vmem>>
      %dma_wait3A_185 = tpu.memref_squeeze %dma_wait3A_184 : memref<1x4096xf32, #tpu.memory_space<vmem>> -> memref<4096xf32, #tpu.memory_space<vmem>>
      %dma_wait3A_186 = tpu.memref_slice %arg2[%add3A_181] : memref<16777216xf32, #tpu.memory_space<hbm>> -> memref<4096xf32, #tpu.memory_space<hbm>>
      %dma_wait3A_187 = arith.constant 0 : i32
      %dma_wait3A_188 = tpu.memref_slice %arg6[%dma_wait3A_182, %dma_wait3A_187] : memref<4x4096xf32, #tpu.memory_space<vmem>> -> memref<1x4096xf32, #tpu.memory_space<vmem>>
      %dma_wait3A_189 = tpu.memref_squeeze %dma_wait3A_188 : memref<1x4096xf32, #tpu.memory_space<vmem>> -> memref<4096xf32, #tpu.memory_space<vmem>>
      %dma_wait3A_190 = tpu.memref_slice %arg2[%add3A_181] : memref<16777216xf32, #tpu.memory_space<hbm>> -> memref<4096xf32, #tpu.memory_space<hbm>>
      tpu.wait_dma2 semaphore(%arg11 : memref<!tpu.dma_semaphore, #tpu.memory_space<semaphore_mem>>) src(%dma_wait3A_190 : memref<4096xf32, #tpu.memory_space<hbm>>) dst(%dma_wait3A_189 : memref<4096xf32, #tpu.memory_space<vmem>>)
      %dma_wait3A_191 = arith.constant 1 : i32
      %dma_wait3A_192 = arith.constant 0 : i32
      %dma_wait3A_193 = tpu.memref_slice %arg7[%dma_wait3A_191, %dma_wait3A_192] : memref<4x4096xf32, #tpu.memory_space<vmem>> -> memref<1x4096xf32, #tpu.memory_space<vmem>>
      %dma_wait3A_194 = tpu.memref_squeeze %dma_wait3A_193 : memref<1x4096xf32, #tpu.memory_space<vmem>> -> memref<4096xf32, #tpu.memory_space<vmem>>
      %dma_wait3A_195 = tpu.memref_slice %arg3[%add3A_181] : memref<16777216xf32, #tpu.memory_space<hbm>> -> memref<4096xf32, #tpu.memory_space<hbm>>
      %dma_wait3A_196 = arith.constant 0 : i32
      %dma_wait3A_197 = tpu.memref_slice %arg7[%dma_wait3A_191, %dma_wait3A_196] : memref<4x4096xf32, #tpu.memory_space<vmem>> -> memref<1x4096xf32, #tpu.memory_space<vmem>>
      %dma_wait3A_198 = tpu.memref_squeeze %dma_wait3A_197 : memref<1x4096xf32, #tpu.memory_space<vmem>> -> memref<4096xf32, #tpu.memory_space<vmem>>
      %dma_wait3A_199 = tpu.memref_slice %arg3[%add3A_181] : memref<16777216xf32, #tpu.memory_space<hbm>> -> memref<4096xf32, #tpu.memory_space<hbm>>
      tpu.wait_dma2 semaphore(%arg15 : memref<!tpu.dma_semaphore, #tpu.memory_space<semaphore_mem>>) src(%dma_wait3A_199 : memref<4096xf32, #tpu.memory_space<hbm>>) dst(%dma_wait3A_198 : memref<4096xf32, #tpu.memory_space<vmem>>)
      %ge3A_200 = arith.constant 4 : i32
      %ge3A_201 = arith.cmpi sge, %add3A_178, %ge3A_200 : i32
      %convert_element_type3A_202 = arith.extui %ge3A_201 : i1 to i32
      %cond3A_203 = arith.constant 0 : i32
      %cond3A_204 = arith.cmpi ne, %convert_element_type3A_202, %cond3A_203 : i32
      scf.if %cond3A_204 {
        %dma_wait3A_323 = arith.constant 1 : i32
        %dma_wait3A_324 = arith.constant 0 : i32
        %dma_wait3A_325 = tpu.memref_slice %arg8[%dma_wait3A_323, %dma_wait3A_324] : memref<4x4096xf32, #tpu.memory_space<vmem>> -> memref<1x4096xf32, #tpu.memory_space<vmem>>
        %dma_wait3A_326 = tpu.memref_squeeze %dma_wait3A_325 : memref<1x4096xf32, #tpu.memory_space<vmem>> -> memref<4096xf32, #tpu.memory_space<vmem>>
        %dma_wait3A_327 = tpu.memref_slice %arg4[%mul3A_2] : memref<16777216xf32, #tpu.memory_space<hbm>> -> memref<4096xf32, #tpu.memory_space<hbm>>
        %dma_wait3A_328 = tpu.memref_slice %arg4[%mul3A_2] : memref<16777216xf32, #tpu.memory_space<hbm>> -> memref<4096xf32, #tpu.memory_space<hbm>>
        %dma_wait3A_329 = arith.constant 0 : i32
        %dma_wait3A_330 = tpu.memref_slice %arg8[%dma_wait3A_323, %dma_wait3A_329] : memref<4x4096xf32, #tpu.memory_space<vmem>> -> memref<1x4096xf32, #tpu.memory_space<vmem>>
        %dma_wait3A_331 = tpu.memref_squeeze %dma_wait3A_330 : memref<1x4096xf32, #tpu.memory_space<vmem>> -> memref<4096xf32, #tpu.memory_space<vmem>>
        tpu.wait_dma2 semaphore(%arg19 : memref<!tpu.dma_semaphore, #tpu.memory_space<semaphore_mem>>) src(%dma_wait3A_331 : memref<4096xf32, #tpu.memory_space<vmem>>) dst(%dma_wait3A_328 : memref<4096xf32, #tpu.memory_space<hbm>>)
      } else {
      }
      %parallel_loop3A_205 = arith.constant 0 : i32
      %parallel_loop3A_206 = arith.constant 256 : i32
      %parallel_loop3A_207 = arith.constant 1 : i32
      scf.for %parallel_loop3A_323 = %parallel_loop3A_205 to %parallel_loop3A_206 step %parallel_loop3A_207  : i32 {
        %parallel_loop3A_324 = arith.constant 16 : i32
        %parallel_loop3A_325 = arith.muli %parallel_loop3A_323, %parallel_loop3A_324 : i32
        %parallel_loop3A_326 = arith.constant 1 : i32
        %parallel_loop3A_327 = arith.index_cast %parallel_loop3A_326 : i32 to index
        %parallel_loop3A_328 = arith.index_cast %parallel_loop3A_325 : i32 to index
        %parallel_loop3A_329 = tpu.vector_load %arg7[%parallel_loop3A_327, %parallel_loop3A_328] {strides = array<i32>} : memref<4x4096xf32, #tpu.memory_space<vmem>>, vector<16xf32>,
        %parallel_loop3A_330 = arith.constant 1 : i32
        %parallel_loop3A_331 = arith.index_cast %parallel_loop3A_330 : i32 to index
        %parallel_loop3A_332 = arith.index_cast %parallel_loop3A_325 : i32 to index
        %parallel_loop3A_333 = tpu.vector_load %arg6[%parallel_loop3A_331, %parallel_loop3A_332] {strides = array<i32>} : memref<4x4096xf32, #tpu.memory_space<vmem>>, vector<16xf32>,
        %parallel_loop3A_334 = arith.subf %parallel_loop3A_329, %parallel_loop3A_333 : vector<16xf32>
        %parallel_loop3A_335 = arith.constant 1 : i32
        %parallel_loop3A_336 = arith.index_cast %parallel_loop3A_335 : i32 to index
        %parallel_loop3A_337 = arith.index_cast %parallel_loop3A_325 : i32 to index
        %parallel_loop3A_338 = tpu.vector_load %arg8[%parallel_loop3A_336, %parallel_loop3A_337] {strides = array<i32>} : memref<4x4096xf32, #tpu.memory_space<vmem>>, vector<16xf32>,
        tpu.vector_store %arg8[%parallel_loop3A_336, %parallel_loop3A_337], %parallel_loop3A_334 {strides = array<i32>} : memref<4x4096xf32, #tpu.memory_space<vmem>>, vector<16xf32>,
        %parallel_loop3A_339 = math.absf %parallel_loop3A_334 : vector<16xf32>
        %parallel_loop3A_340 = vector.bitcast %parallel_loop3A_339 : vector<16xf32> to vector<16xi32>
        %parallel_loop3A_341 = arith.constant 20 : i32
        %parallel_loop3A_342 = vector.broadcast %parallel_loop3A_341 : i32 to vector<16xi32>
        %parallel_loop3A_343 = arith.shrui %parallel_loop3A_340, %parallel_loop3A_342 : vector<16xi32>
        %parallel_loop3A_344 = arith.constant 4 : i32
        %parallel_loop3A_345 = vector.broadcast %parallel_loop3A_344 : i32 to vector<16xi32>
        %parallel_loop3A_346 = arith.shli %parallel_loop3A_343, %parallel_loop3A_345 : vector<16xi32>
        %parallel_loop3A_347 = arith.addi %parallel_loop3A_346, %iota3A : vector<16xi32>
        tpu.vector_store_idx %arg9[%parallel_loop3A_347], %broadcast_in_dim3A_86 {add = true} : memref<32768xi32, #tpu.memory_space<vmem>>[vector<16xi32>], vector<16xi32>,
      } {sc.loop_unroll_factor = 8 : i64, sc.parallel_access}
      %dma_start3A_208 = arith.constant 1 : i32
      %dma_start3A_209 = arith.constant 0 : i32
      %dma_start3A_210 = tpu.memref_slice %arg8[%dma_start3A_208, %dma_start3A_209] : memref<4x4096xf32, #tpu.memory_space<vmem>> -> memref<1x4096xf32, #tpu.memory_space<vmem>>
      %dma_start3A_211 = tpu.memref_squeeze %dma_start3A_210 : memref<1x4096xf32, #tpu.memory_space<vmem>> -> memref<4096xf32, #tpu.memory_space<vmem>>
      %dma_start3A_212 = tpu.memref_slice %arg4[%add3A_181] : memref<16777216xf32, #tpu.memory_space<hbm>> -> memref<4096xf32, #tpu.memory_space<hbm>>
      %dma_start3A_213 = tpu.memref_slice %arg4[%add3A_181] : memref<16777216xf32, #tpu.memory_space<hbm>> -> memref<4096xf32, #tpu.memory_space<hbm>>
      %dma_start3A_214 = arith.constant 0 : i32
      %dma_start3A_215 = tpu.memref_slice %arg8[%dma_start3A_208, %dma_start3A_214] : memref<4x4096xf32, #tpu.memory_space<vmem>> -> memref<1x4096xf32, #tpu.memory_space<vmem>>
      %dma_start3A_216 = tpu.memref_squeeze %dma_start3A_215 : memref<1x4096xf32, #tpu.memory_space<vmem>> -> memref<4096xf32, #tpu.memory_space<vmem>>
      tpu.enqueue_dma source(%dma_start3A_216 : memref<4096xf32, #tpu.memory_space<vmem>>) target(%dma_start3A_213 : memref<4096xf32, #tpu.memory_space<hbm>>) target_semaphore(%arg19 : memref<!tpu.dma_semaphore, #tpu.memory_space<semaphore_mem>>)
      %add3A_217 = arith.constant 4 : i32
      %add3A_218 = arith.addi %add3A_178, %add3A_217 : i32
      %lt3A_219 = arith.constant 128 : i32
      %lt3A_220 = arith.cmpi slt, %add3A_218, %lt3A_219 : i32
      %convert_element_type3A_221 = arith.extui %lt3A_220 : i1 to i32
      %cond3A_222 = arith.constant 0 : i32
      %cond3A_223 = arith.cmpi ne, %convert_element_type3A_221, %cond3A_222 : i32
      scf.if %cond3A_223 {
        %add3A_323 = arith.constant 4 : i32
        %add3A_324 = arith.addi %add3A_178, %add3A_323 : i32
        %mul3A_325 = arith.constant 4096 : i32
        %mul3A_326 = arith.muli %add3A_324, %mul3A_325 : i32
        %add3A_327 = arith.addi %mul3A_2, %mul3A_326 : i32
        %dma_start3A_328 = arith.constant 1 : i32
        %dma_start3A_329 = arith.constant 0 : i32
        %dma_start3A_330 = tpu.memref_slice %arg6[%dma_start3A_328, %dma_start3A_329] : memref<4x4096xf32, #tpu.memory_space<vmem>> -> memref<1x4096xf32, #tpu.memory_space<vmem>>
        %dma_start3A_331 = tpu.memref_squeeze %dma_start3A_330 : memref<1x4096xf32, #tpu.memory_space<vmem>> -> memref<4096xf32, #tpu.memory_space<vmem>>
        %dma_start3A_332 = tpu.memref_slice %arg2[%add3A_327] : memref<16777216xf32, #tpu.memory_space<hbm>> -> memref<4096xf32, #tpu.memory_space<hbm>>
        %dma_start3A_333 = arith.constant 0 : i32
        %dma_start3A_334 = tpu.memref_slice %arg6[%dma_start3A_328, %dma_start3A_333] : memref<4x4096xf32, #tpu.memory_space<vmem>> -> memref<1x4096xf32, #tpu.memory_space<vmem>>
        %dma_start3A_335 = tpu.memref_squeeze %dma_start3A_334 : memref<1x4096xf32, #tpu.memory_space<vmem>> -> memref<4096xf32, #tpu.memory_space<vmem>>
        %dma_start3A_336 = tpu.memref_slice %arg2[%add3A_327] : memref<16777216xf32, #tpu.memory_space<hbm>> -> memref<4096xf32, #tpu.memory_space<hbm>>
        tpu.enqueue_dma source(%dma_start3A_336 : memref<4096xf32, #tpu.memory_space<hbm>>) target(%dma_start3A_335 : memref<4096xf32, #tpu.memory_space<vmem>>) target_semaphore(%arg11 : memref<!tpu.dma_semaphore, #tpu.memory_space<semaphore_mem>>)
        %dma_start3A_337 = arith.constant 1 : i32
        %dma_start3A_338 = arith.constant 0 : i32
        %dma_start3A_339 = tpu.memref_slice %arg7[%dma_start3A_337, %dma_start3A_338] : memref<4x4096xf32, #tpu.memory_space<vmem>> -> memref<1x4096xf32, #tpu.memory_space<vmem>>
        %dma_start3A_340 = tpu.memref_squeeze %dma_start3A_339 : memref<1x4096xf32, #tpu.memory_space<vmem>> -> memref<4096xf32, #tpu.memory_space<vmem>>
        %dma_start3A_341 = tpu.memref_slice %arg3[%add3A_327] : memref<16777216xf32, #tpu.memory_space<hbm>> -> memref<4096xf32, #tpu.memory_space<hbm>>
        %dma_start3A_342 = arith.constant 0 : i32
        %dma_start3A_343 = tpu.memref_slice %arg7[%dma_start3A_337, %dma_start3A_342] : memref<4x4096xf32, #tpu.memory_space<vmem>> -> memref<1x4096xf32, #tpu.memory_space<vmem>>
        %dma_start3A_344 = tpu.memref_squeeze %dma_start3A_343 : memref<1x4096xf32, #tpu.memory_space<vmem>> -> memref<4096xf32, #tpu.memory_space<vmem>>
        %dma_start3A_345 = tpu.memref_slice %arg3[%add3A_327] : memref<16777216xf32, #tpu.memory_space<hbm>> -> memref<4096xf32, #tpu.memory_space<hbm>>
        tpu.enqueue_dma source(%dma_start3A_345 : memref<4096xf32, #tpu.memory_space<hbm>>) target(%dma_start3A_344 : memref<4096xf32, #tpu.memory_space<vmem>>) target_semaphore(%arg15 : memref<!tpu.dma_semaphore, #tpu.memory_space<semaphore_mem>>)
      } else {
      }
      %mul3A_224 = arith.constant 4 : i32
      %mul3A_225 = arith.muli %scan3A_128, %mul3A_224 : i32
      %add3A_226 = arith.constant 2 : i32
      %add3A_227 = arith.addi %mul3A_225, %add3A_226 : i32
      %mul3A_228 = arith.constant 4096 : i32
      %mul3A_229 = arith.muli %add3A_227, %mul3A_228 : i32
      %add3A_230 = arith.addi %mul3A_2, %mul3A_229 : i32
      %dma_wait3A_231 = arith.constant 2 : i32
      %dma_wait3A_232 = arith.constant 0 : i32
      %dma_wait3A_233 = tpu.memref_slice %arg6[%dma_wait3A_231, %dma_wait3A_232] : memref<4x4096xf32, #tpu.memory_space<vmem>> -> memref<1x4096xf32, #tpu.memory_space<vmem>>
      %dma_wait3A_234 = tpu.memref_squeeze %dma_wait3A_233 : memref<1x4096xf32, #tpu.memory_space<vmem>> -> memref<4096xf32, #tpu.memory_space<vmem>>
      %dma_wait3A_235 = tpu.memref_slice %arg2[%add3A_230] : memref<16777216xf32, #tpu.memory_space<hbm>> -> memref<4096xf32, #tpu.memory_space<hbm>>
      %dma_wait3A_236 = arith.constant 0 : i32
      %dma_wait3A_237 = tpu.memref_slice %arg6[%dma_wait3A_231, %dma_wait3A_236] : memref<4x4096xf32, #tpu.memory_space<vmem>> -> memref<1x4096xf32, #tpu.memory_space<vmem>>
      %dma_wait3A_238 = tpu.memref_squeeze %dma_wait3A_237 : memref<1x4096xf32, #tpu.memory_space<vmem>> -> memref<4096xf32, #tpu.memory_space<vmem>>
      %dma_wait3A_239 = tpu.memref_slice %arg2[%add3A_230] : memref<16777216xf32, #tpu.memory_space<hbm>> -> memref<4096xf32, #tpu.memory_space<hbm>>
      tpu.wait_dma2 semaphore(%arg12 : memref<!tpu.dma_semaphore, #tpu.memory_space<semaphore_mem>>) src(%dma_wait3A_239 : memref<4096xf32, #tpu.memory_space<hbm>>) dst(%dma_wait3A_238 : memref<4096xf32, #tpu.memory_space<vmem>>)
      %dma_wait3A_240 = arith.constant 2 : i32
      %dma_wait3A_241 = arith.constant 0 : i32
      %dma_wait3A_242 = tpu.memref_slice %arg7[%dma_wait3A_240, %dma_wait3A_241] : memref<4x4096xf32, #tpu.memory_space<vmem>> -> memref<1x4096xf32, #tpu.memory_space<vmem>>
      %dma_wait3A_243 = tpu.memref_squeeze %dma_wait3A_242 : memref<1x4096xf32, #tpu.memory_space<vmem>> -> memref<4096xf32, #tpu.memory_space<vmem>>
      %dma_wait3A_244 = tpu.memref_slice %arg3[%add3A_230] : memref<16777216xf32, #tpu.memory_space<hbm>> -> memref<4096xf32, #tpu.memory_space<hbm>>
      %dma_wait3A_245 = arith.constant 0 : i32
      %dma_wait3A_246 = tpu.memref_slice %arg7[%dma_wait3A_240, %dma_wait3A_245] : memref<4x4096xf32, #tpu.memory_space<vmem>> -> memref<1x4096xf32, #tpu.memory_space<vmem>>
      %dma_wait3A_247 = tpu.memref_squeeze %dma_wait3A_246 : memref<1x4096xf32, #tpu.memory_space<vmem>> -> memref<4096xf32, #tpu.memory_space<vmem>>
      %dma_wait3A_248 = tpu.memref_slice %arg3[%add3A_230] : memref<16777216xf32, #tpu.memory_space<hbm>> -> memref<4096xf32, #tpu.memory_space<hbm>>
      tpu.wait_dma2 semaphore(%arg16 : memref<!tpu.dma_semaphore, #tpu.memory_space<semaphore_mem>>) src(%dma_wait3A_248 : memref<4096xf32, #tpu.memory_space<hbm>>) dst(%dma_wait3A_247 : memref<4096xf32, #tpu.memory_space<vmem>>)
      %ge3A_249 = arith.constant 4 : i32
      %ge3A_250 = arith.cmpi sge, %add3A_227, %ge3A_249 : i32
      %convert_element_type3A_251 = arith.extui %ge3A_250 : i1 to i32
      %cond3A_252 = arith.constant 0 : i32
      %cond3A_253 = arith.cmpi ne, %convert_element_type3A_251, %cond3A_252 : i32
      scf.if %cond3A_253 {
        %dma_wait3A_323 = arith.constant 2 : i32
        %dma_wait3A_324 = arith.constant 0 : i32
        %dma_wait3A_325 = tpu.memref_slice %arg8[%dma_wait3A_323, %dma_wait3A_324] : memref<4x4096xf32, #tpu.memory_space<vmem>> -> memref<1x4096xf32, #tpu.memory_space<vmem>>
        %dma_wait3A_326 = tpu.memref_squeeze %dma_wait3A_325 : memref<1x4096xf32, #tpu.memory_space<vmem>> -> memref<4096xf32, #tpu.memory_space<vmem>>
        %dma_wait3A_327 = tpu.memref_slice %arg4[%mul3A_2] : memref<16777216xf32, #tpu.memory_space<hbm>> -> memref<4096xf32, #tpu.memory_space<hbm>>
        %dma_wait3A_328 = tpu.memref_slice %arg4[%mul3A_2] : memref<16777216xf32, #tpu.memory_space<hbm>> -> memref<4096xf32, #tpu.memory_space<hbm>>
        %dma_wait3A_329 = arith.constant 0 : i32
        %dma_wait3A_330 = tpu.memref_slice %arg8[%dma_wait3A_323, %dma_wait3A_329] : memref<4x4096xf32, #tpu.memory_space<vmem>> -> memref<1x4096xf32, #tpu.memory_space<vmem>>
        %dma_wait3A_331 = tpu.memref_squeeze %dma_wait3A_330 : memref<1x4096xf32, #tpu.memory_space<vmem>> -> memref<4096xf32, #tpu.memory_space<vmem>>
        tpu.wait_dma2 semaphore(%arg20 : memref<!tpu.dma_semaphore, #tpu.memory_space<semaphore_mem>>) src(%dma_wait3A_331 : memref<4096xf32, #tpu.memory_space<vmem>>) dst(%dma_wait3A_328 : memref<4096xf32, #tpu.memory_space<hbm>>)
      } else {
      }
      %parallel_loop3A_254 = arith.constant 0 : i32
      %parallel_loop3A_255 = arith.constant 256 : i32
      %parallel_loop3A_256 = arith.constant 1 : i32
      scf.for %parallel_loop3A_323 = %parallel_loop3A_254 to %parallel_loop3A_255 step %parallel_loop3A_256  : i32 {
        %parallel_loop3A_324 = arith.constant 16 : i32
        %parallel_loop3A_325 = arith.muli %parallel_loop3A_323, %parallel_loop3A_324 : i32
        %parallel_loop3A_326 = arith.constant 2 : i32
        %parallel_loop3A_327 = arith.index_cast %parallel_loop3A_326 : i32 to index
        %parallel_loop3A_328 = arith.index_cast %parallel_loop3A_325 : i32 to index
        %parallel_loop3A_329 = tpu.vector_load %arg7[%parallel_loop3A_327, %parallel_loop3A_328] {strides = array<i32>} : memref<4x4096xf32, #tpu.memory_space<vmem>>, vector<16xf32>,
        %parallel_loop3A_330 = arith.constant 2 : i32
        %parallel_loop3A_331 = arith.index_cast %parallel_loop3A_330 : i32 to index
        %parallel_loop3A_332 = arith.index_cast %parallel_loop3A_325 : i32 to index
        %parallel_loop3A_333 = tpu.vector_load %arg6[%parallel_loop3A_331, %parallel_loop3A_332] {strides = array<i32>} : memref<4x4096xf32, #tpu.memory_space<vmem>>, vector<16xf32>,
        %parallel_loop3A_334 = arith.subf %parallel_loop3A_329, %parallel_loop3A_333 : vector<16xf32>
        %parallel_loop3A_335 = arith.constant 2 : i32
        %parallel_loop3A_336 = arith.index_cast %parallel_loop3A_335 : i32 to index
        %parallel_loop3A_337 = arith.index_cast %parallel_loop3A_325 : i32 to index
        %parallel_loop3A_338 = tpu.vector_load %arg8[%parallel_loop3A_336, %parallel_loop3A_337] {strides = array<i32>} : memref<4x4096xf32, #tpu.memory_space<vmem>>, vector<16xf32>,
        tpu.vector_store %arg8[%parallel_loop3A_336, %parallel_loop3A_337], %parallel_loop3A_334 {strides = array<i32>} : memref<4x4096xf32, #tpu.memory_space<vmem>>, vector<16xf32>,
        %parallel_loop3A_339 = math.absf %parallel_loop3A_334 : vector<16xf32>
        %parallel_loop3A_340 = vector.bitcast %parallel_loop3A_339 : vector<16xf32> to vector<16xi32>
        %parallel_loop3A_341 = arith.constant 20 : i32
        %parallel_loop3A_342 = vector.broadcast %parallel_loop3A_341 : i32 to vector<16xi32>
        %parallel_loop3A_343 = arith.shrui %parallel_loop3A_340, %parallel_loop3A_342 : vector<16xi32>
        %parallel_loop3A_344 = arith.constant 4 : i32
        %parallel_loop3A_345 = vector.broadcast %parallel_loop3A_344 : i32 to vector<16xi32>
        %parallel_loop3A_346 = arith.shli %parallel_loop3A_343, %parallel_loop3A_345 : vector<16xi32>
        %parallel_loop3A_347 = arith.addi %parallel_loop3A_346, %iota3A : vector<16xi32>
        tpu.vector_store_idx %arg9[%parallel_loop3A_347], %broadcast_in_dim3A_86 {add = true} : memref<32768xi32, #tpu.memory_space<vmem>>[vector<16xi32>], vector<16xi32>,
      } {sc.loop_unroll_factor = 8 : i64, sc.parallel_access}
      %dma_start3A_257 = arith.constant 2 : i32
      %dma_start3A_258 = arith.constant 0 : i32
      %dma_start3A_259 = tpu.memref_slice %arg8[%dma_start3A_257, %dma_start3A_258] : memref<4x4096xf32, #tpu.memory_space<vmem>> -> memref<1x4096xf32, #tpu.memory_space<vmem>>
      %dma_start3A_260 = tpu.memref_squeeze %dma_start3A_259 : memref<1x4096xf32, #tpu.memory_space<vmem>> -> memref<4096xf32, #tpu.memory_space<vmem>>
      %dma_start3A_261 = tpu.memref_slice %arg4[%add3A_230] : memref<16777216xf32, #tpu.memory_space<hbm>> -> memref<4096xf32, #tpu.memory_space<hbm>>
      %dma_start3A_262 = tpu.memref_slice %arg4[%add3A_230] : memref<16777216xf32, #tpu.memory_space<hbm>> -> memref<4096xf32, #tpu.memory_space<hbm>>
      %dma_start3A_263 = arith.constant 0 : i32
      %dma_start3A_264 = tpu.memref_slice %arg8[%dma_start3A_257, %dma_start3A_263] : memref<4x4096xf32, #tpu.memory_space<vmem>> -> memref<1x4096xf32, #tpu.memory_space<vmem>>
      %dma_start3A_265 = tpu.memref_squeeze %dma_start3A_264 : memref<1x4096xf32, #tpu.memory_space<vmem>> -> memref<4096xf32, #tpu.memory_space<vmem>>
      tpu.enqueue_dma source(%dma_start3A_265 : memref<4096xf32, #tpu.memory_space<vmem>>) target(%dma_start3A_262 : memref<4096xf32, #tpu.memory_space<hbm>>) target_semaphore(%arg20 : memref<!tpu.dma_semaphore, #tpu.memory_space<semaphore_mem>>)
      %add3A_266 = arith.constant 4 : i32
      %add3A_267 = arith.addi %add3A_227, %add3A_266 : i32
      %lt3A_268 = arith.constant 128 : i32
      %lt3A_269 = arith.cmpi slt, %add3A_267, %lt3A_268 : i32
      %convert_element_type3A_270 = arith.extui %lt3A_269 : i1 to i32
      %cond3A_271 = arith.constant 0 : i32
      %cond3A_272 = arith.cmpi ne, %convert_element_type3A_270, %cond3A_271 : i32
      scf.if %cond3A_272 {
        %add3A_323 = arith.constant 4 : i32
        %add3A_324 = arith.addi %add3A_227, %add3A_323 : i32
        %mul3A_325 = arith.constant 4096 : i32
        %mul3A_326 = arith.muli %add3A_324, %mul3A_325 : i32
        %add3A_327 = arith.addi %mul3A_2, %mul3A_326 : i32
        %dma_start3A_328 = arith.constant 2 : i32
        %dma_start3A_329 = arith.constant 0 : i32
        %dma_start3A_330 = tpu.memref_slice %arg6[%dma_start3A_328, %dma_start3A_329] : memref<4x4096xf32, #tpu.memory_space<vmem>> -> memref<1x4096xf32, #tpu.memory_space<vmem>>
        %dma_start3A_331 = tpu.memref_squeeze %dma_start3A_330 : memref<1x4096xf32, #tpu.memory_space<vmem>> -> memref<4096xf32, #tpu.memory_space<vmem>>
        %dma_start3A_332 = tpu.memref_slice %arg2[%add3A_327] : memref<16777216xf32, #tpu.memory_space<hbm>> -> memref<4096xf32, #tpu.memory_space<hbm>>
        %dma_start3A_333 = arith.constant 0 : i32
        %dma_start3A_334 = tpu.memref_slice %arg6[%dma_start3A_328, %dma_start3A_333] : memref<4x4096xf32, #tpu.memory_space<vmem>> -> memref<1x4096xf32, #tpu.memory_space<vmem>>
        %dma_start3A_335 = tpu.memref_squeeze %dma_start3A_334 : memref<1x4096xf32, #tpu.memory_space<vmem>> -> memref<4096xf32, #tpu.memory_space<vmem>>
        %dma_start3A_336 = tpu.memref_slice %arg2[%add3A_327] : memref<16777216xf32, #tpu.memory_space<hbm>> -> memref<4096xf32, #tpu.memory_space<hbm>>
        tpu.enqueue_dma source(%dma_start3A_336 : memref<4096xf32, #tpu.memory_space<hbm>>) target(%dma_start3A_335 : memref<4096xf32, #tpu.memory_space<vmem>>) target_semaphore(%arg12 : memref<!tpu.dma_semaphore, #tpu.memory_space<semaphore_mem>>)
        %dma_start3A_337 = arith.constant 2 : i32
        %dma_start3A_338 = arith.constant 0 : i32
        %dma_start3A_339 = tpu.memref_slice %arg7[%dma_start3A_337, %dma_start3A_338] : memref<4x4096xf32, #tpu.memory_space<vmem>> -> memref<1x4096xf32, #tpu.memory_space<vmem>>
        %dma_start3A_340 = tpu.memref_squeeze %dma_start3A_339 : memref<1x4096xf32, #tpu.memory_space<vmem>> -> memref<4096xf32, #tpu.memory_space<vmem>>
        %dma_start3A_341 = tpu.memref_slice %arg3[%add3A_327] : memref<16777216xf32, #tpu.memory_space<hbm>> -> memref<4096xf32, #tpu.memory_space<hbm>>
        %dma_start3A_342 = arith.constant 0 : i32
        %dma_start3A_343 = tpu.memref_slice %arg7[%dma_start3A_337, %dma_start3A_342] : memref<4x4096xf32, #tpu.memory_space<vmem>> -> memref<1x4096xf32, #tpu.memory_space<vmem>>
        %dma_start3A_344 = tpu.memref_squeeze %dma_start3A_343 : memref<1x4096xf32, #tpu.memory_space<vmem>> -> memref<4096xf32, #tpu.memory_space<vmem>>
        %dma_start3A_345 = tpu.memref_slice %arg3[%add3A_327] : memref<16777216xf32, #tpu.memory_space<hbm>> -> memref<4096xf32, #tpu.memory_space<hbm>>
        tpu.enqueue_dma source(%dma_start3A_345 : memref<4096xf32, #tpu.memory_space<hbm>>) target(%dma_start3A_344 : memref<4096xf32, #tpu.memory_space<vmem>>) target_semaphore(%arg16 : memref<!tpu.dma_semaphore, #tpu.memory_space<semaphore_mem>>)
      } else {
      }
      %mul3A_273 = arith.constant 4 : i32
      %mul3A_274 = arith.muli %scan3A_128, %mul3A_273 : i32
      %add3A_275 = arith.constant 3 : i32
      %add3A_276 = arith.addi %mul3A_274, %add3A_275 : i32
      %mul3A_277 = arith.constant 4096 : i32
      %mul3A_278 = arith.muli %add3A_276, %mul3A_277 : i32
      %add3A_279 = arith.addi %mul3A_2, %mul3A_278 : i32
      %dma_wait3A_280 = arith.constant 3 : i32
      %dma_wait3A_281 = arith.constant 0 : i32
      %dma_wait3A_282 = tpu.memref_slice %arg6[%dma_wait3A_280, %dma_wait3A_281] : memref<4x4096xf32, #tpu.memory_space<vmem>> -> memref<1x4096xf32, #tpu.memory_space<vmem>>
      %dma_wait3A_283 = tpu.memref_squeeze %dma_wait3A_282 : memref<1x4096xf32, #tpu.memory_space<vmem>> -> memref<4096xf32, #tpu.memory_space<vmem>>
      %dma_wait3A_284 = tpu.memref_slice %arg2[%add3A_279] : memref<16777216xf32, #tpu.memory_space<hbm>> -> memref<4096xf32, #tpu.memory_space<hbm>>
      %dma_wait3A_285 = arith.constant 0 : i32
      %dma_wait3A_286 = tpu.memref_slice %arg6[%dma_wait3A_280, %dma_wait3A_285] : memref<4x4096xf32, #tpu.memory_space<vmem>> -> memref<1x4096xf32, #tpu.memory_space<vmem>>
      %dma_wait3A_287 = tpu.memref_squeeze %dma_wait3A_286 : memref<1x4096xf32, #tpu.memory_space<vmem>> -> memref<4096xf32, #tpu.memory_space<vmem>>
      %dma_wait3A_288 = tpu.memref_slice %arg2[%add3A_279] : memref<16777216xf32, #tpu.memory_space<hbm>> -> memref<4096xf32, #tpu.memory_space<hbm>>
      tpu.wait_dma2 semaphore(%arg13 : memref<!tpu.dma_semaphore, #tpu.memory_space<semaphore_mem>>) src(%dma_wait3A_288 : memref<4096xf32, #tpu.memory_space<hbm>>) dst(%dma_wait3A_287 : memref<4096xf32, #tpu.memory_space<vmem>>)
      %dma_wait3A_289 = arith.constant 3 : i32
      %dma_wait3A_290 = arith.constant 0 : i32
      %dma_wait3A_291 = tpu.memref_slice %arg7[%dma_wait3A_289, %dma_wait3A_290] : memref<4x4096xf32, #tpu.memory_space<vmem>> -> memref<1x4096xf32, #tpu.memory_space<vmem>>
      %dma_wait3A_292 = tpu.memref_squeeze %dma_wait3A_291 : memref<1x4096xf32, #tpu.memory_space<vmem>> -> memref<4096xf32, #tpu.memory_space<vmem>>
      %dma_wait3A_293 = tpu.memref_slice %arg3[%add3A_279] : memref<16777216xf32, #tpu.memory_space<hbm>> -> memref<4096xf32, #tpu.memory_space<hbm>>
      %dma_wait3A_294 = arith.constant 0 : i32
      %dma_wait3A_295 = tpu.memref_slice %arg7[%dma_wait3A_289, %dma_wait3A_294] : memref<4x4096xf32, #tpu.memory_space<vmem>> -> memref<1x4096xf32, #tpu.memory_space<vmem>>
      %dma_wait3A_296 = tpu.memref_squeeze %dma_wait3A_295 : memref<1x4096xf32, #tpu.memory_space<vmem>> -> memref<4096xf32, #tpu.memory_space<vmem>>
      %dma_wait3A_297 = tpu.memref_slice %arg3[%add3A_279] : memref<16777216xf32, #tpu.memory_space<hbm>> -> memref<4096xf32, #tpu.memory_space<hbm>>
      tpu.wait_dma2 semaphore(%arg17 : memref<!tpu.dma_semaphore, #tpu.memory_space<semaphore_mem>>) src(%dma_wait3A_297 : memref<4096xf32, #tpu.memory_space<hbm>>) dst(%dma_wait3A_296 : memref<4096xf32, #tpu.memory_space<vmem>>)
      %ge3A_298 = arith.constant 4 : i32
      %ge3A_299 = arith.cmpi sge, %add3A_276, %ge3A_298 : i32
      %convert_element_type3A_300 = arith.extui %ge3A_299 : i1 to i32
      %cond3A_301 = arith.constant 0 : i32
      %cond3A_302 = arith.cmpi ne, %convert_element_type3A_300, %cond3A_301 : i32
      scf.if %cond3A_302 {
        %dma_wait3A_323 = arith.constant 3 : i32
        %dma_wait3A_324 = arith.constant 0 : i32
        %dma_wait3A_325 = tpu.memref_slice %arg8[%dma_wait3A_323, %dma_wait3A_324] : memref<4x4096xf32, #tpu.memory_space<vmem>> -> memref<1x4096xf32, #tpu.memory_space<vmem>>
        %dma_wait3A_326 = tpu.memref_squeeze %dma_wait3A_325 : memref<1x4096xf32, #tpu.memory_space<vmem>> -> memref<4096xf32, #tpu.memory_space<vmem>>
        %dma_wait3A_327 = tpu.memref_slice %arg4[%mul3A_2] : memref<16777216xf32, #tpu.memory_space<hbm>> -> memref<4096xf32, #tpu.memory_space<hbm>>
        %dma_wait3A_328 = tpu.memref_slice %arg4[%mul3A_2] : memref<16777216xf32, #tpu.memory_space<hbm>> -> memref<4096xf32, #tpu.memory_space<hbm>>
        %dma_wait3A_329 = arith.constant 0 : i32
        %dma_wait3A_330 = tpu.memref_slice %arg8[%dma_wait3A_323, %dma_wait3A_329] : memref<4x4096xf32, #tpu.memory_space<vmem>> -> memref<1x4096xf32, #tpu.memory_space<vmem>>
        %dma_wait3A_331 = tpu.memref_squeeze %dma_wait3A_330 : memref<1x4096xf32, #tpu.memory_space<vmem>> -> memref<4096xf32, #tpu.memory_space<vmem>>
        tpu.wait_dma2 semaphore(%arg21 : memref<!tpu.dma_semaphore, #tpu.memory_space<semaphore_mem>>) src(%dma_wait3A_331 : memref<4096xf32, #tpu.memory_space<vmem>>) dst(%dma_wait3A_328 : memref<4096xf32, #tpu.memory_space<hbm>>)
      } else {
      }
      %parallel_loop3A_303 = arith.constant 0 : i32
      %parallel_loop3A_304 = arith.constant 256 : i32
      %parallel_loop3A_305 = arith.constant 1 : i32
      scf.for %parallel_loop3A_323 = %parallel_loop3A_303 to %parallel_loop3A_304 step %parallel_loop3A_305  : i32 {
        %parallel_loop3A_324 = arith.constant 16 : i32
        %parallel_loop3A_325 = arith.muli %parallel_loop3A_323, %parallel_loop3A_324 : i32
        %parallel_loop3A_326 = arith.constant 3 : i32
        %parallel_loop3A_327 = arith.index_cast %parallel_loop3A_326 : i32 to index
        %parallel_loop3A_328 = arith.index_cast %parallel_loop3A_325 : i32 to index
        %parallel_loop3A_329 = tpu.vector_load %arg7[%parallel_loop3A_327, %parallel_loop3A_328] {strides = array<i32>} : memref<4x4096xf32, #tpu.memory_space<vmem>>, vector<16xf32>,
        %parallel_loop3A_330 = arith.constant 3 : i32
        %parallel_loop3A_331 = arith.index_cast %parallel_loop3A_330 : i32 to index
        %parallel_loop3A_332 = arith.index_cast %parallel_loop3A_325 : i32 to index
        %parallel_loop3A_333 = tpu.vector_load %arg6[%parallel_loop3A_331, %parallel_loop3A_332] {strides = array<i32>} : memref<4x4096xf32, #tpu.memory_space<vmem>>, vector<16xf32>,
        %parallel_loop3A_334 = arith.subf %parallel_loop3A_329, %parallel_loop3A_333 : vector<16xf32>
        %parallel_loop3A_335 = arith.constant 3 : i32
        %parallel_loop3A_336 = arith.index_cast %parallel_loop3A_335 : i32 to index
        %parallel_loop3A_337 = arith.index_cast %parallel_loop3A_325 : i32 to index
        %parallel_loop3A_338 = tpu.vector_load %arg8[%parallel_loop3A_336, %parallel_loop3A_337] {strides = array<i32>} : memref<4x4096xf32, #tpu.memory_space<vmem>>, vector<16xf32>,
        tpu.vector_store %arg8[%parallel_loop3A_336, %parallel_loop3A_337], %parallel_loop3A_334 {strides = array<i32>} : memref<4x4096xf32, #tpu.memory_space<vmem>>, vector<16xf32>,
        %parallel_loop3A_339 = math.absf %parallel_loop3A_334 : vector<16xf32>
        %parallel_loop3A_340 = vector.bitcast %parallel_loop3A_339 : vector<16xf32> to vector<16xi32>
        %parallel_loop3A_341 = arith.constant 20 : i32
        %parallel_loop3A_342 = vector.broadcast %parallel_loop3A_341 : i32 to vector<16xi32>
        %parallel_loop3A_343 = arith.shrui %parallel_loop3A_340, %parallel_loop3A_342 : vector<16xi32>
        %parallel_loop3A_344 = arith.constant 4 : i32
        %parallel_loop3A_345 = vector.broadcast %parallel_loop3A_344 : i32 to vector<16xi32>
        %parallel_loop3A_346 = arith.shli %parallel_loop3A_343, %parallel_loop3A_345 : vector<16xi32>
        %parallel_loop3A_347 = arith.addi %parallel_loop3A_346, %iota3A : vector<16xi32>
        tpu.vector_store_idx %arg9[%parallel_loop3A_347], %broadcast_in_dim3A_86 {add = true} : memref<32768xi32, #tpu.memory_space<vmem>>[vector<16xi32>], vector<16xi32>,
      } {sc.loop_unroll_factor = 8 : i64, sc.parallel_access}
      %dma_start3A_306 = arith.constant 3 : i32
      %dma_start3A_307 = arith.constant 0 : i32
      %dma_start3A_308 = tpu.memref_slice %arg8[%dma_start3A_306, %dma_start3A_307] : memref<4x4096xf32, #tpu.memory_space<vmem>> -> memref<1x4096xf32, #tpu.memory_space<vmem>>
      %dma_start3A_309 = tpu.memref_squeeze %dma_start3A_308 : memref<1x4096xf32, #tpu.memory_space<vmem>> -> memref<4096xf32, #tpu.memory_space<vmem>>
      %dma_start3A_310 = tpu.memref_slice %arg4[%add3A_279] : memref<16777216xf32, #tpu.memory_space<hbm>> -> memref<4096xf32, #tpu.memory_space<hbm>>
      %dma_start3A_311 = tpu.memref_slice %arg4[%add3A_279] : memref<16777216xf32, #tpu.memory_space<hbm>> -> memref<4096xf32, #tpu.memory_space<hbm>>
      %dma_start3A_312 = arith.constant 0 : i32
      %dma_start3A_313 = tpu.memref_slice %arg8[%dma_start3A_306, %dma_start3A_312] : memref<4x4096xf32, #tpu.memory_space<vmem>> -> memref<1x4096xf32, #tpu.memory_space<vmem>>
      %dma_start3A_314 = tpu.memref_squeeze %dma_start3A_313 : memref<1x4096xf32, #tpu.memory_space<vmem>> -> memref<4096xf32, #tpu.memory_space<vmem>>
      tpu.enqueue_dma source(%dma_start3A_314 : memref<4096xf32, #tpu.memory_space<vmem>>) target(%dma_start3A_311 : memref<4096xf32, #tpu.memory_space<hbm>>) target_semaphore(%arg21 : memref<!tpu.dma_semaphore, #tpu.memory_space<semaphore_mem>>)
      %add3A_315 = arith.constant 4 : i32
      %add3A_316 = arith.addi %add3A_276, %add3A_315 : i32
      %lt3A_317 = arith.constant 128 : i32
      %lt3A_318 = arith.cmpi slt, %add3A_316, %lt3A_317 : i32
      %convert_element_type3A_319 = arith.extui %lt3A_318 : i1 to i32
      %cond3A_320 = arith.constant 0 : i32
      %cond3A_321 = arith.cmpi ne, %convert_element_type3A_319, %cond3A_320 : i32
      scf.if %cond3A_321 {
        %add3A_323 = arith.constant 4 : i32
        %add3A_324 = arith.addi %add3A_276, %add3A_323 : i32
        %mul3A_325 = arith.constant 4096 : i32
        %mul3A_326 = arith.muli %add3A_324, %mul3A_325 : i32
        %add3A_327 = arith.addi %mul3A_2, %mul3A_326 : i32
        %dma_start3A_328 = arith.constant 3 : i32
        %dma_start3A_329 = arith.constant 0 : i32
        %dma_start3A_330 = tpu.memref_slice %arg6[%dma_start3A_328, %dma_start3A_329] : memref<4x4096xf32, #tpu.memory_space<vmem>> -> memref<1x4096xf32, #tpu.memory_space<vmem>>
        %dma_start3A_331 = tpu.memref_squeeze %dma_start3A_330 : memref<1x4096xf32, #tpu.memory_space<vmem>> -> memref<4096xf32, #tpu.memory_space<vmem>>
        %dma_start3A_332 = tpu.memref_slice %arg2[%add3A_327] : memref<16777216xf32, #tpu.memory_space<hbm>> -> memref<4096xf32, #tpu.memory_space<hbm>>
        %dma_start3A_333 = arith.constant 0 : i32
        %dma_start3A_334 = tpu.memref_slice %arg6[%dma_start3A_328, %dma_start3A_333] : memref<4x4096xf32, #tpu.memory_space<vmem>> -> memref<1x4096xf32, #tpu.memory_space<vmem>>
        %dma_start3A_335 = tpu.memref_squeeze %dma_start3A_334 : memref<1x4096xf32, #tpu.memory_space<vmem>> -> memref<4096xf32, #tpu.memory_space<vmem>>
        %dma_start3A_336 = tpu.memref_slice %arg2[%add3A_327] : memref<16777216xf32, #tpu.memory_space<hbm>> -> memref<4096xf32, #tpu.memory_space<hbm>>
        tpu.enqueue_dma source(%dma_start3A_336 : memref<4096xf32, #tpu.memory_space<hbm>>) target(%dma_start3A_335 : memref<4096xf32, #tpu.memory_space<vmem>>) target_semaphore(%arg13 : memref<!tpu.dma_semaphore, #tpu.memory_space<semaphore_mem>>)
        %dma_start3A_337 = arith.constant 3 : i32
        %dma_start3A_338 = arith.constant 0 : i32
        %dma_start3A_339 = tpu.memref_slice %arg7[%dma_start3A_337, %dma_start3A_338] : memref<4x4096xf32, #tpu.memory_space<vmem>> -> memref<1x4096xf32, #tpu.memory_space<vmem>>
        %dma_start3A_340 = tpu.memref_squeeze %dma_start3A_339 : memref<1x4096xf32, #tpu.memory_space<vmem>> -> memref<4096xf32, #tpu.memory_space<vmem>>
        %dma_start3A_341 = tpu.memref_slice %arg3[%add3A_327] : memref<16777216xf32, #tpu.memory_space<hbm>> -> memref<4096xf32, #tpu.memory_space<hbm>>
        %dma_start3A_342 = arith.constant 0 : i32
        %dma_start3A_343 = tpu.memref_slice %arg7[%dma_start3A_337, %dma_start3A_342] : memref<4x4096xf32, #tpu.memory_space<vmem>> -> memref<1x4096xf32, #tpu.memory_space<vmem>>
        %dma_start3A_344 = tpu.memref_squeeze %dma_start3A_343 : memref<1x4096xf32, #tpu.memory_space<vmem>> -> memref<4096xf32, #tpu.memory_space<vmem>>
        %dma_start3A_345 = tpu.memref_slice %arg3[%add3A_327] : memref<16777216xf32, #tpu.memory_space<hbm>> -> memref<4096xf32, #tpu.memory_space<hbm>>
        tpu.enqueue_dma source(%dma_start3A_345 : memref<4096xf32, #tpu.memory_space<hbm>>) target(%dma_start3A_344 : memref<4096xf32, #tpu.memory_space<vmem>>) target_semaphore(%arg17 : memref<!tpu.dma_semaphore, #tpu.memory_space<semaphore_mem>>)
      } else {
      }
      %scan3A_322 = arith.constant 0 : i32
      scf.yield %scan3A_322 : i32
    }
    %scan3A_92 = arith.constant 32 : i32
    %dma_wait3A = arith.constant 0 : i32
    %dma_wait3A_93 = arith.constant 0 : i32
    %dma_wait3A_94 = tpu.memref_slice %arg8[%dma_wait3A, %dma_wait3A_93] : memref<4x4096xf32, #tpu.memory_space<vmem>> -> memref<1x4096xf32, #tpu.memory_space<vmem>>
    %dma_wait3A_95 = tpu.memref_squeeze %dma_wait3A_94 : memref<1x4096xf32, #tpu.memory_space<vmem>> -> memref<4096xf32, #tpu.memory_space<vmem>>
    %dma_wait3A_96 = tpu.memref_slice %arg4[%mul3A_2] : memref<16777216xf32, #tpu.memory_space<hbm>> -> memref<4096xf32, #tpu.memory_space<hbm>>
    %dma_wait3A_97 = tpu.memref_slice %arg4[%mul3A_2] : memref<16777216xf32, #tpu.memory_space<hbm>> -> memref<4096xf32, #tpu.memory_space<hbm>>
    %dma_wait3A_98 = arith.constant 0 : i32
    %dma_wait3A_99 = tpu.memref_slice %arg8[%dma_wait3A, %dma_wait3A_98] : memref<4x4096xf32, #tpu.memory_space<vmem>> -> memref<1x4096xf32, #tpu.memory_space<vmem>>
    %dma_wait3A_100 = tpu.memref_squeeze %dma_wait3A_99 : memref<1x4096xf32, #tpu.memory_space<vmem>> -> memref<4096xf32, #tpu.memory_space<vmem>>
    tpu.wait_dma2 semaphore(%arg18 : memref<!tpu.dma_semaphore, #tpu.memory_space<semaphore_mem>>) src(%dma_wait3A_100 : memref<4096xf32, #tpu.memory_space<vmem>>) dst(%dma_wait3A_97 : memref<4096xf32, #tpu.memory_space<hbm>>)
    %dma_wait3A_101 = arith.constant 1 : i32
    %dma_wait3A_102 = arith.constant 0 : i32
    %dma_wait3A_103 = tpu.memref_slice %arg8[%dma_wait3A_101, %dma_wait3A_102] : memref<4x4096xf32, #tpu.memory_space<vmem>> -> memref<1x4096xf32, #tpu.memory_space<vmem>>
    %dma_wait3A_104 = tpu.memref_squeeze %dma_wait3A_103 : memref<1x4096xf32, #tpu.memory_space<vmem>> -> memref<4096xf32, #tpu.memory_space<vmem>>
    %dma_wait3A_105 = tpu.memref_slice %arg4[%mul3A_2] : memref<16777216xf32, #tpu.memory_space<hbm>> -> memref<4096xf32, #tpu.memory_space<hbm>>
    %dma_wait3A_106 = tpu.memref_slice %arg4[%mul3A_2] : memref<16777216xf32, #tpu.memory_space<hbm>> -> memref<4096xf32, #tpu.memory_space<hbm>>
    %dma_wait3A_107 = arith.constant 0 : i32
    %dma_wait3A_108 = tpu.memref_slice %arg8[%dma_wait3A_101, %dma_wait3A_107] : memref<4x4096xf32, #tpu.memory_space<vmem>> -> memref<1x4096xf32, #tpu.memory_space<vmem>>
    %dma_wait3A_109 = tpu.memref_squeeze %dma_wait3A_108 : memref<1x4096xf32, #tpu.memory_space<vmem>> -> memref<4096xf32, #tpu.memory_space<vmem>>
    tpu.wait_dma2 semaphore(%arg19 : memref<!tpu.dma_semaphore, #tpu.memory_space<semaphore_mem>>) src(%dma_wait3A_109 : memref<4096xf32, #tpu.memory_space<vmem>>) dst(%dma_wait3A_106 : memref<4096xf32, #tpu.memory_space<hbm>>)
    %dma_wait3A_110 = arith.constant 2 : i32
    %dma_wait3A_111 = arith.constant 0 : i32
    %dma_wait3A_112 = tpu.memref_slice %arg8[%dma_wait3A_110, %dma_wait3A_111] : memref<4x4096xf32, #tpu.memory_space<vmem>> -> memref<1x4096xf32, #tpu.memory_space<vmem>>
    %dma_wait3A_113 = tpu.memref_squeeze %dma_wait3A_112 : memref<1x4096xf32, #tpu.memory_space<vmem>> -> memref<4096xf32, #tpu.memory_space<vmem>>
    %dma_wait3A_114 = tpu.memref_slice %arg4[%mul3A_2] : memref<16777216xf32, #tpu.memory_space<hbm>> -> memref<4096xf32, #tpu.memory_space<hbm>>
    %dma_wait3A_115 = tpu.memref_slice %arg4[%mul3A_2] : memref<16777216xf32, #tpu.memory_space<hbm>> -> memref<4096xf32, #tpu.memory_space<hbm>>
    %dma_wait3A_116 = arith.constant 0 : i32
    %dma_wait3A_117 = tpu.memref_slice %arg8[%dma_wait3A_110, %dma_wait3A_116] : memref<4x4096xf32, #tpu.memory_space<vmem>> -> memref<1x4096xf32, #tpu.memory_space<vmem>>
    %dma_wait3A_118 = tpu.memref_squeeze %dma_wait3A_117 : memref<1x4096xf32, #tpu.memory_space<vmem>> -> memref<4096xf32, #tpu.memory_space<vmem>>
    tpu.wait_dma2 semaphore(%arg20 : memref<!tpu.dma_semaphore, #tpu.memory_space<semaphore_mem>>) src(%dma_wait3A_118 : memref<4096xf32, #tpu.memory_space<vmem>>) dst(%dma_wait3A_115 : memref<4096xf32, #tpu.memory_space<hbm>>)
    %dma_wait3A_119 = arith.constant 3 : i32
    %dma_wait3A_120 = arith.constant 0 : i32
    %dma_wait3A_121 = tpu.memref_slice %arg8[%dma_wait3A_119, %dma_wait3A_120] : memref<4x4096xf32, #tpu.memory_space<vmem>> -> memref<1x4096xf32, #tpu.memory_space<vmem>>
    %dma_wait3A_122 = tpu.memref_squeeze %dma_wait3A_121 : memref<1x4096xf32, #tpu.memory_space<vmem>> -> memref<4096xf32, #tpu.memory_space<vmem>>
    %dma_wait3A_123 = tpu.memref_slice %arg4[%mul3A_2] : memref<16777216xf32, #tpu.memory_space<hbm>> -> memref<4096xf32, #tpu.memory_space<hbm>>
    %dma_wait3A_124 = tpu.memref_slice %arg4[%mul3A_2] : memref<16777216xf32, #tpu.memory_space<hbm>> -> memref<4096xf32, #tpu.memory_space<hbm>>
    %dma_wait3A_125 = arith.constant 0 : i32
    %dma_wait3A_126 = tpu.memref_slice %arg8[%dma_wait3A_119, %dma_wait3A_125] : memref<4x4096xf32, #tpu.memory_space<vmem>> -> memref<1x4096xf32, #tpu.memory_space<vmem>>
    %dma_wait3A_127 = tpu.memref_squeeze %dma_wait3A_126 : memref<1x4096xf32, #tpu.memory_space<vmem>> -> memref<4096xf32, #tpu.memory_space<vmem>>
    tpu.wait_dma2 semaphore(%arg21 : memref<!tpu.dma_semaphore, #tpu.memory_space<semaphore_mem>>) src(%dma_wait3A_127 : memref<4096xf32, #tpu.memory_space<vmem>>) dst(%dma_wait3A_124 : memref<4096xf32, #tpu.memory_space<hbm>>)
    "tpu.region"() ({
      %run_scoped3A = tpu.sem_alloc : memref<!tpu.dma_semaphore, #tpu.memory_space<semaphore_mem>>
      %dma_start3A_128 = arith.constant 0 : i32
      %dma_start3A_129 = tpu.memref_slice %arg5[%add3A, %dma_start3A_128] : memref<32x32768xi32, #tpu.memory_space<hbm>> -> memref<1x32768xi32, #tpu.memory_space<hbm>>
      %dma_start3A_130 = tpu.memref_squeeze %dma_start3A_129 : memref<1x32768xi32, #tpu.memory_space<hbm>> -> memref<32768xi32, #tpu.memory_space<hbm>>
      %dma_start3A_131 = arith.constant 0 : i32
      %dma_start3A_132 = tpu.memref_slice %arg5[%add3A, %dma_start3A_131] : memref<32x32768xi32, #tpu.memory_space<hbm>> -> memref<1x32768xi32, #tpu.memory_space<hbm>>
      %dma_start3A_133 = tpu.memref_squeeze %dma_start3A_132 : memref<1x32768xi32, #tpu.memory_space<hbm>> -> memref<32768xi32, #tpu.memory_space<hbm>>
      tpu.enqueue_dma source(%arg9 : memref<32768xi32, #tpu.memory_space<vmem>>) target(%dma_start3A_133 : memref<32768xi32, #tpu.memory_space<hbm>>) target_semaphore(%run_scoped3A : memref<!tpu.dma_semaphore, #tpu.memory_space<semaphore_mem>>)
      %dma_wait3A_134 = arith.constant 0 : i32
      %dma_wait3A_135 = tpu.memref_slice %arg5[%add3A, %dma_wait3A_134] : memref<32x32768xi32, #tpu.memory_space<hbm>> -> memref<1x32768xi32, #tpu.memory_space<hbm>>
      %dma_wait3A_136 = tpu.memref_squeeze %dma_wait3A_135 : memref<1x32768xi32, #tpu.memory_space<hbm>> -> memref<32768xi32, #tpu.memory_space<hbm>>
      %dma_wait3A_137 = arith.constant 0 : i32
      %dma_wait3A_138 = tpu.memref_slice %arg5[%add3A, %dma_wait3A_137] : memref<32x32768xi32, #tpu.memory_space<hbm>> -> memref<1x32768xi32, #tpu.memory_space<hbm>>
      %dma_wait3A_139 = tpu.memref_squeeze %dma_wait3A_138 : memref<1x32768xi32, #tpu.memory_space<hbm>> -> memref<32768xi32, #tpu.memory_space<hbm>>
      tpu.wait_dma2 semaphore(%run_scoped3A : memref<!tpu.dma_semaphore, #tpu.memory_space<semaphore_mem>>) src(%arg9 : memref<32768xi32, #tpu.memory_space<vmem>>) dst(%dma_wait3A_139 : memref<32768xi32, #tpu.memory_space<hbm>>)
      tpu.yield
    }) : () -> ()
    return
  }
}

#map = affine_map<(d0, d1) -> (0)>
module attributes {stable_mosaic.version = 14 : i64} {
  func.func @_p4(%arg0: i32, %arg1: i32, %arg2: memref<16777216xf32, #tpu.memory_space<hbm>>, %arg3: memref<16xi32, #tpu.memory_space<hbm>>, %arg4: memref<16777216xf32, #tpu.memory_space<hbm>>, %arg5: memref<16777216xf32, #tpu.memory_space<hbm>>, %arg6: memref<4x8192xf32, #tpu.memory_space<vmem>>, %arg7: memref<4x8192xf32, #tpu.memory_space<vmem>>, %arg8: memref<4x8192xf32, #tpu.memory_space<vmem>>, %arg9: memref<16xi32, #tpu.memory_space<vmem>>, %arg10: memref<!tpu.dma_semaphore, #tpu.memory_space<semaphore_mem>>, %arg11: memref<!tpu.dma_semaphore, #tpu.memory_space<semaphore_mem>>, %arg12: memref<!tpu.dma_semaphore, #tpu.memory_space<semaphore_mem>>, %arg13: memref<!tpu.dma_semaphore, #tpu.memory_space<semaphore_mem>>, %arg14: memref<!tpu.dma_semaphore, #tpu.memory_space<semaphore_mem>>, %arg15: memref<!tpu.dma_semaphore, #tpu.memory_space<semaphore_mem>>, %arg16: memref<!tpu.dma_semaphore, #tpu.memory_space<semaphore_mem>>, %arg17: memref<!tpu.dma_semaphore, #tpu.memory_space<semaphore_mem>>, %arg18: memref<!tpu.dma_semaphore, #tpu.memory_space<semaphore_mem>>, %arg19: memref<!tpu.dma_semaphore, #tpu.memory_space<semaphore_mem>>, %arg20: memref<!tpu.dma_semaphore, #tpu.memory_space<semaphore_mem>>, %arg21: memref<!tpu.dma_semaphore, #tpu.memory_space<semaphore_mem>>) attributes {dimension_semantics = [#tpu.dimension_semantics<core_parallel>, #tpu.dimension_semantics<subcore_parallel>], iteration_bounds = array<i64: 2, 16>, scalar_prefetch = 0 : i64, scratch_operands = 16 : i64, tpu.core_type = #tpu.core_type<sc_vector_subcore>, window_params = [{transform_indices = #map}, {transform_indices = #map}, {transform_indices = #map}, {transform_indices = #map}]} {
    %mul3A = arith.constant 2 : i32
    %mul3A_0 = arith.muli %arg1, %mul3A : i32
    %add3A = arith.addi %mul3A_0, %arg0 : i32
    %mul3A_1 = arith.constant 524288 : i32
    %mul3A_2 = arith.muli %add3A, %mul3A_1 : i32
    %add3A_3 = arith.constant 0 : i32
    %add3A_4 = arith.addi %mul3A_2, %add3A_3 : i32
    %dma_start3A = arith.constant 0 : i32
    %dma_start3A_5 = arith.constant 0 : i32
    %dma_start3A_6 = tpu.memref_slice %arg6[%dma_start3A, %dma_start3A_5] : memref<4x8192xf32, #tpu.memory_space<vmem>> -> memref<1x8192xf32, #tpu.memory_space<vmem>>
    %dma_start3A_7 = tpu.memref_squeeze %dma_start3A_6 : memref<1x8192xf32, #tpu.memory_space<vmem>> -> memref<8192xf32, #tpu.memory_space<vmem>>
    %dma_start3A_8 = tpu.memref_slice %arg2[%add3A_4] : memref<16777216xf32, #tpu.memory_space<hbm>> -> memref<8192xf32, #tpu.memory_space<hbm>>
    %dma_start3A_9 = arith.constant 0 : i32
    %dma_start3A_10 = tpu.memref_slice %arg6[%dma_start3A, %dma_start3A_9] : memref<4x8192xf32, #tpu.memory_space<vmem>> -> memref<1x8192xf32, #tpu.memory_space<vmem>>
    %dma_start3A_11 = tpu.memref_squeeze %dma_start3A_10 : memref<1x8192xf32, #tpu.memory_space<vmem>> -> memref<8192xf32, #tpu.memory_space<vmem>>
    %dma_start3A_12 = tpu.memref_slice %arg2[%add3A_4] : memref<16777216xf32, #tpu.memory_space<hbm>> -> memref<8192xf32, #tpu.memory_space<hbm>>
    tpu.enqueue_dma source(%dma_start3A_12 : memref<8192xf32, #tpu.memory_space<hbm>>) target(%dma_start3A_11 : memref<8192xf32, #tpu.memory_space<vmem>>) target_semaphore(%arg10 : memref<!tpu.dma_semaphore, #tpu.memory_space<semaphore_mem>>)
    %add3A_13 = arith.constant 8192 : i32
    %add3A_14 = arith.addi %mul3A_2, %add3A_13 : i32
    %dma_start3A_15 = arith.constant 1 : i32
    %dma_start3A_16 = arith.constant 0 : i32
    %dma_start3A_17 = tpu.memref_slice %arg6[%dma_start3A_15, %dma_start3A_16] : memref<4x8192xf32, #tpu.memory_space<vmem>> -> memref<1x8192xf32, #tpu.memory_space<vmem>>
    %dma_start3A_18 = tpu.memref_squeeze %dma_start3A_17 : memref<1x8192xf32, #tpu.memory_space<vmem>> -> memref<8192xf32, #tpu.memory_space<vmem>>
    %dma_start3A_19 = tpu.memref_slice %arg2[%add3A_14] : memref<16777216xf32, #tpu.memory_space<hbm>> -> memref<8192xf32, #tpu.memory_space<hbm>>
    %dma_start3A_20 = arith.constant 0 : i32
    %dma_start3A_21 = tpu.memref_slice %arg6[%dma_start3A_15, %dma_start3A_20] : memref<4x8192xf32, #tpu.memory_space<vmem>> -> memref<1x8192xf32, #tpu.memory_space<vmem>>
    %dma_start3A_22 = tpu.memref_squeeze %dma_start3A_21 : memref<1x8192xf32, #tpu.memory_space<vmem>> -> memref<8192xf32, #tpu.memory_space<vmem>>
    %dma_start3A_23 = tpu.memref_slice %arg2[%add3A_14] : memref<16777216xf32, #tpu.memory_space<hbm>> -> memref<8192xf32, #tpu.memory_space<hbm>>
    tpu.enqueue_dma source(%dma_start3A_23 : memref<8192xf32, #tpu.memory_space<hbm>>) target(%dma_start3A_22 : memref<8192xf32, #tpu.memory_space<vmem>>) target_semaphore(%arg11 : memref<!tpu.dma_semaphore, #tpu.memory_space<semaphore_mem>>)
    %add3A_24 = arith.constant 16384 : i32
    %add3A_25 = arith.addi %mul3A_2, %add3A_24 : i32
    %dma_start3A_26 = arith.constant 2 : i32
    %dma_start3A_27 = arith.constant 0 : i32
    %dma_start3A_28 = tpu.memref_slice %arg6[%dma_start3A_26, %dma_start3A_27] : memref<4x8192xf32, #tpu.memory_space<vmem>> -> memref<1x8192xf32, #tpu.memory_space<vmem>>
    %dma_start3A_29 = tpu.memref_squeeze %dma_start3A_28 : memref<1x8192xf32, #tpu.memory_space<vmem>> -> memref<8192xf32, #tpu.memory_space<vmem>>
    %dma_start3A_30 = tpu.memref_slice %arg2[%add3A_25] : memref<16777216xf32, #tpu.memory_space<hbm>> -> memref<8192xf32, #tpu.memory_space<hbm>>
    %dma_start3A_31 = arith.constant 0 : i32
    %dma_start3A_32 = tpu.memref_slice %arg6[%dma_start3A_26, %dma_start3A_31] : memref<4x8192xf32, #tpu.memory_space<vmem>> -> memref<1x8192xf32, #tpu.memory_space<vmem>>
    %dma_start3A_33 = tpu.memref_squeeze %dma_start3A_32 : memref<1x8192xf32, #tpu.memory_space<vmem>> -> memref<8192xf32, #tpu.memory_space<vmem>>
    %dma_start3A_34 = tpu.memref_slice %arg2[%add3A_25] : memref<16777216xf32, #tpu.memory_space<hbm>> -> memref<8192xf32, #tpu.memory_space<hbm>>
    tpu.enqueue_dma source(%dma_start3A_34 : memref<8192xf32, #tpu.memory_space<hbm>>) target(%dma_start3A_33 : memref<8192xf32, #tpu.memory_space<vmem>>) target_semaphore(%arg12 : memref<!tpu.dma_semaphore, #tpu.memory_space<semaphore_mem>>)
    %add3A_35 = arith.constant 24576 : i32
    %add3A_36 = arith.addi %mul3A_2, %add3A_35 : i32
    %dma_start3A_37 = arith.constant 3 : i32
    %dma_start3A_38 = arith.constant 0 : i32
    %dma_start3A_39 = tpu.memref_slice %arg6[%dma_start3A_37, %dma_start3A_38] : memref<4x8192xf32, #tpu.memory_space<vmem>> -> memref<1x8192xf32, #tpu.memory_space<vmem>>
    %dma_start3A_40 = tpu.memref_squeeze %dma_start3A_39 : memref<1x8192xf32, #tpu.memory_space<vmem>> -> memref<8192xf32, #tpu.memory_space<vmem>>
    %dma_start3A_41 = tpu.memref_slice %arg2[%add3A_36] : memref<16777216xf32, #tpu.memory_space<hbm>> -> memref<8192xf32, #tpu.memory_space<hbm>>
    %dma_start3A_42 = arith.constant 0 : i32
    %dma_start3A_43 = tpu.memref_slice %arg6[%dma_start3A_37, %dma_start3A_42] : memref<4x8192xf32, #tpu.memory_space<vmem>> -> memref<1x8192xf32, #tpu.memory_space<vmem>>
    %dma_start3A_44 = tpu.memref_squeeze %dma_start3A_43 : memref<1x8192xf32, #tpu.memory_space<vmem>> -> memref<8192xf32, #tpu.memory_space<vmem>>
    %dma_start3A_45 = tpu.memref_slice %arg2[%add3A_36] : memref<16777216xf32, #tpu.memory_space<hbm>> -> memref<8192xf32, #tpu.memory_space<hbm>>
    tpu.enqueue_dma source(%dma_start3A_45 : memref<8192xf32, #tpu.memory_space<hbm>>) target(%dma_start3A_44 : memref<8192xf32, #tpu.memory_space<vmem>>) target_semaphore(%arg13 : memref<!tpu.dma_semaphore, #tpu.memory_space<semaphore_mem>>)
    "tpu.region"() ({
      %run_scoped3A = tpu.sem_alloc : memref<!tpu.dma_semaphore, #tpu.memory_space<semaphore_mem>>
      tpu.enqueue_dma source(%arg3 : memref<16xi32, #tpu.memory_space<hbm>>) target(%arg9 : memref<16xi32, #tpu.memory_space<vmem>>) target_semaphore(%run_scoped3A : memref<!tpu.dma_semaphore, #tpu.memory_space<semaphore_mem>>)
      tpu.wait_dma2 semaphore(%run_scoped3A : memref<!tpu.dma_semaphore, #tpu.memory_space<semaphore_mem>>) src(%arg3 : memref<16xi32, #tpu.memory_space<hbm>>) dst(%arg9 : memref<16xi32, #tpu.memory_space<vmem>>)
      tpu.yield
    }) : () -> ()
    %get3A = arith.constant 0 : index
    %get3A_46 = tpu.vector_load %arg9[%get3A] {strides = array<i32>} : memref<16xi32, #tpu.memory_space<vmem>>, vector<16xi32>,
    %bitcast3A = vector.bitcast %get3A_46 : vector<16xi32> to vector<16xf32>
    %broadcast_in_dim3A = arith.constant 5.000000e+00 : f32
    %broadcast_in_dim3A_47 = vector.broadcast %broadcast_in_dim3A : f32 to vector<16xf32>
    %broadcast_in_dim3A_48 = arith.constant -5.000000e+00 : f32
    %broadcast_in_dim3A_49 = vector.broadcast %broadcast_in_dim3A_48 : f32 to vector<16xf32>
    %broadcast_in_dim3A_50 = arith.constant 0.993307173 : f32
    %broadcast_in_dim3A_51 = vector.broadcast %broadcast_in_dim3A_50 : f32 to vector<16xf32>
    %broadcast_in_dim3A_52 = arith.constant 0.00669285096 : f32
    %broadcast_in_dim3A_53 = vector.broadcast %broadcast_in_dim3A_52 : f32 to vector<16xf32>
    %scan3A = arith.constant 0 : i32
    %scan3A_54 = arith.constant 0 : i32
    %scan3A_55 = arith.constant 16 : i32
    %scan3A_56 = arith.addi %scan3A_54, %scan3A_55 : i32
    %scan3A_57 = arith.constant 1 : i32
    %scan3A_58 = scf.for %scan3A_131 = %scan3A_54 to %scan3A_56 step %scan3A_57 iter_args(%scan3A_132 = %scan3A) -> (i32)  : i32 {
      %mul3A_133 = arith.constant 4 : i32
      %mul3A_134 = arith.muli %scan3A_131, %mul3A_133 : i32
      %add3A_135 = arith.constant 0 : i32
      %add3A_136 = arith.addi %mul3A_134, %add3A_135 : i32
      %mul3A_137 = arith.constant 8192 : i32
      %mul3A_138 = arith.muli %add3A_136, %mul3A_137 : i32
      %add3A_139 = arith.addi %mul3A_2, %mul3A_138 : i32
      %dma_wait3A_140 = arith.constant 0 : i32
      %dma_wait3A_141 = arith.constant 0 : i32
      %dma_wait3A_142 = tpu.memref_slice %arg6[%dma_wait3A_140, %dma_wait3A_141] : memref<4x8192xf32, #tpu.memory_space<vmem>> -> memref<1x8192xf32, #tpu.memory_space<vmem>>
      %dma_wait3A_143 = tpu.memref_squeeze %dma_wait3A_142 : memref<1x8192xf32, #tpu.memory_space<vmem>> -> memref<8192xf32, #tpu.memory_space<vmem>>
      %dma_wait3A_144 = tpu.memref_slice %arg2[%add3A_139] : memref<16777216xf32, #tpu.memory_space<hbm>> -> memref<8192xf32, #tpu.memory_space<hbm>>
      %dma_wait3A_145 = arith.constant 0 : i32
      %dma_wait3A_146 = tpu.memref_slice %arg6[%dma_wait3A_140, %dma_wait3A_145] : memref<4x8192xf32, #tpu.memory_space<vmem>> -> memref<1x8192xf32, #tpu.memory_space<vmem>>
      %dma_wait3A_147 = tpu.memref_squeeze %dma_wait3A_146 : memref<1x8192xf32, #tpu.memory_space<vmem>> -> memref<8192xf32, #tpu.memory_space<vmem>>
      %dma_wait3A_148 = tpu.memref_slice %arg2[%add3A_139] : memref<16777216xf32, #tpu.memory_space<hbm>> -> memref<8192xf32, #tpu.memory_space<hbm>>
      tpu.wait_dma2 semaphore(%arg10 : memref<!tpu.dma_semaphore, #tpu.memory_space<semaphore_mem>>) src(%dma_wait3A_148 : memref<8192xf32, #tpu.memory_space<hbm>>) dst(%dma_wait3A_147 : memref<8192xf32, #tpu.memory_space<vmem>>)
      %ge3A = arith.constant 4 : i32
      %ge3A_149 = arith.cmpi sge, %add3A_136, %ge3A : i32
      %convert_element_type3A = arith.extui %ge3A_149 : i1 to i32
      %cond3A = arith.constant 0 : i32
      %cond3A_150 = arith.cmpi ne, %convert_element_type3A, %cond3A : i32
      scf.if %cond3A_150 {
        %dma_wait3A_325 = arith.constant 0 : i32
        %dma_wait3A_326 = arith.constant 0 : i32
        %dma_wait3A_327 = tpu.memref_slice %arg7[%dma_wait3A_325, %dma_wait3A_326] : memref<4x8192xf32, #tpu.memory_space<vmem>> -> memref<1x8192xf32, #tpu.memory_space<vmem>>
        %dma_wait3A_328 = tpu.memref_squeeze %dma_wait3A_327 : memref<1x8192xf32, #tpu.memory_space<vmem>> -> memref<8192xf32, #tpu.memory_space<vmem>>
        %dma_wait3A_329 = tpu.memref_slice %arg4[%mul3A_2] : memref<16777216xf32, #tpu.memory_space<hbm>> -> memref<8192xf32, #tpu.memory_space<hbm>>
        %dma_wait3A_330 = tpu.memref_slice %arg4[%mul3A_2] : memref<16777216xf32, #tpu.memory_space<hbm>> -> memref<8192xf32, #tpu.memory_space<hbm>>
        %dma_wait3A_331 = arith.constant 0 : i32
        %dma_wait3A_332 = tpu.memref_slice %arg7[%dma_wait3A_325, %dma_wait3A_331] : memref<4x8192xf32, #tpu.memory_space<vmem>> -> memref<1x8192xf32, #tpu.memory_space<vmem>>
        %dma_wait3A_333 = tpu.memref_squeeze %dma_wait3A_332 : memref<1x8192xf32, #tpu.memory_space<vmem>> -> memref<8192xf32, #tpu.memory_space<vmem>>
        tpu.wait_dma2 semaphore(%arg14 : memref<!tpu.dma_semaphore, #tpu.memory_space<semaphore_mem>>) src(%dma_wait3A_333 : memref<8192xf32, #tpu.memory_space<vmem>>) dst(%dma_wait3A_330 : memref<8192xf32, #tpu.memory_space<hbm>>)
        %dma_wait3A_334 = arith.constant 0 : i32
        %dma_wait3A_335 = arith.constant 0 : i32
        %dma_wait3A_336 = tpu.memref_slice %arg8[%dma_wait3A_334, %dma_wait3A_335] : memref<4x8192xf32, #tpu.memory_space<vmem>> -> memref<1x8192xf32, #tpu.memory_space<vmem>>
        %dma_wait3A_337 = tpu.memref_squeeze %dma_wait3A_336 : memref<1x8192xf32, #tpu.memory_space<vmem>> -> memref<8192xf32, #tpu.memory_space<vmem>>
        %dma_wait3A_338 = tpu.memref_slice %arg5[%mul3A_2] : memref<16777216xf32, #tpu.memory_space<hbm>> -> memref<8192xf32, #tpu.memory_space<hbm>>
        %dma_wait3A_339 = tpu.memref_slice %arg5[%mul3A_2] : memref<16777216xf32, #tpu.memory_space<hbm>> -> memref<8192xf32, #tpu.memory_space<hbm>>
        %dma_wait3A_340 = arith.constant 0 : i32
        %dma_wait3A_341 = tpu.memref_slice %arg8[%dma_wait3A_334, %dma_wait3A_340] : memref<4x8192xf32, #tpu.memory_space<vmem>> -> memref<1x8192xf32, #tpu.memory_space<vmem>>
        %dma_wait3A_342 = tpu.memref_squeeze %dma_wait3A_341 : memref<1x8192xf32, #tpu.memory_space<vmem>> -> memref<8192xf32, #tpu.memory_space<vmem>>
        tpu.wait_dma2 semaphore(%arg18 : memref<!tpu.dma_semaphore, #tpu.memory_space<semaphore_mem>>) src(%dma_wait3A_342 : memref<8192xf32, #tpu.memory_space<vmem>>) dst(%dma_wait3A_339 : memref<8192xf32, #tpu.memory_space<hbm>>)
      } else {
      }
      %parallel_loop3A = arith.constant 0 : i32
      %parallel_loop3A_151 = arith.constant 512 : i32
      %parallel_loop3A_152 = arith.constant 1 : i32
      scf.for %parallel_loop3A_325 = %parallel_loop3A to %parallel_loop3A_151 step %parallel_loop3A_152  : i32 {
        %parallel_loop3A_326 = arith.constant 16 : i32
        %parallel_loop3A_327 = arith.muli %parallel_loop3A_325, %parallel_loop3A_326 : i32
        %parallel_loop3A_328 = arith.constant 0 : i32
        %parallel_loop3A_329 = arith.index_cast %parallel_loop3A_328 : i32 to index
        %parallel_loop3A_330 = arith.index_cast %parallel_loop3A_327 : i32 to index
        %parallel_loop3A_331 = tpu.vector_load %arg6[%parallel_loop3A_329, %parallel_loop3A_330] {strides = array<i32>} : memref<4x8192xf32, #tpu.memory_space<vmem>>, vector<16xf32>,
        %parallel_loop3A_332 = math.absf %parallel_loop3A_331 : vector<16xf32>
        %parallel_loop3A_333 = arith.cmpf ogt, %parallel_loop3A_332, %bitcast3A : vector<16xf32>
        %parallel_loop3A_334 = arith.select %parallel_loop3A_333, %broadcast_in_dim3A_47, %broadcast_in_dim3A_49 : vector<16xi1>, vector<16xf32>
        %parallel_loop3A_335 = arith.constant 0 : i32
        %parallel_loop3A_336 = arith.index_cast %parallel_loop3A_335 : i32 to index
        %parallel_loop3A_337 = arith.index_cast %parallel_loop3A_327 : i32 to index
        %parallel_loop3A_338 = tpu.vector_load %arg7[%parallel_loop3A_336, %parallel_loop3A_337] {strides = array<i32>} : memref<4x8192xf32, #tpu.memory_space<vmem>>, vector<16xf32>,
        tpu.vector_store %arg7[%parallel_loop3A_336, %parallel_loop3A_337], %parallel_loop3A_334 {strides = array<i32>} : memref<4x8192xf32, #tpu.memory_space<vmem>>, vector<16xf32>,
        %parallel_loop3A_339 = arith.select %parallel_loop3A_333, %broadcast_in_dim3A_51, %broadcast_in_dim3A_53 : vector<16xi1>, vector<16xf32>
        %parallel_loop3A_340 = arith.mulf %parallel_loop3A_331, %parallel_loop3A_339 : vector<16xf32>
        %parallel_loop3A_341 = arith.constant 0 : i32
        %parallel_loop3A_342 = arith.index_cast %parallel_loop3A_341 : i32 to index
        %parallel_loop3A_343 = arith.index_cast %parallel_loop3A_327 : i32 to index
        %parallel_loop3A_344 = tpu.vector_load %arg8[%parallel_loop3A_342, %parallel_loop3A_343] {strides = array<i32>} : memref<4x8192xf32, #tpu.memory_space<vmem>>, vector<16xf32>,
        tpu.vector_store %arg8[%parallel_loop3A_342, %parallel_loop3A_343], %parallel_loop3A_340 {strides = array<i32>} : memref<4x8192xf32, #tpu.memory_space<vmem>>, vector<16xf32>,
      } {sc.loop_unroll_factor = 8 : i64, sc.parallel_access}
      %dma_start3A_153 = arith.constant 0 : i32
      %dma_start3A_154 = arith.constant 0 : i32
      %dma_start3A_155 = tpu.memref_slice %arg7[%dma_start3A_153, %dma_start3A_154] : memref<4x8192xf32, #tpu.memory_space<vmem>> -> memref<1x8192xf32, #tpu.memory_space<vmem>>
      %dma_start3A_156 = tpu.memref_squeeze %dma_start3A_155 : memref<1x8192xf32, #tpu.memory_space<vmem>> -> memref<8192xf32, #tpu.memory_space<vmem>>
      %dma_start3A_157 = tpu.memref_slice %arg4[%add3A_139] : memref<16777216xf32, #tpu.memory_space<hbm>> -> memref<8192xf32, #tpu.memory_space<hbm>>
      %dma_start3A_158 = tpu.memref_slice %arg4[%add3A_139] : memref<16777216xf32, #tpu.memory_space<hbm>> -> memref<8192xf32, #tpu.memory_space<hbm>>
      %dma_start3A_159 = arith.constant 0 : i32
      %dma_start3A_160 = tpu.memref_slice %arg7[%dma_start3A_153, %dma_start3A_159] : memref<4x8192xf32, #tpu.memory_space<vmem>> -> memref<1x8192xf32, #tpu.memory_space<vmem>>
      %dma_start3A_161 = tpu.memref_squeeze %dma_start3A_160 : memref<1x8192xf32, #tpu.memory_space<vmem>> -> memref<8192xf32, #tpu.memory_space<vmem>>
      tpu.enqueue_dma source(%dma_start3A_161 : memref<8192xf32, #tpu.memory_space<vmem>>) target(%dma_start3A_158 : memref<8192xf32, #tpu.memory_space<hbm>>) target_semaphore(%arg14 : memref<!tpu.dma_semaphore, #tpu.memory_space<semaphore_mem>>)
      %dma_start3A_162 = arith.constant 0 : i32
      %dma_start3A_163 = arith.constant 0 : i32
      %dma_start3A_164 = tpu.memref_slice %arg8[%dma_start3A_162, %dma_start3A_163] : memref<4x8192xf32, #tpu.memory_space<vmem>> -> memref<1x8192xf32, #tpu.memory_space<vmem>>
      %dma_start3A_165 = tpu.memref_squeeze %dma_start3A_164 : memref<1x8192xf32, #tpu.memory_space<vmem>> -> memref<8192xf32, #tpu.memory_space<vmem>>
      %dma_start3A_166 = tpu.memref_slice %arg5[%add3A_139] : memref<16777216xf32, #tpu.memory_space<hbm>> -> memref<8192xf32, #tpu.memory_space<hbm>>
      %dma_start3A_167 = tpu.memref_slice %arg5[%add3A_139] : memref<16777216xf32, #tpu.memory_space<hbm>> -> memref<8192xf32, #tpu.memory_space<hbm>>
      %dma_start3A_168 = arith.constant 0 : i32
      %dma_start3A_169 = tpu.memref_slice %arg8[%dma_start3A_162, %dma_start3A_168] : memref<4x8192xf32, #tpu.memory_space<vmem>> -> memref<1x8192xf32, #tpu.memory_space<vmem>>
      %dma_start3A_170 = tpu.memref_squeeze %dma_start3A_169 : memref<1x8192xf32, #tpu.memory_space<vmem>> -> memref<8192xf32, #tpu.memory_space<vmem>>
      tpu.enqueue_dma source(%dma_start3A_170 : memref<8192xf32, #tpu.memory_space<vmem>>) target(%dma_start3A_167 : memref<8192xf32, #tpu.memory_space<hbm>>) target_semaphore(%arg18 : memref<!tpu.dma_semaphore, #tpu.memory_space<semaphore_mem>>)
      %add3A_171 = arith.constant 4 : i32
      %add3A_172 = arith.addi %add3A_136, %add3A_171 : i32
      %lt3A = arith.constant 64 : i32
      %lt3A_173 = arith.cmpi slt, %add3A_172, %lt3A : i32
      %convert_element_type3A_174 = arith.extui %lt3A_173 : i1 to i32
      %cond3A_175 = arith.constant 0 : i32
      %cond3A_176 = arith.cmpi ne, %convert_element_type3A_174, %cond3A_175 : i32
      scf.if %cond3A_176 {
        %add3A_325 = arith.constant 4 : i32
        %add3A_326 = arith.addi %add3A_136, %add3A_325 : i32
        %mul3A_327 = arith.constant 8192 : i32
        %mul3A_328 = arith.muli %add3A_326, %mul3A_327 : i32
        %add3A_329 = arith.addi %mul3A_2, %mul3A_328 : i32
        %dma_start3A_330 = arith.constant 0 : i32
        %dma_start3A_331 = arith.constant 0 : i32
        %dma_start3A_332 = tpu.memref_slice %arg6[%dma_start3A_330, %dma_start3A_331] : memref<4x8192xf32, #tpu.memory_space<vmem>> -> memref<1x8192xf32, #tpu.memory_space<vmem>>
        %dma_start3A_333 = tpu.memref_squeeze %dma_start3A_332 : memref<1x8192xf32, #tpu.memory_space<vmem>> -> memref<8192xf32, #tpu.memory_space<vmem>>
        %dma_start3A_334 = tpu.memref_slice %arg2[%add3A_329] : memref<16777216xf32, #tpu.memory_space<hbm>> -> memref<8192xf32, #tpu.memory_space<hbm>>
        %dma_start3A_335 = arith.constant 0 : i32
        %dma_start3A_336 = tpu.memref_slice %arg6[%dma_start3A_330, %dma_start3A_335] : memref<4x8192xf32, #tpu.memory_space<vmem>> -> memref<1x8192xf32, #tpu.memory_space<vmem>>
        %dma_start3A_337 = tpu.memref_squeeze %dma_start3A_336 : memref<1x8192xf32, #tpu.memory_space<vmem>> -> memref<8192xf32, #tpu.memory_space<vmem>>
        %dma_start3A_338 = tpu.memref_slice %arg2[%add3A_329] : memref<16777216xf32, #tpu.memory_space<hbm>> -> memref<8192xf32, #tpu.memory_space<hbm>>
        tpu.enqueue_dma source(%dma_start3A_338 : memref<8192xf32, #tpu.memory_space<hbm>>) target(%dma_start3A_337 : memref<8192xf32, #tpu.memory_space<vmem>>) target_semaphore(%arg10 : memref<!tpu.dma_semaphore, #tpu.memory_space<semaphore_mem>>)
      } else {
      }
      %mul3A_177 = arith.constant 4 : i32
      %mul3A_178 = arith.muli %scan3A_131, %mul3A_177 : i32
      %add3A_179 = arith.constant 1 : i32
      %add3A_180 = arith.addi %mul3A_178, %add3A_179 : i32
      %mul3A_181 = arith.constant 8192 : i32
      %mul3A_182 = arith.muli %add3A_180, %mul3A_181 : i32
      %add3A_183 = arith.addi %mul3A_2, %mul3A_182 : i32
      %dma_wait3A_184 = arith.constant 1 : i32
      %dma_wait3A_185 = arith.constant 0 : i32
      %dma_wait3A_186 = tpu.memref_slice %arg6[%dma_wait3A_184, %dma_wait3A_185] : memref<4x8192xf32, #tpu.memory_space<vmem>> -> memref<1x8192xf32, #tpu.memory_space<vmem>>
      %dma_wait3A_187 = tpu.memref_squeeze %dma_wait3A_186 : memref<1x8192xf32, #tpu.memory_space<vmem>> -> memref<8192xf32, #tpu.memory_space<vmem>>
      %dma_wait3A_188 = tpu.memref_slice %arg2[%add3A_183] : memref<16777216xf32, #tpu.memory_space<hbm>> -> memref<8192xf32, #tpu.memory_space<hbm>>
      %dma_wait3A_189 = arith.constant 0 : i32
      %dma_wait3A_190 = tpu.memref_slice %arg6[%dma_wait3A_184, %dma_wait3A_189] : memref<4x8192xf32, #tpu.memory_space<vmem>> -> memref<1x8192xf32, #tpu.memory_space<vmem>>
      %dma_wait3A_191 = tpu.memref_squeeze %dma_wait3A_190 : memref<1x8192xf32, #tpu.memory_space<vmem>> -> memref<8192xf32, #tpu.memory_space<vmem>>
      %dma_wait3A_192 = tpu.memref_slice %arg2[%add3A_183] : memref<16777216xf32, #tpu.memory_space<hbm>> -> memref<8192xf32, #tpu.memory_space<hbm>>
      tpu.wait_dma2 semaphore(%arg11 : memref<!tpu.dma_semaphore, #tpu.memory_space<semaphore_mem>>) src(%dma_wait3A_192 : memref<8192xf32, #tpu.memory_space<hbm>>) dst(%dma_wait3A_191 : memref<8192xf32, #tpu.memory_space<vmem>>)
      %ge3A_193 = arith.constant 4 : i32
      %ge3A_194 = arith.cmpi sge, %add3A_180, %ge3A_193 : i32
      %convert_element_type3A_195 = arith.extui %ge3A_194 : i1 to i32
      %cond3A_196 = arith.constant 0 : i32
      %cond3A_197 = arith.cmpi ne, %convert_element_type3A_195, %cond3A_196 : i32
      scf.if %cond3A_197 {
        %dma_wait3A_325 = arith.constant 1 : i32
        %dma_wait3A_326 = arith.constant 0 : i32
        %dma_wait3A_327 = tpu.memref_slice %arg7[%dma_wait3A_325, %dma_wait3A_326] : memref<4x8192xf32, #tpu.memory_space<vmem>> -> memref<1x8192xf32, #tpu.memory_space<vmem>>
        %dma_wait3A_328 = tpu.memref_squeeze %dma_wait3A_327 : memref<1x8192xf32, #tpu.memory_space<vmem>> -> memref<8192xf32, #tpu.memory_space<vmem>>
        %dma_wait3A_329 = tpu.memref_slice %arg4[%mul3A_2] : memref<16777216xf32, #tpu.memory_space<hbm>> -> memref<8192xf32, #tpu.memory_space<hbm>>
        %dma_wait3A_330 = tpu.memref_slice %arg4[%mul3A_2] : memref<16777216xf32, #tpu.memory_space<hbm>> -> memref<8192xf32, #tpu.memory_space<hbm>>
        %dma_wait3A_331 = arith.constant 0 : i32
        %dma_wait3A_332 = tpu.memref_slice %arg7[%dma_wait3A_325, %dma_wait3A_331] : memref<4x8192xf32, #tpu.memory_space<vmem>> -> memref<1x8192xf32, #tpu.memory_space<vmem>>
        %dma_wait3A_333 = tpu.memref_squeeze %dma_wait3A_332 : memref<1x8192xf32, #tpu.memory_space<vmem>> -> memref<8192xf32, #tpu.memory_space<vmem>>
        tpu.wait_dma2 semaphore(%arg15 : memref<!tpu.dma_semaphore, #tpu.memory_space<semaphore_mem>>) src(%dma_wait3A_333 : memref<8192xf32, #tpu.memory_space<vmem>>) dst(%dma_wait3A_330 : memref<8192xf32, #tpu.memory_space<hbm>>)
        %dma_wait3A_334 = arith.constant 1 : i32
        %dma_wait3A_335 = arith.constant 0 : i32
        %dma_wait3A_336 = tpu.memref_slice %arg8[%dma_wait3A_334, %dma_wait3A_335] : memref<4x8192xf32, #tpu.memory_space<vmem>> -> memref<1x8192xf32, #tpu.memory_space<vmem>>
        %dma_wait3A_337 = tpu.memref_squeeze %dma_wait3A_336 : memref<1x8192xf32, #tpu.memory_space<vmem>> -> memref<8192xf32, #tpu.memory_space<vmem>>
        %dma_wait3A_338 = tpu.memref_slice %arg5[%mul3A_2] : memref<16777216xf32, #tpu.memory_space<hbm>> -> memref<8192xf32, #tpu.memory_space<hbm>>
        %dma_wait3A_339 = tpu.memref_slice %arg5[%mul3A_2] : memref<16777216xf32, #tpu.memory_space<hbm>> -> memref<8192xf32, #tpu.memory_space<hbm>>
        %dma_wait3A_340 = arith.constant 0 : i32
        %dma_wait3A_341 = tpu.memref_slice %arg8[%dma_wait3A_334, %dma_wait3A_340] : memref<4x8192xf32, #tpu.memory_space<vmem>> -> memref<1x8192xf32, #tpu.memory_space<vmem>>
        %dma_wait3A_342 = tpu.memref_squeeze %dma_wait3A_341 : memref<1x8192xf32, #tpu.memory_space<vmem>> -> memref<8192xf32, #tpu.memory_space<vmem>>
        tpu.wait_dma2 semaphore(%arg19 : memref<!tpu.dma_semaphore, #tpu.memory_space<semaphore_mem>>) src(%dma_wait3A_342 : memref<8192xf32, #tpu.memory_space<vmem>>) dst(%dma_wait3A_339 : memref<8192xf32, #tpu.memory_space<hbm>>)
      } else {
      }
      %parallel_loop3A_198 = arith.constant 0 : i32
      %parallel_loop3A_199 = arith.constant 512 : i32
      %parallel_loop3A_200 = arith.constant 1 : i32
      scf.for %parallel_loop3A_325 = %parallel_loop3A_198 to %parallel_loop3A_199 step %parallel_loop3A_200  : i32 {
        %parallel_loop3A_326 = arith.constant 16 : i32
        %parallel_loop3A_327 = arith.muli %parallel_loop3A_325, %parallel_loop3A_326 : i32
        %parallel_loop3A_328 = arith.constant 1 : i32
        %parallel_loop3A_329 = arith.index_cast %parallel_loop3A_328 : i32 to index
        %parallel_loop3A_330 = arith.index_cast %parallel_loop3A_327 : i32 to index
        %parallel_loop3A_331 = tpu.vector_load %arg6[%parallel_loop3A_329, %parallel_loop3A_330] {strides = array<i32>} : memref<4x8192xf32, #tpu.memory_space<vmem>>, vector<16xf32>,
        %parallel_loop3A_332 = math.absf %parallel_loop3A_331 : vector<16xf32>
        %parallel_loop3A_333 = arith.cmpf ogt, %parallel_loop3A_332, %bitcast3A : vector<16xf32>
        %parallel_loop3A_334 = arith.select %parallel_loop3A_333, %broadcast_in_dim3A_47, %broadcast_in_dim3A_49 : vector<16xi1>, vector<16xf32>
        %parallel_loop3A_335 = arith.constant 1 : i32
        %parallel_loop3A_336 = arith.index_cast %parallel_loop3A_335 : i32 to index
        %parallel_loop3A_337 = arith.index_cast %parallel_loop3A_327 : i32 to index
        %parallel_loop3A_338 = tpu.vector_load %arg7[%parallel_loop3A_336, %parallel_loop3A_337] {strides = array<i32>} : memref<4x8192xf32, #tpu.memory_space<vmem>>, vector<16xf32>,
        tpu.vector_store %arg7[%parallel_loop3A_336, %parallel_loop3A_337], %parallel_loop3A_334 {strides = array<i32>} : memref<4x8192xf32, #tpu.memory_space<vmem>>, vector<16xf32>,
        %parallel_loop3A_339 = arith.select %parallel_loop3A_333, %broadcast_in_dim3A_51, %broadcast_in_dim3A_53 : vector<16xi1>, vector<16xf32>
        %parallel_loop3A_340 = arith.mulf %parallel_loop3A_331, %parallel_loop3A_339 : vector<16xf32>
        %parallel_loop3A_341 = arith.constant 1 : i32
        %parallel_loop3A_342 = arith.index_cast %parallel_loop3A_341 : i32 to index
        %parallel_loop3A_343 = arith.index_cast %parallel_loop3A_327 : i32 to index
        %parallel_loop3A_344 = tpu.vector_load %arg8[%parallel_loop3A_342, %parallel_loop3A_343] {strides = array<i32>} : memref<4x8192xf32, #tpu.memory_space<vmem>>, vector<16xf32>,
        tpu.vector_store %arg8[%parallel_loop3A_342, %parallel_loop3A_343], %parallel_loop3A_340 {strides = array<i32>} : memref<4x8192xf32, #tpu.memory_space<vmem>>, vector<16xf32>,
      } {sc.loop_unroll_factor = 8 : i64, sc.parallel_access}
      %dma_start3A_201 = arith.constant 1 : i32
      %dma_start3A_202 = arith.constant 0 : i32
      %dma_start3A_203 = tpu.memref_slice %arg7[%dma_start3A_201, %dma_start3A_202] : memref<4x8192xf32, #tpu.memory_space<vmem>> -> memref<1x8192xf32, #tpu.memory_space<vmem>>
      %dma_start3A_204 = tpu.memref_squeeze %dma_start3A_203 : memref<1x8192xf32, #tpu.memory_space<vmem>> -> memref<8192xf32, #tpu.memory_space<vmem>>
      %dma_start3A_205 = tpu.memref_slice %arg4[%add3A_183] : memref<16777216xf32, #tpu.memory_space<hbm>> -> memref<8192xf32, #tpu.memory_space<hbm>>
      %dma_start3A_206 = tpu.memref_slice %arg4[%add3A_183] : memref<16777216xf32, #tpu.memory_space<hbm>> -> memref<8192xf32, #tpu.memory_space<hbm>>
      %dma_start3A_207 = arith.constant 0 : i32
      %dma_start3A_208 = tpu.memref_slice %arg7[%dma_start3A_201, %dma_start3A_207] : memref<4x8192xf32, #tpu.memory_space<vmem>> -> memref<1x8192xf32, #tpu.memory_space<vmem>>
      %dma_start3A_209 = tpu.memref_squeeze %dma_start3A_208 : memref<1x8192xf32, #tpu.memory_space<vmem>> -> memref<8192xf32, #tpu.memory_space<vmem>>
      tpu.enqueue_dma source(%dma_start3A_209 : memref<8192xf32, #tpu.memory_space<vmem>>) target(%dma_start3A_206 : memref<8192xf32, #tpu.memory_space<hbm>>) target_semaphore(%arg15 : memref<!tpu.dma_semaphore, #tpu.memory_space<semaphore_mem>>)
      %dma_start3A_210 = arith.constant 1 : i32
      %dma_start3A_211 = arith.constant 0 : i32
      %dma_start3A_212 = tpu.memref_slice %arg8[%dma_start3A_210, %dma_start3A_211] : memref<4x8192xf32, #tpu.memory_space<vmem>> -> memref<1x8192xf32, #tpu.memory_space<vmem>>
      %dma_start3A_213 = tpu.memref_squeeze %dma_start3A_212 : memref<1x8192xf32, #tpu.memory_space<vmem>> -> memref<8192xf32, #tpu.memory_space<vmem>>
      %dma_start3A_214 = tpu.memref_slice %arg5[%add3A_183] : memref<16777216xf32, #tpu.memory_space<hbm>> -> memref<8192xf32, #tpu.memory_space<hbm>>
      %dma_start3A_215 = tpu.memref_slice %arg5[%add3A_183] : memref<16777216xf32, #tpu.memory_space<hbm>> -> memref<8192xf32, #tpu.memory_space<hbm>>
      %dma_start3A_216 = arith.constant 0 : i32
      %dma_start3A_217 = tpu.memref_slice %arg8[%dma_start3A_210, %dma_start3A_216] : memref<4x8192xf32, #tpu.memory_space<vmem>> -> memref<1x8192xf32, #tpu.memory_space<vmem>>
      %dma_start3A_218 = tpu.memref_squeeze %dma_start3A_217 : memref<1x8192xf32, #tpu.memory_space<vmem>> -> memref<8192xf32, #tpu.memory_space<vmem>>
      tpu.enqueue_dma source(%dma_start3A_218 : memref<8192xf32, #tpu.memory_space<vmem>>) target(%dma_start3A_215 : memref<8192xf32, #tpu.memory_space<hbm>>) target_semaphore(%arg19 : memref<!tpu.dma_semaphore, #tpu.memory_space<semaphore_mem>>)
      %add3A_219 = arith.constant 4 : i32
      %add3A_220 = arith.addi %add3A_180, %add3A_219 : i32
      %lt3A_221 = arith.constant 64 : i32
      %lt3A_222 = arith.cmpi slt, %add3A_220, %lt3A_221 : i32
      %convert_element_type3A_223 = arith.extui %lt3A_222 : i1 to i32
      %cond3A_224 = arith.constant 0 : i32
      %cond3A_225 = arith.cmpi ne, %convert_element_type3A_223, %cond3A_224 : i32
      scf.if %cond3A_225 {
        %add3A_325 = arith.constant 4 : i32
        %add3A_326 = arith.addi %add3A_180, %add3A_325 : i32
        %mul3A_327 = arith.constant 8192 : i32
        %mul3A_328 = arith.muli %add3A_326, %mul3A_327 : i32
        %add3A_329 = arith.addi %mul3A_2, %mul3A_328 : i32
        %dma_start3A_330 = arith.constant 1 : i32
        %dma_start3A_331 = arith.constant 0 : i32
        %dma_start3A_332 = tpu.memref_slice %arg6[%dma_start3A_330, %dma_start3A_331] : memref<4x8192xf32, #tpu.memory_space<vmem>> -> memref<1x8192xf32, #tpu.memory_space<vmem>>
        %dma_start3A_333 = tpu.memref_squeeze %dma_start3A_332 : memref<1x8192xf32, #tpu.memory_space<vmem>> -> memref<8192xf32, #tpu.memory_space<vmem>>
        %dma_start3A_334 = tpu.memref_slice %arg2[%add3A_329] : memref<16777216xf32, #tpu.memory_space<hbm>> -> memref<8192xf32, #tpu.memory_space<hbm>>
        %dma_start3A_335 = arith.constant 0 : i32
        %dma_start3A_336 = tpu.memref_slice %arg6[%dma_start3A_330, %dma_start3A_335] : memref<4x8192xf32, #tpu.memory_space<vmem>> -> memref<1x8192xf32, #tpu.memory_space<vmem>>
        %dma_start3A_337 = tpu.memref_squeeze %dma_start3A_336 : memref<1x8192xf32, #tpu.memory_space<vmem>> -> memref<8192xf32, #tpu.memory_space<vmem>>
        %dma_start3A_338 = tpu.memref_slice %arg2[%add3A_329] : memref<16777216xf32, #tpu.memory_space<hbm>> -> memref<8192xf32, #tpu.memory_space<hbm>>
        tpu.enqueue_dma source(%dma_start3A_338 : memref<8192xf32, #tpu.memory_space<hbm>>) target(%dma_start3A_337 : memref<8192xf32, #tpu.memory_space<vmem>>) target_semaphore(%arg11 : memref<!tpu.dma_semaphore, #tpu.memory_space<semaphore_mem>>)
      } else {
      }
      %mul3A_226 = arith.constant 4 : i32
      %mul3A_227 = arith.muli %scan3A_131, %mul3A_226 : i32
      %add3A_228 = arith.constant 2 : i32
      %add3A_229 = arith.addi %mul3A_227, %add3A_228 : i32
      %mul3A_230 = arith.constant 8192 : i32
      %mul3A_231 = arith.muli %add3A_229, %mul3A_230 : i32
      %add3A_232 = arith.addi %mul3A_2, %mul3A_231 : i32
      %dma_wait3A_233 = arith.constant 2 : i32
      %dma_wait3A_234 = arith.constant 0 : i32
      %dma_wait3A_235 = tpu.memref_slice %arg6[%dma_wait3A_233, %dma_wait3A_234] : memref<4x8192xf32, #tpu.memory_space<vmem>> -> memref<1x8192xf32, #tpu.memory_space<vmem>>
      %dma_wait3A_236 = tpu.memref_squeeze %dma_wait3A_235 : memref<1x8192xf32, #tpu.memory_space<vmem>> -> memref<8192xf32, #tpu.memory_space<vmem>>
      %dma_wait3A_237 = tpu.memref_slice %arg2[%add3A_232] : memref<16777216xf32, #tpu.memory_space<hbm>> -> memref<8192xf32, #tpu.memory_space<hbm>>
      %dma_wait3A_238 = arith.constant 0 : i32
      %dma_wait3A_239 = tpu.memref_slice %arg6[%dma_wait3A_233, %dma_wait3A_238] : memref<4x8192xf32, #tpu.memory_space<vmem>> -> memref<1x8192xf32, #tpu.memory_space<vmem>>
      %dma_wait3A_240 = tpu.memref_squeeze %dma_wait3A_239 : memref<1x8192xf32, #tpu.memory_space<vmem>> -> memref<8192xf32, #tpu.memory_space<vmem>>
      %dma_wait3A_241 = tpu.memref_slice %arg2[%add3A_232] : memref<16777216xf32, #tpu.memory_space<hbm>> -> memref<8192xf32, #tpu.memory_space<hbm>>
      tpu.wait_dma2 semaphore(%arg12 : memref<!tpu.dma_semaphore, #tpu.memory_space<semaphore_mem>>) src(%dma_wait3A_241 : memref<8192xf32, #tpu.memory_space<hbm>>) dst(%dma_wait3A_240 : memref<8192xf32, #tpu.memory_space<vmem>>)
      %ge3A_242 = arith.constant 4 : i32
      %ge3A_243 = arith.cmpi sge, %add3A_229, %ge3A_242 : i32
      %convert_element_type3A_244 = arith.extui %ge3A_243 : i1 to i32
      %cond3A_245 = arith.constant 0 : i32
      %cond3A_246 = arith.cmpi ne, %convert_element_type3A_244, %cond3A_245 : i32
      scf.if %cond3A_246 {
        %dma_wait3A_325 = arith.constant 2 : i32
        %dma_wait3A_326 = arith.constant 0 : i32
        %dma_wait3A_327 = tpu.memref_slice %arg7[%dma_wait3A_325, %dma_wait3A_326] : memref<4x8192xf32, #tpu.memory_space<vmem>> -> memref<1x8192xf32, #tpu.memory_space<vmem>>
        %dma_wait3A_328 = tpu.memref_squeeze %dma_wait3A_327 : memref<1x8192xf32, #tpu.memory_space<vmem>> -> memref<8192xf32, #tpu.memory_space<vmem>>
        %dma_wait3A_329 = tpu.memref_slice %arg4[%mul3A_2] : memref<16777216xf32, #tpu.memory_space<hbm>> -> memref<8192xf32, #tpu.memory_space<hbm>>
        %dma_wait3A_330 = tpu.memref_slice %arg4[%mul3A_2] : memref<16777216xf32, #tpu.memory_space<hbm>> -> memref<8192xf32, #tpu.memory_space<hbm>>
        %dma_wait3A_331 = arith.constant 0 : i32
        %dma_wait3A_332 = tpu.memref_slice %arg7[%dma_wait3A_325, %dma_wait3A_331] : memref<4x8192xf32, #tpu.memory_space<vmem>> -> memref<1x8192xf32, #tpu.memory_space<vmem>>
        %dma_wait3A_333 = tpu.memref_squeeze %dma_wait3A_332 : memref<1x8192xf32, #tpu.memory_space<vmem>> -> memref<8192xf32, #tpu.memory_space<vmem>>
        tpu.wait_dma2 semaphore(%arg16 : memref<!tpu.dma_semaphore, #tpu.memory_space<semaphore_mem>>) src(%dma_wait3A_333 : memref<8192xf32, #tpu.memory_space<vmem>>) dst(%dma_wait3A_330 : memref<8192xf32, #tpu.memory_space<hbm>>)
        %dma_wait3A_334 = arith.constant 2 : i32
        %dma_wait3A_335 = arith.constant 0 : i32
        %dma_wait3A_336 = tpu.memref_slice %arg8[%dma_wait3A_334, %dma_wait3A_335] : memref<4x8192xf32, #tpu.memory_space<vmem>> -> memref<1x8192xf32, #tpu.memory_space<vmem>>
        %dma_wait3A_337 = tpu.memref_squeeze %dma_wait3A_336 : memref<1x8192xf32, #tpu.memory_space<vmem>> -> memref<8192xf32, #tpu.memory_space<vmem>>
        %dma_wait3A_338 = tpu.memref_slice %arg5[%mul3A_2] : memref<16777216xf32, #tpu.memory_space<hbm>> -> memref<8192xf32, #tpu.memory_space<hbm>>
        %dma_wait3A_339 = tpu.memref_slice %arg5[%mul3A_2] : memref<16777216xf32, #tpu.memory_space<hbm>> -> memref<8192xf32, #tpu.memory_space<hbm>>
        %dma_wait3A_340 = arith.constant 0 : i32
        %dma_wait3A_341 = tpu.memref_slice %arg8[%dma_wait3A_334, %dma_wait3A_340] : memref<4x8192xf32, #tpu.memory_space<vmem>> -> memref<1x8192xf32, #tpu.memory_space<vmem>>
        %dma_wait3A_342 = tpu.memref_squeeze %dma_wait3A_341 : memref<1x8192xf32, #tpu.memory_space<vmem>> -> memref<8192xf32, #tpu.memory_space<vmem>>
        tpu.wait_dma2 semaphore(%arg20 : memref<!tpu.dma_semaphore, #tpu.memory_space<semaphore_mem>>) src(%dma_wait3A_342 : memref<8192xf32, #tpu.memory_space<vmem>>) dst(%dma_wait3A_339 : memref<8192xf32, #tpu.memory_space<hbm>>)
      } else {
      }
      %parallel_loop3A_247 = arith.constant 0 : i32
      %parallel_loop3A_248 = arith.constant 512 : i32
      %parallel_loop3A_249 = arith.constant 1 : i32
      scf.for %parallel_loop3A_325 = %parallel_loop3A_247 to %parallel_loop3A_248 step %parallel_loop3A_249  : i32 {
        %parallel_loop3A_326 = arith.constant 16 : i32
        %parallel_loop3A_327 = arith.muli %parallel_loop3A_325, %parallel_loop3A_326 : i32
        %parallel_loop3A_328 = arith.constant 2 : i32
        %parallel_loop3A_329 = arith.index_cast %parallel_loop3A_328 : i32 to index
        %parallel_loop3A_330 = arith.index_cast %parallel_loop3A_327 : i32 to index
        %parallel_loop3A_331 = tpu.vector_load %arg6[%parallel_loop3A_329, %parallel_loop3A_330] {strides = array<i32>} : memref<4x8192xf32, #tpu.memory_space<vmem>>, vector<16xf32>,
        %parallel_loop3A_332 = math.absf %parallel_loop3A_331 : vector<16xf32>
        %parallel_loop3A_333 = arith.cmpf ogt, %parallel_loop3A_332, %bitcast3A : vector<16xf32>
        %parallel_loop3A_334 = arith.select %parallel_loop3A_333, %broadcast_in_dim3A_47, %broadcast_in_dim3A_49 : vector<16xi1>, vector<16xf32>
        %parallel_loop3A_335 = arith.constant 2 : i32
        %parallel_loop3A_336 = arith.index_cast %parallel_loop3A_335 : i32 to index
        %parallel_loop3A_337 = arith.index_cast %parallel_loop3A_327 : i32 to index
        %parallel_loop3A_338 = tpu.vector_load %arg7[%parallel_loop3A_336, %parallel_loop3A_337] {strides = array<i32>} : memref<4x8192xf32, #tpu.memory_space<vmem>>, vector<16xf32>,
        tpu.vector_store %arg7[%parallel_loop3A_336, %parallel_loop3A_337], %parallel_loop3A_334 {strides = array<i32>} : memref<4x8192xf32, #tpu.memory_space<vmem>>, vector<16xf32>,
        %parallel_loop3A_339 = arith.select %parallel_loop3A_333, %broadcast_in_dim3A_51, %broadcast_in_dim3A_53 : vector<16xi1>, vector<16xf32>
        %parallel_loop3A_340 = arith.mulf %parallel_loop3A_331, %parallel_loop3A_339 : vector<16xf32>
        %parallel_loop3A_341 = arith.constant 2 : i32
        %parallel_loop3A_342 = arith.index_cast %parallel_loop3A_341 : i32 to index
        %parallel_loop3A_343 = arith.index_cast %parallel_loop3A_327 : i32 to index
        %parallel_loop3A_344 = tpu.vector_load %arg8[%parallel_loop3A_342, %parallel_loop3A_343] {strides = array<i32>} : memref<4x8192xf32, #tpu.memory_space<vmem>>, vector<16xf32>,
        tpu.vector_store %arg8[%parallel_loop3A_342, %parallel_loop3A_343], %parallel_loop3A_340 {strides = array<i32>} : memref<4x8192xf32, #tpu.memory_space<vmem>>, vector<16xf32>,
      } {sc.loop_unroll_factor = 8 : i64, sc.parallel_access}
      %dma_start3A_250 = arith.constant 2 : i32
      %dma_start3A_251 = arith.constant 0 : i32
      %dma_start3A_252 = tpu.memref_slice %arg7[%dma_start3A_250, %dma_start3A_251] : memref<4x8192xf32, #tpu.memory_space<vmem>> -> memref<1x8192xf32, #tpu.memory_space<vmem>>
      %dma_start3A_253 = tpu.memref_squeeze %dma_start3A_252 : memref<1x8192xf32, #tpu.memory_space<vmem>> -> memref<8192xf32, #tpu.memory_space<vmem>>
      %dma_start3A_254 = tpu.memref_slice %arg4[%add3A_232] : memref<16777216xf32, #tpu.memory_space<hbm>> -> memref<8192xf32, #tpu.memory_space<hbm>>
      %dma_start3A_255 = tpu.memref_slice %arg4[%add3A_232] : memref<16777216xf32, #tpu.memory_space<hbm>> -> memref<8192xf32, #tpu.memory_space<hbm>>
      %dma_start3A_256 = arith.constant 0 : i32
      %dma_start3A_257 = tpu.memref_slice %arg7[%dma_start3A_250, %dma_start3A_256] : memref<4x8192xf32, #tpu.memory_space<vmem>> -> memref<1x8192xf32, #tpu.memory_space<vmem>>
      %dma_start3A_258 = tpu.memref_squeeze %dma_start3A_257 : memref<1x8192xf32, #tpu.memory_space<vmem>> -> memref<8192xf32, #tpu.memory_space<vmem>>
      tpu.enqueue_dma source(%dma_start3A_258 : memref<8192xf32, #tpu.memory_space<vmem>>) target(%dma_start3A_255 : memref<8192xf32, #tpu.memory_space<hbm>>) target_semaphore(%arg16 : memref<!tpu.dma_semaphore, #tpu.memory_space<semaphore_mem>>)
      %dma_start3A_259 = arith.constant 2 : i32
      %dma_start3A_260 = arith.constant 0 : i32
      %dma_start3A_261 = tpu.memref_slice %arg8[%dma_start3A_259, %dma_start3A_260] : memref<4x8192xf32, #tpu.memory_space<vmem>> -> memref<1x8192xf32, #tpu.memory_space<vmem>>
      %dma_start3A_262 = tpu.memref_squeeze %dma_start3A_261 : memref<1x8192xf32, #tpu.memory_space<vmem>> -> memref<8192xf32, #tpu.memory_space<vmem>>
      %dma_start3A_263 = tpu.memref_slice %arg5[%add3A_232] : memref<16777216xf32, #tpu.memory_space<hbm>> -> memref<8192xf32, #tpu.memory_space<hbm>>
      %dma_start3A_264 = tpu.memref_slice %arg5[%add3A_232] : memref<16777216xf32, #tpu.memory_space<hbm>> -> memref<8192xf32, #tpu.memory_space<hbm>>
      %dma_start3A_265 = arith.constant 0 : i32
      %dma_start3A_266 = tpu.memref_slice %arg8[%dma_start3A_259, %dma_start3A_265] : memref<4x8192xf32, #tpu.memory_space<vmem>> -> memref<1x8192xf32, #tpu.memory_space<vmem>>
      %dma_start3A_267 = tpu.memref_squeeze %dma_start3A_266 : memref<1x8192xf32, #tpu.memory_space<vmem>> -> memref<8192xf32, #tpu.memory_space<vmem>>
      tpu.enqueue_dma source(%dma_start3A_267 : memref<8192xf32, #tpu.memory_space<vmem>>) target(%dma_start3A_264 : memref<8192xf32, #tpu.memory_space<hbm>>) target_semaphore(%arg20 : memref<!tpu.dma_semaphore, #tpu.memory_space<semaphore_mem>>)
      %add3A_268 = arith.constant 4 : i32
      %add3A_269 = arith.addi %add3A_229, %add3A_268 : i32
      %lt3A_270 = arith.constant 64 : i32
      %lt3A_271 = arith.cmpi slt, %add3A_269, %lt3A_270 : i32
      %convert_element_type3A_272 = arith.extui %lt3A_271 : i1 to i32
      %cond3A_273 = arith.constant 0 : i32
      %cond3A_274 = arith.cmpi ne, %convert_element_type3A_272, %cond3A_273 : i32
      scf.if %cond3A_274 {
        %add3A_325 = arith.constant 4 : i32
        %add3A_326 = arith.addi %add3A_229, %add3A_325 : i32
        %mul3A_327 = arith.constant 8192 : i32
        %mul3A_328 = arith.muli %add3A_326, %mul3A_327 : i32
        %add3A_329 = arith.addi %mul3A_2, %mul3A_328 : i32
        %dma_start3A_330 = arith.constant 2 : i32
        %dma_start3A_331 = arith.constant 0 : i32
        %dma_start3A_332 = tpu.memref_slice %arg6[%dma_start3A_330, %dma_start3A_331] : memref<4x8192xf32, #tpu.memory_space<vmem>> -> memref<1x8192xf32, #tpu.memory_space<vmem>>
        %dma_start3A_333 = tpu.memref_squeeze %dma_start3A_332 : memref<1x8192xf32, #tpu.memory_space<vmem>> -> memref<8192xf32, #tpu.memory_space<vmem>>
        %dma_start3A_334 = tpu.memref_slice %arg2[%add3A_329] : memref<16777216xf32, #tpu.memory_space<hbm>> -> memref<8192xf32, #tpu.memory_space<hbm>>
        %dma_start3A_335 = arith.constant 0 : i32
        %dma_start3A_336 = tpu.memref_slice %arg6[%dma_start3A_330, %dma_start3A_335] : memref<4x8192xf32, #tpu.memory_space<vmem>> -> memref<1x8192xf32, #tpu.memory_space<vmem>>
        %dma_start3A_337 = tpu.memref_squeeze %dma_start3A_336 : memref<1x8192xf32, #tpu.memory_space<vmem>> -> memref<8192xf32, #tpu.memory_space<vmem>>
        %dma_start3A_338 = tpu.memref_slice %arg2[%add3A_329] : memref<16777216xf32, #tpu.memory_space<hbm>> -> memref<8192xf32, #tpu.memory_space<hbm>>
        tpu.enqueue_dma source(%dma_start3A_338 : memref<8192xf32, #tpu.memory_space<hbm>>) target(%dma_start3A_337 : memref<8192xf32, #tpu.memory_space<vmem>>) target_semaphore(%arg12 : memref<!tpu.dma_semaphore, #tpu.memory_space<semaphore_mem>>)
      } else {
      }
      %mul3A_275 = arith.constant 4 : i32
      %mul3A_276 = arith.muli %scan3A_131, %mul3A_275 : i32
      %add3A_277 = arith.constant 3 : i32
      %add3A_278 = arith.addi %mul3A_276, %add3A_277 : i32
      %mul3A_279 = arith.constant 8192 : i32
      %mul3A_280 = arith.muli %add3A_278, %mul3A_279 : i32
      %add3A_281 = arith.addi %mul3A_2, %mul3A_280 : i32
      %dma_wait3A_282 = arith.constant 3 : i32
      %dma_wait3A_283 = arith.constant 0 : i32
      %dma_wait3A_284 = tpu.memref_slice %arg6[%dma_wait3A_282, %dma_wait3A_283] : memref<4x8192xf32, #tpu.memory_space<vmem>> -> memref<1x8192xf32, #tpu.memory_space<vmem>>
      %dma_wait3A_285 = tpu.memref_squeeze %dma_wait3A_284 : memref<1x8192xf32, #tpu.memory_space<vmem>> -> memref<8192xf32, #tpu.memory_space<vmem>>
      %dma_wait3A_286 = tpu.memref_slice %arg2[%add3A_281] : memref<16777216xf32, #tpu.memory_space<hbm>> -> memref<8192xf32, #tpu.memory_space<hbm>>
      %dma_wait3A_287 = arith.constant 0 : i32
      %dma_wait3A_288 = tpu.memref_slice %arg6[%dma_wait3A_282, %dma_wait3A_287] : memref<4x8192xf32, #tpu.memory_space<vmem>> -> memref<1x8192xf32, #tpu.memory_space<vmem>>
      %dma_wait3A_289 = tpu.memref_squeeze %dma_wait3A_288 : memref<1x8192xf32, #tpu.memory_space<vmem>> -> memref<8192xf32, #tpu.memory_space<vmem>>
      %dma_wait3A_290 = tpu.memref_slice %arg2[%add3A_281] : memref<16777216xf32, #tpu.memory_space<hbm>> -> memref<8192xf32, #tpu.memory_space<hbm>>
      tpu.wait_dma2 semaphore(%arg13 : memref<!tpu.dma_semaphore, #tpu.memory_space<semaphore_mem>>) src(%dma_wait3A_290 : memref<8192xf32, #tpu.memory_space<hbm>>) dst(%dma_wait3A_289 : memref<8192xf32, #tpu.memory_space<vmem>>)
      %ge3A_291 = arith.constant 4 : i32
      %ge3A_292 = arith.cmpi sge, %add3A_278, %ge3A_291 : i32
      %convert_element_type3A_293 = arith.extui %ge3A_292 : i1 to i32
      %cond3A_294 = arith.constant 0 : i32
      %cond3A_295 = arith.cmpi ne, %convert_element_type3A_293, %cond3A_294 : i32
      scf.if %cond3A_295 {
        %dma_wait3A_325 = arith.constant 3 : i32
        %dma_wait3A_326 = arith.constant 0 : i32
        %dma_wait3A_327 = tpu.memref_slice %arg7[%dma_wait3A_325, %dma_wait3A_326] : memref<4x8192xf32, #tpu.memory_space<vmem>> -> memref<1x8192xf32, #tpu.memory_space<vmem>>
        %dma_wait3A_328 = tpu.memref_squeeze %dma_wait3A_327 : memref<1x8192xf32, #tpu.memory_space<vmem>> -> memref<8192xf32, #tpu.memory_space<vmem>>
        %dma_wait3A_329 = tpu.memref_slice %arg4[%mul3A_2] : memref<16777216xf32, #tpu.memory_space<hbm>> -> memref<8192xf32, #tpu.memory_space<hbm>>
        %dma_wait3A_330 = tpu.memref_slice %arg4[%mul3A_2] : memref<16777216xf32, #tpu.memory_space<hbm>> -> memref<8192xf32, #tpu.memory_space<hbm>>
        %dma_wait3A_331 = arith.constant 0 : i32
        %dma_wait3A_332 = tpu.memref_slice %arg7[%dma_wait3A_325, %dma_wait3A_331] : memref<4x8192xf32, #tpu.memory_space<vmem>> -> memref<1x8192xf32, #tpu.memory_space<vmem>>
        %dma_wait3A_333 = tpu.memref_squeeze %dma_wait3A_332 : memref<1x8192xf32, #tpu.memory_space<vmem>> -> memref<8192xf32, #tpu.memory_space<vmem>>
        tpu.wait_dma2 semaphore(%arg17 : memref<!tpu.dma_semaphore, #tpu.memory_space<semaphore_mem>>) src(%dma_wait3A_333 : memref<8192xf32, #tpu.memory_space<vmem>>) dst(%dma_wait3A_330 : memref<8192xf32, #tpu.memory_space<hbm>>)
        %dma_wait3A_334 = arith.constant 3 : i32
        %dma_wait3A_335 = arith.constant 0 : i32
        %dma_wait3A_336 = tpu.memref_slice %arg8[%dma_wait3A_334, %dma_wait3A_335] : memref<4x8192xf32, #tpu.memory_space<vmem>> -> memref<1x8192xf32, #tpu.memory_space<vmem>>
        %dma_wait3A_337 = tpu.memref_squeeze %dma_wait3A_336 : memref<1x8192xf32, #tpu.memory_space<vmem>> -> memref<8192xf32, #tpu.memory_space<vmem>>
        %dma_wait3A_338 = tpu.memref_slice %arg5[%mul3A_2] : memref<16777216xf32, #tpu.memory_space<hbm>> -> memref<8192xf32, #tpu.memory_space<hbm>>
        %dma_wait3A_339 = tpu.memref_slice %arg5[%mul3A_2] : memref<16777216xf32, #tpu.memory_space<hbm>> -> memref<8192xf32, #tpu.memory_space<hbm>>
        %dma_wait3A_340 = arith.constant 0 : i32
        %dma_wait3A_341 = tpu.memref_slice %arg8[%dma_wait3A_334, %dma_wait3A_340] : memref<4x8192xf32, #tpu.memory_space<vmem>> -> memref<1x8192xf32, #tpu.memory_space<vmem>>
        %dma_wait3A_342 = tpu.memref_squeeze %dma_wait3A_341 : memref<1x8192xf32, #tpu.memory_space<vmem>> -> memref<8192xf32, #tpu.memory_space<vmem>>
        tpu.wait_dma2 semaphore(%arg21 : memref<!tpu.dma_semaphore, #tpu.memory_space<semaphore_mem>>) src(%dma_wait3A_342 : memref<8192xf32, #tpu.memory_space<vmem>>) dst(%dma_wait3A_339 : memref<8192xf32, #tpu.memory_space<hbm>>)
      } else {
      }
      %parallel_loop3A_296 = arith.constant 0 : i32
      %parallel_loop3A_297 = arith.constant 512 : i32
      %parallel_loop3A_298 = arith.constant 1 : i32
      scf.for %parallel_loop3A_325 = %parallel_loop3A_296 to %parallel_loop3A_297 step %parallel_loop3A_298  : i32 {
        %parallel_loop3A_326 = arith.constant 16 : i32
        %parallel_loop3A_327 = arith.muli %parallel_loop3A_325, %parallel_loop3A_326 : i32
        %parallel_loop3A_328 = arith.constant 3 : i32
        %parallel_loop3A_329 = arith.index_cast %parallel_loop3A_328 : i32 to index
        %parallel_loop3A_330 = arith.index_cast %parallel_loop3A_327 : i32 to index
        %parallel_loop3A_331 = tpu.vector_load %arg6[%parallel_loop3A_329, %parallel_loop3A_330] {strides = array<i32>} : memref<4x8192xf32, #tpu.memory_space<vmem>>, vector<16xf32>,
        %parallel_loop3A_332 = math.absf %parallel_loop3A_331 : vector<16xf32>
        %parallel_loop3A_333 = arith.cmpf ogt, %parallel_loop3A_332, %bitcast3A : vector<16xf32>
        %parallel_loop3A_334 = arith.select %parallel_loop3A_333, %broadcast_in_dim3A_47, %broadcast_in_dim3A_49 : vector<16xi1>, vector<16xf32>
        %parallel_loop3A_335 = arith.constant 3 : i32
        %parallel_loop3A_336 = arith.index_cast %parallel_loop3A_335 : i32 to index
        %parallel_loop3A_337 = arith.index_cast %parallel_loop3A_327 : i32 to index
        %parallel_loop3A_338 = tpu.vector_load %arg7[%parallel_loop3A_336, %parallel_loop3A_337] {strides = array<i32>} : memref<4x8192xf32, #tpu.memory_space<vmem>>, vector<16xf32>,
        tpu.vector_store %arg7[%parallel_loop3A_336, %parallel_loop3A_337], %parallel_loop3A_334 {strides = array<i32>} : memref<4x8192xf32, #tpu.memory_space<vmem>>, vector<16xf32>,
        %parallel_loop3A_339 = arith.select %parallel_loop3A_333, %broadcast_in_dim3A_51, %broadcast_in_dim3A_53 : vector<16xi1>, vector<16xf32>
        %parallel_loop3A_340 = arith.mulf %parallel_loop3A_331, %parallel_loop3A_339 : vector<16xf32>
        %parallel_loop3A_341 = arith.constant 3 : i32
        %parallel_loop3A_342 = arith.index_cast %parallel_loop3A_341 : i32 to index
        %parallel_loop3A_343 = arith.index_cast %parallel_loop3A_327 : i32 to index
        %parallel_loop3A_344 = tpu.vector_load %arg8[%parallel_loop3A_342, %parallel_loop3A_343] {strides = array<i32>} : memref<4x8192xf32, #tpu.memory_space<vmem>>, vector<16xf32>,
        tpu.vector_store %arg8[%parallel_loop3A_342, %parallel_loop3A_343], %parallel_loop3A_340 {strides = array<i32>} : memref<4x8192xf32, #tpu.memory_space<vmem>>, vector<16xf32>,
      } {sc.loop_unroll_factor = 8 : i64, sc.parallel_access}
      %dma_start3A_299 = arith.constant 3 : i32
      %dma_start3A_300 = arith.constant 0 : i32
      %dma_start3A_301 = tpu.memref_slice %arg7[%dma_start3A_299, %dma_start3A_300] : memref<4x8192xf32, #tpu.memory_space<vmem>> -> memref<1x8192xf32, #tpu.memory_space<vmem>>
      %dma_start3A_302 = tpu.memref_squeeze %dma_start3A_301 : memref<1x8192xf32, #tpu.memory_space<vmem>> -> memref<8192xf32, #tpu.memory_space<vmem>>
      %dma_start3A_303 = tpu.memref_slice %arg4[%add3A_281] : memref<16777216xf32, #tpu.memory_space<hbm>> -> memref<8192xf32, #tpu.memory_space<hbm>>
      %dma_start3A_304 = tpu.memref_slice %arg4[%add3A_281] : memref<16777216xf32, #tpu.memory_space<hbm>> -> memref<8192xf32, #tpu.memory_space<hbm>>
      %dma_start3A_305 = arith.constant 0 : i32
      %dma_start3A_306 = tpu.memref_slice %arg7[%dma_start3A_299, %dma_start3A_305] : memref<4x8192xf32, #tpu.memory_space<vmem>> -> memref<1x8192xf32, #tpu.memory_space<vmem>>
      %dma_start3A_307 = tpu.memref_squeeze %dma_start3A_306 : memref<1x8192xf32, #tpu.memory_space<vmem>> -> memref<8192xf32, #tpu.memory_space<vmem>>
      tpu.enqueue_dma source(%dma_start3A_307 : memref<8192xf32, #tpu.memory_space<vmem>>) target(%dma_start3A_304 : memref<8192xf32, #tpu.memory_space<hbm>>) target_semaphore(%arg17 : memref<!tpu.dma_semaphore, #tpu.memory_space<semaphore_mem>>)
      %dma_start3A_308 = arith.constant 3 : i32
      %dma_start3A_309 = arith.constant 0 : i32
      %dma_start3A_310 = tpu.memref_slice %arg8[%dma_start3A_308, %dma_start3A_309] : memref<4x8192xf32, #tpu.memory_space<vmem>> -> memref<1x8192xf32, #tpu.memory_space<vmem>>
      %dma_start3A_311 = tpu.memref_squeeze %dma_start3A_310 : memref<1x8192xf32, #tpu.memory_space<vmem>> -> memref<8192xf32, #tpu.memory_space<vmem>>
      %dma_start3A_312 = tpu.memref_slice %arg5[%add3A_281] : memref<16777216xf32, #tpu.memory_space<hbm>> -> memref<8192xf32, #tpu.memory_space<hbm>>
      %dma_start3A_313 = tpu.memref_slice %arg5[%add3A_281] : memref<16777216xf32, #tpu.memory_space<hbm>> -> memref<8192xf32, #tpu.memory_space<hbm>>
      %dma_start3A_314 = arith.constant 0 : i32
      %dma_start3A_315 = tpu.memref_slice %arg8[%dma_start3A_308, %dma_start3A_314] : memref<4x8192xf32, #tpu.memory_space<vmem>> -> memref<1x8192xf32, #tpu.memory_space<vmem>>
      %dma_start3A_316 = tpu.memref_squeeze %dma_start3A_315 : memref<1x8192xf32, #tpu.memory_space<vmem>> -> memref<8192xf32, #tpu.memory_space<vmem>>
      tpu.enqueue_dma source(%dma_start3A_316 : memref<8192xf32, #tpu.memory_space<vmem>>) target(%dma_start3A_313 : memref<8192xf32, #tpu.memory_space<hbm>>) target_semaphore(%arg21 : memref<!tpu.dma_semaphore, #tpu.memory_space<semaphore_mem>>)
      %add3A_317 = arith.constant 4 : i32
      %add3A_318 = arith.addi %add3A_278, %add3A_317 : i32
      %lt3A_319 = arith.constant 64 : i32
      %lt3A_320 = arith.cmpi slt, %add3A_318, %lt3A_319 : i32
      %convert_element_type3A_321 = arith.extui %lt3A_320 : i1 to i32
      %cond3A_322 = arith.constant 0 : i32
      %cond3A_323 = arith.cmpi ne, %convert_element_type3A_321, %cond3A_322 : i32
      scf.if %cond3A_323 {
        %add3A_325 = arith.constant 4 : i32
        %add3A_326 = arith.addi %add3A_278, %add3A_325 : i32
        %mul3A_327 = arith.constant 8192 : i32
        %mul3A_328 = arith.muli %add3A_326, %mul3A_327 : i32
        %add3A_329 = arith.addi %mul3A_2, %mul3A_328 : i32
        %dma_start3A_330 = arith.constant 3 : i32
        %dma_start3A_331 = arith.constant 0 : i32
        %dma_start3A_332 = tpu.memref_slice %arg6[%dma_start3A_330, %dma_start3A_331] : memref<4x8192xf32, #tpu.memory_space<vmem>> -> memref<1x8192xf32, #tpu.memory_space<vmem>>
        %dma_start3A_333 = tpu.memref_squeeze %dma_start3A_332 : memref<1x8192xf32, #tpu.memory_space<vmem>> -> memref<8192xf32, #tpu.memory_space<vmem>>
        %dma_start3A_334 = tpu.memref_slice %arg2[%add3A_329] : memref<16777216xf32, #tpu.memory_space<hbm>> -> memref<8192xf32, #tpu.memory_space<hbm>>
        %dma_start3A_335 = arith.constant 0 : i32
        %dma_start3A_336 = tpu.memref_slice %arg6[%dma_start3A_330, %dma_start3A_335] : memref<4x8192xf32, #tpu.memory_space<vmem>> -> memref<1x8192xf32, #tpu.memory_space<vmem>>
        %dma_start3A_337 = tpu.memref_squeeze %dma_start3A_336 : memref<1x8192xf32, #tpu.memory_space<vmem>> -> memref<8192xf32, #tpu.memory_space<vmem>>
        %dma_start3A_338 = tpu.memref_slice %arg2[%add3A_329] : memref<16777216xf32, #tpu.memory_space<hbm>> -> memref<8192xf32, #tpu.memory_space<hbm>>
        tpu.enqueue_dma source(%dma_start3A_338 : memref<8192xf32, #tpu.memory_space<hbm>>) target(%dma_start3A_337 : memref<8192xf32, #tpu.memory_space<vmem>>) target_semaphore(%arg13 : memref<!tpu.dma_semaphore, #tpu.memory_space<semaphore_mem>>)
      } else {
      }
      %scan3A_324 = arith.constant 0 : i32
      scf.yield %scan3A_324 : i32
    }
    %scan3A_59 = arith.constant 16 : i32
    %dma_wait3A = arith.constant 0 : i32
    %dma_wait3A_60 = arith.constant 0 : i32
    %dma_wait3A_61 = tpu.memref_slice %arg7[%dma_wait3A, %dma_wait3A_60] : memref<4x8192xf32, #tpu.memory_space<vmem>> -> memref<1x8192xf32, #tpu.memory_space<vmem>>
    %dma_wait3A_62 = tpu.memref_squeeze %dma_wait3A_61 : memref<1x8192xf32, #tpu.memory_space<vmem>> -> memref<8192xf32, #tpu.memory_space<vmem>>
    %dma_wait3A_63 = tpu.memref_slice %arg4[%mul3A_2] : memref<16777216xf32, #tpu.memory_space<hbm>> -> memref<8192xf32, #tpu.memory_space<hbm>>
    %dma_wait3A_64 = tpu.memref_slice %arg4[%mul3A_2] : memref<16777216xf32, #tpu.memory_space<hbm>> -> memref<8192xf32, #tpu.memory_space<hbm>>
    %dma_wait3A_65 = arith.constant 0 : i32
    %dma_wait3A_66 = tpu.memref_slice %arg7[%dma_wait3A, %dma_wait3A_65] : memref<4x8192xf32, #tpu.memory_space<vmem>> -> memref<1x8192xf32, #tpu.memory_space<vmem>>
    %dma_wait3A_67 = tpu.memref_squeeze %dma_wait3A_66 : memref<1x8192xf32, #tpu.memory_space<vmem>> -> memref<8192xf32, #tpu.memory_space<vmem>>
    tpu.wait_dma2 semaphore(%arg14 : memref<!tpu.dma_semaphore, #tpu.memory_space<semaphore_mem>>) src(%dma_wait3A_67 : memref<8192xf32, #tpu.memory_space<vmem>>) dst(%dma_wait3A_64 : memref<8192xf32, #tpu.memory_space<hbm>>)
    %dma_wait3A_68 = arith.constant 0 : i32
    %dma_wait3A_69 = arith.constant 0 : i32
    %dma_wait3A_70 = tpu.memref_slice %arg8[%dma_wait3A_68, %dma_wait3A_69] : memref<4x8192xf32, #tpu.memory_space<vmem>> -> memref<1x8192xf32, #tpu.memory_space<vmem>>
    %dma_wait3A_71 = tpu.memref_squeeze %dma_wait3A_70 : memref<1x8192xf32, #tpu.memory_space<vmem>> -> memref<8192xf32, #tpu.memory_space<vmem>>
    %dma_wait3A_72 = tpu.memref_slice %arg5[%mul3A_2] : memref<16777216xf32, #tpu.memory_space<hbm>> -> memref<8192xf32, #tpu.memory_space<hbm>>
    %dma_wait3A_73 = tpu.memref_slice %arg5[%mul3A_2] : memref<16777216xf32, #tpu.memory_space<hbm>> -> memref<8192xf32, #tpu.memory_space<hbm>>
    %dma_wait3A_74 = arith.constant 0 : i32
    %dma_wait3A_75 = tpu.memref_slice %arg8[%dma_wait3A_68, %dma_wait3A_74] : memref<4x8192xf32, #tpu.memory_space<vmem>> -> memref<1x8192xf32, #tpu.memory_space<vmem>>
    %dma_wait3A_76 = tpu.memref_squeeze %dma_wait3A_75 : memref<1x8192xf32, #tpu.memory_space<vmem>> -> memref<8192xf32, #tpu.memory_space<vmem>>
    tpu.wait_dma2 semaphore(%arg18 : memref<!tpu.dma_semaphore, #tpu.memory_space<semaphore_mem>>) src(%dma_wait3A_76 : memref<8192xf32, #tpu.memory_space<vmem>>) dst(%dma_wait3A_73 : memref<8192xf32, #tpu.memory_space<hbm>>)
    %dma_wait3A_77 = arith.constant 1 : i32
    %dma_wait3A_78 = arith.constant 0 : i32
    %dma_wait3A_79 = tpu.memref_slice %arg7[%dma_wait3A_77, %dma_wait3A_78] : memref<4x8192xf32, #tpu.memory_space<vmem>> -> memref<1x8192xf32, #tpu.memory_space<vmem>>
    %dma_wait3A_80 = tpu.memref_squeeze %dma_wait3A_79 : memref<1x8192xf32, #tpu.memory_space<vmem>> -> memref<8192xf32, #tpu.memory_space<vmem>>
    %dma_wait3A_81 = tpu.memref_slice %arg4[%mul3A_2] : memref<16777216xf32, #tpu.memory_space<hbm>> -> memref<8192xf32, #tpu.memory_space<hbm>>
    %dma_wait3A_82 = tpu.memref_slice %arg4[%mul3A_2] : memref<16777216xf32, #tpu.memory_space<hbm>> -> memref<8192xf32, #tpu.memory_space<hbm>>
    %dma_wait3A_83 = arith.constant 0 : i32
    %dma_wait3A_84 = tpu.memref_slice %arg7[%dma_wait3A_77, %dma_wait3A_83] : memref<4x8192xf32, #tpu.memory_space<vmem>> -> memref<1x8192xf32, #tpu.memory_space<vmem>>
    %dma_wait3A_85 = tpu.memref_squeeze %dma_wait3A_84 : memref<1x8192xf32, #tpu.memory_space<vmem>> -> memref<8192xf32, #tpu.memory_space<vmem>>
    tpu.wait_dma2 semaphore(%arg15 : memref<!tpu.dma_semaphore, #tpu.memory_space<semaphore_mem>>) src(%dma_wait3A_85 : memref<8192xf32, #tpu.memory_space<vmem>>) dst(%dma_wait3A_82 : memref<8192xf32, #tpu.memory_space<hbm>>)
    %dma_wait3A_86 = arith.constant 1 : i32
    %dma_wait3A_87 = arith.constant 0 : i32
    %dma_wait3A_88 = tpu.memref_slice %arg8[%dma_wait3A_86, %dma_wait3A_87] : memref<4x8192xf32, #tpu.memory_space<vmem>> -> memref<1x8192xf32, #tpu.memory_space<vmem>>
    %dma_wait3A_89 = tpu.memref_squeeze %dma_wait3A_88 : memref<1x8192xf32, #tpu.memory_space<vmem>> -> memref<8192xf32, #tpu.memory_space<vmem>>
    %dma_wait3A_90 = tpu.memref_slice %arg5[%mul3A_2] : memref<16777216xf32, #tpu.memory_space<hbm>> -> memref<8192xf32, #tpu.memory_space<hbm>>
    %dma_wait3A_91 = tpu.memref_slice %arg5[%mul3A_2] : memref<16777216xf32, #tpu.memory_space<hbm>> -> memref<8192xf32, #tpu.memory_space<hbm>>
    %dma_wait3A_92 = arith.constant 0 : i32
    %dma_wait3A_93 = tpu.memref_slice %arg8[%dma_wait3A_86, %dma_wait3A_92] : memref<4x8192xf32, #tpu.memory_space<vmem>> -> memref<1x8192xf32, #tpu.memory_space<vmem>>
    %dma_wait3A_94 = tpu.memref_squeeze %dma_wait3A_93 : memref<1x8192xf32, #tpu.memory_space<vmem>> -> memref<8192xf32, #tpu.memory_space<vmem>>
    tpu.wait_dma2 semaphore(%arg19 : memref<!tpu.dma_semaphore, #tpu.memory_space<semaphore_mem>>) src(%dma_wait3A_94 : memref<8192xf32, #tpu.memory_space<vmem>>) dst(%dma_wait3A_91 : memref<8192xf32, #tpu.memory_space<hbm>>)
    %dma_wait3A_95 = arith.constant 2 : i32
    %dma_wait3A_96 = arith.constant 0 : i32
    %dma_wait3A_97 = tpu.memref_slice %arg7[%dma_wait3A_95, %dma_wait3A_96] : memref<4x8192xf32, #tpu.memory_space<vmem>> -> memref<1x8192xf32, #tpu.memory_space<vmem>>
    %dma_wait3A_98 = tpu.memref_squeeze %dma_wait3A_97 : memref<1x8192xf32, #tpu.memory_space<vmem>> -> memref<8192xf32, #tpu.memory_space<vmem>>
    %dma_wait3A_99 = tpu.memref_slice %arg4[%mul3A_2] : memref<16777216xf32, #tpu.memory_space<hbm>> -> memref<8192xf32, #tpu.memory_space<hbm>>
    %dma_wait3A_100 = tpu.memref_slice %arg4[%mul3A_2] : memref<16777216xf32, #tpu.memory_space<hbm>> -> memref<8192xf32, #tpu.memory_space<hbm>>
    %dma_wait3A_101 = arith.constant 0 : i32
    %dma_wait3A_102 = tpu.memref_slice %arg7[%dma_wait3A_95, %dma_wait3A_101] : memref<4x8192xf32, #tpu.memory_space<vmem>> -> memref<1x8192xf32, #tpu.memory_space<vmem>>
    %dma_wait3A_103 = tpu.memref_squeeze %dma_wait3A_102 : memref<1x8192xf32, #tpu.memory_space<vmem>> -> memref<8192xf32, #tpu.memory_space<vmem>>
    tpu.wait_dma2 semaphore(%arg16 : memref<!tpu.dma_semaphore, #tpu.memory_space<semaphore_mem>>) src(%dma_wait3A_103 : memref<8192xf32, #tpu.memory_space<vmem>>) dst(%dma_wait3A_100 : memref<8192xf32, #tpu.memory_space<hbm>>)
    %dma_wait3A_104 = arith.constant 2 : i32
    %dma_wait3A_105 = arith.constant 0 : i32
    %dma_wait3A_106 = tpu.memref_slice %arg8[%dma_wait3A_104, %dma_wait3A_105] : memref<4x8192xf32, #tpu.memory_space<vmem>> -> memref<1x8192xf32, #tpu.memory_space<vmem>>
    %dma_wait3A_107 = tpu.memref_squeeze %dma_wait3A_106 : memref<1x8192xf32, #tpu.memory_space<vmem>> -> memref<8192xf32, #tpu.memory_space<vmem>>
    %dma_wait3A_108 = tpu.memref_slice %arg5[%mul3A_2] : memref<16777216xf32, #tpu.memory_space<hbm>> -> memref<8192xf32, #tpu.memory_space<hbm>>
    %dma_wait3A_109 = tpu.memref_slice %arg5[%mul3A_2] : memref<16777216xf32, #tpu.memory_space<hbm>> -> memref<8192xf32, #tpu.memory_space<hbm>>
    %dma_wait3A_110 = arith.constant 0 : i32
    %dma_wait3A_111 = tpu.memref_slice %arg8[%dma_wait3A_104, %dma_wait3A_110] : memref<4x8192xf32, #tpu.memory_space<vmem>> -> memref<1x8192xf32, #tpu.memory_space<vmem>>
    %dma_wait3A_112 = tpu.memref_squeeze %dma_wait3A_111 : memref<1x8192xf32, #tpu.memory_space<vmem>> -> memref<8192xf32, #tpu.memory_space<vmem>>
    tpu.wait_dma2 semaphore(%arg20 : memref<!tpu.dma_semaphore, #tpu.memory_space<semaphore_mem>>) src(%dma_wait3A_112 : memref<8192xf32, #tpu.memory_space<vmem>>) dst(%dma_wait3A_109 : memref<8192xf32, #tpu.memory_space<hbm>>)
    %dma_wait3A_113 = arith.constant 3 : i32
    %dma_wait3A_114 = arith.constant 0 : i32
    %dma_wait3A_115 = tpu.memref_slice %arg7[%dma_wait3A_113, %dma_wait3A_114] : memref<4x8192xf32, #tpu.memory_space<vmem>> -> memref<1x8192xf32, #tpu.memory_space<vmem>>
    %dma_wait3A_116 = tpu.memref_squeeze %dma_wait3A_115 : memref<1x8192xf32, #tpu.memory_space<vmem>> -> memref<8192xf32, #tpu.memory_space<vmem>>
    %dma_wait3A_117 = tpu.memref_slice %arg4[%mul3A_2] : memref<16777216xf32, #tpu.memory_space<hbm>> -> memref<8192xf32, #tpu.memory_space<hbm>>
    %dma_wait3A_118 = tpu.memref_slice %arg4[%mul3A_2] : memref<16777216xf32, #tpu.memory_space<hbm>> -> memref<8192xf32, #tpu.memory_space<hbm>>
    %dma_wait3A_119 = arith.constant 0 : i32
    %dma_wait3A_120 = tpu.memref_slice %arg7[%dma_wait3A_113, %dma_wait3A_119] : memref<4x8192xf32, #tpu.memory_space<vmem>> -> memref<1x8192xf32, #tpu.memory_space<vmem>>
    %dma_wait3A_121 = tpu.memref_squeeze %dma_wait3A_120 : memref<1x8192xf32, #tpu.memory_space<vmem>> -> memref<8192xf32, #tpu.memory_space<vmem>>
    tpu.wait_dma2 semaphore(%arg17 : memref<!tpu.dma_semaphore, #tpu.memory_space<semaphore_mem>>) src(%dma_wait3A_121 : memref<8192xf32, #tpu.memory_space<vmem>>) dst(%dma_wait3A_118 : memref<8192xf32, #tpu.memory_space<hbm>>)
    %dma_wait3A_122 = arith.constant 3 : i32
    %dma_wait3A_123 = arith.constant 0 : i32
    %dma_wait3A_124 = tpu.memref_slice %arg8[%dma_wait3A_122, %dma_wait3A_123] : memref<4x8192xf32, #tpu.memory_space<vmem>> -> memref<1x8192xf32, #tpu.memory_space<vmem>>
    %dma_wait3A_125 = tpu.memref_squeeze %dma_wait3A_124 : memref<1x8192xf32, #tpu.memory_space<vmem>> -> memref<8192xf32, #tpu.memory_space<vmem>>
    %dma_wait3A_126 = tpu.memref_slice %arg5[%mul3A_2] : memref<16777216xf32, #tpu.memory_space<hbm>> -> memref<8192xf32, #tpu.memory_space<hbm>>
    %dma_wait3A_127 = tpu.memref_slice %arg5[%mul3A_2] : memref<16777216xf32, #tpu.memory_space<hbm>> -> memref<8192xf32, #tpu.memory_space<hbm>>
    %dma_wait3A_128 = arith.constant 0 : i32
    %dma_wait3A_129 = tpu.memref_slice %arg8[%dma_wait3A_122, %dma_wait3A_128] : memref<4x8192xf32, #tpu.memory_space<vmem>> -> memref<1x8192xf32, #tpu.memory_space<vmem>>
    %dma_wait3A_130 = tpu.memref_squeeze %dma_wait3A_129 : memref<1x8192xf32, #tpu.memory_space<vmem>> -> memref<8192xf32, #tpu.memory_space<vmem>>
    tpu.wait_dma2 semaphore(%arg21 : memref<!tpu.dma_semaphore, #tpu.memory_space<semaphore_mem>>) src(%dma_wait3A_130 : memref<8192xf32, #tpu.memory_space<vmem>>) dst(%dma_wait3A_127 : memref<8192xf32, #tpu.memory_space<hbm>>)
    return
  }
}

#map = affine_map<(d0, d1) -> (0)>
#map1 = affine_map<(d0, d1) -> (0, 0)>
module attributes {stable_mosaic.version = 14 : i64} {
  func.func @hist_pass(%arg0: i32, %arg1: i32, %arg2: memref<16777216xf32, #tpu.memory_space<hbm>>, %arg3: memref<16xi32, #tpu.memory_space<hbm>>, %arg4: memref<32x8192xi32, #tpu.memory_space<hbm>>, %arg5: memref<4x16384xf32, #tpu.memory_space<vmem>>, %arg6: memref<16xi32, #tpu.memory_space<vmem>>, %arg7: memref<8192xi32, #tpu.memory_space<vmem>>, %arg8: memref<!tpu.dma_semaphore, #tpu.memory_space<semaphore_mem>>, %arg9: memref<!tpu.dma_semaphore, #tpu.memory_space<semaphore_mem>>, %arg10: memref<!tpu.dma_semaphore, #tpu.memory_space<semaphore_mem>>, %arg11: memref<!tpu.dma_semaphore, #tpu.memory_space<semaphore_mem>>) attributes {dimension_semantics = [#tpu.dimension_semantics<core_parallel>, #tpu.dimension_semantics<subcore_parallel>], iteration_bounds = array<i64: 2, 16>, scalar_prefetch = 0 : i64, scratch_operands = 7 : i64, tpu.core_type = #tpu.core_type<sc_vector_subcore>, window_params = [{transform_indices = #map}, {transform_indices = #map}, {transform_indices = #map1}]} {
    %mul3A = arith.constant 2 : i32
    %mul3A_0 = arith.muli %arg1, %mul3A : i32
    %add3A = arith.addi %mul3A_0, %arg0 : i32
    %mul3A_1 = arith.constant 524288 : i32
    %mul3A_2 = arith.muli %add3A, %mul3A_1 : i32
    %add3A_3 = arith.constant 0 : i32
    %add3A_4 = arith.addi %mul3A_2, %add3A_3 : i32
    %dma_start3A = arith.constant 0 : i32
    %dma_start3A_5 = arith.constant 0 : i32
    %dma_start3A_6 = tpu.memref_slice %arg5[%dma_start3A, %dma_start3A_5] : memref<4x16384xf32, #tpu.memory_space<vmem>> -> memref<1x16384xf32, #tpu.memory_space<vmem>>
    %dma_start3A_7 = tpu.memref_squeeze %dma_start3A_6 : memref<1x16384xf32, #tpu.memory_space<vmem>> -> memref<16384xf32, #tpu.memory_space<vmem>>
    %dma_start3A_8 = tpu.memref_slice %arg2[%add3A_4] : memref<16777216xf32, #tpu.memory_space<hbm>> -> memref<16384xf32, #tpu.memory_space<hbm>>
    %dma_start3A_9 = arith.constant 0 : i32
    %dma_start3A_10 = tpu.memref_slice %arg5[%dma_start3A, %dma_start3A_9] : memref<4x16384xf32, #tpu.memory_space<vmem>> -> memref<1x16384xf32, #tpu.memory_space<vmem>>
    %dma_start3A_11 = tpu.memref_squeeze %dma_start3A_10 : memref<1x16384xf32, #tpu.memory_space<vmem>> -> memref<16384xf32, #tpu.memory_space<vmem>>
    %dma_start3A_12 = tpu.memref_slice %arg2[%add3A_4] : memref<16777216xf32, #tpu.memory_space<hbm>> -> memref<16384xf32, #tpu.memory_space<hbm>>
    tpu.enqueue_dma source(%dma_start3A_12 : memref<16384xf32, #tpu.memory_space<hbm>>) target(%dma_start3A_11 : memref<16384xf32, #tpu.memory_space<vmem>>) target_semaphore(%arg8 : memref<!tpu.dma_semaphore, #tpu.memory_space<semaphore_mem>>)
    %add3A_13 = arith.constant 16384 : i32
    %add3A_14 = arith.addi %mul3A_2, %add3A_13 : i32
    %dma_start3A_15 = arith.constant 1 : i32
    %dma_start3A_16 = arith.constant 0 : i32
    %dma_start3A_17 = tpu.memref_slice %arg5[%dma_start3A_15, %dma_start3A_16] : memref<4x16384xf32, #tpu.memory_space<vmem>> -> memref<1x16384xf32, #tpu.memory_space<vmem>>
    %dma_start3A_18 = tpu.memref_squeeze %dma_start3A_17 : memref<1x16384xf32, #tpu.memory_space<vmem>> -> memref<16384xf32, #tpu.memory_space<vmem>>
    %dma_start3A_19 = tpu.memref_slice %arg2[%add3A_14] : memref<16777216xf32, #tpu.memory_space<hbm>> -> memref<16384xf32, #tpu.memory_space<hbm>>
    %dma_start3A_20 = arith.constant 0 : i32
    %dma_start3A_21 = tpu.memref_slice %arg5[%dma_start3A_15, %dma_start3A_20] : memref<4x16384xf32, #tpu.memory_space<vmem>> -> memref<1x16384xf32, #tpu.memory_space<vmem>>
    %dma_start3A_22 = tpu.memref_squeeze %dma_start3A_21 : memref<1x16384xf32, #tpu.memory_space<vmem>> -> memref<16384xf32, #tpu.memory_space<vmem>>
    %dma_start3A_23 = tpu.memref_slice %arg2[%add3A_14] : memref<16777216xf32, #tpu.memory_space<hbm>> -> memref<16384xf32, #tpu.memory_space<hbm>>
    tpu.enqueue_dma source(%dma_start3A_23 : memref<16384xf32, #tpu.memory_space<hbm>>) target(%dma_start3A_22 : memref<16384xf32, #tpu.memory_space<vmem>>) target_semaphore(%arg9 : memref<!tpu.dma_semaphore, #tpu.memory_space<semaphore_mem>>)
    %add3A_24 = arith.constant 32768 : i32
    %add3A_25 = arith.addi %mul3A_2, %add3A_24 : i32
    %dma_start3A_26 = arith.constant 2 : i32
    %dma_start3A_27 = arith.constant 0 : i32
    %dma_start3A_28 = tpu.memref_slice %arg5[%dma_start3A_26, %dma_start3A_27] : memref<4x16384xf32, #tpu.memory_space<vmem>> -> memref<1x16384xf32, #tpu.memory_space<vmem>>
    %dma_start3A_29 = tpu.memref_squeeze %dma_start3A_28 : memref<1x16384xf32, #tpu.memory_space<vmem>> -> memref<16384xf32, #tpu.memory_space<vmem>>
    %dma_start3A_30 = tpu.memref_slice %arg2[%add3A_25] : memref<16777216xf32, #tpu.memory_space<hbm>> -> memref<16384xf32, #tpu.memory_space<hbm>>
    %dma_start3A_31 = arith.constant 0 : i32
    %dma_start3A_32 = tpu.memref_slice %arg5[%dma_start3A_26, %dma_start3A_31] : memref<4x16384xf32, #tpu.memory_space<vmem>> -> memref<1x16384xf32, #tpu.memory_space<vmem>>
    %dma_start3A_33 = tpu.memref_squeeze %dma_start3A_32 : memref<1x16384xf32, #tpu.memory_space<vmem>> -> memref<16384xf32, #tpu.memory_space<vmem>>
    %dma_start3A_34 = tpu.memref_slice %arg2[%add3A_25] : memref<16777216xf32, #tpu.memory_space<hbm>> -> memref<16384xf32, #tpu.memory_space<hbm>>
    tpu.enqueue_dma source(%dma_start3A_34 : memref<16384xf32, #tpu.memory_space<hbm>>) target(%dma_start3A_33 : memref<16384xf32, #tpu.memory_space<vmem>>) target_semaphore(%arg10 : memref<!tpu.dma_semaphore, #tpu.memory_space<semaphore_mem>>)
    %add3A_35 = arith.constant 49152 : i32
    %add3A_36 = arith.addi %mul3A_2, %add3A_35 : i32
    %dma_start3A_37 = arith.constant 3 : i32
    %dma_start3A_38 = arith.constant 0 : i32
    %dma_start3A_39 = tpu.memref_slice %arg5[%dma_start3A_37, %dma_start3A_38] : memref<4x16384xf32, #tpu.memory_space<vmem>> -> memref<1x16384xf32, #tpu.memory_space<vmem>>
    %dma_start3A_40 = tpu.memref_squeeze %dma_start3A_39 : memref<1x16384xf32, #tpu.memory_space<vmem>> -> memref<16384xf32, #tpu.memory_space<vmem>>
    %dma_start3A_41 = tpu.memref_slice %arg2[%add3A_36] : memref<16777216xf32, #tpu.memory_space<hbm>> -> memref<16384xf32, #tpu.memory_space<hbm>>
    %dma_start3A_42 = arith.constant 0 : i32
    %dma_start3A_43 = tpu.memref_slice %arg5[%dma_start3A_37, %dma_start3A_42] : memref<4x16384xf32, #tpu.memory_space<vmem>> -> memref<1x16384xf32, #tpu.memory_space<vmem>>
    %dma_start3A_44 = tpu.memref_squeeze %dma_start3A_43 : memref<1x16384xf32, #tpu.memory_space<vmem>> -> memref<16384xf32, #tpu.memory_space<vmem>>
    %dma_start3A_45 = tpu.memref_slice %arg2[%add3A_36] : memref<16777216xf32, #tpu.memory_space<hbm>> -> memref<16384xf32, #tpu.memory_space<hbm>>
    tpu.enqueue_dma source(%dma_start3A_45 : memref<16384xf32, #tpu.memory_space<hbm>>) target(%dma_start3A_44 : memref<16384xf32, #tpu.memory_space<vmem>>) target_semaphore(%arg11 : memref<!tpu.dma_semaphore, #tpu.memory_space<semaphore_mem>>)
    "tpu.region"() ({
      %run_scoped3A = tpu.sem_alloc : memref<!tpu.dma_semaphore, #tpu.memory_space<semaphore_mem>>
      tpu.enqueue_dma source(%arg3 : memref<16xi32, #tpu.memory_space<hbm>>) target(%arg6 : memref<16xi32, #tpu.memory_space<vmem>>) target_semaphore(%run_scoped3A : memref<!tpu.dma_semaphore, #tpu.memory_space<semaphore_mem>>)
      tpu.wait_dma2 semaphore(%run_scoped3A : memref<!tpu.dma_semaphore, #tpu.memory_space<semaphore_mem>>) src(%arg3 : memref<16xi32, #tpu.memory_space<hbm>>) dst(%arg6 : memref<16xi32, #tpu.memory_space<vmem>>)
      tpu.yield
    }) : () -> ()
    %broadcast_in_dim3A = arith.constant 0 : i32
    %broadcast_in_dim3A_46 = vector.broadcast %broadcast_in_dim3A : i32 to vector<16xi32>
    %parallel_loop3A = arith.constant 0 : i32
    %parallel_loop3A_47 = arith.constant 512 : i32
    %parallel_loop3A_48 = arith.constant 1 : i32
    scf.for %parallel_loop3A_58 = %parallel_loop3A to %parallel_loop3A_47 step %parallel_loop3A_48  : i32 {
      %parallel_loop3A_59 = arith.constant 16 : i32
      %parallel_loop3A_60 = arith.muli %parallel_loop3A_58, %parallel_loop3A_59 : i32
      %parallel_loop3A_61 = arith.index_cast %parallel_loop3A_60 : i32 to index
      %parallel_loop3A_62 = tpu.vector_load %arg7[%parallel_loop3A_61] {strides = array<i32>} : memref<8192xi32, #tpu.memory_space<vmem>>, vector<16xi32>,
      tpu.vector_store %arg7[%parallel_loop3A_61], %broadcast_in_dim3A_46 {strides = array<i32>} : memref<8192xi32, #tpu.memory_space<vmem>>, vector<16xi32>,
    } {sc.loop_unroll_factor = 8 : i64, sc.parallel_access}
    %get3A = arith.constant 0 : index
    %get3A_49 = tpu.vector_load %arg6[%get3A] {strides = array<i32>} : memref<16xi32, #tpu.memory_space<vmem>>, vector<16xi32>,
    %iota3A = tpu.iota {dimensions = array<i32: 0>} : vector<16xi32>
    %broadcast_in_dim3A_50 = arith.constant 1 : i32
    %broadcast_in_dim3A_51 = vector.broadcast %broadcast_in_dim3A_50 : i32 to vector<16xi32>
    %scan3A = arith.constant 0 : i32
    %scan3A_52 = arith.constant 0 : i32
    %scan3A_53 = arith.constant 8 : i32
    %scan3A_54 = arith.addi %scan3A_52, %scan3A_53 : i32
    %scan3A_55 = arith.constant 1 : i32
    %scan3A_56 = scf.for %scan3A_58 = %scan3A_52 to %scan3A_54 step %scan3A_55 iter_args(%scan3A_59 = %scan3A) -> (i32)  : i32 {
      %mul3A_60 = arith.constant 4 : i32
      %mul3A_61 = arith.muli %scan3A_58, %mul3A_60 : i32
      %add3A_62 = arith.constant 0 : i32
      %add3A_63 = arith.addi %mul3A_61, %add3A_62 : i32
      %mul3A_64 = arith.constant 16384 : i32
      %mul3A_65 = arith.muli %add3A_63, %mul3A_64 : i32
      %add3A_66 = arith.addi %mul3A_2, %mul3A_65 : i32
      %dma_wait3A = arith.constant 0 : i32
      %dma_wait3A_67 = arith.constant 0 : i32
      %dma_wait3A_68 = tpu.memref_slice %arg5[%dma_wait3A, %dma_wait3A_67] : memref<4x16384xf32, #tpu.memory_space<vmem>> -> memref<1x16384xf32, #tpu.memory_space<vmem>>
      %dma_wait3A_69 = tpu.memref_squeeze %dma_wait3A_68 : memref<1x16384xf32, #tpu.memory_space<vmem>> -> memref<16384xf32, #tpu.memory_space<vmem>>
      %dma_wait3A_70 = tpu.memref_slice %arg2[%add3A_66] : memref<16777216xf32, #tpu.memory_space<hbm>> -> memref<16384xf32, #tpu.memory_space<hbm>>
      %dma_wait3A_71 = arith.constant 0 : i32
      %dma_wait3A_72 = tpu.memref_slice %arg5[%dma_wait3A, %dma_wait3A_71] : memref<4x16384xf32, #tpu.memory_space<vmem>> -> memref<1x16384xf32, #tpu.memory_space<vmem>>
      %dma_wait3A_73 = tpu.memref_squeeze %dma_wait3A_72 : memref<1x16384xf32, #tpu.memory_space<vmem>> -> memref<16384xf32, #tpu.memory_space<vmem>>
      %dma_wait3A_74 = tpu.memref_slice %arg2[%add3A_66] : memref<16777216xf32, #tpu.memory_space<hbm>> -> memref<16384xf32, #tpu.memory_space<hbm>>
      tpu.wait_dma2 semaphore(%arg8 : memref<!tpu.dma_semaphore, #tpu.memory_space<semaphore_mem>>) src(%dma_wait3A_74 : memref<16384xf32, #tpu.memory_space<hbm>>) dst(%dma_wait3A_73 : memref<16384xf32, #tpu.memory_space<vmem>>)
      %parallel_loop3A_75 = arith.constant 0 : i32
      %parallel_loop3A_76 = arith.constant 1024 : i32
      %parallel_loop3A_77 = arith.constant 1 : i32
      scf.for %parallel_loop3A_161 = %parallel_loop3A_75 to %parallel_loop3A_76 step %parallel_loop3A_77  : i32 {
        %parallel_loop3A_162 = arith.constant 16 : i32
        %parallel_loop3A_163 = arith.muli %parallel_loop3A_161, %parallel_loop3A_162 : i32
        %parallel_loop3A_164 = arith.constant 0 : i32
        %parallel_loop3A_165 = arith.index_cast %parallel_loop3A_164 : i32 to index
        %parallel_loop3A_166 = arith.index_cast %parallel_loop3A_163 : i32 to index
        %parallel_loop3A_167 = tpu.vector_load %arg5[%parallel_loop3A_165, %parallel_loop3A_166] {strides = array<i32>} : memref<4x16384xf32, #tpu.memory_space<vmem>>, vector<16xf32>,
        %parallel_loop3A_168 = math.absf %parallel_loop3A_167 : vector<16xf32>
        %parallel_loop3A_169 = vector.bitcast %parallel_loop3A_168 : vector<16xf32> to vector<16xi32>
        %parallel_loop3A_170 = arith.constant 9 : i32
        %parallel_loop3A_171 = vector.broadcast %parallel_loop3A_170 : i32 to vector<16xi32>
        %parallel_loop3A_172 = arith.shrui %parallel_loop3A_169, %parallel_loop3A_171 : vector<16xi32>
        %parallel_loop3A_173 = arith.cmpi eq, %parallel_loop3A_172, %get3A_49 : vector<16xi32>
        %parallel_loop3A_174 = arith.constant 0 : i32
        %parallel_loop3A_175 = vector.broadcast %parallel_loop3A_174 : i32 to vector<16xi32>
        %parallel_loop3A_176 = arith.shrui %parallel_loop3A_169, %parallel_loop3A_175 : vector<16xi32>
        %parallel_loop3A_177 = arith.constant 511 : i32
        %parallel_loop3A_178 = vector.broadcast %parallel_loop3A_177 : i32 to vector<16xi32>
        %parallel_loop3A_179 = arith.andi %parallel_loop3A_176, %parallel_loop3A_178 : vector<16xi32>
        %parallel_loop3A_180 = arith.constant 4 : i32
        %parallel_loop3A_181 = vector.broadcast %parallel_loop3A_180 : i32 to vector<16xi32>
        %parallel_loop3A_182 = arith.shli %parallel_loop3A_179, %parallel_loop3A_181 : vector<16xi32>
        %parallel_loop3A_183 = arith.addi %parallel_loop3A_182, %iota3A : vector<16xi32>
        tpu.vector_store_idx %arg7[%parallel_loop3A_183], %broadcast_in_dim3A_51 masked %parallel_loop3A_173 {add = true} : memref<8192xi32, #tpu.memory_space<vmem>>[vector<16xi32>], vector<16xi32>, vector<16xi1>
      } {sc.loop_unroll_factor = 8 : i64, sc.parallel_access}
      %add3A_78 = arith.constant 4 : i32
      %add3A_79 = arith.addi %add3A_63, %add3A_78 : i32
      %lt3A = arith.constant 32 : i32
      %lt3A_80 = arith.cmpi slt, %add3A_79, %lt3A : i32
      %convert_element_type3A = arith.extui %lt3A_80 : i1 to i32
      %cond3A = arith.constant 0 : i32
      %cond3A_81 = arith.cmpi ne, %convert_element_type3A, %cond3A : i32
      scf.if %cond3A_81 {
        %add3A_161 = arith.constant 4 : i32
        %add3A_162 = arith.addi %add3A_63, %add3A_161 : i32
        %mul3A_163 = arith.constant 16384 : i32
        %mul3A_164 = arith.muli %add3A_162, %mul3A_163 : i32
        %add3A_165 = arith.addi %mul3A_2, %mul3A_164 : i32
        %dma_start3A_166 = arith.constant 0 : i32
        %dma_start3A_167 = arith.constant 0 : i32
        %dma_start3A_168 = tpu.memref_slice %arg5[%dma_start3A_166, %dma_start3A_167] : memref<4x16384xf32, #tpu.memory_space<vmem>> -> memref<1x16384xf32, #tpu.memory_space<vmem>>
        %dma_start3A_169 = tpu.memref_squeeze %dma_start3A_168 : memref<1x16384xf32, #tpu.memory_space<vmem>> -> memref<16384xf32, #tpu.memory_space<vmem>>
        %dma_start3A_170 = tpu.memref_slice %arg2[%add3A_165] : memref<16777216xf32, #tpu.memory_space<hbm>> -> memref<16384xf32, #tpu.memory_space<hbm>>
        %dma_start3A_171 = arith.constant 0 : i32
        %dma_start3A_172 = tpu.memref_slice %arg5[%dma_start3A_166, %dma_start3A_171] : memref<4x16384xf32, #tpu.memory_space<vmem>> -> memref<1x16384xf32, #tpu.memory_space<vmem>>
        %dma_start3A_173 = tpu.memref_squeeze %dma_start3A_172 : memref<1x16384xf32, #tpu.memory_space<vmem>> -> memref<16384xf32, #tpu.memory_space<vmem>>
        %dma_start3A_174 = tpu.memref_slice %arg2[%add3A_165] : memref<16777216xf32, #tpu.memory_space<hbm>> -> memref<16384xf32, #tpu.memory_space<hbm>>
        tpu.enqueue_dma source(%dma_start3A_174 : memref<16384xf32, #tpu.memory_space<hbm>>) target(%dma_start3A_173 : memref<16384xf32, #tpu.memory_space<vmem>>) target_semaphore(%arg8 : memref<!tpu.dma_semaphore, #tpu.memory_space<semaphore_mem>>)
      } else {
      }
      %mul3A_82 = arith.constant 4 : i32
      %mul3A_83 = arith.muli %scan3A_58, %mul3A_82 : i32
      %add3A_84 = arith.constant 1 : i32
      %add3A_85 = arith.addi %mul3A_83, %add3A_84 : i32
      %mul3A_86 = arith.constant 16384 : i32
      %mul3A_87 = arith.muli %add3A_85, %mul3A_86 : i32
      %add3A_88 = arith.addi %mul3A_2, %mul3A_87 : i32
      %dma_wait3A_89 = arith.constant 1 : i32
      %dma_wait3A_90 = arith.constant 0 : i32
      %dma_wait3A_91 = tpu.memref_slice %arg5[%dma_wait3A_89, %dma_wait3A_90] : memref<4x16384xf32, #tpu.memory_space<vmem>> -> memref<1x16384xf32, #tpu.memory_space<vmem>>
      %dma_wait3A_92 = tpu.memref_squeeze %dma_wait3A_91 : memref<1x16384xf32, #tpu.memory_space<vmem>> -> memref<16384xf32, #tpu.memory_space<vmem>>
      %dma_wait3A_93 = tpu.memref_slice %arg2[%add3A_88] : memref<16777216xf32, #tpu.memory_space<hbm>> -> memref<16384xf32, #tpu.memory_space<hbm>>
      %dma_wait3A_94 = arith.constant 0 : i32
      %dma_wait3A_95 = tpu.memref_slice %arg5[%dma_wait3A_89, %dma_wait3A_94] : memref<4x16384xf32, #tpu.memory_space<vmem>> -> memref<1x16384xf32, #tpu.memory_space<vmem>>
      %dma_wait3A_96 = tpu.memref_squeeze %dma_wait3A_95 : memref<1x16384xf32, #tpu.memory_space<vmem>> -> memref<16384xf32, #tpu.memory_space<vmem>>
      %dma_wait3A_97 = tpu.memref_slice %arg2[%add3A_88] : memref<16777216xf32, #tpu.memory_space<hbm>> -> memref<16384xf32, #tpu.memory_space<hbm>>
      tpu.wait_dma2 semaphore(%arg9 : memref<!tpu.dma_semaphore, #tpu.memory_space<semaphore_mem>>) src(%dma_wait3A_97 : memref<16384xf32, #tpu.memory_space<hbm>>) dst(%dma_wait3A_96 : memref<16384xf32, #tpu.memory_space<vmem>>)
      %parallel_loop3A_98 = arith.constant 0 : i32
      %parallel_loop3A_99 = arith.constant 1024 : i32
      %parallel_loop3A_100 = arith.constant 1 : i32
      scf.for %parallel_loop3A_161 = %parallel_loop3A_98 to %parallel_loop3A_99 step %parallel_loop3A_100  : i32 {
        %parallel_loop3A_162 = arith.constant 16 : i32
        %parallel_loop3A_163 = arith.muli %parallel_loop3A_161, %parallel_loop3A_162 : i32
        %parallel_loop3A_164 = arith.constant 1 : i32
        %parallel_loop3A_165 = arith.index_cast %parallel_loop3A_164 : i32 to index
        %parallel_loop3A_166 = arith.index_cast %parallel_loop3A_163 : i32 to index
        %parallel_loop3A_167 = tpu.vector_load %arg5[%parallel_loop3A_165, %parallel_loop3A_166] {strides = array<i32>} : memref<4x16384xf32, #tpu.memory_space<vmem>>, vector<16xf32>,
        %parallel_loop3A_168 = math.absf %parallel_loop3A_167 : vector<16xf32>
        %parallel_loop3A_169 = vector.bitcast %parallel_loop3A_168 : vector<16xf32> to vector<16xi32>
        %parallel_loop3A_170 = arith.constant 9 : i32
        %parallel_loop3A_171 = vector.broadcast %parallel_loop3A_170 : i32 to vector<16xi32>
        %parallel_loop3A_172 = arith.shrui %parallel_loop3A_169, %parallel_loop3A_171 : vector<16xi32>
        %parallel_loop3A_173 = arith.cmpi eq, %parallel_loop3A_172, %get3A_49 : vector<16xi32>
        %parallel_loop3A_174 = arith.constant 0 : i32
        %parallel_loop3A_175 = vector.broadcast %parallel_loop3A_174 : i32 to vector<16xi32>
        %parallel_loop3A_176 = arith.shrui %parallel_loop3A_169, %parallel_loop3A_175 : vector<16xi32>
        %parallel_loop3A_177 = arith.constant 511 : i32
        %parallel_loop3A_178 = vector.broadcast %parallel_loop3A_177 : i32 to vector<16xi32>
        %parallel_loop3A_179 = arith.andi %parallel_loop3A_176, %parallel_loop3A_178 : vector<16xi32>
        %parallel_loop3A_180 = arith.constant 4 : i32
        %parallel_loop3A_181 = vector.broadcast %parallel_loop3A_180 : i32 to vector<16xi32>
        %parallel_loop3A_182 = arith.shli %parallel_loop3A_179, %parallel_loop3A_181 : vector<16xi32>
        %parallel_loop3A_183 = arith.addi %parallel_loop3A_182, %iota3A : vector<16xi32>
        tpu.vector_store_idx %arg7[%parallel_loop3A_183], %broadcast_in_dim3A_51 masked %parallel_loop3A_173 {add = true} : memref<8192xi32, #tpu.memory_space<vmem>>[vector<16xi32>], vector<16xi32>, vector<16xi1>
      } {sc.loop_unroll_factor = 8 : i64, sc.parallel_access}
      %add3A_101 = arith.constant 4 : i32
      %add3A_102 = arith.addi %add3A_85, %add3A_101 : i32
      %lt3A_103 = arith.constant 32 : i32
      %lt3A_104 = arith.cmpi slt, %add3A_102, %lt3A_103 : i32
      %convert_element_type3A_105 = arith.extui %lt3A_104 : i1 to i32
      %cond3A_106 = arith.constant 0 : i32
      %cond3A_107 = arith.cmpi ne, %convert_element_type3A_105, %cond3A_106 : i32
      scf.if %cond3A_107 {
        %add3A_161 = arith.constant 4 : i32
        %add3A_162 = arith.addi %add3A_85, %add3A_161 : i32
        %mul3A_163 = arith.constant 16384 : i32
        %mul3A_164 = arith.muli %add3A_162, %mul3A_163 : i32
        %add3A_165 = arith.addi %mul3A_2, %mul3A_164 : i32
        %dma_start3A_166 = arith.constant 1 : i32
        %dma_start3A_167 = arith.constant 0 : i32
        %dma_start3A_168 = tpu.memref_slice %arg5[%dma_start3A_166, %dma_start3A_167] : memref<4x16384xf32, #tpu.memory_space<vmem>> -> memref<1x16384xf32, #tpu.memory_space<vmem>>
        %dma_start3A_169 = tpu.memref_squeeze %dma_start3A_168 : memref<1x16384xf32, #tpu.memory_space<vmem>> -> memref<16384xf32, #tpu.memory_space<vmem>>
        %dma_start3A_170 = tpu.memref_slice %arg2[%add3A_165] : memref<16777216xf32, #tpu.memory_space<hbm>> -> memref<16384xf32, #tpu.memory_space<hbm>>
        %dma_start3A_171 = arith.constant 0 : i32
        %dma_start3A_172 = tpu.memref_slice %arg5[%dma_start3A_166, %dma_start3A_171] : memref<4x16384xf32, #tpu.memory_space<vmem>> -> memref<1x16384xf32, #tpu.memory_space<vmem>>
        %dma_start3A_173 = tpu.memref_squeeze %dma_start3A_172 : memref<1x16384xf32, #tpu.memory_space<vmem>> -> memref<16384xf32, #tpu.memory_space<vmem>>
        %dma_start3A_174 = tpu.memref_slice %arg2[%add3A_165] : memref<16777216xf32, #tpu.memory_space<hbm>> -> memref<16384xf32, #tpu.memory_space<hbm>>
        tpu.enqueue_dma source(%dma_start3A_174 : memref<16384xf32, #tpu.memory_space<hbm>>) target(%dma_start3A_173 : memref<16384xf32, #tpu.memory_space<vmem>>) target_semaphore(%arg9 : memref<!tpu.dma_semaphore, #tpu.memory_space<semaphore_mem>>)
      } else {
      }
      %mul3A_108 = arith.constant 4 : i32
      %mul3A_109 = arith.muli %scan3A_58, %mul3A_108 : i32
      %add3A_110 = arith.constant 2 : i32
      %add3A_111 = arith.addi %mul3A_109, %add3A_110 : i32
      %mul3A_112 = arith.constant 16384 : i32
      %mul3A_113 = arith.muli %add3A_111, %mul3A_112 : i32
      %add3A_114 = arith.addi %mul3A_2, %mul3A_113 : i32
      %dma_wait3A_115 = arith.constant 2 : i32
      %dma_wait3A_116 = arith.constant 0 : i32
      %dma_wait3A_117 = tpu.memref_slice %arg5[%dma_wait3A_115, %dma_wait3A_116] : memref<4x16384xf32, #tpu.memory_space<vmem>> -> memref<1x16384xf32, #tpu.memory_space<vmem>>
      %dma_wait3A_118 = tpu.memref_squeeze %dma_wait3A_117 : memref<1x16384xf32, #tpu.memory_space<vmem>> -> memref<16384xf32, #tpu.memory_space<vmem>>
      %dma_wait3A_119 = tpu.memref_slice %arg2[%add3A_114] : memref<16777216xf32, #tpu.memory_space<hbm>> -> memref<16384xf32, #tpu.memory_space<hbm>>
      %dma_wait3A_120 = arith.constant 0 : i32
      %dma_wait3A_121 = tpu.memref_slice %arg5[%dma_wait3A_115, %dma_wait3A_120] : memref<4x16384xf32, #tpu.memory_space<vmem>> -> memref<1x16384xf32, #tpu.memory_space<vmem>>
      %dma_wait3A_122 = tpu.memref_squeeze %dma_wait3A_121 : memref<1x16384xf32, #tpu.memory_space<vmem>> -> memref<16384xf32, #tpu.memory_space<vmem>>
      %dma_wait3A_123 = tpu.memref_slice %arg2[%add3A_114] : memref<16777216xf32, #tpu.memory_space<hbm>> -> memref<16384xf32, #tpu.memory_space<hbm>>
      tpu.wait_dma2 semaphore(%arg10 : memref<!tpu.dma_semaphore, #tpu.memory_space<semaphore_mem>>) src(%dma_wait3A_123 : memref<16384xf32, #tpu.memory_space<hbm>>) dst(%dma_wait3A_122 : memref<16384xf32, #tpu.memory_space<vmem>>)
      %parallel_loop3A_124 = arith.constant 0 : i32
      %parallel_loop3A_125 = arith.constant 1024 : i32
      %parallel_loop3A_126 = arith.constant 1 : i32
      scf.for %parallel_loop3A_161 = %parallel_loop3A_124 to %parallel_loop3A_125 step %parallel_loop3A_126  : i32 {
        %parallel_loop3A_162 = arith.constant 16 : i32
        %parallel_loop3A_163 = arith.muli %parallel_loop3A_161, %parallel_loop3A_162 : i32
        %parallel_loop3A_164 = arith.constant 2 : i32
        %parallel_loop3A_165 = arith.index_cast %parallel_loop3A_164 : i32 to index
        %parallel_loop3A_166 = arith.index_cast %parallel_loop3A_163 : i32 to index
        %parallel_loop3A_167 = tpu.vector_load %arg5[%parallel_loop3A_165, %parallel_loop3A_166] {strides = array<i32>} : memref<4x16384xf32, #tpu.memory_space<vmem>>, vector<16xf32>,
        %parallel_loop3A_168 = math.absf %parallel_loop3A_167 : vector<16xf32>
        %parallel_loop3A_169 = vector.bitcast %parallel_loop3A_168 : vector<16xf32> to vector<16xi32>
        %parallel_loop3A_170 = arith.constant 9 : i32
        %parallel_loop3A_171 = vector.broadcast %parallel_loop3A_170 : i32 to vector<16xi32>
        %parallel_loop3A_172 = arith.shrui %parallel_loop3A_169, %parallel_loop3A_171 : vector<16xi32>
        %parallel_loop3A_173 = arith.cmpi eq, %parallel_loop3A_172, %get3A_49 : vector<16xi32>
        %parallel_loop3A_174 = arith.constant 0 : i32
        %parallel_loop3A_175 = vector.broadcast %parallel_loop3A_174 : i32 to vector<16xi32>
        %parallel_loop3A_176 = arith.shrui %parallel_loop3A_169, %parallel_loop3A_175 : vector<16xi32>
        %parallel_loop3A_177 = arith.constant 511 : i32
        %parallel_loop3A_178 = vector.broadcast %parallel_loop3A_177 : i32 to vector<16xi32>
        %parallel_loop3A_179 = arith.andi %parallel_loop3A_176, %parallel_loop3A_178 : vector<16xi32>
        %parallel_loop3A_180 = arith.constant 4 : i32
        %parallel_loop3A_181 = vector.broadcast %parallel_loop3A_180 : i32 to vector<16xi32>
        %parallel_loop3A_182 = arith.shli %parallel_loop3A_179, %parallel_loop3A_181 : vector<16xi32>
        %parallel_loop3A_183 = arith.addi %parallel_loop3A_182, %iota3A : vector<16xi32>
        tpu.vector_store_idx %arg7[%parallel_loop3A_183], %broadcast_in_dim3A_51 masked %parallel_loop3A_173 {add = true} : memref<8192xi32, #tpu.memory_space<vmem>>[vector<16xi32>], vector<16xi32>, vector<16xi1>
      } {sc.loop_unroll_factor = 8 : i64, sc.parallel_access}
      %add3A_127 = arith.constant 4 : i32
      %add3A_128 = arith.addi %add3A_111, %add3A_127 : i32
      %lt3A_129 = arith.constant 32 : i32
      %lt3A_130 = arith.cmpi slt, %add3A_128, %lt3A_129 : i32
      %convert_element_type3A_131 = arith.extui %lt3A_130 : i1 to i32
      %cond3A_132 = arith.constant 0 : i32
      %cond3A_133 = arith.cmpi ne, %convert_element_type3A_131, %cond3A_132 : i32
      scf.if %cond3A_133 {
        %add3A_161 = arith.constant 4 : i32
        %add3A_162 = arith.addi %add3A_111, %add3A_161 : i32
        %mul3A_163 = arith.constant 16384 : i32
        %mul3A_164 = arith.muli %add3A_162, %mul3A_163 : i32
        %add3A_165 = arith.addi %mul3A_2, %mul3A_164 : i32
        %dma_start3A_166 = arith.constant 2 : i32
        %dma_start3A_167 = arith.constant 0 : i32
        %dma_start3A_168 = tpu.memref_slice %arg5[%dma_start3A_166, %dma_start3A_167] : memref<4x16384xf32, #tpu.memory_space<vmem>> -> memref<1x16384xf32, #tpu.memory_space<vmem>>
        %dma_start3A_169 = tpu.memref_squeeze %dma_start3A_168 : memref<1x16384xf32, #tpu.memory_space<vmem>> -> memref<16384xf32, #tpu.memory_space<vmem>>
        %dma_start3A_170 = tpu.memref_slice %arg2[%add3A_165] : memref<16777216xf32, #tpu.memory_space<hbm>> -> memref<16384xf32, #tpu.memory_space<hbm>>
        %dma_start3A_171 = arith.constant 0 : i32
        %dma_start3A_172 = tpu.memref_slice %arg5[%dma_start3A_166, %dma_start3A_171] : memref<4x16384xf32, #tpu.memory_space<vmem>> -> memref<1x16384xf32, #tpu.memory_space<vmem>>
        %dma_start3A_173 = tpu.memref_squeeze %dma_start3A_172 : memref<1x16384xf32, #tpu.memory_space<vmem>> -> memref<16384xf32, #tpu.memory_space<vmem>>
        %dma_start3A_174 = tpu.memref_slice %arg2[%add3A_165] : memref<16777216xf32, #tpu.memory_space<hbm>> -> memref<16384xf32, #tpu.memory_space<hbm>>
        tpu.enqueue_dma source(%dma_start3A_174 : memref<16384xf32, #tpu.memory_space<hbm>>) target(%dma_start3A_173 : memref<16384xf32, #tpu.memory_space<vmem>>) target_semaphore(%arg10 : memref<!tpu.dma_semaphore, #tpu.memory_space<semaphore_mem>>)
      } else {
      }
      %mul3A_134 = arith.constant 4 : i32
      %mul3A_135 = arith.muli %scan3A_58, %mul3A_134 : i32
      %add3A_136 = arith.constant 3 : i32
      %add3A_137 = arith.addi %mul3A_135, %add3A_136 : i32
      %mul3A_138 = arith.constant 16384 : i32
      %mul3A_139 = arith.muli %add3A_137, %mul3A_138 : i32
      %add3A_140 = arith.addi %mul3A_2, %mul3A_139 : i32
      %dma_wait3A_141 = arith.constant 3 : i32
      %dma_wait3A_142 = arith.constant 0 : i32
      %dma_wait3A_143 = tpu.memref_slice %arg5[%dma_wait3A_141, %dma_wait3A_142] : memref<4x16384xf32, #tpu.memory_space<vmem>> -> memref<1x16384xf32, #tpu.memory_space<vmem>>
      %dma_wait3A_144 = tpu.memref_squeeze %dma_wait3A_143 : memref<1x16384xf32, #tpu.memory_space<vmem>> -> memref<16384xf32, #tpu.memory_space<vmem>>
      %dma_wait3A_145 = tpu.memref_slice %arg2[%add3A_140] : memref<16777216xf32, #tpu.memory_space<hbm>> -> memref<16384xf32, #tpu.memory_space<hbm>>
      %dma_wait3A_146 = arith.constant 0 : i32
      %dma_wait3A_147 = tpu.memref_slice %arg5[%dma_wait3A_141, %dma_wait3A_146] : memref<4x16384xf32, #tpu.memory_space<vmem>> -> memref<1x16384xf32, #tpu.memory_space<vmem>>
      %dma_wait3A_148 = tpu.memref_squeeze %dma_wait3A_147 : memref<1x16384xf32, #tpu.memory_space<vmem>> -> memref<16384xf32, #tpu.memory_space<vmem>>
      %dma_wait3A_149 = tpu.memref_slice %arg2[%add3A_140] : memref<16777216xf32, #tpu.memory_space<hbm>> -> memref<16384xf32, #tpu.memory_space<hbm>>
      tpu.wait_dma2 semaphore(%arg11 : memref<!tpu.dma_semaphore, #tpu.memory_space<semaphore_mem>>) src(%dma_wait3A_149 : memref<16384xf32, #tpu.memory_space<hbm>>) dst(%dma_wait3A_148 : memref<16384xf32, #tpu.memory_space<vmem>>)
      %parallel_loop3A_150 = arith.constant 0 : i32
      %parallel_loop3A_151 = arith.constant 1024 : i32
      %parallel_loop3A_152 = arith.constant 1 : i32
      scf.for %parallel_loop3A_161 = %parallel_loop3A_150 to %parallel_loop3A_151 step %parallel_loop3A_152  : i32 {
        %parallel_loop3A_162 = arith.constant 16 : i32
        %parallel_loop3A_163 = arith.muli %parallel_loop3A_161, %parallel_loop3A_162 : i32
        %parallel_loop3A_164 = arith.constant 3 : i32
        %parallel_loop3A_165 = arith.index_cast %parallel_loop3A_164 : i32 to index
        %parallel_loop3A_166 = arith.index_cast %parallel_loop3A_163 : i32 to index
        %parallel_loop3A_167 = tpu.vector_load %arg5[%parallel_loop3A_165, %parallel_loop3A_166] {strides = array<i32>} : memref<4x16384xf32, #tpu.memory_space<vmem>>, vector<16xf32>,
        %parallel_loop3A_168 = math.absf %parallel_loop3A_167 : vector<16xf32>
        %parallel_loop3A_169 = vector.bitcast %parallel_loop3A_168 : vector<16xf32> to vector<16xi32>
        %parallel_loop3A_170 = arith.constant 9 : i32
        %parallel_loop3A_171 = vector.broadcast %parallel_loop3A_170 : i32 to vector<16xi32>
        %parallel_loop3A_172 = arith.shrui %parallel_loop3A_169, %parallel_loop3A_171 : vector<16xi32>
        %parallel_loop3A_173 = arith.cmpi eq, %parallel_loop3A_172, %get3A_49 : vector<16xi32>
        %parallel_loop3A_174 = arith.constant 0 : i32
        %parallel_loop3A_175 = vector.broadcast %parallel_loop3A_174 : i32 to vector<16xi32>
        %parallel_loop3A_176 = arith.shrui %parallel_loop3A_169, %parallel_loop3A_175 : vector<16xi32>
        %parallel_loop3A_177 = arith.constant 511 : i32
        %parallel_loop3A_178 = vector.broadcast %parallel_loop3A_177 : i32 to vector<16xi32>
        %parallel_loop3A_179 = arith.andi %parallel_loop3A_176, %parallel_loop3A_178 : vector<16xi32>
        %parallel_loop3A_180 = arith.constant 4 : i32
        %parallel_loop3A_181 = vector.broadcast %parallel_loop3A_180 : i32 to vector<16xi32>
        %parallel_loop3A_182 = arith.shli %parallel_loop3A_179, %parallel_loop3A_181 : vector<16xi32>
        %parallel_loop3A_183 = arith.addi %parallel_loop3A_182, %iota3A : vector<16xi32>
        tpu.vector_store_idx %arg7[%parallel_loop3A_183], %broadcast_in_dim3A_51 masked %parallel_loop3A_173 {add = true} : memref<8192xi32, #tpu.memory_space<vmem>>[vector<16xi32>], vector<16xi32>, vector<16xi1>
      } {sc.loop_unroll_factor = 8 : i64, sc.parallel_access}
      %add3A_153 = arith.constant 4 : i32
      %add3A_154 = arith.addi %add3A_137, %add3A_153 : i32
      %lt3A_155 = arith.constant 32 : i32
      %lt3A_156 = arith.cmpi slt, %add3A_154, %lt3A_155 : i32
      %convert_element_type3A_157 = arith.extui %lt3A_156 : i1 to i32
      %cond3A_158 = arith.constant 0 : i32
      %cond3A_159 = arith.cmpi ne, %convert_element_type3A_157, %cond3A_158 : i32
      scf.if %cond3A_159 {
        %add3A_161 = arith.constant 4 : i32
        %add3A_162 = arith.addi %add3A_137, %add3A_161 : i32
        %mul3A_163 = arith.constant 16384 : i32
        %mul3A_164 = arith.muli %add3A_162, %mul3A_163 : i32
        %add3A_165 = arith.addi %mul3A_2, %mul3A_164 : i32
        %dma_start3A_166 = arith.constant 3 : i32
        %dma_start3A_167 = arith.constant 0 : i32
        %dma_start3A_168 = tpu.memref_slice %arg5[%dma_start3A_166, %dma_start3A_167] : memref<4x16384xf32, #tpu.memory_space<vmem>> -> memref<1x16384xf32, #tpu.memory_space<vmem>>
        %dma_start3A_169 = tpu.memref_squeeze %dma_start3A_168 : memref<1x16384xf32, #tpu.memory_space<vmem>> -> memref<16384xf32, #tpu.memory_space<vmem>>
        %dma_start3A_170 = tpu.memref_slice %arg2[%add3A_165] : memref<16777216xf32, #tpu.memory_space<hbm>> -> memref<16384xf32, #tpu.memory_space<hbm>>
        %dma_start3A_171 = arith.constant 0 : i32
        %dma_start3A_172 = tpu.memref_slice %arg5[%dma_start3A_166, %dma_start3A_171] : memref<4x16384xf32, #tpu.memory_space<vmem>> -> memref<1x16384xf32, #tpu.memory_space<vmem>>
        %dma_start3A_173 = tpu.memref_squeeze %dma_start3A_172 : memref<1x16384xf32, #tpu.memory_space<vmem>> -> memref<16384xf32, #tpu.memory_space<vmem>>
        %dma_start3A_174 = tpu.memref_slice %arg2[%add3A_165] : memref<16777216xf32, #tpu.memory_space<hbm>> -> memref<16384xf32, #tpu.memory_space<hbm>>
        tpu.enqueue_dma source(%dma_start3A_174 : memref<16384xf32, #tpu.memory_space<hbm>>) target(%dma_start3A_173 : memref<16384xf32, #tpu.memory_space<vmem>>) target_semaphore(%arg11 : memref<!tpu.dma_semaphore, #tpu.memory_space<semaphore_mem>>)
      } else {
      }
      %scan3A_160 = arith.constant 0 : i32
      scf.yield %scan3A_160 : i32
    }
    %scan3A_57 = arith.constant 8 : i32
    "tpu.region"() ({
      %run_scoped3A = tpu.sem_alloc : memref<!tpu.dma_semaphore, #tpu.memory_space<semaphore_mem>>
      %dma_start3A_58 = arith.constant 0 : i32
      %dma_start3A_59 = tpu.memref_slice %arg4[%add3A, %dma_start3A_58] : memref<32x8192xi32, #tpu.memory_space<hbm>> -> memref<1x8192xi32, #tpu.memory_space<hbm>>
      %dma_start3A_60 = tpu.memref_squeeze %dma_start3A_59 : memref<1x8192xi32, #tpu.memory_space<hbm>> -> memref<8192xi32, #tpu.memory_space<hbm>>
      %dma_start3A_61 = arith.constant 0 : i32
      %dma_start3A_62 = tpu.memref_slice %arg4[%add3A, %dma_start3A_61] : memref<32x8192xi32, #tpu.memory_space<hbm>> -> memref<1x8192xi32, #tpu.memory_space<hbm>>
      %dma_start3A_63 = tpu.memref_squeeze %dma_start3A_62 : memref<1x8192xi32, #tpu.memory_space<hbm>> -> memref<8192xi32, #tpu.memory_space<hbm>>
      tpu.enqueue_dma source(%arg7 : memref<8192xi32, #tpu.memory_space<vmem>>) target(%dma_start3A_63 : memref<8192xi32, #tpu.memory_space<hbm>>) target_semaphore(%run_scoped3A : memref<!tpu.dma_semaphore, #tpu.memory_space<semaphore_mem>>)
      %dma_wait3A = arith.constant 0 : i32
      %dma_wait3A_64 = tpu.memref_slice %arg4[%add3A, %dma_wait3A] : memref<32x8192xi32, #tpu.memory_space<hbm>> -> memref<1x8192xi32, #tpu.memory_space<hbm>>
      %dma_wait3A_65 = tpu.memref_squeeze %dma_wait3A_64 : memref<1x8192xi32, #tpu.memory_space<hbm>> -> memref<8192xi32, #tpu.memory_space<hbm>>
      %dma_wait3A_66 = arith.constant 0 : i32
      %dma_wait3A_67 = tpu.memref_slice %arg4[%add3A, %dma_wait3A_66] : memref<32x8192xi32, #tpu.memory_space<hbm>> -> memref<1x8192xi32, #tpu.memory_space<hbm>>
      %dma_wait3A_68 = tpu.memref_squeeze %dma_wait3A_67 : memref<1x8192xi32, #tpu.memory_space<hbm>> -> memref<8192xi32, #tpu.memory_space<hbm>>
      tpu.wait_dma2 semaphore(%run_scoped3A : memref<!tpu.dma_semaphore, #tpu.memory_space<semaphore_mem>>) src(%arg7 : memref<8192xi32, #tpu.memory_space<vmem>>) dst(%dma_wait3A_68 : memref<8192xi32, #tpu.memory_space<hbm>>)
      tpu.yield
    }) : () -> ()
    return
  }
}

module attributes {stable_mosaic.version = 14 : i64} {
  func.func @body(%arg0: memref<32x8192xi32, #tpu.memory_space<vmem>>, %arg1: memref<1x1xi32, #tpu.memory_space<smem>>, %arg2: memref<1x1xi32, #tpu.memory_space<smem>>, %arg3: memref<16xi32, #tpu.memory_space<vmem>>, %arg4: memref<1x1xi32, #tpu.memory_space<smem>>, %arg5: memref<1x1xi32, #tpu.memory_space<smem>>, %arg6: memref<1x1xf32, #tpu.memory_space<smem>>) attributes {dimension_semantics = [], scalar_prefetch = 0 : i64, scratch_operands = 0 : i64, tpu.core_type = #tpu.core_type<tc>} {
    %get3A = arith.constant 0 : index
    %get3A_0 = arith.constant 0 : index
    %get3A_1 = vector.load %arg0[%get3A, %get3A_0] : memref<32x8192xi32, #tpu.memory_space<vmem>>, vector<32x8192xi32>
    %reduce_sum3A = arith.constant dense<0> : vector<8192xi32>
    %reduce_sum3A_2 = vector.multi_reduction <add>, %get3A_1, %reduce_sum3A [0] : vector<32x8192xi32> to vector<8192xi32>
    %broadcast_in_dim3A = vector.shape_cast %reduce_sum3A_2 : vector<8192xi32> to vector<1x8192xi32>
    %iota3A = tpu.iota {dimensions = array<i32: 1>} : vector<1x8192xi32>
    %shift_right_logical3A = arith.constant 4 : i32
    %shift_right_logical3A_3 = vector.broadcast %shift_right_logical3A : i32 to vector<1x8192xi32>
    %shift_right_logical3A_4 = arith.shrui %iota3A, %shift_right_logical3A_3 : vector<1x8192xi32>
    %get3A_5 = arith.constant 0 : index
    %get3A_6 = arith.constant 0 : index
    %get3A_7 = memref.load %arg1[%get3A_5, %get3A_6] : memref<1x1xi32, #tpu.memory_space<smem>>
    %scan3A = arith.constant 0 : i32
    %scan3A_8 = arith.constant 512 : i32
    %scan3A_9 = arith.constant 0 : i32
    %scan3A_10 = arith.constant 9 : i32
    %scan3A_11 = arith.addi %scan3A_9, %scan3A_10 : i32
    %scan3A_12 = arith.constant 1 : i32
    %scan3A_13:2 = scf.for %scan3A_45 = %scan3A_9 to %scan3A_11 step %scan3A_12 iter_args(%scan3A_46 = %scan3A, %scan3A_47 = %scan3A_8) -> (i32, i32)  : i32 {
      %add3A_48 = arith.addi %scan3A_46, %scan3A_47 : i32
      %jit3A_49 = arith.constant 2 : i32
      %div3A_50 = arith.divsi %add3A_48, %jit3A_49 : i32
      %sign3A = arith.constant 0 : i32
      %sign3A_51 = arith.cmpi sgt, %add3A_48, %sign3A : i32
      %sign3A_52 = arith.extui %sign3A_51 : i1 to i32
      %sign3A_53 = arith.constant 0 : i32
      %sign3A_54 = arith.cmpi slt, %add3A_48, %sign3A_53 : i32
      %sign3A_55 = arith.extui %sign3A_54 : i1 to i32
      %sign3A_56 = arith.subi %sign3A_52, %sign3A_55 : i32
      %sign3A_57 = arith.constant 0 : i32
      %sign3A_58 = arith.cmpi sgt, %jit3A_49, %sign3A_57 : i32
      %sign3A_59 = arith.extui %sign3A_58 : i1 to i32
      %sign3A_60 = arith.constant 0 : i32
      %sign3A_61 = arith.cmpi slt, %jit3A_49, %sign3A_60 : i32
      %sign3A_62 = arith.extui %sign3A_61 : i1 to i32
      %sign3A_63 = arith.subi %sign3A_59, %sign3A_62 : i32
      %ne3A = arith.cmpi ne, %sign3A_56, %sign3A_63 : i32
      %rem3A = arith.remsi %add3A_48, %jit3A_49 : i32
      %ne3A_64 = arith.constant 0 : i32
      %ne3A_65 = arith.cmpi ne, %rem3A, %ne3A_64 : i32
      %and3A = arith.andi %ne3A, %ne3A_65 : i1
      %sub3A_66 = arith.constant 1 : i32
      %sub3A_67 = arith.subi %div3A_50, %sub3A_66 : i32
      %select_n3A_68 = arith.select %and3A, %sub3A_67, %div3A_50 : i32
      %ge3A_69 = vector.broadcast %select_n3A_68 : i32 to vector<1x8192xi32>
      %ge3A_70 = arith.cmpi sge, %shift_right_logical3A_4, %ge3A_69 : vector<1x8192xi32>
      %jit3A_71 = arith.constant 0 : i32
      %broadcast_in_dim3A_72 = vector.broadcast %jit3A_71 : i32 to vector<1x8192xi32>
      %select_n3A_73 = arith.select %ge3A_70, %broadcast_in_dim3A, %broadcast_in_dim3A_72 : vector<1x8192xi1>, vector<1x8192xi32>
      %reduce_sum3A_74 = vector.shape_cast %select_n3A_73 : vector<1x8192xi32> to vector<1x1x8192xi32>
      %reduce_sum3A_75 = arith.constant dense<0> : vector<1xi32>
      %reduce_sum3A_76 = vector.multi_reduction <add>, %reduce_sum3A_74, %reduce_sum3A_75 [1, 2] : vector<1x1x8192xi32> to vector<1xi32>
      %reduce_sum3A_77 = vector.shape_cast %reduce_sum3A_76 : vector<1xi32> to vector<1x1x1xi32>
      %reduce_sum3A_78 = vector.extract %reduce_sum3A_77[0, 0, 0] : i32 from vector<1x1x1xi32>
      %ge3A_79 = arith.cmpi sge, %reduce_sum3A_78, %get3A_7 : i32
      %select_n3A_80 = arith.select %ge3A_79, %select_n3A_68, %scan3A_46 : i32
      %select_n3A_81 = arith.select %ge3A_79, %scan3A_47, %select_n3A_68 : i32
      scf.yield %select_n3A_80, %select_n3A_81 : i32, i32
    }
    %add3A = arith.constant 1 : i32
    %add3A_14 = arith.addi %scan3A_13#0, %add3A : i32
    %ge3A = vector.broadcast %add3A_14 : i32 to vector<1x8192xi32>
    %ge3A_15 = arith.cmpi sge, %shift_right_logical3A_4, %ge3A : vector<1x8192xi32>
    %jit3A = arith.constant 0 : i32
    %broadcast_in_dim3A_16 = vector.broadcast %jit3A : i32 to vector<1x8192xi32>
    %select_n3A = arith.select %ge3A_15, %broadcast_in_dim3A, %broadcast_in_dim3A_16 : vector<1x8192xi1>, vector<1x8192xi32>
    %reduce_sum3A_17 = vector.shape_cast %select_n3A : vector<1x8192xi32> to vector<1x1x8192xi32>
    %reduce_sum3A_18 = arith.constant dense<0> : vector<1xi32>
    %reduce_sum3A_19 = vector.multi_reduction <add>, %reduce_sum3A_17, %reduce_sum3A_18 [1, 2] : vector<1x1x8192xi32> to vector<1xi32>
    %reduce_sum3A_20 = vector.shape_cast %reduce_sum3A_19 : vector<1xi32> to vector<1x1x1xi32>
    %reduce_sum3A_21 = vector.extract %reduce_sum3A_20[0, 0, 0] : i32 from vector<1x1x1xi32>
    %get3A_22 = arith.constant 0 : index
    %get3A_23 = arith.constant 0 : index
    %get3A_24 = memref.load %arg2[%get3A_22, %get3A_23] : memref<1x1xi32, #tpu.memory_space<smem>>
    %shift_left3A = arith.constant 9 : i32
    %shift_left3A_25 = arith.shli %get3A_24, %shift_left3A : i32
    %or3A = arith.ori %shift_left3A_25, %scan3A_13#0 : i32
    %sub3A = arith.subi %get3A_7, %reduce_sum3A_21 : i32
    %broadcast_in_dim3A_26 = vector.broadcast %or3A : i32 to vector<16xi32>
    %swap3A = arith.constant 0 : index
    %swap3A_27 = vector.load %arg3[%swap3A] : memref<16xi32, #tpu.memory_space<vmem>>, vector<16xi32>
    tpu.vector_store %arg3[%swap3A], %broadcast_in_dim3A_26 {strides = array<i32>} : memref<16xi32, #tpu.memory_space<vmem>>, vector<16xi32>,
    %swap3A_28 = arith.constant 0 : index
    %swap3A_29 = arith.constant 0 : index
    %swap3A_30 = memref.load %arg4[%swap3A_28, %swap3A_29] : memref<1x1xi32, #tpu.memory_space<smem>>
    memref.store %or3A, %arg4[%swap3A_28, %swap3A_29] : memref<1x1xi32, #tpu.memory_space<smem>>
    %swap3A_31 = arith.constant 0 : index
    %swap3A_32 = arith.constant 0 : index
    %swap3A_33 = memref.load %arg5[%swap3A_31, %swap3A_32] : memref<1x1xi32, #tpu.memory_space<smem>>
    memref.store %sub3A, %arg5[%swap3A_31, %swap3A_32] : memref<1x1xi32, #tpu.memory_space<smem>>
    %sub3A_34 = arith.constant 167772 : i32
    %sub3A_35 = arith.subi %sub3A_34, %sub3A : i32
    %mul3A = arith.constant 2 : i32
    %mul3A_36 = arith.muli %mul3A, %sub3A_35 : i32
    %sub3A_37 = arith.constant 16777216 : i32
    %sub3A_38 = arith.subi %mul3A_36, %sub3A_37 : i32
    %mul3A_39 = arith.constant 5 : i32
    %mul3A_40 = arith.muli %mul3A_39, %sub3A_38 : i32
    %convert_element_type3A = arith.sitofp %mul3A_40 : i32 to f32
    %div3A = arith.constant 0x4B800000 : f32
    %div3A_41 = arith.divf %convert_element_type3A, %div3A : f32
    %swap3A_42 = arith.constant 0 : index
    %swap3A_43 = arith.constant 0 : index
    %swap3A_44 = memref.load %arg6[%swap3A_42, %swap3A_43] : memref<1x1xf32, #tpu.memory_space<smem>>
    memref.store %div3A_41, %arg6[%swap3A_42, %swap3A_43] : memref<1x1xf32, #tpu.memory_space<smem>>
    return
  }
}

module attributes {stable_mosaic.version = 14 : i64} {
  func.func @body(%arg0: memref<32x32768xi32, #tpu.memory_space<vmem>>, %arg1: memref<1x1xi32, #tpu.memory_space<smem>>, %arg2: memref<1x1xi32, #tpu.memory_space<smem>>, %arg3: memref<16xi32, #tpu.memory_space<vmem>>, %arg4: memref<1x1xi32, #tpu.memory_space<smem>>, %arg5: memref<1x1xi32, #tpu.memory_space<smem>>) attributes {dimension_semantics = [], scalar_prefetch = 0 : i64, scratch_operands = 0 : i64, tpu.core_type = #tpu.core_type<tc>} {
    %get3A = arith.constant 0 : index
    %get3A_0 = arith.constant 0 : index
    %get3A_1 = vector.load %arg0[%get3A, %get3A_0] : memref<32x32768xi32, #tpu.memory_space<vmem>>, vector<32x32768xi32>
    %reduce_sum3A = arith.constant dense<0> : vector<32768xi32>
    %reduce_sum3A_2 = vector.multi_reduction <add>, %get3A_1, %reduce_sum3A [0] : vector<32x32768xi32> to vector<32768xi32>
    %broadcast_in_dim3A = vector.shape_cast %reduce_sum3A_2 : vector<32768xi32> to vector<1x32768xi32>
    %iota3A = tpu.iota {dimensions = array<i32: 1>} : vector<1x32768xi32>
    %shift_right_logical3A = arith.constant 4 : i32
    %shift_right_logical3A_3 = vector.broadcast %shift_right_logical3A : i32 to vector<1x32768xi32>
    %shift_right_logical3A_4 = arith.shrui %iota3A, %shift_right_logical3A_3 : vector<1x32768xi32>
    %get3A_5 = arith.constant 0 : index
    %get3A_6 = arith.constant 0 : index
    %get3A_7 = memref.load %arg1[%get3A_5, %get3A_6] : memref<1x1xi32, #tpu.memory_space<smem>>
    %scan3A = arith.constant 0 : i32
    %scan3A_8 = arith.constant 2048 : i32
    %scan3A_9 = arith.constant 0 : i32
    %scan3A_10 = arith.constant 11 : i32
    %scan3A_11 = arith.addi %scan3A_9, %scan3A_10 : i32
    %scan3A_12 = arith.constant 1 : i32
    %scan3A_13:2 = scf.for %scan3A_34 = %scan3A_9 to %scan3A_11 step %scan3A_12 iter_args(%scan3A_35 = %scan3A, %scan3A_36 = %scan3A_8) -> (i32, i32)  : i32 {
      %add3A_37 = arith.addi %scan3A_35, %scan3A_36 : i32
      %jit3A_38 = arith.constant 2 : i32
      %div3A = arith.divsi %add3A_37, %jit3A_38 : i32
      %sign3A = arith.constant 0 : i32
      %sign3A_39 = arith.cmpi sgt, %add3A_37, %sign3A : i32
      %sign3A_40 = arith.extui %sign3A_39 : i1 to i32
      %sign3A_41 = arith.constant 0 : i32
      %sign3A_42 = arith.cmpi slt, %add3A_37, %sign3A_41 : i32
      %sign3A_43 = arith.extui %sign3A_42 : i1 to i32
      %sign3A_44 = arith.subi %sign3A_40, %sign3A_43 : i32
      %sign3A_45 = arith.constant 0 : i32
      %sign3A_46 = arith.cmpi sgt, %jit3A_38, %sign3A_45 : i32
      %sign3A_47 = arith.extui %sign3A_46 : i1 to i32
      %sign3A_48 = arith.constant 0 : i32
      %sign3A_49 = arith.cmpi slt, %jit3A_38, %sign3A_48 : i32
      %sign3A_50 = arith.extui %sign3A_49 : i1 to i32
      %sign3A_51 = arith.subi %sign3A_47, %sign3A_50 : i32
      %ne3A = arith.cmpi ne, %sign3A_44, %sign3A_51 : i32
      %rem3A = arith.remsi %add3A_37, %jit3A_38 : i32
      %ne3A_52 = arith.constant 0 : i32
      %ne3A_53 = arith.cmpi ne, %rem3A, %ne3A_52 : i32
      %and3A = arith.andi %ne3A, %ne3A_53 : i1
      %sub3A_54 = arith.constant 1 : i32
      %sub3A_55 = arith.subi %div3A, %sub3A_54 : i32
      %select_n3A_56 = arith.select %and3A, %sub3A_55, %div3A : i32
      %ge3A_57 = vector.broadcast %select_n3A_56 : i32 to vector<1x32768xi32>
      %ge3A_58 = arith.cmpi sge, %shift_right_logical3A_4, %ge3A_57 : vector<1x32768xi32>
      %jit3A_59 = arith.constant 0 : i32
      %broadcast_in_dim3A_60 = vector.broadcast %jit3A_59 : i32 to vector<1x32768xi32>
      %select_n3A_61 = arith.select %ge3A_58, %broadcast_in_dim3A, %broadcast_in_dim3A_60 : vector<1x32768xi1>, vector<1x32768xi32>
      %reduce_sum3A_62 = vector.shape_cast %select_n3A_61 : vector<1x32768xi32> to vector<1x1x32768xi32>
      %reduce_sum3A_63 = arith.constant dense<0> : vector<1xi32>
      %reduce_sum3A_64 = vector.multi_reduction <add>, %reduce_sum3A_62, %reduce_sum3A_63 [1, 2] : vector<1x1x32768xi32> to vector<1xi32>
      %reduce_sum3A_65 = vector.shape_cast %reduce_sum3A_64 : vector<1xi32> to vector<1x1x1xi32>
      %reduce_sum3A_66 = vector.extract %reduce_sum3A_65[0, 0, 0] : i32 from vector<1x1x1xi32>
      %ge3A_67 = arith.cmpi sge, %reduce_sum3A_66, %get3A_7 : i32
      %select_n3A_68 = arith.select %ge3A_67, %select_n3A_56, %scan3A_35 : i32
      %select_n3A_69 = arith.select %ge3A_67, %scan3A_36, %select_n3A_56 : i32
      scf.yield %select_n3A_68, %select_n3A_69 : i32, i32
    }
    %add3A = arith.constant 1 : i32
    %add3A_14 = arith.addi %scan3A_13#0, %add3A : i32
    %ge3A = vector.broadcast %add3A_14 : i32 to vector<1x32768xi32>
    %ge3A_15 = arith.cmpi sge, %shift_right_logical3A_4, %ge3A : vector<1x32768xi32>
    %jit3A = arith.constant 0 : i32
    %broadcast_in_dim3A_16 = vector.broadcast %jit3A : i32 to vector<1x32768xi32>
    %select_n3A = arith.select %ge3A_15, %broadcast_in_dim3A, %broadcast_in_dim3A_16 : vector<1x32768xi1>, vector<1x32768xi32>
    %reduce_sum3A_17 = vector.shape_cast %select_n3A : vector<1x32768xi32> to vector<1x1x32768xi32>
    %reduce_sum3A_18 = arith.constant dense<0> : vector<1xi32>
    %reduce_sum3A_19 = vector.multi_reduction <add>, %reduce_sum3A_17, %reduce_sum3A_18 [1, 2] : vector<1x1x32768xi32> to vector<1xi32>
    %reduce_sum3A_20 = vector.shape_cast %reduce_sum3A_19 : vector<1xi32> to vector<1x1x1xi32>
    %reduce_sum3A_21 = vector.extract %reduce_sum3A_20[0, 0, 0] : i32 from vector<1x1x1xi32>
    %get3A_22 = arith.constant 0 : index
    %get3A_23 = arith.constant 0 : index
    %get3A_24 = memref.load %arg2[%get3A_22, %get3A_23] : memref<1x1xi32, #tpu.memory_space<smem>>
    %shift_left3A = arith.constant 11 : i32
    %shift_left3A_25 = arith.shli %get3A_24, %shift_left3A : i32
    %or3A = arith.ori %shift_left3A_25, %scan3A_13#0 : i32
    %sub3A = arith.subi %get3A_7, %reduce_sum3A_21 : i32
    %broadcast_in_dim3A_26 = vector.broadcast %or3A : i32 to vector<16xi32>
    %swap3A = arith.constant 0 : index
    %swap3A_27 = vector.load %arg3[%swap3A] : memref<16xi32, #tpu.memory_space<vmem>>, vector<16xi32>
    tpu.vector_store %arg3[%swap3A], %broadcast_in_dim3A_26 {strides = array<i32>} : memref<16xi32, #tpu.memory_space<vmem>>, vector<16xi32>,
    %swap3A_28 = arith.constant 0 : index
    %swap3A_29 = arith.constant 0 : index
    %swap3A_30 = memref.load %arg4[%swap3A_28, %swap3A_29] : memref<1x1xi32, #tpu.memory_space<smem>>
    memref.store %or3A, %arg4[%swap3A_28, %swap3A_29] : memref<1x1xi32, #tpu.memory_space<smem>>
    %swap3A_31 = arith.constant 0 : index
    %swap3A_32 = arith.constant 0 : index
    %swap3A_33 = memref.load %arg5[%swap3A_31, %swap3A_32] : memref<1x1xi32, #tpu.memory_space<smem>>
    memref.store %sub3A, %arg5[%swap3A_31, %swap3A_32] : memref<1x1xi32, #tpu.memory_space<smem>>
    return
  }
}

</mosaic_0001>

<sc_bundles>
// kernel: kernel.12.cloned.1.call-start
scs
__scs_entry_jumppad:
0x0: {  	(pc) =	sbr.rel $0x88, $3  }
0x1: {  	(tag) =	ssettag $0x0;
	lr =	simm.s32 $0x1  }
0x2: {  	[smem:$0x3F9F] =	sst lr;
	_ =	strace $0xD0000000  }
0x3: {  	_ = 	snop  }
0x4: {  	_ = 	snop  }
0x5: {  	_ = 	snop  }
0x6: {  	_ = 	snop  }
0x7: {  	_ = 	snop  }
__scs_overlays_trampoline_lowered:
0x8: {  	[smem:$0x3FAE] =	sst s0  }
0x9: {  	[smem:$0x3FAF] =	sst s1  }
0xa: {  	[smem:$0x3FB0] =	sst s2  }
0xb: {  	[smem:$0x3FB1] =	sst s3  }
0xc: {  	[smem:$0x3FB2] =	sst s4  }
0xd: {  	[smem:$0x3FB3] =	sst s5  }
0xe: {  	[smem:$0x3FB4] =	sst s6  }
0xf: {  	[smem:$0x3FB5] =	sst s7  }
0x10: {  	[smem:$0x3FB6] =	sst s8  }
0x11: {  	[smem:$0x3FB7] =	sst s9;
	s0 =	simm.s32 @!p0 $0x0  }
0x12: {  	s1 =	sld [smem:$0x3F9D];
	s0 =	simm.s32 @p0 $0x1  }
0x13: {  	[smem:$0x3FB8] =	sst s0;
	s0 =	simm.s32 @!p1 $0x0  }
0x14: {  	s2 =	sld [smem:$0x3F9C];
	s0 =	simm.s32 @p1 $0x1  }
0x15: {  	[smem:$0x3FB9] =	sst s0;
	s0 =	simm.s32 @!p2 $0x0  }
0x16: {  	s3 =	sld [smem:$0x3FDB];
	s0 =	simm.s32 @p2 $0x1  }
0x17: {  	s4 =	simm.s32 $0x1BF5;
	[smem:$0x3FBB] =	sst s0  }
0x18: {  	s0 =	sld [smem:$0x3F9E];
	_ =	swait.ge [sflag:s4], $0x0  }
0x19: {  	s7 =	sld [smem:$0x3F9F]  }
0x1a: {  	s8 =	sadd.s32 $0xFFFFE003, lr  }
0x1b: {  	s9 =	sadd.s32 $0xFFFFFEF7, lr;
	s5 =	simm.s32 $0xFFFFFFFF;
	p2 =	slt.u32 s8, $0xFFFFF086  }
0x1c: {  	p1 =	slt.u32 s9, $0xF7A;
	s5 =	simm.s32 @!p2 $0x0  }
0x1d: {  	s5 =	simm.s32 @p1 $0x1;
	p0 =	seq.s32 s7, s2  }
0x1e: {  	s7 =	smul.u32 @!p0 $0xF7A, s2;
	p2 =	seq.s32 @!p0 s5, $0x0  }
0x1f: {  	s9 =	smul.u32 $0xF7A, s1;
	s8 =	simm.s32 @!p0 $0x1BF5;
	p2 =	por !p2, p0  }
0x20: {  	[sflag:s8] =	ssyncset.s32 @!p0 $0xFFFFF086;
	s6 =	sadd.s32 @!p0 s3, s7;
	s7 =	simm.s32 @!p0 $0x108  }
0x21: {  	s3 =	sadd.s32 s3, s9;
	s6 =	sadd.s32 @!p0 $0x88, s6;
	s7 =	simm.s32 @p2 $0x1082  }
0x22: {  	[simem:s7], [sflag:s8] =	dma.local @!p0 [hbm:s6], $0xF7A  }
0x23: {  	s9 =	sor.u32 $0xD0000000, s2;
	s6 =	simm.s32 $0x108;
	_ =	swait.ge @!p0 [sflag:s8], $0x0  }
0x24: {  	s3 =	sadd.s32 $0x88, s3;
	s6 =	simm.s32 @!p1 $0x1082;
	[sflag:s4] =	ssyncset.s32 $0xFFFFF086  }
0x25: {  	[simem:s6], [sflag:s4] =	dma.local [hbm:s3], $0xF7A  }
0x26: {  	[smem:$0x3F9F] =	sst s1;
	(tag) =	ssettag s2;
	_ =	strace s9  }
0x27: {  	s1 =	sld [smem:$0x3FAF]  }
0x28: {  	s2 =	sld [smem:$0x3FB0]  }
0x29: {  	s4 =	sld [smem:$0x3FB2]  }
0x2a: {  	p0 =	seq.s32 s5, $0x0;
	s5 =	sld [smem:$0x3FB3]  }
0x2b: {  	s6 =	sld [smem:$0x3FB4]  }
0x2c: {  	s7 =	sld [smem:$0x3FB5]  }
0x2d: {  	s3 =	simm.s32 $0x108;
	s8 =	sld [smem:$0x3FB6]  }
0x2e: {  	s3 =	simm.s32 @!p0 $0x1082;
	s9 =	sld [smem:$0x3FB7]  }
0x2f: {  	lr =	sadd.s32 s0, s3;
	s0 =	sld [smem:$0x3FAE]  }
0x30: {  	s3 =	sld [smem:$0x3FB1]  }
0x31: {  	[smem:$0x3FBA] =	sst s10  }
0x32: {  	s10 =	sld [smem:$0x3FB8];
	_ =	sdelay $0x3  }
0x33: {  	p0 =	seq.s32 s10, $0x1;
	s10 =	sld [smem:$0x3FBA];
	_ =	sdelay $0x3  }
0x34: {  	[smem:$0x3FBA] =	sst s10  }
0x35: {  	s10 =	sld [smem:$0x3FB9];
	_ =	sdelay $0x3  }
0x36: {  	p1 =	seq.s32 s10, $0x1;
	s10 =	sld [smem:$0x3FBA];
	_ =	sdelay $0x3  }
0x37: {  	[smem:$0x3FBA] =	sst s10  }
0x38: {  	s10 =	sld [smem:$0x3FBB]  }
0x39: {  	_ = 	snop;
	(pc) =	sbr.ind lr, $3  }
0x3a: {  	_ = 	snop  }
0x3b: {  	_ = 	snop  }
0x3c: {  	p2 =	seq.s32 s10, $0x1;
	s10 =	sld [smem:$0x3FBA]  }
0x3d: {  	_ =	shalt  }
0x3e: {  	_ =	shalt  }
0x3f: {  	_ =	shalt  }
0x40: {  	_ =	shalt  }
0x41: {  	_ =	shalt  }
0x42: {  	_ =	shalt  }
0x43: {  	_ =	shalt  }
0x44: {  	_ =	shalt  }
0x45: {  	_ =	shalt  }
0x46: {  	_ =	shalt  }
0x47: {  	_ =	shalt  }
0x48: {  	_ =	shalt  }
0x49: {  	_ =	shalt  }
0x4a: {  	_ =	shalt  }
0x4b: {  	_ =	shalt  }
0x4c: {  	_ =	shalt  }
0x4d: {  	_ =	shalt  }
0x4e: {  	_ =	shalt  }
0x4f: {  	_ =	shalt  }
0x50: {  	_ =	shalt  }
0x51: {  	_ =	shalt  }
0x52: {  	_ =	shalt  }
0x53: {  	_ =	shalt  }
0x54: {  	_ =	shalt  }
0x55: {  	_ =	shalt  }
0x56: {  	_ =	shalt  }
0x57: {  	_ =	shalt  }
0x58: {  	_ =	shalt  }
0x59: {  	_ =	shalt  }
0x5a: {  	_ =	shalt  }
0x5b: {  	_ =	shalt  }
0x5c: {  	_ =	shalt  }
0x5d: {  	_ =	shalt  }
0x5e: {  	_ =	shalt  }
0x5f: {  	_ =	shalt  }
0x60: {  	_ =	shalt  }
0x61: {  	_ =	shalt  }
0x62: {  	_ =	shalt  }
0x63: {  	_ =	shalt  }
0x64: {  	_ =	shalt  }
0x65: {  	_ =	shalt  }
0x66: {  	_ =	shalt  }
0x67: {  	_ =	shalt  }
0x68: {  	_ =	shalt  }
0x69: {  	_ =	shalt  }
0x6a: {  	_ =	shalt  }
0x6b: {  	_ =	shalt  }
0x6c: {  	_ =	shalt  }
0x6d: {  	_ =	shalt  }
0x6e: {  	_ =	shalt  }
0x6f: {  	_ =	shalt  }
0x70: {  	_ =	shalt  }
0x71: {  	_ =	shalt  }
0x72: {  	_ =	shalt  }
0x73: {  	_ =	shalt  }
0x74: {  	_ =	shalt  }
0x75: {  	_ =	shalt  }
0x76: {  	_ =	shalt  }
0x77: {  	_ =	shalt  }
0x78: {  	_ =	shalt  }
0x79: {  	_ =	shalt  }
0x7a: {  	_ =	shalt  }
0x7b: {  	_ =	shalt  }
0x7c: {  	_ =	shalt  }
0x7d: {  	_ =	shalt  }
0x7e: {  	_ =	shalt  }
0x7f: {  	_ =	shalt  }
0x80: {  	_ =	shalt  }
0x81: {  	_ =	shalt  }
0x82: {  	_ =	shalt  }
0x83: {  	_ =	shalt  }
0x84: {  	_ =	shalt  }
0x85: {  	_ =	shalt  }
0x86: {  	_ =	shalt  }
0x87: {  	_ =	shalt  }
.Lfunc_end0:
.L_simem_size_0:
called_computation.1_lowered:
.L_overlay_start_0:
0x88: {  	s2 =	sld [smem:$0x3FD9]  }
0x89: {  	s3 =	sld [smem:$0x3FFE];
	_ =	sdelay $0x1  }
0x8a: {  	s1 =	srdreg.scid  }
0x8b: {  	s0 =	sand.u32 $0x1, s1  }
0x8c: {  	s14 =	sshll.u32 s0, $0xA;
	s2 =	sadd.s32 s3, s2  }
0x8d: {  	s2 =	sadd.s32 s2, s14  }
0x8e: {  	[smem:$0x3FC6] =	sst s2  }
0x8f: {  	_ = 	snop  }
0x90: {  	s2 =	sld [smem:$0x3FD0];
	_ =	sdelay $0x2  }
0x91: {  	s15 =	simm.s32 $0xA;
	s4 =	simm.s32 $0x10  }
0x92: {  	[smem:s4], [sflag:s15] =	dma.local [hbm:s2], $0x1  }
0x93: {  	_ =	swait.eq [sflag:s15], $0x1  }
0x94: {  	[sflag:s15] =	ssyncset.done $0x0  }
0x95: {  	[sflag:s15] =	ssyncadd.s32 $0xFFFFFFFF  }
0x96: {  	s16 =	sld [smem:$0x10];
	(tm) =	ssettm $0x1  }
0x97: {  	s17 =	sld [smem:$0x3FFB];
	_ =	sdelay $0x3  }
0x98: {  	_ =	strace s17  }
0x99: {  	s3 =	sld [smem:$0x3FFC];
	_ =	sdelay $0x3  }
0x9a: {  	_ =	strace s3  }
0x9b: {  	s3 =	sld [smem:$0x3FFD];
	_ =	sdelay $0x3  }
0x9c: {  	_ =	strace s3  }
0x9d: {  	_ =	strace $0x8FFFFFFF  }
0x9e: {  	s18 =	sld [smem:$0x3FDB];
	_ =	sdelay $0x1  }
0x9f: {  	s19 =	simm.s32 $_scs_section_size  }
0xa0: {  	s5 =	simm.s32 $_size__tile_overlayer_lowered;
	s6 =	simm.s32 $_tile_overlayer_lowered  }
0xa1: {  	s22 =	simm.s32 $0x1BFF;
	s21 =	sshll.u32 s6, $0x1;
	s3 =	sadd.s32 s19, s18  }
0xa2: {  	s7 =	simm.s32 $0x0;
	s20 =	sshll.u32 s5, $0x1;
	s5 =	sadd.s32 s21, s3  }
0xa3: {  	[timem:s7], [sflag:s22] =	dma.local [hbm:s5], s20  }
0xa4: {  	_ =	swait.ge [sflag:s22], s20  }
0xa5: {  	s4 =	ssub.s32 $0x0, s20;
	[sflag:s22] =	ssyncset.done $0x0  }
0xa6: {  	[sflag:s22] =	ssyncadd.s32 s4;
	_ =	sdelay $0x1  }
0xa7: {  	s23 =	simm.s32 $0x1B8B  }
0xa8: {  	_ =	swait.ge [sflag:s23], $0x1  }
0xa9: {  	[sflag:s23] =	ssyncset.done $0x0  }
0xaa: {  	s25 =	simm.s32 $0x1B8E;
	s24 =	sld [smem:$0x3FFE];
	[sflag:s23] =	ssyncadd.s32 $0xFFFFFFFF  }
0xab: {  	s26 =	simm.s32 $execute0_lowered;
	[smem:$0x3FD2] =	sst s25  }
0xac: {  	s5 =	sshll.u32 s26, $0x1;
	_ =	strace $0x80000049;
	[dreg:$0x1] =	wrdreg $0xFFFFFFFF  }
0xad: {  	s28 =	simm.s32 $_size_execute0_lowered;
	s3 =	sadd.s32 s3, s5;
	[dreg:$0x0] =	wrdreg $0x0  }
0xae: {  	s5 =	sshll.u32 s28, $0x1;
	[dreg:$0x2] =	wrdreg s3  }
0xaf: {  	[dreg:$0x3] =	wrdreg s5  }
0xb0: {  	[dreg:$0x4] =	wrdreg $0xC0  }
0xb1: {  	_ =	task [dreg:s7], $0x5FFFF  }
0xb2: {  	[dreg:$0x1] =	wrdreg $0xFFFFFFFF  }
0xb3: {  	[dreg:$0x0] =	wrdreg $0x60  }
0xb4: {  	[dreg:$0x2] =	wrdreg s24  }
0xb5: {  	[dreg:$0x3] =	wrdreg s16  }
0xb6: {  	[dreg:$0x4] =	wrdreg $0x9  }
0xb7: {  	_ =	task.clear_ibuf [dreg:s7], $0x5FFFF;
	_ =	strace $0x90000049  }
0xb8: {  	s29 =	simm.s32 $0x9;
	_ =	strace $0x8000004B  }
0xb9: {  	_ =	swait.ge [sflag:s29], $0x1  }
0xba: {  	[sflag:s29] =	ssyncadd.s32 $0xFFFFFFFF  }
0xbb: {  	_ =	strace $0x9000004B  }
0xbc: {  	_ =	sfence  }
0xbd: {  	s30 =	sld [smem:$0x0];
	_ =	sdelay $0x2  }
0xbe: {  	s31 =	sshll.u32 s1, $0xD;
	s1 =	sshrl.u32 s1, $0x2  }
0xbf: {  	s3 =	sand.u32 $0x4000, s31;
	s1 =	sadd.s32 s1, s30  }
0xc0: {  	s0 =	sor.u32 s3, s0;
	s1 =	sshll.u32 s1, $0x11  }
0xc1: {  	s0 =	sor.u32 s1, s0  }
0xc2: {  	s0 =	sadd.s32 $0x8F2B, s0  }
0xc3: {  	[sflag:s0] =	ssyncadd.remote.s32 $0x1  }
0xc4: {  	_ =	sfence.sel $0xFFFF  }
0xc5: {  	[dreg:$0x0] =	wrdreg $0xFFFFFFFF;
	(pc) =	sbr.abs _section_cstart, $3  }
0xc6: {  	[dreg:$0x1] =	wrdreg $0xFFFFFFFF  }
0xc7: {  	_ =	task.clear_ibuf [dreg:s7], $0x2FFFF;
	_ =	strace $0x9FFFFFFF  }
0xc8: {  	(tm) =	ssettm $0x7FFFFFFF  }
0xc9: {  	_ =	shalt  }
tec
execute0_lowered:
.L_overlay_start_1:
0x0: {  	(tag) =	ssettag $0x1  }
0x1: {  	s0 =	rddreg [dreg:$0x0]  }
0x2: {  	s13 =	rddreg [dreg:$0x1];
	s2 =	simm.s32 $0x0;
	s3 =	srdreg.scid  }
0x3: {  	s1 =	stileid.u32;
	s17 =	simm.s32 $0x1;
	s18 =	simm.s32 $0x10080  }
0x4: {  	s19 =	simm.s32 $0x2;
	s20 =	simm.s32 $0x3;
	s21 =	simm.s32 $0x4  }
0x5: {  	s22 =	simm.s32 $0x80;
	s23 =	simm.s32 $0x400;
	s24 =	simm.s32 $0x0  }
0x6: {  	[smem:$0x7FF] =	sst s2;
	s4 =	sand.u32 $0x1, s3;
	s5 =	sshll.u32 s1, $0x1  }
0x7: {  	s3 =	sadd.s32 $0x2A00, s0;
	s15 =	sshll.u32 s1, $0xD;
	_ =	strace $0x8000004A  }
0x8: {  	s6 =	ssub.s32 $0x2, s4;
	s12 =	sor.u32 s4, s5;
	s4 =	sadd.s32 $0x202A00, s0  }
0x9: {  	s15 =	sand.u32 $0x18000, s15;
	s30 =	sshrl.u32 s6, $0x1;
	s5 =	sshll.u32 s12, $0x10  }
0xa: {  	s14 =	sshll.u32 s12, $0x13;
	s16 =	sshll.u32 s12, $0x4;
	s13 =	sadd.s32 s13, s15  }
.Ltmp0:
0xb: {  	s15 =	simm.s32 $0x10000;
	s0 =	ssub.s32 s6, s30;
	(pc) =	sbr.rel .LBB2_1-.Ltmp0, $4  }
0xc: {  	s5 =	sadd.s32 s3, s5;
	s9 =	sor.u32 $0x10000, s14;
	s10 =	sor.u32 $0x14000, s14  }
0xd: {  	s11 =	sor.u32 $0x18000, s14;
	s12 =	sor.u32 $0x1C000, s14;
	s31 =	sand.u32 $0x70, s16  }
0xe: {  	s16 =	simm.s32 $0x5;
	s6 =	sadd.s32 $0x800, s5;
	s7 =	sadd.s32 $0x1000, s5  }
0xf: {  	v0 =	vimm.s32 $0x0;
	v1 =	vlaneseq.u32;
	v2 =	vimm.s32 $0x1;
	s8 =	sadd.s32 $0x1800, s5;
	s13 =	sadd.s32 s31, s13;
	s14 =	smax.u32 s0, $0x1  }
.LBB2_36:
0x10: {  	s24 =	sadd.s32 $0x1, s24  }
0x11: {  	p0 =	sne.s32 s24, s14  }
.Ltmp1:
0x12: {  	_ = 	snop;
	(pc) =	sbr.rel @!p0 .LBB2_37-.Ltmp1, $4  }
0x13: {  	[hbm4b:s13+s22] =	stream.strided.scatter [tilespmem:s18], [sflag:$0x5], $0x8000, s23, s22, $0x38;
	[tilespmem:$0x18080] =	vst v63  }
0x14: {  	_ =	swait.ge [sflag:s16], $0x8000  }
0x15: {  	[sflag:s16] =	ssyncset.done $0x0  }
0x16: {  	[sflag:s16] =	ssyncadd.s32 $0xFFFF8000  }
.LBB2_1:
0x17: {  	s25 =	simm.s32 $0x10  }
0x18: {  	s29 =	sadd.s32 $0x0, s5;
	s26 =	simm.s32 $0x200;
	s28 =	simm.s32 $0x0  }
.LBB2_2:
0x19: {  	[tilespmem:s28], [sflag:$0x1] =	stream.linear.gather [hbm4b:s29+s2], $0x80, $0x38;
	[tilespmem:$0x18080] =	vst v63  }
0x1a: {  	s0 =	smov.u32 s25;
	s28 =	smov.u32 s26;
	p0 =	sne.s32 s25, $0x7F0  }
.Ltmp2:
0x1b: {  	s25 =	sadd.s32 $0x10, s25;
	(pc) =	sbr.rel @p0 .LBB2_2-.Ltmp2, $2  }
0x1c: {  	_ =	sdelay $0x2  }
0x1d: {  	s26 =	sadd.s32 $0x200, s26;
	s29 =	sadd.s32 s0, s5  }
0x1e: {  	[tilespmem:s28], [sflag:$0x1] =	stream.linear.gather [hbm4b:s29+s2], $0x80, $0x38;
	[tilespmem:$0x18080] =	vst v63  }
0x1f: {  	s25 =	simm.s32 $0x80  }
0x20: {  	s26 =	simm.s32 $0x10;
	s29 =	sadd.s32 $0x0, s6;
	s28 =	simm.s32 $0x280  }
.LBB2_4:
0x21: {  	[tilespmem:s25], [sflag:$0x2] =	stream.linear.gather [hbm4b:s29+s2], $0x80, $0x38;
	[tilespmem:$0x18080] =	vst v63  }
0x22: {  	s0 =	smov.u32 s26;
	s25 =	smov.u32 s28;
	p0 =	sne.s32 s26, $0x7F0  }
.Ltmp3:
0x23: {  	s26 =	sadd.s32 $0x10, s26;
	(pc) =	sbr.rel @p0 .LBB2_4-.Ltmp3, $2  }
0x24: {  	_ =	sdelay $0x2  }
0x25: {  	s28 =	sadd.s32 $0x200, s28;
	s29 =	sadd.s32 s0, s6  }
0x26: {  	[tilespmem:s25], [sflag:$0x2] =	stream.linear.gather [hbm4b:s29+s2], $0x80, $0x38;
	[tilespmem:$0x18080] =	vst v63  }
0x27: {  	s25 =	simm.s32 $0x100  }
0x28: {  	s26 =	simm.s32 $0x10;
	s29 =	sadd.s32 $0x0, s7;
	s28 =	simm.s32 $0x300  }
.LBB2_6:
0x29: {  	[tilespmem:s25], [sflag:$0x3] =	stream.linear.gather [hbm4b:s29+s2], $0x80, $0x38;
	[tilespmem:$0x18080] =	vst v63  }
0x2a: {  	s0 =	smov.u32 s26;
	s25 =	smov.u32 s28;
	p0 =	sne.s32 s26, $0x7F0  }
.Ltmp4:
0x2b: {  	s26 =	sadd.s32 $0x10, s26;
	(pc) =	sbr.rel @p0 .LBB2_6-.Ltmp4, $2  }
0x2c: {  	_ =	sdelay $0x2  }
0x2d: {  	s28 =	sadd.s32 $0x200, s28;
	s29 =	sadd.s32 s0, s7  }
0x2e: {  	[tilespmem:s25], [sflag:$0x3] =	stream.linear.gather [hbm4b:s29+s2], $0x80, $0x38;
	[tilespmem:$0x18080] =	vst v63  }
0x2f: {  	s25 =	simm.s32 $0x180  }
0x30: {  	s26 =	simm.s32 $0x10;
	s29 =	sadd.s32 $0x0, s8;
	s28 =	simm.s32 $0x380  }
.LBB2_8:
0x31: {  	[tilespmem:s25], [sflag:$0x4] =	stream.linear.gather [hbm4b:s29+s2], $0x80, $0x38;
	[tilespmem:$0x18080] =	vst v63  }
0x32: {  	s0 =	smov.u32 s26;
	s25 =	smov.u32 s28;
	p0 =	sne.s32 s26, $0x7F0  }
.Ltmp5:
0x33: {  	s26 =	sadd.s32 $0x10, s26;
	(pc) =	sbr.rel @p0 .LBB2_8-.Ltmp5, $2  }
0x34: {  	_ =	sdelay $0x2  }
0x35: {  	s28 =	sadd.s32 $0x200, s28;
	s29 =	sadd.s32 s0, s8  }
0x36: {  	[tilespmem:s25], [sflag:$0x4] =	stream.linear.gather [hbm4b:s29+s2], $0x80, $0x38;
	[tilespmem:$0x18080] =	vst v63  }
0x37: {  	_ = 	snop  }
0x38: {  	[tilespmem:s15], [sflag:$0x5] =	stream.linear.gather [hbm4b:s4+s2], $0x80, $0x38;
	[tilespmem:$0x18080] =	vst v63  }
0x39: {  	_ =	swait.ge [sflag:s16], $0x80  }
0x3a: {  	[sflag:s16] =	ssyncset.done $0x0  }
0x3b: {  	s25 =	simm.s32 $0x100C0;
	[sflag:s16] =	ssyncadd.s32 $0xFFFFFF80  }
0x3c: {  	[tilespmem:s25+$0xFFFFFFC0] =	vst v0  }
0x3d: {  	[tilespmem:s25+$0x30] =	vst v0  }
0x3e: {  	[tilespmem:s25+$0x20] =	vst v0  }
0x3f: {  	[tilespmem:s25+$0x10] =	vst v0  }
0x40: {  	[tilespmem:s25+$0x0] =	vst v0  }
0x41: {  	[tilespmem:s25+$0xFFFFFFF0] =	vst v0  }
0x42: {  	s26 =	simm.s32 $0x0;
	[tilespmem:s25+$0xFFFFFFE0] =	vst v0  }
.LBB2_10:
0x43: {  	s26 =	sadd.s32 $0x8, s26;
	[tilespmem:s25+$0xFFFFFFD0] =	vst v0;
	s25 =	sadd.s32 $0x80, s25  }
0x44: {  	[tilespmem:s25+$0xFFFFFFC0] =	vst v0;
	p0 =	slt.u32 s26, $0x7F8  }
0x45: {  	[tilespmem:s25+$0x30] =	vst v0  }
.Ltmp6:
0x46: {  	[tilespmem:s25+$0x20] =	vst v0;
	(pc) =	sbr.rel @p0 .LBB2_10-.Ltmp6, $4  }
0x47: {  	[tilespmem:s25+$0x10] =	vst v0  }
0x48: {  	[tilespmem:s25+$0x0] =	vst v0  }
0x49: {  	[tilespmem:s25+$0xFFFFFFF0] =	vst v0  }
0x4a: {  	[tilespmem:s25+$0xFFFFFFE0] =	vst v0  }
0x4b: {  	[tilespmem:s25+$0xFFFFFFD0] =	vst v0  }
0x4c: {  	v3 =	vld [tilespmem:$0x10000];
	_ =	sdelay $0x2  }
0x4d: {  	s25 =	simm.s32 $0x0  }
.LBB2_12:
0x4e: {  	_ =	swait.ge [sflag:s17], $0x4000  }
0x4f: {  	[sflag:s17] =	ssyncset.done $0x0  }
0x50: {  	s0 =	simm.s32 $0x40;
	[sflag:s17] =	ssyncadd.s32 $0xFFFFC000  }
0x51: {  	v4 =	vld [tilespmem:s0+$0x30]  }
0x52: {  	v5 =	vld [tilespmem:s0+$0xFFFFFFD0]  }
0x53: {  	v6 =	vld [tilespmem:s0+$0xFFFFFFE0]  }
0x54: {  	v8 =	vld [tilespmem:s0+$0x0]  }
0x55: {  	v9 =	vld [tilespmem:s0+$0x10];
	_ =	sdelay $0x2  }
0x56: {  	v7 =	vld [tilespmem:s0+$0xFFFFFFF0];
	v4 =	vand.u32 $0x7FFFFFFF, v4  }
0x57: {  	v10 =	vld [tilespmem:s0+$0x20];
	v5 =	vand.u32 $0x7FFFFFFF, v5;
	v13 =	vand.u32 $0x7FFFFFFF, v6;
	v19 =	vand.u32 $0x7FFFFFFF, v8  }
0x58: {  	v12 =	vld [tilespmem:s0+$0xFFFFFFC0];
	v21 =	vand.u32 $0x7FFFFFFF, v9;
	v11 =	vshrl.u32 v4, $0x14;
	v4 =	vshrl.u32 v4, $0x5  }
0x59: {  	v6 =	vshrl.u32 v5, $0x5;
	v15 =	vshrl.u32 v13, $0x5;
	v20 =	vshrl.u32 v19, $0x5  }
0x5a: {  	v8 =	vshrl.u32 v21, $0x5;
	vm0 =	veq.s32 v11, v3;
	v4 =	vand.u32 $0x7FF0, v4  }
0x5b: {  	v11 =	vand.u32 $0x7FFFFFFF, v7;
	v7 =	vshrl.u32 v13, $0x14;
	v14 =	vor.u32 v1, v4  }
0x5c: {  	v13 =	vand.u32 $0x7FF0, v20;
	v18 =	vshrl.u32 v11, $0x5;
	v4 =	vshrl.u32 v5, $0x14  }
0x5d: {  	v5 =	vand.u32 $0x7FF0, v6;
	v6 =	vand.u32 $0x7FFFFFFF, v10;
	v10 =	vand.u32 $0x7FFFFFFF, v12  }
0x5e: {  	v9 =	vshrl.u32 v6, $0x5;
	v16 =	vshrl.u32 v10, $0x14;
	v12 =	vshrl.u32 v10, $0x5  }
0x5f: {  	v10 =	vand.u32 $0x7FF0, v15;
	v15 =	vshrl.u32 v19, $0x14;
	v17 =	vand.u32 $0x7FF0, v12  }
0x60: {  	s26 =	simm.s32 $0x0;
	s28 =	simm.s32 $0x240;
	v12 =	vshrl.u32 v11, $0x14;
	v11 =	vand.u32 $0x7FF0, v18;
	[tilespmem:v14+s18+$0x0] =	vst.idx.add.s32.msk vm0, v2;
	v14 =	vshrl.u32 v21, $0x14  }
.LBB2_13:
0x61: {  	v18 =	vld [tilespmem:s28+$0x30];
	s26 =	sadd.s32 $0x8, s26;
	v8 =	vand.u32 $0x7FF0, v8;
	v6 =	vshrl.u32 v6, $0x14;
	v9 =	vand.u32 $0x7FF0, v9  }
0x62: {  	vm6 =	veq.s32 v16, v3;
	v16 =	vor.u32 v1, v17;
	vm5 =	veq.s32 v4, v3;
	v19 =	vld [tilespmem:s28+$0xFFFFFFD0];
	p0 =	slt.u32 s26, $0x3F8  }
0x63: {  	v5 =	vor.u32 v1, v5;
	vm4 =	veq.s32 v7, v3;
	v7 =	vor.u32 v1, v10;
	v4 =	vld [tilespmem:s28+$0xFFFFFFE0]  }
0x64: {  	vm3 =	veq.s32 v12, v3;
	v11 =	vor.u32 v1, v11;
	vm2 =	veq.s32 v15, v3;
	v10 =	vld [tilespmem:s28+$0xFFFFFFF0]  }
0x65: {  	v13 =	vor.u32 v1, v13;
	vm1 =	veq.s32 v14, v3;
	v14 =	vor.u32 v1, v8;
	v12 =	vld [tilespmem:s28+$0x0]  }
0x66: {  	vm0 =	veq.s32 v6, v3;
	v8 =	vld [tilespmem:s28+$0x10];
	v15 =	vand.u32 $0x7FFFFFFF, v18;
	v18 =	vor.u32 v1, v9  }
0x67: {  	v6 =	vand.u32 $0x7FFFFFFF, v19;
	v9 =	vld [tilespmem:s28+$0x20];
	v17 =	vshrl.u32 v15, $0x14;
	v15 =	vshrl.u32 v15, $0x5  }
0x68: {  	v19 =	vld [tilespmem:s28+$0xFFFFFFC0];
	v20 =	vand.u32 $0x7FFFFFFF, v4;
	vm7 =	veq.s32 v17, v3;
	v4 =	vand.u32 $0x7FF0, v15  }
0x69: {  	v15 =	vshrl.u32 v6, $0x5;
	v21 =	vand.u32 $0x7FFFFFFF, v10;
	v17 =	vor.u32 v1, v4;
	[tilespmem:v16+s18+$0x0] =	vst.idx.add.s32.msk vm6, v2  }
0x6a: {  	v10 =	vshrl.u32 v20, $0x5;
	v22 =	vshrl.u32 v21, $0x5;
	v23 =	vand.u32 $0x7FFFFFFF, v12;
	[tilespmem:v5+s18+$0x0] =	vst.idx.add.s32.msk vm5, v2  }
0x6b: {  	v4 =	vshrl.u32 v6, $0x14;
	v24 =	vshrl.u32 v23, $0x5;
	v25 =	vand.u32 $0x7FFFFFFF, v8;
	[tilespmem:v7+s18+$0x0] =	vst.idx.add.s32.msk vm4, v2  }
.Ltmp7:
0x6c: {  	v5 =	vand.u32 $0x7FF0, v15;
	v8 =	vshrl.u32 v25, $0x5;
	v6 =	vand.u32 $0x7FFFFFFF, v9;
	[tilespmem:v11+s18+$0x0] =	vst.idx.add.s32.msk vm3, v2;
	(pc) =	sbr.rel @p0 .LBB2_13-.Ltmp7, $4  }
0x6d: {  	v7 =	vshrl.u32 v20, $0x14;
	v11 =	vand.u32 $0x7FFFFFFF, v19;
	v9 =	vshrl.u32 v6, $0x5;
	[tilespmem:v13+s18+$0x0] =	vst.idx.add.s32.msk vm2, v2  }
0x6e: {  	v10 =	vand.u32 $0x7FF0, v10;
	v16 =	vshrl.u32 v11, $0x14;
	v11 =	vshrl.u32 v11, $0x5;
	[tilespmem:v17+s18+$0x0] =	vst.idx.add.s32.msk vm7, v2  }
0x6f: {  	v12 =	vshrl.u32 v21, $0x14;
	v17 =	vand.u32 $0x7FF0, v11;
	v11 =	vand.u32 $0x7FF0, v22;
	[tilespmem:v14+s18+$0x0] =	vst.idx.add.s32.msk vm1, v2  }
0x70: {  	s28 =	sadd.s32 $0x200, s28;
	v15 =	vshrl.u32 v23, $0x14;
	v13 =	vand.u32 $0x7FF0, v24;
	v14 =	vshrl.u32 v25, $0x14;
	[tilespmem:v18+s18+$0x0] =	vst.idx.add.s32.msk vm0, v2  }
0x71: {  	vm0 =	veq.s32 v16, v3  }
0x72: {  	v59 =	vor.u32 v1, v17;
	vm1 =	veq.s32 v4, v3  }
0x73: {  	v4 =	vor.u32 v1, v5;
	vm2 =	veq.s32 v7, v3  }
0x74: {  	v5 =	vor.u32 v1, v10;
	vm3 =	veq.s32 v12, v3  }
0x75: {  	v60 =	vand.u32 $0x7FF0, v8;
	v61 =	vor.u32 v1, v11;
	vm4 =	veq.s32 v15, v3  }
0x76: {  	v6 =	vshrl.u32 v6, $0x14;
	v62 =	vor.u32 v1, v13;
	vm5 =	veq.s32 v14, v3  }
0x77: {  	v9 =	vand.u32 $0x7FF0, v9;
	v7 =	vor.u32 v1, v60;
	vm6 =	veq.s32 v6, v3;
	[tilespmem:v59+s18+$0x0] =	vst.idx.add.s32.msk vm0, v2  }
0x78: {  	p0 =	seq.s32 s25, $0x7;
	v63 =	vor.u32 v1, v9;
	[tilespmem:v4+s18+$0x0] =	vst.idx.add.s32.msk vm1, v2  }
.Ltmp8:
0x79: {  	[tilespmem:v5+s18+$0x0] =	vst.idx.add.s32.msk vm2, v2;
	(pc) =	sbr.rel @p0 .LBB2_18-.Ltmp8, $4  }
0x7a: {  	[tilespmem:v61+s18+$0x0] =	vst.idx.add.s32.msk vm3, v2  }
0x7b: {  	[tilespmem:v62+s18+$0x0] =	vst.idx.add.s32.msk vm4, v2  }
0x7c: {  	[tilespmem:v7+s18+$0x0] =	vst.idx.add.s32.msk vm5, v2  }
0x7d: {  	s26 =	sshll.u32 s25, $0x10;
	[tilespmem:v63+s18+$0x0] =	vst.idx.add.s32.msk vm6, v2  }
0x7e: {  	s0 =	sadd.s32 s26, s9  }
0x7f: {  	s0 =	sshrl.u32 s0, $0x3  }
0x80: {  	s29 =	simm.s32 $0x0;
	s28 =	sadd.s32 s3, s0  }
0x81: {  	s30 =	simm.s32 $0x10;
	s31 =	simm.s32 $0x200;
	s0 =	sadd.s32 $0x0, s28  }
.LBB2_16:
0x82: {  	[tilespmem:s29], [sflag:$0x1] =	stream.linear.gather [hbm4b:s0+s2], $0x80, $0x38;
	[tilespmem:$0x18080] =	vst v63  }
0x83: {  	s0 =	smov.u32 s30;
	s29 =	smov.u32 s31;
	p1 =	sne.s32 s30, $0x7F0  }
.Ltmp9:
0x84: {  	s30 =	sadd.s32 $0x10, s30;
	(pc) =	sbr.rel @p1 .LBB2_16-.Ltmp9, $2  }
0x85: {  	_ =	sdelay $0x2  }
0x86: {  	s31 =	sadd.s32 $0x200, s31;
	s0 =	sadd.s32 s0, s28  }
0x87: {  	[tilespmem:s29], [sflag:$0x1] =	stream.linear.gather [hbm4b:s0+s2], $0x80, $0x38;
	[tilespmem:$0x18080] =	vst v63  }
.LBB2_18:
0x88: {  	_ =	swait.ge [sflag:s19], $0x4000  }
0x89: {  	[sflag:s19] =	ssyncset.done $0x0  }
0x8a: {  	s0 =	simm.s32 $0xF0;
	[sflag:s19] =	ssyncadd.s32 $0xFFFFC000  }
0x8b: {  	v4 =	vld [tilespmem:s0+$0x0]  }
0x8c: {  	v5 =	vld [tilespmem:s0+$0xFFFFFFA0]  }
0x8d: {  	v6 =	vld [tilespmem:s0+$0xFFFFFFB0]  }
0x8e: {  	v8 =	vld [tilespmem:s0+$0xFFFFFFD0]  }
0x8f: {  	v9 =	vld [tilespmem:s0+$0xFFFFFFE0];
	_ =	sdelay $0x2  }
0x90: {  	v7 =	vld [tilespmem:s0+$0xFFFFFFC0];
	v4 =	vand.u32 $0x7FFFFFFF, v4  }
0x91: {  	v10 =	vld [tilespmem:s0+$0xFFFFFFF0];
	v5 =	vand.u32 $0x7FFFFFFF, v5;
	v13 =	vand.u32 $0x7FFFFFFF, v6;
	v19 =	vand.u32 $0x7FFFFFFF, v8  }
0x92: {  	v12 =	vld [tilespmem:s0+$0xFFFFFF90];
	v21 =	vand.u32 $0x7FFFFFFF, v9;
	v11 =	vshrl.u32 v4, $0x14;
	v4 =	vshrl.u32 v4, $0x5  }
0x93: {  	v6 =	vshrl.u32 v5, $0x5;
	v15 =	vshrl.u32 v13, $0x5;
	v20 =	vshrl.u32 v19, $0x5  }
0x94: {  	v8 =	vshrl.u32 v21, $0x5;
	vm0 =	veq.s32 v11, v3;
	v4 =	vand.u32 $0x7FF0, v4  }
0x95: {  	v11 =	vand.u32 $0x7FFFFFFF, v7;
	v7 =	vshrl.u32 v13, $0x14;
	v14 =	vor.u32 v1, v4  }
0x96: {  	v13 =	vand.u32 $0x7FF0, v20;
	v18 =	vshrl.u32 v11, $0x5;
	v4 =	vshrl.u32 v5, $0x14  }
0x97: {  	v5 =	vand.u32 $0x7FF0, v6;
	v6 =	vand.u32 $0x7FFFFFFF, v10;
	v10 =	vand.u32 $0x7FFFFFFF, v12  }
0x98: {  	v9 =	vshrl.u32 v6, $0x5;
	v16 =	vshrl.u32 v10, $0x14;
	v12 =	vshrl.u32 v10, $0x5  }
0x99: {  	v10 =	vand.u32 $0x7FF0, v15;
	v15 =	vshrl.u32 v19, $0x14;
	v17 =	vand.u32 $0x7FF0, v12  }
0x9a: {  	s28 =	simm.s32 $0x0;
	s29 =	simm.s32 $0x2F0;
	v12 =	vshrl.u32 v11, $0x14;
	v11 =	vand.u32 $0x7FF0, v18;
	[tilespmem:v14+s18+$0x0] =	vst.idx.add.s32.msk vm0, v2;
	v14 =	vshrl.u32 v21, $0x14  }
.LBB2_19:
0x9b: {  	v18 =	vld [tilespmem:s29+$0x0];
	s28 =	sadd.s32 $0x8, s28;
	v8 =	vand.u32 $0x7FF0, v8;
	v6 =	vshrl.u32 v6, $0x14;
	v9 =	vand.u32 $0x7FF0, v9  }
0x9c: {  	vm6 =	veq.s32 v16, v3;
	v16 =	vor.u32 v1, v17;
	vm5 =	veq.s32 v4, v3;
	v19 =	vld [tilespmem:s29+$0xFFFFFFA0];
	p1 =	slt.u32 s28, $0x3F8  }
0x9d: {  	v5 =	vor.u32 v1, v5;
	vm4 =	veq.s32 v7, v3;
	v7 =	vor.u32 v1, v10;
	v4 =	vld [tilespmem:s29+$0xFFFFFFB0]  }
0x9e: {  	vm3 =	veq.s32 v12, v3;
	v11 =	vor.u32 v1, v11;
	vm2 =	veq.s32 v15, v3;
	v10 =	vld [tilespmem:s29+$0xFFFFFFC0]  }
0x9f: {  	v13 =	vor.u32 v1, v13;
	vm1 =	veq.s32 v14, v3;
	v14 =	vor.u32 v1, v8;
	v12 =	vld [tilespmem:s29+$0xFFFFFFD0]  }
0xa0: {  	vm0 =	veq.s32 v6, v3;
	v8 =	vld [tilespmem:s29+$0xFFFFFFE0];
	v15 =	vand.u32 $0x7FFFFFFF, v18;
	v18 =	vor.u32 v1, v9  }
0xa1: {  	v6 =	vand.u32 $0x7FFFFFFF, v19;
	v9 =	vld [tilespmem:s29+$0xFFFFFFF0];
	v17 =	vshrl.u32 v15, $0x14;
	v15 =	vshrl.u32 v15, $0x5  }
0xa2: {  	v19 =	vld [tilespmem:s29+$0xFFFFFF90];
	v20 =	vand.u32 $0x7FFFFFFF, v4;
	vm7 =	veq.s32 v17, v3;
	v4 =	vand.u32 $0x7FF0, v15  }
0xa3: {  	v15 =	vshrl.u32 v6, $0x5;
	v21 =	vand.u32 $0x7FFFFFFF, v10;
	v17 =	vor.u32 v1, v4;
	[tilespmem:v16+s18+$0x0] =	vst.idx.add.s32.msk vm6, v2  }
0xa4: {  	v10 =	vshrl.u32 v20, $0x5;
	v22 =	vshrl.u32 v21, $0x5;
	v23 =	vand.u32 $0x7FFFFFFF, v12;
	[tilespmem:v5+s18+$0x0] =	vst.idx.add.s32.msk vm5, v2  }
0xa5: {  	v4 =	vshrl.u32 v6, $0x14;
	v24 =	vshrl.u32 v23, $0x5;
	v25 =	vand.u32 $0x7FFFFFFF, v8;
	[tilespmem:v7+s18+$0x0] =	vst.idx.add.s32.msk vm4, v2  }
.Ltmp10:
0xa6: {  	v5 =	vand.u32 $0x7FF0, v15;
	v8 =	vshrl.u32 v25, $0x5;
	v6 =	vand.u32 $0x7FFFFFFF, v9;
	[tilespmem:v11+s18+$0x0] =	vst.idx.add.s32.msk vm3, v2;
	(pc) =	sbr.rel @p1 .LBB2_19-.Ltmp10, $4  }
0xa7: {  	v7 =	vshrl.u32 v20, $0x14;
	v11 =	vand.u32 $0x7FFFFFFF, v19;
	v9 =	vshrl.u32 v6, $0x5;
	[tilespmem:v13+s18+$0x0] =	vst.idx.add.s32.msk vm2, v2  }
0xa8: {  	v10 =	vand.u32 $0x7FF0, v10;
	v16 =	vshrl.u32 v11, $0x14;
	v11 =	vshrl.u32 v11, $0x5;
	[tilespmem:v17+s18+$0x0] =	vst.idx.add.s32.msk vm7, v2  }
0xa9: {  	v12 =	vshrl.u32 v21, $0x14;
	v17 =	vand.u32 $0x7FF0, v11;
	v11 =	vand.u32 $0x7FF0, v22;
	[tilespmem:v14+s18+$0x0] =	vst.idx.add.s32.msk vm1, v2  }
0xaa: {  	s29 =	sadd.s32 $0x200, s29;
	v15 =	vshrl.u32 v23, $0x14;
	v13 =	vand.u32 $0x7FF0, v24;
	v14 =	vshrl.u32 v25, $0x14;
	[tilespmem:v18+s18+$0x0] =	vst.idx.add.s32.msk vm0, v2  }
0xab: {  	vm0 =	veq.s32 v16, v3  }
0xac: {  	v59 =	vor.u32 v1, v17;
	vm1 =	veq.s32 v4, v3  }
0xad: {  	v4 =	vor.u32 v1, v5;
	vm2 =	veq.s32 v7, v3  }
0xae: {  	v5 =	vor.u32 v1, v10;
	vm3 =	veq.s32 v12, v3  }
0xaf: {  	v60 =	vand.u32 $0x7FF0, v8;
	v61 =	vor.u32 v1, v11;
	vm4 =	veq.s32 v15, v3  }
0xb0: {  	v6 =	vshrl.u32 v6, $0x14;
	v62 =	vor.u32 v1, v13;
	vm5 =	veq.s32 v14, v3  }
0xb1: {  	v9 =	vand.u32 $0x7FF0, v9;
	v7 =	vor.u32 v1, v60;
	vm6 =	veq.s32 v6, v3;
	[tilespmem:v59+s18+$0x0] =	vst.idx.add.s32.msk vm0, v2  }
0xb2: {  	v63 =	vor.u32 v1, v9;
	[tilespmem:v4+s18+$0x0] =	vst.idx.add.s32.msk vm1, v2  }
.Ltmp11:
0xb3: {  	[tilespmem:v5+s18+$0x0] =	vst.idx.add.s32.msk vm2, v2;
	(pc) =	sbr.rel @p0 .LBB2_24-.Ltmp11, $4  }
0xb4: {  	[tilespmem:v61+s18+$0x0] =	vst.idx.add.s32.msk vm3, v2  }
0xb5: {  	[tilespmem:v62+s18+$0x0] =	vst.idx.add.s32.msk vm4, v2  }
0xb6: {  	[tilespmem:v7+s18+$0x0] =	vst.idx.add.s32.msk vm5, v2  }
0xb7: {  	[tilespmem:v63+s18+$0x0] =	vst.idx.add.s32.msk vm6, v2  }
0xb8: {  	s0 =	sadd.s32 s26, s10  }
0xb9: {  	s0 =	sshrl.u32 s0, $0x3  }
0xba: {  	s29 =	simm.s32 $0x80;
	s28 =	sadd.s32 s3, s0  }
0xbb: {  	s30 =	simm.s32 $0x10;
	s31 =	simm.s32 $0x280;
	s0 =	sadd.s32 $0x0, s28  }
.LBB2_22:
0xbc: {  	[tilespmem:s29], [sflag:$0x2] =	stream.linear.gather [hbm4b:s0+s2], $0x80, $0x38;
	[tilespmem:$0x18080] =	vst v63  }
0xbd: {  	s0 =	smov.u32 s30;
	s29 =	smov.u32 s31;
	p1 =	sne.s32 s30, $0x7F0  }
.Ltmp12:
0xbe: {  	s30 =	sadd.s32 $0x10, s30;
	(pc) =	sbr.rel @p1 .LBB2_22-.Ltmp12, $2  }
0xbf: {  	_ =	sdelay $0x2  }
0xc0: {  	s31 =	sadd.s32 $0x200, s31;
	s0 =	sadd.s32 s0, s28  }
0xc1: {  	[tilespmem:s29], [sflag:$0x2] =	stream.linear.gather [hbm4b:s0+s2], $0x80, $0x38;
	[tilespmem:$0x18080] =	vst v63  }
.LBB2_24:
0xc2: {  	_ =	swait.ge [sflag:s20], $0x4000  }
0xc3: {  	[sflag:s20] =	ssyncset.done $0x0  }
0xc4: {  	s0 =	simm.s32 $0x170;
	[sflag:s20] =	ssyncadd.s32 $0xFFFFC000  }
0xc5: {  	v4 =	vld [tilespmem:s0+$0x0]  }
0xc6: {  	v5 =	vld [tilespmem:s0+$0xFFFFFFA0]  }
0xc7: {  	v6 =	vld [tilespmem:s0+$0xFFFFFFB0]  }
0xc8: {  	v8 =	vld [tilespmem:s0+$0xFFFFFFD0]  }
0xc9: {  	v9 =	vld [tilespmem:s0+$0xFFFFFFE0];
	_ =	sdelay $0x2  }
0xca: {  	v7 =	vld [tilespmem:s0+$0xFFFFFFC0];
	v4 =	vand.u32 $0x7FFFFFFF, v4  }
0xcb: {  	v10 =	vld [tilespmem:s0+$0xFFFFFFF0];
	v5 =	vand.u32 $0x7FFFFFFF, v5;
	v13 =	vand.u32 $0x7FFFFFFF, v6;
	v19 =	vand.u32 $0x7FFFFFFF, v8  }
0xcc: {  	v12 =	vld [tilespmem:s0+$0xFFFFFF90];
	v21 =	vand.u32 $0x7FFFFFFF, v9;
	v11 =	vshrl.u32 v4, $0x14;
	v4 =	vshrl.u32 v4, $0x5  }
0xcd: {  	v6 =	vshrl.u32 v5, $0x5;
	v15 =	vshrl.u32 v13, $0x5;
	v20 =	vshrl.u32 v19, $0x5  }
0xce: {  	v8 =	vshrl.u32 v21, $0x5;
	vm0 =	veq.s32 v11, v3;
	v4 =	vand.u32 $0x7FF0, v4  }
0xcf: {  	v11 =	vand.u32 $0x7FFFFFFF, v7;
	v7 =	vshrl.u32 v13, $0x14;
	v14 =	vor.u32 v1, v4  }
0xd0: {  	v13 =	vand.u32 $0x7FF0, v20;
	v18 =	vshrl.u32 v11, $0x5;
	v4 =	vshrl.u32 v5, $0x14  }
0xd1: {  	v5 =	vand.u32 $0x7FF0, v6;
	v6 =	vand.u32 $0x7FFFFFFF, v10;
	v10 =	vand.u32 $0x7FFFFFFF, v12  }
0xd2: {  	v9 =	vshrl.u32 v6, $0x5;
	v16 =	vshrl.u32 v10, $0x14;
	v12 =	vshrl.u32 v10, $0x5  }
0xd3: {  	v10 =	vand.u32 $0x7FF0, v15;
	v15 =	vshrl.u32 v19, $0x14;
	v17 =	vand.u32 $0x7FF0, v12  }
0xd4: {  	s28 =	simm.s32 $0x0;
	s29 =	simm.s32 $0x370;
	v12 =	vshrl.u32 v11, $0x14;
	v11 =	vand.u32 $0x7FF0, v18;
	[tilespmem:v14+s18+$0x0] =	vst.idx.add.s32.msk vm0, v2;
	v14 =	vshrl.u32 v21, $0x14  }
.LBB2_25:
0xd5: {  	v18 =	vld [tilespmem:s29+$0x0];
	s28 =	sadd.s32 $0x8, s28;
	v8 =	vand.u32 $0x7FF0, v8;
	v6 =	vshrl.u32 v6, $0x14;
	v9 =	vand.u32 $0x7FF0, v9  }
0xd6: {  	vm6 =	veq.s32 v16, v3;
	v16 =	vor.u32 v1, v17;
	vm5 =	veq.s32 v4, v3;
	v19 =	vld [tilespmem:s29+$0xFFFFFFA0];
	p1 =	slt.u32 s28, $0x3F8  }
0xd7: {  	v5 =	vor.u32 v1, v5;
	vm4 =	veq.s32 v7, v3;
	v7 =	vor.u32 v1, v10;
	v4 =	vld [tilespmem:s29+$0xFFFFFFB0]  }
0xd8: {  	vm3 =	veq.s32 v12, v3;
	v11 =	vor.u32 v1, v11;
	vm2 =	veq.s32 v15, v3;
	v10 =	vld [tilespmem:s29+$0xFFFFFFC0]  }
0xd9: {  	v13 =	vor.u32 v1, v13;
	vm1 =	veq.s32 v14, v3;
	v14 =	vor.u32 v1, v8;
	v12 =	vld [tilespmem:s29+$0xFFFFFFD0]  }
0xda: {  	vm0 =	veq.s32 v6, v3;
	v8 =	vld [tilespmem:s29+$0xFFFFFFE0];
	v15 =	vand.u32 $0x7FFFFFFF, v18;
	v18 =	vor.u32 v1, v9  }
0xdb: {  	v6 =	vand.u32 $0x7FFFFFFF, v19;
	v9 =	vld [tilespmem:s29+$0xFFFFFFF0];
	v17 =	vshrl.u32 v15, $0x14;
	v15 =	vshrl.u32 v15, $0x5  }
0xdc: {  	v19 =	vld [tilespmem:s29+$0xFFFFFF90];
	v20 =	vand.u32 $0x7FFFFFFF, v4;
	vm7 =	veq.s32 v17, v3;
	v4 =	vand.u32 $0x7FF0, v15  }
0xdd: {  	v15 =	vshrl.u32 v6, $0x5;
	v21 =	vand.u32 $0x7FFFFFFF, v10;
	v17 =	vor.u32 v1, v4;
	[tilespmem:v16+s18+$0x0] =	vst.idx.add.s32.msk vm6, v2  }
0xde: {  	v10 =	vshrl.u32 v20, $0x5;
	v22 =	vshrl.u32 v21, $0x5;
	v23 =	vand.u32 $0x7FFFFFFF, v12;
	[tilespmem:v5+s18+$0x0] =	vst.idx.add.s32.msk vm5, v2  }
0xdf: {  	v4 =	vshrl.u32 v6, $0x14;
	v24 =	vshrl.u32 v23, $0x5;
	v25 =	vand.u32 $0x7FFFFFFF, v8;
	[tilespmem:v7+s18+$0x0] =	vst.idx.add.s32.msk vm4, v2  }
.Ltmp13:
0xe0: {  	v5 =	vand.u32 $0x7FF0, v15;
	v8 =	vshrl.u32 v25, $0x5;
	v6 =	vand.u32 $0x7FFFFFFF, v9;
	[tilespmem:v11+s18+$0x0] =	vst.idx.add.s32.msk vm3, v2;
	(pc) =	sbr.rel @p1 .LBB2_25-.Ltmp13, $4  }
0xe1: {  	v7 =	vshrl.u32 v20, $0x14;
	v11 =	vand.u32 $0x7FFFFFFF, v19;
	v9 =	vshrl.u32 v6, $0x5;
	[tilespmem:v13+s18+$0x0] =	vst.idx.add.s32.msk vm2, v2  }
0xe2: {  	v10 =	vand.u32 $0x7FF0, v10;
	v16 =	vshrl.u32 v11, $0x14;
	v11 =	vshrl.u32 v11, $0x5;
	[tilespmem:v17+s18+$0x0] =	vst.idx.add.s32.msk vm7, v2  }
0xe3: {  	v12 =	vshrl.u32 v21, $0x14;
	v17 =	vand.u32 $0x7FF0, v11;
	v11 =	vand.u32 $0x7FF0, v22;
	[tilespmem:v14+s18+$0x0] =	vst.idx.add.s32.msk vm1, v2  }
0xe4: {  	s29 =	sadd.s32 $0x200, s29;
	v15 =	vshrl.u32 v23, $0x14;
	v13 =	vand.u32 $0x7FF0, v24;
	v14 =	vshrl.u32 v25, $0x14;
	[tilespmem:v18+s18+$0x0] =	vst.idx.add.s32.msk vm0, v2  }
0xe5: {  	vm0 =	veq.s32 v16, v3  }
0xe6: {  	v59 =	vor.u32 v1, v17;
	vm1 =	veq.s32 v4, v3  }
0xe7: {  	v4 =	vor.u32 v1, v5;
	vm2 =	veq.s32 v7, v3  }
0xe8: {  	v5 =	vor.u32 v1, v10;
	vm3 =	veq.s32 v12, v3  }
0xe9: {  	v60 =	vand.u32 $0x7FF0, v8;
	v61 =	vor.u32 v1, v11;
	vm4 =	veq.s32 v15, v3  }
0xea: {  	v6 =	vshrl.u32 v6, $0x14;
	v62 =	vor.u32 v1, v13;
	vm5 =	veq.s32 v14, v3  }
0xeb: {  	v9 =	vand.u32 $0x7FF0, v9;
	v7 =	vor.u32 v1, v60;
	vm6 =	veq.s32 v6, v3;
	[tilespmem:v59+s18+$0x0] =	vst.idx.add.s32.msk vm0, v2  }
0xec: {  	v63 =	vor.u32 v1, v9;
	[tilespmem:v4+s18+$0x0] =	vst.idx.add.s32.msk vm1, v2  }
.Ltmp14:
0xed: {  	[tilespmem:v5+s18+$0x0] =	vst.idx.add.s32.msk vm2, v2;
	(pc) =	sbr.rel @p0 .LBB2_30-.Ltmp14, $4  }
0xee: {  	[tilespmem:v61+s18+$0x0] =	vst.idx.add.s32.msk vm3, v2  }
0xef: {  	[tilespmem:v62+s18+$0x0] =	vst.idx.add.s32.msk vm4, v2  }
0xf0: {  	[tilespmem:v7+s18+$0x0] =	vst.idx.add.s32.msk vm5, v2  }
0xf1: {  	[tilespmem:v63+s18+$0x0] =	vst.idx.add.s32.msk vm6, v2  }
0xf2: {  	s0 =	sadd.s32 s26, s11  }
0xf3: {  	s0 =	sshrl.u32 s0, $0x3  }
0xf4: {  	s29 =	simm.s32 $0x100;
	s28 =	sadd.s32 s3, s0  }
0xf5: {  	s30 =	simm.s32 $0x10;
	s31 =	simm.s32 $0x300;
	s0 =	sadd.s32 $0x0, s28  }
.LBB2_28:
0xf6: {  	[tilespmem:s29], [sflag:$0x3] =	stream.linear.gather [hbm4b:s0+s2], $0x80, $0x38;
	[tilespmem:$0x18080] =	vst v63  }
0xf7: {  	s0 =	smov.u32 s30;
	s29 =	smov.u32 s31;
	p1 =	sne.s32 s30, $0x7F0  }
.Ltmp15:
0xf8: {  	s30 =	sadd.s32 $0x10, s30;
	(pc) =	sbr.rel @p1 .LBB2_28-.Ltmp15, $2  }
0xf9: {  	_ =	sdelay $0x2  }
0xfa: {  	s31 =	sadd.s32 $0x200, s31;
	s0 =	sadd.s32 s0, s28  }
0xfb: {  	[tilespmem:s29], [sflag:$0x3] =	stream.linear.gather [hbm4b:s0+s2], $0x80, $0x38;
	[tilespmem:$0x18080] =	vst v63  }
.LBB2_30:
0xfc: {  	_ =	swait.ge [sflag:s21], $0x4000  }
0xfd: {  	[sflag:s21] =	ssyncset.done $0x0  }
0xfe: {  	s0 =	simm.s32 $0x1F0;
	[sflag:s21] =	ssyncadd.s32 $0xFFFFC000  }
0xff: {  	v4 =	vld [tilespmem:s0+$0x0]  }
0x100: {  	v5 =	vld [tilespmem:s0+$0xFFFFFFA0]  }
0x101: {  	v6 =	vld [tilespmem:s0+$0xFFFFFFB0]  }
0x102: {  	v8 =	vld [tilespmem:s0+$0xFFFFFFD0]  }
0x103: {  	v9 =	vld [tilespmem:s0+$0xFFFFFFE0];
	_ =	sdelay $0x2  }
0x104: {  	v7 =	vld [tilespmem:s0+$0xFFFFFFC0];
	v4 =	vand.u32 $0x7FFFFFFF, v4  }
0x105: {  	v10 =	vld [tilespmem:s0+$0xFFFFFFF0];
	v5 =	vand.u32 $0x7FFFFFFF, v5;
	v13 =	vand.u32 $0x7FFFFFFF, v6;
	v19 =	vand.u32 $0x7FFFFFFF, v8  }
0x106: {  	v12 =	vld [tilespmem:s0+$0xFFFFFF90];
	v21 =	vand.u32 $0x7FFFFFFF, v9;
	v11 =	vshrl.u32 v4, $0x14;
	v4 =	vshrl.u32 v4, $0x5  }
0x107: {  	v6 =	vshrl.u32 v5, $0x5;
	v15 =	vshrl.u32 v13, $0x5;
	v20 =	vshrl.u32 v19, $0x5  }
0x108: {  	v8 =	vshrl.u32 v21, $0x5;
	vm0 =	veq.s32 v11, v3;
	v4 =	vand.u32 $0x7FF0, v4  }
0x109: {  	v11 =	vand.u32 $0x7FFFFFFF, v7;
	v7 =	vshrl.u32 v13, $0x14;
	v14 =	vor.u32 v1, v4  }
0x10a: {  	v13 =	vand.u32 $0x7FF0, v20;
	v18 =	vshrl.u32 v11, $0x5;
	v4 =	vshrl.u32 v5, $0x14  }
0x10b: {  	v5 =	vand.u32 $0x7FF0, v6;
	v6 =	vand.u32 $0x7FFFFFFF, v10;
	v10 =	vand.u32 $0x7FFFFFFF, v12  }
0x10c: {  	v9 =	vshrl.u32 v6, $0x5;
	v16 =	vshrl.u32 v10, $0x14;
	v12 =	vshrl.u32 v10, $0x5  }
0x10d: {  	v10 =	vand.u32 $0x7FF0, v15;
	v15 =	vshrl.u32 v19, $0x14;
	v17 =	vand.u32 $0x7FF0, v12  }
0x10e: {  	s28 =	simm.s32 $0x0;
	s29 =	simm.s32 $0x3F0;
	v12 =	vshrl.u32 v11, $0x14;
	v11 =	vand.u32 $0x7FF0, v18;
	[tilespmem:v14+s18+$0x0] =	vst.idx.add.s32.msk vm0, v2;
	v14 =	vshrl.u32 v21, $0x14  }
.LBB2_31:
0x10f: {  	v18 =	vld [tilespmem:s29+$0x0];
	s28 =	sadd.s32 $0x8, s28;
	v8 =	vand.u32 $0x7FF0, v8;
	v6 =	vshrl.u32 v6, $0x14;
	v9 =	vand.u32 $0x7FF0, v9  }
0x110: {  	vm6 =	veq.s32 v16, v3;
	v16 =	vor.u32 v1, v17;
	vm5 =	veq.s32 v4, v3;
	v19 =	vld [tilespmem:s29+$0xFFFFFFA0];
	p1 =	slt.u32 s28, $0x3F8  }
0x111: {  	v5 =	vor.u32 v1, v5;
	vm4 =	veq.s32 v7, v3;
	v7 =	vor.u32 v1, v10;
	v4 =	vld [tilespmem:s29+$0xFFFFFFB0]  }
0x112: {  	vm3 =	veq.s32 v12, v3;
	v11 =	vor.u32 v1, v11;
	vm2 =	veq.s32 v15, v3;
	v10 =	vld [tilespmem:s29+$0xFFFFFFC0]  }
0x113: {  	v13 =	vor.u32 v1, v13;
	vm1 =	veq.s32 v14, v3;
	v14 =	vor.u32 v1, v8;
	v12 =	vld [tilespmem:s29+$0xFFFFFFD0]  }
0x114: {  	vm0 =	veq.s32 v6, v3;
	v8 =	vld [tilespmem:s29+$0xFFFFFFE0];
	v15 =	vand.u32 $0x7FFFFFFF, v18;
	v18 =	vor.u32 v1, v9  }
0x115: {  	v6 =	vand.u32 $0x7FFFFFFF, v19;
	v9 =	vld [tilespmem:s29+$0xFFFFFFF0];
	v17 =	vshrl.u32 v15, $0x14;
	v15 =	vshrl.u32 v15, $0x5  }
0x116: {  	v19 =	vld [tilespmem:s29+$0xFFFFFF90];
	v20 =	vand.u32 $0x7FFFFFFF, v4;
	vm7 =	veq.s32 v17, v3;
	v4 =	vand.u32 $0x7FF0, v15  }
0x117: {  	v15 =	vshrl.u32 v6, $0x5;
	v21 =	vand.u32 $0x7FFFFFFF, v10;
	v17 =	vor.u32 v1, v4;
	[tilespmem:v16+s18+$0x0] =	vst.idx.add.s32.msk vm6, v2  }
0x118: {  	v10 =	vshrl.u32 v20, $0x5;
	v22 =	vshrl.u32 v21, $0x5;
	v23 =	vand.u32 $0x7FFFFFFF, v12;
	[tilespmem:v5+s18+$0x0] =	vst.idx.add.s32.msk vm5, v2  }
0x119: {  	v4 =	vshrl.u32 v6, $0x14;
	v24 =	vshrl.u32 v23, $0x5;
	v25 =	vand.u32 $0x7FFFFFFF, v8;
	[tilespmem:v7+s18+$0x0] =	vst.idx.add.s32.msk vm4, v2  }
.Ltmp16:
0x11a: {  	v5 =	vand.u32 $0x7FF0, v15;
	v8 =	vshrl.u32 v25, $0x5;
	v6 =	vand.u32 $0x7FFFFFFF, v9;
	[tilespmem:v11+s18+$0x0] =	vst.idx.add.s32.msk vm3, v2;
	(pc) =	sbr.rel @p1 .LBB2_31-.Ltmp16, $4  }
0x11b: {  	v7 =	vshrl.u32 v20, $0x14;
	v11 =	vand.u32 $0x7FFFFFFF, v19;
	v9 =	vshrl.u32 v6, $0x5;
	[tilespmem:v13+s18+$0x0] =	vst.idx.add.s32.msk vm2, v2  }
0x11c: {  	v10 =	vand.u32 $0x7FF0, v10;
	v16 =	vshrl.u32 v11, $0x14;
	v11 =	vshrl.u32 v11, $0x5;
	[tilespmem:v17+s18+$0x0] =	vst.idx.add.s32.msk vm7, v2  }
0x11d: {  	v12 =	vshrl.u32 v21, $0x14;
	v17 =	vand.u32 $0x7FF0, v11;
	v11 =	vand.u32 $0x7FF0, v22;
	[tilespmem:v14+s18+$0x0] =	vst.idx.add.s32.msk vm1, v2  }
0x11e: {  	s29 =	sadd.s32 $0x200, s29;
	v15 =	vshrl.u32 v23, $0x14;
	v13 =	vand.u32 $0x7FF0, v24;
	v14 =	vshrl.u32 v25, $0x14;
	[tilespmem:v18+s18+$0x0] =	vst.idx.add.s32.msk vm0, v2  }
0x11f: {  	vm0 =	veq.s32 v16, v3  }
0x120: {  	v59 =	vor.u32 v1, v17;
	vm1 =	veq.s32 v4, v3  }
0x121: {  	v4 =	vor.u32 v1, v5;
	vm2 =	veq.s32 v7, v3  }
0x122: {  	v5 =	vor.u32 v1, v10;
	vm3 =	veq.s32 v12, v3  }
0x123: {  	v60 =	vand.u32 $0x7FF0, v8;
	v61 =	vor.u32 v1, v11;
	vm4 =	veq.s32 v15, v3  }
0x124: {  	v6 =	vshrl.u32 v6, $0x14;
	v62 =	vor.u32 v1, v13;
	vm5 =	veq.s32 v14, v3  }
0x125: {  	v9 =	vand.u32 $0x7FF0, v9;
	v7 =	vor.u32 v1, v60;
	vm6 =	veq.s32 v6, v3;
	[tilespmem:v59+s18+$0x0] =	vst.idx.add.s32.msk vm0, v2  }
0x126: {  	v63 =	vor.u32 v1, v9;
	[tilespmem:v4+s18+$0x0] =	vst.idx.add.s32.msk vm1, v2  }
.Ltmp17:
0x127: {  	[tilespmem:v5+s18+$0x0] =	vst.idx.add.s32.msk vm2, v2;
	(pc) =	sbr.rel @p0 .LBB2_36-.Ltmp17, $4  }
0x128: {  	[tilespmem:v61+s18+$0x0] =	vst.idx.add.s32.msk vm3, v2  }
0x129: {  	[tilespmem:v62+s18+$0x0] =	vst.idx.add.s32.msk vm4, v2  }
0x12a: {  	[tilespmem:v7+s18+$0x0] =	vst.idx.add.s32.msk vm5, v2  }
0x12b: {  	[tilespmem:v63+s18+$0x0] =	vst.idx.add.s32.msk vm6, v2  }
0x12c: {  	s0 =	sadd.s32 s26, s12  }
0x12d: {  	s0 =	sshrl.u32 s0, $0x3  }
0x12e: {  	s28 =	simm.s32 $0x180;
	s26 =	sadd.s32 s3, s0  }
0x12f: {  	s29 =	simm.s32 $0x10;
	s30 =	simm.s32 $0x380;
	s0 =	sadd.s32 $0x0, s26  }
.LBB2_34:
0x130: {  	[tilespmem:s28], [sflag:$0x4] =	stream.linear.gather [hbm4b:s0+s2], $0x80, $0x38;
	[tilespmem:$0x18080] =	vst v63  }
0x131: {  	s0 =	smov.u32 s29;
	s28 =	smov.u32 s30;
	p0 =	sne.s32 s29, $0x7F0  }
.Ltmp18:
0x132: {  	s29 =	sadd.s32 $0x10, s29;
	(pc) =	sbr.rel @p0 .LBB2_34-.Ltmp18, $2  }
0x133: {  	_ =	sdelay $0x2  }
0x134: {  	s30 =	sadd.s32 $0x200, s30;
	s0 =	sadd.s32 s0, s26  }
.Ltmp19:
0x135: {  	(pc) =	sbr.rel .LBB2_12-.Ltmp19, $3  }
0x136: {  	_ =	sdelay $0x1  }
0x137: {  	[tilespmem:s28], [sflag:$0x4] =	stream.linear.gather [hbm4b:s0+s2], $0x80, $0x38;
	[tilespmem:$0x18080] =	vst v63  }
0x138: {  	s25 =	sadd.s32 $0x1, s25  }
.LBB2_37:
0x139: {  	_ =	sfence.sel $0x180000  }
0x13a: {  	[bflag:$0x0] =	sbarrier.arrive $0xFFFF  }
0x13b: {  	_ =	strace $0x9000004A  }
0x13c: {  	[bflag:$0x2] =	sbarrier.arrive $0xFFFF  }
0x13d: {  	p0 =	sne.s32 s1, $0x0;
	s0 =	rddreg [dreg:$0x2]  }
0x13e: {  	s0 =	sadd.s32 @!p0 $0x100000, s0  }
0x13f: {  	[sflag:s0] =	ssyncadd.tile.s32 @!p0 $0x1;
	_ =	shalt  }
.Lfunc_end2:
_tile_overlayer_lowered:
.L_overlay_start_2:
0x140: {  	(tag) =	ssettag $0x2  }
0x141: {  	s0 =	rddreg [dreg:$0x0];
	s2 =	stileid.u32  }
0x142: {  	s1 =	rddreg [dreg:$0x1];
	p0 =	sne.s32 s2, $0x0  }
0x143: {  	s3 =	rddreg [dreg:$0x2];
	[bflag:$0x3] =	sbarrier.arrive $0xFFFF;
	s2 =	simm.s32 @!p0 $0x1C05  }
0x144: {  	[timem:s3], [sflag:s2] =	dma.local @!p0 [hbm:s0], s1  }
0x145: {  	s0 =	simm.s32 @!p0 $0x5  }
0x146: {  	_ =	swait.ge @!p0 [sflag:s0], s1  }
0x147: {  	s1 =	ssub.s32 @!p0 $0x0, s1;
	[sflag:s0] =	ssyncset.done @!p0 $0x0  }
0x148: {  	[sflag:s0] =	ssyncadd.s32 @!p0 s1  }
0x149: {  	[bflag:$0x3] =	sbarrier.arrive $0xFFFF  }
0x14a: {  	_ =	shalt  }

// kernel: kernel.15.cloned.1.call-start
scs
__scs_entry_jumppad:
0x0: {  	(pc) =	sbr.rel $0x88, $3  }
0x1: {  	(tag) =	ssettag $0x0;
	lr =	simm.s32 $0x1  }
0x2: {  	[smem:$0x3F9F] =	sst lr;
	_ =	strace $0xD0000000  }
0x3: {  	_ = 	snop  }
0x4: {  	_ = 	snop  }
0x5: {  	_ = 	snop  }
0x6: {  	_ = 	snop  }
0x7: {  	_ = 	snop  }
__scs_overlays_trampoline_lowered:
0x8: {  	[smem:$0x3FAE] =	sst s0  }
0x9: {  	[smem:$0x3FAF] =	sst s1  }
0xa: {  	[smem:$0x3FB0] =	sst s2  }
0xb: {  	[smem:$0x3FB1] =	sst s3  }
0xc: {  	[smem:$0x3FB2] =	sst s4  }
0xd: {  	[smem:$0x3FB3] =	sst s5  }
0xe: {  	[smem:$0x3FB4] =	sst s6  }
0xf: {  	[smem:$0x3FB5] =	sst s7  }
0x10: {  	[smem:$0x3FB6] =	sst s8  }
0x11: {  	[smem:$0x3FB7] =	sst s9;
	s0 =	simm.s32 @!p0 $0x0  }
0x12: {  	s1 =	sld [smem:$0x3F9D];
	s0 =	simm.s32 @p0 $0x1  }
0x13: {  	[smem:$0x3FB8] =	sst s0;
	s0 =	simm.s32 @!p1 $0x0  }
0x14: {  	s2 =	sld [smem:$0x3F9C];
	s0 =	simm.s32 @p1 $0x1  }
0x15: {  	[smem:$0x3FB9] =	sst s0;
	s0 =	simm.s32 @!p2 $0x0  }
0x16: {  	s3 =	sld [smem:$0x3FDB];
	s0 =	simm.s32 @p2 $0x1  }
0x17: {  	s4 =	simm.s32 $0x1BF5;
	[smem:$0x3FBB] =	sst s0  }
0x18: {  	s0 =	sld [smem:$0x3F9E];
	_ =	swait.ge [sflag:s4], $0x0  }
0x19: {  	s7 =	sld [smem:$0x3F9F]  }
0x1a: {  	s8 =	sadd.s32 $0xFFFFE003, lr  }
0x1b: {  	s9 =	sadd.s32 $0xFFFFFEF7, lr;
	s5 =	simm.s32 $0xFFFFFFFF;
	p2 =	slt.u32 s8, $0xFFFFF086  }
0x1c: {  	p1 =	slt.u32 s9, $0xF7A;
	s5 =	simm.s32 @!p2 $0x0  }
0x1d: {  	s5 =	simm.s32 @p1 $0x1;
	p0 =	seq.s32 s7, s2  }
0x1e: {  	s7 =	smul.u32 @!p0 $0xF7A, s2;
	p2 =	seq.s32 @!p0 s5, $0x0  }
0x1f: {  	s9 =	smul.u32 $0xF7A, s1;
	s8 =	simm.s32 @!p0 $0x1BF5;
	p2 =	por !p2, p0  }
0x20: {  	[sflag:s8] =	ssyncset.s32 @!p0 $0xFFFFF086;
	s6 =	sadd.s32 @!p0 s3, s7;
	s7 =	simm.s32 @!p0 $0x108  }
0x21: {  	s3 =	sadd.s32 s3, s9;
	s6 =	sadd.s32 @!p0 $0x88, s6;
	s7 =	simm.s32 @p2 $0x1082  }
0x22: {  	[simem:s7], [sflag:s8] =	dma.local @!p0 [hbm:s6], $0xF7A  }
0x23: {  	s9 =	sor.u32 $0xD0000000, s2;
	s6 =	simm.s32 $0x108;
	_ =	swait.ge @!p0 [sflag:s8], $0x0  }
0x24: {  	s3 =	sadd.s32 $0x88, s3;
	s6 =	simm.s32 @!p1 $0x1082;
	[sflag:s4] =	ssyncset.s32 $0xFFFFF086  }
0x25: {  	[simem:s6], [sflag:s4] =	dma.local [hbm:s3], $0xF7A  }
0x26: {  	[smem:$0x3F9F] =	sst s1;
	(tag) =	ssettag s2;
	_ =	strace s9  }
0x27: {  	s1 =	sld [smem:$0x3FAF]  }
0x28: {  	s2 =	sld [smem:$0x3FB0]  }
0x29: {  	s4 =	sld [smem:$0x3FB2]  }
0x2a: {  	p0 =	seq.s32 s5, $0x0;
	s5 =	sld [smem:$0x3FB3]  }
0x2b: {  	s6 =	sld [smem:$0x3FB4]  }
0x2c: {  	s7 =	sld [smem:$0x3FB5]  }
0x2d: {  	s3 =	simm.s32 $0x108;
	s8 =	sld [smem:$0x3FB6]  }
0x2e: {  	s3 =	simm.s32 @!p0 $0x1082;
	s9 =	sld [smem:$0x3FB7]  }
0x2f: {  	lr =	sadd.s32 s0, s3;
	s0 =	sld [smem:$0x3FAE]  }
0x30: {  	s3 =	sld [smem:$0x3FB1]  }
0x31: {  	[smem:$0x3FBA] =	sst s10  }
0x32: {  	s10 =	sld [smem:$0x3FB8];
	_ =	sdelay $0x3  }
0x33: {  	p0 =	seq.s32 s10, $0x1;
	s10 =	sld [smem:$0x3FBA];
	_ =	sdelay $0x3  }
0x34: {  	[smem:$0x3FBA] =	sst s10  }
0x35: {  	s10 =	sld [smem:$0x3FB9];
	_ =	sdelay $0x3  }
0x36: {  	p1 =	seq.s32 s10, $0x1;
	s10 =	sld [smem:$0x3FBA];
	_ =	sdelay $0x3  }
0x37: {  	[smem:$0x3FBA] =	sst s10  }
0x38: {  	s10 =	sld [smem:$0x3FBB]  }
0x39: {  	_ = 	snop;
	(pc) =	sbr.ind lr, $3  }
0x3a: {  	_ = 	snop  }
0x3b: {  	_ = 	snop  }
0x3c: {  	p2 =	seq.s32 s10, $0x1;
	s10 =	sld [smem:$0x3FBA]  }
0x3d: {  	_ =	shalt  }
0x3e: {  	_ =	shalt  }
0x3f: {  	_ =	shalt  }
0x40: {  	_ =	shalt  }
0x41: {  	_ =	shalt  }
0x42: {  	_ =	shalt  }
0x43: {  	_ =	shalt  }
0x44: {  	_ =	shalt  }
0x45: {  	_ =	shalt  }
0x46: {  	_ =	shalt  }
0x47: {  	_ =	shalt  }
0x48: {  	_ =	shalt  }
0x49: {  	_ =	shalt  }
0x4a: {  	_ =	shalt  }
0x4b: {  	_ =	shalt  }
0x4c: {  	_ =	shalt  }
0x4d: {  	_ =	shalt  }
0x4e: {  	_ =	shalt  }
0x4f: {  	_ =	shalt  }
0x50: {  	_ =	shalt  }
0x51: {  	_ =	shalt  }
0x52: {  	_ =	shalt  }
0x53: {  	_ =	shalt  }
0x54: {  	_ =	shalt  }
0x55: {  	_ =	shalt  }
0x56: {  	_ =	shalt  }
0x57: {  	_ =	shalt  }
0x58: {  	_ =	shalt  }
0x59: {  	_ =	shalt  }
0x5a: {  	_ =	shalt  }
0x5b: {  	_ =	shalt  }
0x5c: {  	_ =	shalt  }
0x5d: {  	_ =	shalt  }
0x5e: {  	_ =	shalt  }
0x5f: {  	_ =	shalt  }
0x60: {  	_ =	shalt  }
0x61: {  	_ =	shalt  }
0x62: {  	_ =	shalt  }
0x63: {  	_ =	shalt  }
0x64: {  	_ =	shalt  }
0x65: {  	_ =	shalt  }
0x66: {  	_ =	shalt  }
0x67: {  	_ =	shalt  }
0x68: {  	_ =	shalt  }
0x69: {  	_ =	shalt  }
0x6a: {  	_ =	shalt  }
0x6b: {  	_ =	shalt  }
0x6c: {  	_ =	shalt  }
0x6d: {  	_ =	shalt  }
0x6e: {  	_ =	shalt  }
0x6f: {  	_ =	shalt  }
0x70: {  	_ =	shalt  }
0x71: {  	_ =	shalt  }
0x72: {  	_ =	shalt  }
0x73: {  	_ =	shalt  }
0x74: {  	_ =	shalt  }
0x75: {  	_ =	shalt  }
0x76: {  	_ =	shalt  }
0x77: {  	_ =	shalt  }
0x78: {  	_ =	shalt  }
0x79: {  	_ =	shalt  }
0x7a: {  	_ =	shalt  }
0x7b: {  	_ =	shalt  }
0x7c: {  	_ =	shalt  }
0x7d: {  	_ =	shalt  }
0x7e: {  	_ =	shalt  }
0x7f: {  	_ =	shalt  }
0x80: {  	_ =	shalt  }
0x81: {  	_ =	shalt  }
0x82: {  	_ =	shalt  }
0x83: {  	_ =	shalt  }
0x84: {  	_ =	shalt  }
0x85: {  	_ =	shalt  }
0x86: {  	_ =	shalt  }
0x87: {  	_ =	shalt  }
.Lfunc_end0:
.L_simem_size_0:
called_computation.2_lowered:
.L_overlay_start_0:
0x88: {  	s2 =	sld [smem:$0x3FD9]  }
0x89: {  	s3 =	sld [smem:$0x3FFE];
	_ =	sdelay $0x1  }
0x8a: {  	s1 =	srdreg.scid  }
0x8b: {  	s0 =	sand.u32 $0x1, s1  }
0x8c: {  	s14 =	sshll.u32 s0, $0xA;
	s2 =	sadd.s32 s3, s2  }
0x8d: {  	s2 =	sadd.s32 s2, s14  }
0x8e: {  	[smem:$0x3FC6] =	sst s2  }
0x8f: {  	_ = 	snop  }
0x90: {  	s2 =	sld [smem:$0x3FD0];
	_ =	sdelay $0x2  }
0x91: {  	s15 =	simm.s32 $0xA;
	s4 =	simm.s32 $0x10  }
0x92: {  	[smem:s4], [sflag:s15] =	dma.local [hbm:s2], $0x1  }
0x93: {  	_ =	swait.eq [sflag:s15], $0x1  }
0x94: {  	[sflag:s15] =	ssyncset.done $0x0  }
0x95: {  	s16 =	sld [smem:$0x10];
	[sflag:s15] =	ssyncadd.s32 $0xFFFFFFFF  }
0x96: {  	s17 =	sld [smem:$0x12];
	(tm) =	ssettm $0x1  }
0x97: {  	s18 =	sld [smem:$0x3FFB];
	_ =	sdelay $0x3  }
0x98: {  	_ =	strace s18  }
0x99: {  	s4 =	sld [smem:$0x3FFC];
	_ =	sdelay $0x3  }
0x9a: {  	_ =	strace s4  }
0x9b: {  	s4 =	sld [smem:$0x3FFD];
	_ =	sdelay $0x3  }
0x9c: {  	_ =	strace s4  }
0x9d: {  	_ =	strace $0x8FFFFFFF  }
0x9e: {  	s19 =	sld [smem:$0x3FDB];
	_ =	sdelay $0x1  }
0x9f: {  	s5 =	simm.s32 $_scs_section_size  }
0xa0: {  	s6 =	simm.s32 $_size__tile_overlayer_lowered;
	s7 =	simm.s32 $_tile_overlayer_lowered  }
0xa1: {  	s22 =	simm.s32 $0x1BFF;
	s21 =	sshll.u32 s7, $0x1;
	s4 =	sadd.s32 s5, s19  }
0xa2: {  	s8 =	simm.s32 $0x0;
	s20 =	sshll.u32 s6, $0x1;
	s6 =	sadd.s32 s21, s4  }
0xa3: {  	[timem:s8], [sflag:s22] =	dma.local [hbm:s6], s20  }
0xa4: {  	_ =	swait.ge [sflag:s22], s20  }
0xa5: {  	s5 =	ssub.s32 $0x0, s20;
	[sflag:s22] =	ssyncset.done $0x0  }
0xa6: {  	[sflag:s22] =	ssyncadd.s32 s5;
	_ =	sdelay $0x1  }
0xa7: {  	s23 =	simm.s32 $0x1B8B  }
0xa8: {  	_ =	swait.ge [sflag:s23], $0x1  }
0xa9: {  	[sflag:s23] =	ssyncset.done $0x0  }
0xaa: {  	s25 =	simm.s32 $0x1B8E;
	s24 =	sld [smem:$0x3FFE];
	[sflag:s23] =	ssyncadd.s32 $0xFFFFFFFF  }
0xab: {  	s26 =	simm.s32 $execute0_lowered;
	[smem:$0x3FD2] =	sst s25  }
0xac: {  	s6 =	sshll.u32 s26, $0x1;
	_ =	strace $0x8000004C;
	[dreg:$0x1] =	wrdreg $0xFFFFFFFF  }
0xad: {  	s28 =	simm.s32 $_size_execute0_lowered;
	s4 =	sadd.s32 s4, s6;
	[dreg:$0x0] =	wrdreg $0x0  }
0xae: {  	s6 =	sshll.u32 s28, $0x1;
	[dreg:$0x2] =	wrdreg s4  }
0xaf: {  	[dreg:$0x3] =	wrdreg s6  }
0xb0: {  	[dreg:$0x4] =	wrdreg $0xC0  }
0xb1: {  	_ =	task [dreg:s8], $0x5FFFF  }
0xb2: {  	[dreg:$0x1] =	wrdreg $0xFFFFFFFF  }
0xb3: {  	[dreg:$0x0] =	wrdreg $0x60  }
0xb4: {  	[dreg:$0x2] =	wrdreg s24  }
0xb5: {  	[dreg:$0x3] =	wrdreg s17  }
0xb6: {  	[dreg:$0x4] =	wrdreg s16  }
0xb7: {  	[dreg:$0x5] =	wrdreg $0x9  }
0xb8: {  	_ =	task.clear_ibuf [dreg:s8], $0x6FFFF;
	_ =	strace $0x9000004C  }
0xb9: {  	s29 =	simm.s32 $0x9;
	_ =	strace $0x8000004E  }
0xba: {  	_ =	swait.ge [sflag:s29], $0x1  }
0xbb: {  	[sflag:s29] =	ssyncadd.s32 $0xFFFFFFFF  }
0xbc: {  	_ =	strace $0x9000004E  }
0xbd: {  	_ =	sfence  }
0xbe: {  	s30 =	sld [smem:$0x0];
	_ =	sdelay $0x2  }
0xbf: {  	s31 =	sshll.u32 s1, $0xD;
	s1 =	sshrl.u32 s1, $0x2  }
0xc0: {  	s3 =	sand.u32 $0x4000, s31;
	s1 =	sadd.s32 s1, s30  }
0xc1: {  	s0 =	sor.u32 s3, s0;
	s1 =	sshll.u32 s1, $0x11  }
0xc2: {  	s0 =	sor.u32 s1, s0  }
0xc3: {  	s0 =	sadd.s32 $0x8F2B, s0  }
0xc4: {  	[sflag:s0] =	ssyncadd.remote.s32 $0x1  }
0xc5: {  	_ =	sfence.sel $0xFFFF  }
0xc6: {  	[dreg:$0x0] =	wrdreg $0xFFFFFFFF;
	(pc) =	sbr.abs _section_cstart, $3  }
0xc7: {  	[dreg:$0x1] =	wrdreg $0xFFFFFFFF  }
0xc8: {  	_ =	task.clear_ibuf [dreg:s8], $0x2FFFF;
	_ =	strace $0x9FFFFFFF  }
0xc9: {  	(tm) =	ssettm $0x7FFFFFFF  }
tec
execute0_lowered:
.L_overlay_start_1:
0x0: {  	(tag) =	ssettag $0x1  }
0x1: {  	s0 =	rddreg [dreg:$0x0]  }
0x2: {  	s1 =	rddreg [dreg:$0x1]  }
0x3: {  	s13 =	rddreg [dreg:$0x2];
	s3 =	simm.s32 $0x0  }
0x4: {  	s4 =	srdreg.scid;
	s2 =	stileid.u32;
	s17 =	simm.s32 $0x1  }
0x5: {  	s18 =	simm.s32 $0x10080;
	s19 =	simm.s32 $0x2;
	s20 =	simm.s32 $0x3  }
0x6: {  	s21 =	simm.s32 $0x4;
	s22 =	simm.s32 $0x80;
	s23 =	simm.s32 $0x400  }
0x7: {  	s24 =	simm.s32 $0x0;
	[smem:$0x7FF] =	sst s3;
	s4 =	sand.u32 $0x1, s4  }
0x8: {  	s5 =	sshll.u32 s2, $0x1;
	s15 =	sshll.u32 s2, $0xB;
	_ =	strace $0x8000004D  }
0x9: {  	s6 =	ssub.s32 $0x2, s4;
	s12 =	sor.u32 s4, s5;
	s4 =	sadd.s32 $0x2A00, s0  }
0xa: {  	s15 =	sand.u32 $0x6000, s15;
	s30 =	sshrl.u32 s6, $0x1;
	s5 =	sshll.u32 s12, $0x10  }
0xb: {  	s14 =	sshll.u32 s12, $0x13;
	s16 =	sshll.u32 s12, $0x4;
	s13 =	sadd.s32 s13, s15  }
.Ltmp0:
0xc: {  	s15 =	simm.s32 $0x10000;
	s0 =	ssub.s32 s6, s30;
	(pc) =	sbr.rel .LBB2_1-.Ltmp0, $4  }
0xd: {  	s5 =	sadd.s32 s4, s5;
	s9 =	sor.u32 $0x10000, s14;
	s10 =	sor.u32 $0x14000, s14  }
0xe: {  	s11 =	sor.u32 $0x18000, s14;
	s12 =	sor.u32 $0x1C000, s14;
	s31 =	sand.u32 $0x70, s16  }
0xf: {  	s16 =	simm.s32 $0x5;
	s6 =	sadd.s32 $0x800, s5;
	s7 =	sadd.s32 $0x1000, s5  }
0x10: {  	v0 =	vimm.s32 $0x0;
	v1 =	vlaneseq.u32;
	v2 =	vimm.s32 $0x1;
	s8 =	sadd.s32 $0x1800, s5;
	s13 =	sadd.s32 s31, s13;
	s14 =	smax.u32 s0, $0x1  }
.LBB2_36:
0x11: {  	s24 =	sadd.s32 $0x1, s24  }
0x12: {  	p0 =	sne.s32 s24, s14  }
.Ltmp1:
0x13: {  	_ = 	snop;
	(pc) =	sbr.rel @!p0 .LBB2_37-.Ltmp1, $4  }
0x14: {  	[hbm4b:s13+s22] =	stream.strided.scatter [tilespmem:s18], [sflag:$0x5], $0x2000, s23, s22, $0x38;
	[tilespmem:$0x12080] =	vst v63  }
0x15: {  	_ =	swait.ge [sflag:s16], $0x2000  }
0x16: {  	[sflag:s16] =	ssyncset.done $0x0  }
0x17: {  	[sflag:s16] =	ssyncadd.s32 $0xFFFFE000  }
.LBB2_1:
0x18: {  	s25 =	simm.s32 $0x10  }
0x19: {  	s29 =	sadd.s32 $0x0, s5;
	s26 =	simm.s32 $0x200;
	s28 =	simm.s32 $0x0  }
.LBB2_2:
0x1a: {  	[tilespmem:s28], [sflag:$0x1] =	stream.linear.gather [hbm4b:s29+s3], $0x80, $0x38;
	[tilespmem:$0x12080] =	vst v63  }
0x1b: {  	s0 =	smov.u32 s25;
	s28 =	smov.u32 s26;
	p0 =	sne.s32 s25, $0x7F0  }
.Ltmp2:
0x1c: {  	s25 =	sadd.s32 $0x10, s25;
	(pc) =	sbr.rel @p0 .LBB2_2-.Ltmp2, $2  }
0x1d: {  	_ =	sdelay $0x2  }
0x1e: {  	s26 =	sadd.s32 $0x200, s26;
	s29 =	sadd.s32 s0, s5  }
0x1f: {  	[tilespmem:s28], [sflag:$0x1] =	stream.linear.gather [hbm4b:s29+s3], $0x80, $0x38;
	[tilespmem:$0x12080] =	vst v63  }
0x20: {  	s25 =	simm.s32 $0x80  }
0x21: {  	s26 =	simm.s32 $0x10;
	s29 =	sadd.s32 $0x0, s6;
	s28 =	simm.s32 $0x280  }
.LBB2_4:
0x22: {  	[tilespmem:s25], [sflag:$0x2] =	stream.linear.gather [hbm4b:s29+s3], $0x80, $0x38;
	[tilespmem:$0x12080] =	vst v63  }
0x23: {  	s0 =	smov.u32 s26;
	s25 =	smov.u32 s28;
	p0 =	sne.s32 s26, $0x7F0  }
.Ltmp3:
0x24: {  	s26 =	sadd.s32 $0x10, s26;
	(pc) =	sbr.rel @p0 .LBB2_4-.Ltmp3, $2  }
0x25: {  	_ =	sdelay $0x2  }
0x26: {  	s28 =	sadd.s32 $0x200, s28;
	s29 =	sadd.s32 s0, s6  }
0x27: {  	[tilespmem:s25], [sflag:$0x2] =	stream.linear.gather [hbm4b:s29+s3], $0x80, $0x38;
	[tilespmem:$0x12080] =	vst v63  }
0x28: {  	s25 =	simm.s32 $0x100  }
0x29: {  	s26 =	simm.s32 $0x10;
	s29 =	sadd.s32 $0x0, s7;
	s28 =	simm.s32 $0x300  }
.LBB2_6:
0x2a: {  	[tilespmem:s25], [sflag:$0x3] =	stream.linear.gather [hbm4b:s29+s3], $0x80, $0x38;
	[tilespmem:$0x12080] =	vst v63  }
0x2b: {  	s0 =	smov.u32 s26;
	s25 =	smov.u32 s28;
	p0 =	sne.s32 s26, $0x7F0  }
.Ltmp4:
0x2c: {  	s26 =	sadd.s32 $0x10, s26;
	(pc) =	sbr.rel @p0 .LBB2_6-.Ltmp4, $2  }
0x2d: {  	_ =	sdelay $0x2  }
0x2e: {  	s28 =	sadd.s32 $0x200, s28;
	s29 =	sadd.s32 s0, s7  }
0x2f: {  	[tilespmem:s25], [sflag:$0x3] =	stream.linear.gather [hbm4b:s29+s3], $0x80, $0x38;
	[tilespmem:$0x12080] =	vst v63  }
0x30: {  	s25 =	simm.s32 $0x180  }
0x31: {  	s26 =	simm.s32 $0x10;
	s29 =	sadd.s32 $0x0, s8;
	s28 =	simm.s32 $0x380  }
.LBB2_8:
0x32: {  	[tilespmem:s25], [sflag:$0x4] =	stream.linear.gather [hbm4b:s29+s3], $0x80, $0x38;
	[tilespmem:$0x12080] =	vst v63  }
0x33: {  	s0 =	smov.u32 s26;
	s25 =	smov.u32 s28;
	p0 =	sne.s32 s26, $0x7F0  }
.Ltmp5:
0x34: {  	s26 =	sadd.s32 $0x10, s26;
	(pc) =	sbr.rel @p0 .LBB2_8-.Ltmp5, $2  }
0x35: {  	_ =	sdelay $0x2  }
0x36: {  	s28 =	sadd.s32 $0x200, s28;
	s29 =	sadd.s32 s0, s8  }
0x37: {  	[tilespmem:s25], [sflag:$0x4] =	stream.linear.gather [hbm4b:s29+s3], $0x80, $0x38;
	[tilespmem:$0x12080] =	vst v63  }
0x38: {  	_ = 	snop  }
0x39: {  	[tilespmem:s15], [sflag:$0x5] =	stream.linear.gather [hbm4b:s1+s3], $0x80, $0x38;
	[tilespmem:$0x12080] =	vst v63  }
0x3a: {  	_ =	swait.ge [sflag:s16], $0x80  }
0x3b: {  	[sflag:s16] =	ssyncset.done $0x0  }
0x3c: {  	s25 =	simm.s32 $0x100C0;
	[sflag:s16] =	ssyncadd.s32 $0xFFFFFF80  }
0x3d: {  	[tilespmem:s25+$0xFFFFFFC0] =	vst v0  }
0x3e: {  	[tilespmem:s25+$0x30] =	vst v0  }
0x3f: {  	[tilespmem:s25+$0x20] =	vst v0  }
0x40: {  	[tilespmem:s25+$0x10] =	vst v0  }
0x41: {  	[tilespmem:s25+$0x0] =	vst v0  }
0x42: {  	[tilespmem:s25+$0xFFFFFFF0] =	vst v0  }
0x43: {  	s26 =	simm.s32 $0x0;
	[tilespmem:s25+$0xFFFFFFE0] =	vst v0  }
.LBB2_10:
0x44: {  	s26 =	sadd.s32 $0x8, s26;
	[tilespmem:s25+$0xFFFFFFD0] =	vst v0;
	s25 =	sadd.s32 $0x80, s25  }
0x45: {  	[tilespmem:s25+$0xFFFFFFC0] =	vst v0;
	p0 =	slt.u32 s26, $0x1F8  }
0x46: {  	[tilespmem:s25+$0x30] =	vst v0  }
.Ltmp6:
0x47: {  	[tilespmem:s25+$0x20] =	vst v0;
	(pc) =	sbr.rel @p0 .LBB2_10-.Ltmp6, $4  }
0x48: {  	[tilespmem:s25+$0x10] =	vst v0  }
0x49: {  	[tilespmem:s25+$0x0] =	vst v0  }
0x4a: {  	[tilespmem:s25+$0xFFFFFFF0] =	vst v0  }
0x4b: {  	[tilespmem:s25+$0xFFFFFFE0] =	vst v0  }
0x4c: {  	[tilespmem:s25+$0xFFFFFFD0] =	vst v0  }
0x4d: {  	v3 =	vld [tilespmem:$0x10000];
	_ =	sdelay $0x2  }
0x4e: {  	s25 =	simm.s32 $0x0  }
.LBB2_12:
0x4f: {  	_ =	swait.ge [sflag:s17], $0x4000  }
0x50: {  	[sflag:s17] =	ssyncset.done $0x0  }
0x51: {  	s0 =	simm.s32 $0x40;
	[sflag:s17] =	ssyncadd.s32 $0xFFFFC000  }
0x52: {  	v4 =	vld [tilespmem:s0+$0x30]  }
0x53: {  	v5 =	vld [tilespmem:s0+$0xFFFFFFD0]  }
0x54: {  	v6 =	vld [tilespmem:s0+$0xFFFFFFE0]  }
0x55: {  	v8 =	vld [tilespmem:s0+$0x0]  }
0x56: {  	v9 =	vld [tilespmem:s0+$0x10];
	_ =	sdelay $0x2  }
0x57: {  	v7 =	vld [tilespmem:s0+$0xFFFFFFF0];
	v4 =	vand.u32 $0x7FFFFFFF, v4  }
0x58: {  	v10 =	vld [tilespmem:s0+$0x20];
	v5 =	vand.u32 $0x7FFFFFFF, v5;
	v13 =	vand.u32 $0x7FFFFFFF, v6;
	v19 =	vand.u32 $0x7FFFFFFF, v8  }
0x59: {  	v12 =	vld [tilespmem:s0+$0xFFFFFFC0];
	v21 =	vand.u32 $0x7FFFFFFF, v9;
	v11 =	vshrl.u32 v4, $0x9;
	v4 =	vshll.u32 v4, $0x4  }
0x5a: {  	v6 =	vshll.u32 v5, $0x4;
	v15 =	vshll.u32 v13, $0x4;
	v20 =	vshll.u32 v19, $0x4  }
0x5b: {  	v8 =	vshll.u32 v21, $0x4;
	vm0 =	veq.s32 v11, v3;
	v4 =	vor.u32 v1, v4  }
0x5c: {  	v11 =	vand.u32 $0x7FFFFFFF, v7;
	v7 =	vshrl.u32 v13, $0x9;
	v14 =	vand.u32 $0x1FFF, v4  }
0x5d: {  	v13 =	vor.u32 v1, v20;
	v18 =	vshll.u32 v11, $0x4;
	v4 =	vshrl.u32 v5, $0x9  }
0x5e: {  	v5 =	vor.u32 v1, v6;
	v6 =	vand.u32 $0x7FFFFFFF, v10;
	v10 =	vand.u32 $0x7FFFFFFF, v12  }
0x5f: {  	v9 =	vshll.u32 v6, $0x4;
	v16 =	vshrl.u32 v10, $0x9;
	v12 =	vshll.u32 v10, $0x4  }
0x60: {  	v10 =	vor.u32 v1, v15;
	v15 =	vshrl.u32 v19, $0x9;
	v17 =	vor.u32 v1, v12  }
0x61: {  	s26 =	simm.s32 $0x0;
	s28 =	simm.s32 $0x240;
	v12 =	vshrl.u32 v11, $0x9;
	v11 =	vor.u32 v1, v18;
	[tilespmem:v14+s18+$0x0] =	vst.idx.add.s32.msk vm0, v2;
	v14 =	vshrl.u32 v21, $0x9  }
.LBB2_13:
0x62: {  	v18 =	vld [tilespmem:s28+$0x30];
	s26 =	sadd.s32 $0x8, s26;
	v8 =	vor.u32 v1, v8;
	v6 =	vshrl.u32 v6, $0x9;
	v9 =	vor.u32 v1, v9  }
0x63: {  	vm6 =	veq.s32 v16, v3;
	v16 =	vand.u32 $0x1FFF, v17;
	vm5 =	veq.s32 v4, v3;
	v19 =	vld [tilespmem:s28+$0xFFFFFFD0];
	p0 =	slt.u32 s26, $0x3F8  }
0x64: {  	v5 =	vand.u32 $0x1FFF, v5;
	vm4 =	veq.s32 v7, v3;
	v7 =	vand.u32 $0x1FFF, v10;
	v4 =	vld [tilespmem:s28+$0xFFFFFFE0]  }
0x65: {  	vm3 =	veq.s32 v12, v3;
	v11 =	vand.u32 $0x1FFF, v11;
	vm2 =	veq.s32 v15, v3;
	v10 =	vld [tilespmem:s28+$0xFFFFFFF0]  }
0x66: {  	v13 =	vand.u32 $0x1FFF, v13;
	vm1 =	veq.s32 v14, v3;
	v14 =	vand.u32 $0x1FFF, v8;
	v12 =	vld [tilespmem:s28+$0x0]  }
0x67: {  	vm0 =	veq.s32 v6, v3;
	v8 =	vld [tilespmem:s28+$0x10];
	v15 =	vand.u32 $0x7FFFFFFF, v18;
	v18 =	vand.u32 $0x1FFF, v9  }
0x68: {  	v6 =	vand.u32 $0x7FFFFFFF, v19;
	v9 =	vld [tilespmem:s28+$0x20];
	v17 =	vshrl.u32 v15, $0x9;
	v15 =	vshll.u32 v15, $0x4  }
0x69: {  	v19 =	vld [tilespmem:s28+$0xFFFFFFC0];
	v20 =	vand.u32 $0x7FFFFFFF, v4;
	vm7 =	veq.s32 v17, v3;
	v4 =	vor.u32 v1, v15  }
0x6a: {  	v15 =	vshll.u32 v6, $0x4;
	v21 =	vand.u32 $0x7FFFFFFF, v10;
	v17 =	vand.u32 $0x1FFF, v4;
	[tilespmem:v16+s18+$0x0] =	vst.idx.add.s32.msk vm6, v2  }
0x6b: {  	v10 =	vshll.u32 v20, $0x4;
	v22 =	vshll.u32 v21, $0x4;
	v23 =	vand.u32 $0x7FFFFFFF, v12;
	[tilespmem:v5+s18+$0x0] =	vst.idx.add.s32.msk vm5, v2  }
0x6c: {  	v4 =	vshrl.u32 v6, $0x9;
	v24 =	vshll.u32 v23, $0x4;
	v25 =	vand.u32 $0x7FFFFFFF, v8;
	[tilespmem:v7+s18+$0x0] =	vst.idx.add.s32.msk vm4, v2  }
.Ltmp7:
0x6d: {  	v5 =	vor.u32 v1, v15;
	v8 =	vshll.u32 v25, $0x4;
	v6 =	vand.u32 $0x7FFFFFFF, v9;
	[tilespmem:v11+s18+$0x0] =	vst.idx.add.s32.msk vm3, v2;
	(pc) =	sbr.rel @p0 .LBB2_13-.Ltmp7, $4  }
0x6e: {  	v7 =	vshrl.u32 v20, $0x9;
	v11 =	vand.u32 $0x7FFFFFFF, v19;
	v9 =	vshll.u32 v6, $0x4;
	[tilespmem:v13+s18+$0x0] =	vst.idx.add.s32.msk vm2, v2  }
0x6f: {  	v10 =	vor.u32 v1, v10;
	v16 =	vshrl.u32 v11, $0x9;
	v11 =	vshll.u32 v11, $0x4;
	[tilespmem:v17+s18+$0x0] =	vst.idx.add.s32.msk vm7, v2  }
0x70: {  	v12 =	vshrl.u32 v21, $0x9;
	v17 =	vor.u32 v1, v11;
	v11 =	vor.u32 v1, v22;
	[tilespmem:v14+s18+$0x0] =	vst.idx.add.s32.msk vm1, v2  }
0x71: {  	s28 =	sadd.s32 $0x200, s28;
	v15 =	vshrl.u32 v23, $0x9;
	v13 =	vor.u32 v1, v24;
	v14 =	vshrl.u32 v25, $0x9;
	[tilespmem:v18+s18+$0x0] =	vst.idx.add.s32.msk vm0, v2  }
0x72: {  	vm0 =	veq.s32 v16, v3  }
0x73: {  	v59 =	vand.u32 $0x1FFF, v17;
	vm1 =	veq.s32 v4, v3  }
0x74: {  	v4 =	vand.u32 $0x1FFF, v5;
	vm2 =	veq.s32 v7, v3  }
0x75: {  	v5 =	vand.u32 $0x1FFF, v10;
	vm3 =	veq.s32 v12, v3  }
0x76: {  	v60 =	vor.u32 v1, v8;
	v61 =	vand.u32 $0x1FFF, v11;
	vm4 =	veq.s32 v15, v3  }
0x77: {  	v6 =	vshrl.u32 v6, $0x9;
	v62 =	vand.u32 $0x1FFF, v13;
	vm5 =	veq.s32 v14, v3  }
0x78: {  	v9 =	vor.u32 v1, v9;
	v7 =	vand.u32 $0x1FFF, v60;
	vm6 =	veq.s32 v6, v3;
	[tilespmem:v59+s18+$0x0] =	vst.idx.add.s32.msk vm0, v2  }
0x79: {  	p0 =	seq.s32 s25, $0x7;
	v63 =	vand.u32 $0x1FFF, v9;
	[tilespmem:v4+s18+$0x0] =	vst.idx.add.s32.msk vm1, v2  }
.Ltmp8:
0x7a: {  	[tilespmem:v5+s18+$0x0] =	vst.idx.add.s32.msk vm2, v2;
	(pc) =	sbr.rel @p0 .LBB2_18-.Ltmp8, $4  }
0x7b: {  	[tilespmem:v61+s18+$0x0] =	vst.idx.add.s32.msk vm3, v2  }
0x7c: {  	[tilespmem:v62+s18+$0x0] =	vst.idx.add.s32.msk vm4, v2  }
0x7d: {  	[tilespmem:v7+s18+$0x0] =	vst.idx.add.s32.msk vm5, v2  }
0x7e: {  	s26 =	sshll.u32 s25, $0x10;
	[tilespmem:v63+s18+$0x0] =	vst.idx.add.s32.msk vm6, v2  }
0x7f: {  	s0 =	sadd.s32 s26, s9  }
0x80: {  	s0 =	sshrl.u32 s0, $0x3  }
0x81: {  	s29 =	simm.s32 $0x0;
	s28 =	sadd.s32 s4, s0  }
0x82: {  	s30 =	simm.s32 $0x10;
	s31 =	simm.s32 $0x200;
	s0 =	sadd.s32 $0x0, s28  }
.LBB2_16:
0x83: {  	[tilespmem:s29], [sflag:$0x1] =	stream.linear.gather [hbm4b:s0+s3], $0x80, $0x38;
	[tilespmem:$0x12080] =	vst v63  }
0x84: {  	s0 =	smov.u32 s30;
	s29 =	smov.u32 s31;
	p1 =	sne.s32 s30, $0x7F0  }
.Ltmp9:
0x85: {  	s30 =	sadd.s32 $0x10, s30;
	(pc) =	sbr.rel @p1 .LBB2_16-.Ltmp9, $2  }
0x86: {  	_ =	sdelay $0x2  }
0x87: {  	s31 =	sadd.s32 $0x200, s31;
	s0 =	sadd.s32 s0, s28  }
0x88: {  	[tilespmem:s29], [sflag:$0x1] =	stream.linear.gather [hbm4b:s0+s3], $0x80, $0x38;
	[tilespmem:$0x12080] =	vst v63  }
.LBB2_18:
0x89: {  	_ =	swait.ge [sflag:s19], $0x4000  }
0x8a: {  	[sflag:s19] =	ssyncset.done $0x0  }
0x8b: {  	s0 =	simm.s32 $0xF0;
	[sflag:s19] =	ssyncadd.s32 $0xFFFFC000  }
0x8c: {  	v4 =	vld [tilespmem:s0+$0x0]  }
0x8d: {  	v5 =	vld [tilespmem:s0+$0xFFFFFFA0]  }
0x8e: {  	v6 =	vld [tilespmem:s0+$0xFFFFFFB0]  }
0x8f: {  	v8 =	vld [tilespmem:s0+$0xFFFFFFD0]  }
0x90: {  	v9 =	vld [tilespmem:s0+$0xFFFFFFE0];
	_ =	sdelay $0x2  }
0x91: {  	v7 =	vld [tilespmem:s0+$0xFFFFFFC0];
	v4 =	vand.u32 $0x7FFFFFFF, v4  }
0x92: {  	v10 =	vld [tilespmem:s0+$0xFFFFFFF0];
	v5 =	vand.u32 $0x7FFFFFFF, v5;
	v13 =	vand.u32 $0x7FFFFFFF, v6;
	v19 =	vand.u32 $0x7FFFFFFF, v8  }
0x93: {  	v12 =	vld [tilespmem:s0+$0xFFFFFF90];
	v21 =	vand.u32 $0x7FFFFFFF, v9;
	v11 =	vshrl.u32 v4, $0x9;
	v4 =	vshll.u32 v4, $0x4  }
0x94: {  	v6 =	vshll.u32 v5, $0x4;
	v15 =	vshll.u32 v13, $0x4;
	v20 =	vshll.u32 v19, $0x4  }
0x95: {  	v8 =	vshll.u32 v21, $0x4;
	vm0 =	veq.s32 v11, v3;
	v4 =	vor.u32 v1, v4  }
0x96: {  	v11 =	vand.u32 $0x7FFFFFFF, v7;
	v7 =	vshrl.u32 v13, $0x9;
	v14 =	vand.u32 $0x1FFF, v4  }
0x97: {  	v13 =	vor.u32 v1, v20;
	v18 =	vshll.u32 v11, $0x4;
	v4 =	vshrl.u32 v5, $0x9  }
0x98: {  	v5 =	vor.u32 v1, v6;
	v6 =	vand.u32 $0x7FFFFFFF, v10;
	v10 =	vand.u32 $0x7FFFFFFF, v12  }
0x99: {  	v9 =	vshll.u32 v6, $0x4;
	v16 =	vshrl.u32 v10, $0x9;
	v12 =	vshll.u32 v10, $0x4  }
0x9a: {  	v10 =	vor.u32 v1, v15;
	v15 =	vshrl.u32 v19, $0x9;
	v17 =	vor.u32 v1, v12  }
0x9b: {  	s28 =	simm.s32 $0x0;
	s29 =	simm.s32 $0x2F0;
	v12 =	vshrl.u32 v11, $0x9;
	v11 =	vor.u32 v1, v18;
	[tilespmem:v14+s18+$0x0] =	vst.idx.add.s32.msk vm0, v2;
	v14 =	vshrl.u32 v21, $0x9  }
.LBB2_19:
0x9c: {  	v18 =	vld [tilespmem:s29+$0x0];
	s28 =	sadd.s32 $0x8, s28;
	v8 =	vor.u32 v1, v8;
	v6 =	vshrl.u32 v6, $0x9;
	v9 =	vor.u32 v1, v9  }
0x9d: {  	vm6 =	veq.s32 v16, v3;
	v16 =	vand.u32 $0x1FFF, v17;
	vm5 =	veq.s32 v4, v3;
	v19 =	vld [tilespmem:s29+$0xFFFFFFA0];
	p1 =	slt.u32 s28, $0x3F8  }
0x9e: {  	v5 =	vand.u32 $0x1FFF, v5;
	vm4 =	veq.s32 v7, v3;
	v7 =	vand.u32 $0x1FFF, v10;
	v4 =	vld [tilespmem:s29+$0xFFFFFFB0]  }
0x9f: {  	vm3 =	veq.s32 v12, v3;
	v11 =	vand.u32 $0x1FFF, v11;
	vm2 =	veq.s32 v15, v3;
	v10 =	vld [tilespmem:s29+$0xFFFFFFC0]  }
0xa0: {  	v13 =	vand.u32 $0x1FFF, v13;
	vm1 =	veq.s32 v14, v3;
	v14 =	vand.u32 $0x1FFF, v8;
	v12 =	vld [tilespmem:s29+$0xFFFFFFD0]  }
0xa1: {  	vm0 =	veq.s32 v6, v3;
	v8 =	vld [tilespmem:s29+$0xFFFFFFE0];
	v15 =	vand.u32 $0x7FFFFFFF, v18;
	v18 =	vand.u32 $0x1FFF, v9  }
0xa2: {  	v6 =	vand.u32 $0x7FFFFFFF, v19;
	v9 =	vld [tilespmem:s29+$0xFFFFFFF0];
	v17 =	vshrl.u32 v15, $0x9;
	v15 =	vshll.u32 v15, $0x4  }
0xa3: {  	v19 =	vld [tilespmem:s29+$0xFFFFFF90];
	v20 =	vand.u32 $0x7FFFFFFF, v4;
	vm7 =	veq.s32 v17, v3;
	v4 =	vor.u32 v1, v15  }
0xa4: {  	v15 =	vshll.u32 v6, $0x4;
	v21 =	vand.u32 $0x7FFFFFFF, v10;
	v17 =	vand.u32 $0x1FFF, v4;
	[tilespmem:v16+s18+$0x0] =	vst.idx.add.s32.msk vm6, v2  }
0xa5: {  	v10 =	vshll.u32 v20, $0x4;
	v22 =	vshll.u32 v21, $0x4;
	v23 =	vand.u32 $0x7FFFFFFF, v12;
	[tilespmem:v5+s18+$0x0] =	vst.idx.add.s32.msk vm5, v2  }
0xa6: {  	v4 =	vshrl.u32 v6, $0x9;
	v24 =	vshll.u32 v23, $0x4;
	v25 =	vand.u32 $0x7FFFFFFF, v8;
	[tilespmem:v7+s18+$0x0] =	vst.idx.add.s32.msk vm4, v2  }
.Ltmp10:
0xa7: {  	v5 =	vor.u32 v1, v15;
	v8 =	vshll.u32 v25, $0x4;
	v6 =	vand.u32 $0x7FFFFFFF, v9;
	[tilespmem:v11+s18+$0x0] =	vst.idx.add.s32.msk vm3, v2;
	(pc) =	sbr.rel @p1 .LBB2_19-.Ltmp10, $4  }
0xa8: {  	v7 =	vshrl.u32 v20, $0x9;
	v11 =	vand.u32 $0x7FFFFFFF, v19;
	v9 =	vshll.u32 v6, $0x4;
	[tilespmem:v13+s18+$0x0] =	vst.idx.add.s32.msk vm2, v2  }
0xa9: {  	v10 =	vor.u32 v1, v10;
	v16 =	vshrl.u32 v11, $0x9;
	v11 =	vshll.u32 v11, $0x4;
	[tilespmem:v17+s18+$0x0] =	vst.idx.add.s32.msk vm7, v2  }
0xaa: {  	v12 =	vshrl.u32 v21, $0x9;
	v17 =	vor.u32 v1, v11;
	v11 =	vor.u32 v1, v22;
	[tilespmem:v14+s18+$0x0] =	vst.idx.add.s32.msk vm1, v2  }
0xab: {  	s29 =	sadd.s32 $0x200, s29;
	v15 =	vshrl.u32 v23, $0x9;
	v13 =	vor.u32 v1, v24;
	v14 =	vshrl.u32 v25, $0x9;
	[tilespmem:v18+s18+$0x0] =	vst.idx.add.s32.msk vm0, v2  }
0xac: {  	vm0 =	veq.s32 v16, v3  }
0xad: {  	v59 =	vand.u32 $0x1FFF, v17;
	vm1 =	veq.s32 v4, v3  }
0xae: {  	v4 =	vand.u32 $0x1FFF, v5;
	vm2 =	veq.s32 v7, v3  }
0xaf: {  	v5 =	vand.u32 $0x1FFF, v10;
	vm3 =	veq.s32 v12, v3  }
0xb0: {  	v60 =	vor.u32 v1, v8;
	v61 =	vand.u32 $0x1FFF, v11;
	vm4 =	veq.s32 v15, v3  }
0xb1: {  	v6 =	vshrl.u32 v6, $0x9;
	v62 =	vand.u32 $0x1FFF, v13;
	vm5 =	veq.s32 v14, v3  }
0xb2: {  	v9 =	vor.u32 v1, v9;
	v7 =	vand.u32 $0x1FFF, v60;
	vm6 =	veq.s32 v6, v3;
	[tilespmem:v59+s18+$0x0] =	vst.idx.add.s32.msk vm0, v2  }
0xb3: {  	v63 =	vand.u32 $0x1FFF, v9;
	[tilespmem:v4+s18+$0x0] =	vst.idx.add.s32.msk vm1, v2  }
.Ltmp11:
0xb4: {  	[tilespmem:v5+s18+$0x0] =	vst.idx.add.s32.msk vm2, v2;
	(pc) =	sbr.rel @p0 .LBB2_24-.Ltmp11, $4  }
0xb5: {  	[tilespmem:v61+s18+$0x0] =	vst.idx.add.s32.msk vm3, v2  }
0xb6: {  	[tilespmem:v62+s18+$0x0] =	vst.idx.add.s32.msk vm4, v2  }
0xb7: {  	[tilespmem:v7+s18+$0x0] =	vst.idx.add.s32.msk vm5, v2  }
0xb8: {  	[tilespmem:v63+s18+$0x0] =	vst.idx.add.s32.msk vm6, v2  }
0xb9: {  	s0 =	sadd.s32 s26, s10  }
0xba: {  	s0 =	sshrl.u32 s0, $0x3  }
0xbb: {  	s29 =	simm.s32 $0x80;
	s28 =	sadd.s32 s4, s0  }
0xbc: {  	s30 =	simm.s32 $0x10;
	s31 =	simm.s32 $0x280;
	s0 =	sadd.s32 $0x0, s28  }
.LBB2_22:
0xbd: {  	[tilespmem:s29], [sflag:$0x2] =	stream.linear.gather [hbm4b:s0+s3], $0x80, $0x38;
	[tilespmem:$0x12080] =	vst v63  }
0xbe: {  	s0 =	smov.u32 s30;
	s29 =	smov.u32 s31;
	p1 =	sne.s32 s30, $0x7F0  }
.Ltmp12:
0xbf: {  	s30 =	sadd.s32 $0x10, s30;
	(pc) =	sbr.rel @p1 .LBB2_22-.Ltmp12, $2  }
0xc0: {  	_ =	sdelay $0x2  }
0xc1: {  	s31 =	sadd.s32 $0x200, s31;
	s0 =	sadd.s32 s0, s28  }
0xc2: {  	[tilespmem:s29], [sflag:$0x2] =	stream.linear.gather [hbm4b:s0+s3], $0x80, $0x38;
	[tilespmem:$0x12080] =	vst v63  }
.LBB2_24:
0xc3: {  	_ =	swait.ge [sflag:s20], $0x4000  }
0xc4: {  	[sflag:s20] =	ssyncset.done $0x0  }
0xc5: {  	s0 =	simm.s32 $0x170;
	[sflag:s20] =	ssyncadd.s32 $0xFFFFC000  }
0xc6: {  	v4 =	vld [tilespmem:s0+$0x0]  }
0xc7: {  	v5 =	vld [tilespmem:s0+$0xFFFFFFA0]  }
0xc8: {  	v6 =	vld [tilespmem:s0+$0xFFFFFFB0]  }
0xc9: {  	v8 =	vld [tilespmem:s0+$0xFFFFFFD0]  }
0xca: {  	v9 =	vld [tilespmem:s0+$0xFFFFFFE0];
	_ =	sdelay $0x2  }
0xcb: {  	v7 =	vld [tilespmem:s0+$0xFFFFFFC0];
	v4 =	vand.u32 $0x7FFFFFFF, v4  }
0xcc: {  	v10 =	vld [tilespmem:s0+$0xFFFFFFF0];
	v5 =	vand.u32 $0x7FFFFFFF, v5;
	v13 =	vand.u32 $0x7FFFFFFF, v6;
	v19 =	vand.u32 $0x7FFFFFFF, v8  }
0xcd: {  	v12 =	vld [tilespmem:s0+$0xFFFFFF90];
	v21 =	vand.u32 $0x7FFFFFFF, v9;
	v11 =	vshrl.u32 v4, $0x9;
	v4 =	vshll.u32 v4, $0x4  }
0xce: {  	v6 =	vshll.u32 v5, $0x4;
	v15 =	vshll.u32 v13, $0x4;
	v20 =	vshll.u32 v19, $0x4  }
0xcf: {  	v8 =	vshll.u32 v21, $0x4;
	vm0 =	veq.s32 v11, v3;
	v4 =	vor.u32 v1, v4  }
0xd0: {  	v11 =	vand.u32 $0x7FFFFFFF, v7;
	v7 =	vshrl.u32 v13, $0x9;
	v14 =	vand.u32 $0x1FFF, v4  }
0xd1: {  	v13 =	vor.u32 v1, v20;
	v18 =	vshll.u32 v11, $0x4;
	v4 =	vshrl.u32 v5, $0x9  }
0xd2: {  	v5 =	vor.u32 v1, v6;
	v6 =	vand.u32 $0x7FFFFFFF, v10;
	v10 =	vand.u32 $0x7FFFFFFF, v12  }
0xd3: {  	v9 =	vshll.u32 v6, $0x4;
	v16 =	vshrl.u32 v10, $0x9;
	v12 =	vshll.u32 v10, $0x4  }
0xd4: {  	v10 =	vor.u32 v1, v15;
	v15 =	vshrl.u32 v19, $0x9;
	v17 =	vor.u32 v1, v12  }
0xd5: {  	s28 =	simm.s32 $0x0;
	s29 =	simm.s32 $0x370;
	v12 =	vshrl.u32 v11, $0x9;
	v11 =	vor.u32 v1, v18;
	[tilespmem:v14+s18+$0x0] =	vst.idx.add.s32.msk vm0, v2;
	v14 =	vshrl.u32 v21, $0x9  }
.LBB2_25:
0xd6: {  	v18 =	vld [tilespmem:s29+$0x0];
	s28 =	sadd.s32 $0x8, s28;
	v8 =	vor.u32 v1, v8;
	v6 =	vshrl.u32 v6, $0x9;
	v9 =	vor.u32 v1, v9  }
0xd7: {  	vm6 =	veq.s32 v16, v3;
	v16 =	vand.u32 $0x1FFF, v17;
	vm5 =	veq.s32 v4, v3;
	v19 =	vld [tilespmem:s29+$0xFFFFFFA0];
	p1 =	slt.u32 s28, $0x3F8  }
0xd8: {  	v5 =	vand.u32 $0x1FFF, v5;
	vm4 =	veq.s32 v7, v3;
	v7 =	vand.u32 $0x1FFF, v10;
	v4 =	vld [tilespmem:s29+$0xFFFFFFB0]  }
0xd9: {  	vm3 =	veq.s32 v12, v3;
	v11 =	vand.u32 $0x1FFF, v11;
	vm2 =	veq.s32 v15, v3;
	v10 =	vld [tilespmem:s29+$0xFFFFFFC0]  }
0xda: {  	v13 =	vand.u32 $0x1FFF, v13;
	vm1 =	veq.s32 v14, v3;
	v14 =	vand.u32 $0x1FFF, v8;
	v12 =	vld [tilespmem:s29+$0xFFFFFFD0]  }
0xdb: {  	vm0 =	veq.s32 v6, v3;
	v8 =	vld [tilespmem:s29+$0xFFFFFFE0];
	v15 =	vand.u32 $0x7FFFFFFF, v18;
	v18 =	vand.u32 $0x1FFF, v9  }
0xdc: {  	v6 =	vand.u32 $0x7FFFFFFF, v19;
	v9 =	vld [tilespmem:s29+$0xFFFFFFF0];
	v17 =	vshrl.u32 v15, $0x9;
	v15 =	vshll.u32 v15, $0x4  }
0xdd: {  	v19 =	vld [tilespmem:s29+$0xFFFFFF90];
	v20 =	vand.u32 $0x7FFFFFFF, v4;
	vm7 =	veq.s32 v17, v3;
	v4 =	vor.u32 v1, v15  }
0xde: {  	v15 =	vshll.u32 v6, $0x4;
	v21 =	vand.u32 $0x7FFFFFFF, v10;
	v17 =	vand.u32 $0x1FFF, v4;
	[tilespmem:v16+s18+$0x0] =	vst.idx.add.s32.msk vm6, v2  }
0xdf: {  	v10 =	vshll.u32 v20, $0x4;
	v22 =	vshll.u32 v21, $0x4;
	v23 =	vand.u32 $0x7FFFFFFF, v12;
	[tilespmem:v5+s18+$0x0] =	vst.idx.add.s32.msk vm5, v2  }
0xe0: {  	v4 =	vshrl.u32 v6, $0x9;
	v24 =	vshll.u32 v23, $0x4;
	v25 =	vand.u32 $0x7FFFFFFF, v8;
	[tilespmem:v7+s18+$0x0] =	vst.idx.add.s32.msk vm4, v2  }
.Ltmp13:
0xe1: {  	v5 =	vor.u32 v1, v15;
	v8 =	vshll.u32 v25, $0x4;
	v6 =	vand.u32 $0x7FFFFFFF, v9;
	[tilespmem:v11+s18+$0x0] =	vst.idx.add.s32.msk vm3, v2;
	(pc) =	sbr.rel @p1 .LBB2_25-.Ltmp13, $4  }
0xe2: {  	v7 =	vshrl.u32 v20, $0x9;
	v11 =	vand.u32 $0x7FFFFFFF, v19;
	v9 =	vshll.u32 v6, $0x4;
	[tilespmem:v13+s18+$0x0] =	vst.idx.add.s32.msk vm2, v2  }
0xe3: {  	v10 =	vor.u32 v1, v10;
	v16 =	vshrl.u32 v11, $0x9;
	v11 =	vshll.u32 v11, $0x4;
	[tilespmem:v17+s18+$0x0] =	vst.idx.add.s32.msk vm7, v2  }
0xe4: {  	v12 =	vshrl.u32 v21, $0x9;
	v17 =	vor.u32 v1, v11;
	v11 =	vor.u32 v1, v22;
	[tilespmem:v14+s18+$0x0] =	vst.idx.add.s32.msk vm1, v2  }
0xe5: {  	s29 =	sadd.s32 $0x200, s29;
	v15 =	vshrl.u32 v23, $0x9;
	v13 =	vor.u32 v1, v24;
	v14 =	vshrl.u32 v25, $0x9;
	[tilespmem:v18+s18+$0x0] =	vst.idx.add.s32.msk vm0, v2  }
0xe6: {  	vm0 =	veq.s32 v16, v3  }
0xe7: {  	v59 =	vand.u32 $0x1FFF, v17;
	vm1 =	veq.s32 v4, v3  }
0xe8: {  	v4 =	vand.u32 $0x1FFF, v5;
	vm2 =	veq.s32 v7, v3  }
0xe9: {  	v5 =	vand.u32 $0x1FFF, v10;
	vm3 =	veq.s32 v12, v3  }
0xea: {  	v60 =	vor.u32 v1, v8;
	v61 =	vand.u32 $0x1FFF, v11;
	vm4 =	veq.s32 v15, v3  }
0xeb: {  	v6 =	vshrl.u32 v6, $0x9;
	v62 =	vand.u32 $0x1FFF, v13;
	vm5 =	veq.s32 v14, v3  }
0xec: {  	v9 =	vor.u32 v1, v9;
	v7 =	vand.u32 $0x1FFF, v60;
	vm6 =	veq.s32 v6, v3;
	[tilespmem:v59+s18+$0x0] =	vst.idx.add.s32.msk vm0, v2  }
0xed: {  	v63 =	vand.u32 $0x1FFF, v9;
	[tilespmem:v4+s18+$0x0] =	vst.idx.add.s32.msk vm1, v2  }
.Ltmp14:
0xee: {  	[tilespmem:v5+s18+$0x0] =	vst.idx.add.s32.msk vm2, v2;
	(pc) =	sbr.rel @p0 .LBB2_30-.Ltmp14, $4  }
0xef: {  	[tilespmem:v61+s18+$0x0] =	vst.idx.add.s32.msk vm3, v2  }
0xf0: {  	[tilespmem:v62+s18+$0x0] =	vst.idx.add.s32.msk vm4, v2  }
0xf1: {  	[tilespmem:v7+s18+$0x0] =	vst.idx.add.s32.msk vm5, v2  }
0xf2: {  	[tilespmem:v63+s18+$0x0] =	vst.idx.add.s32.msk vm6, v2  }
0xf3: {  	s0 =	sadd.s32 s26, s11  }
0xf4: {  	s0 =	sshrl.u32 s0, $0x3  }
0xf5: {  	s29 =	simm.s32 $0x100;
	s28 =	sadd.s32 s4, s0  }
0xf6: {  	s30 =	simm.s32 $0x10;
	s31 =	simm.s32 $0x300;
	s0 =	sadd.s32 $0x0, s28  }
.LBB2_28:
0xf7: {  	[tilespmem:s29], [sflag:$0x3] =	stream.linear.gather [hbm4b:s0+s3], $0x80, $0x38;
	[tilespmem:$0x12080] =	vst v63  }
0xf8: {  	s0 =	smov.u32 s30;
	s29 =	smov.u32 s31;
	p1 =	sne.s32 s30, $0x7F0  }
.Ltmp15:
0xf9: {  	s30 =	sadd.s32 $0x10, s30;
	(pc) =	sbr.rel @p1 .LBB2_28-.Ltmp15, $2  }
0xfa: {  	_ =	sdelay $0x2  }
0xfb: {  	s31 =	sadd.s32 $0x200, s31;
	s0 =	sadd.s32 s0, s28  }
0xfc: {  	[tilespmem:s29], [sflag:$0x3] =	stream.linear.gather [hbm4b:s0+s3], $0x80, $0x38;
	[tilespmem:$0x12080] =	vst v63  }
.LBB2_30:
0xfd: {  	_ =	swait.ge [sflag:s21], $0x4000  }
0xfe: {  	[sflag:s21] =	ssyncset.done $0x0  }
0xff: {  	s0 =	simm.s32 $0x1F0;
	[sflag:s21] =	ssyncadd.s32 $0xFFFFC000  }
0x100: {  	v4 =	vld [tilespmem:s0+$0x0]  }
0x101: {  	v5 =	vld [tilespmem:s0+$0xFFFFFFA0]  }
0x102: {  	v6 =	vld [tilespmem:s0+$0xFFFFFFB0]  }
0x103: {  	v8 =	vld [tilespmem:s0+$0xFFFFFFD0]  }
0x104: {  	v9 =	vld [tilespmem:s0+$0xFFFFFFE0];
	_ =	sdelay $0x2  }
0x105: {  	v7 =	vld [tilespmem:s0+$0xFFFFFFC0];
	v4 =	vand.u32 $0x7FFFFFFF, v4  }
0x106: {  	v10 =	vld [tilespmem:s0+$0xFFFFFFF0];
	v5 =	vand.u32 $0x7FFFFFFF, v5;
	v13 =	vand.u32 $0x7FFFFFFF, v6;
	v19 =	vand.u32 $0x7FFFFFFF, v8  }
0x107: {  	v12 =	vld [tilespmem:s0+$0xFFFFFF90];
	v21 =	vand.u32 $0x7FFFFFFF, v9;
	v11 =	vshrl.u32 v4, $0x9;
	v4 =	vshll.u32 v4, $0x4  }
0x108: {  	v6 =	vshll.u32 v5, $0x4;
	v15 =	vshll.u32 v13, $0x4;
	v20 =	vshll.u32 v19, $0x4  }
0x109: {  	v8 =	vshll.u32 v21, $0x4;
	vm0 =	veq.s32 v11, v3;
	v4 =	vor.u32 v1, v4  }
0x10a: {  	v11 =	vand.u32 $0x7FFFFFFF, v7;
	v7 =	vshrl.u32 v13, $0x9;
	v14 =	vand.u32 $0x1FFF, v4  }
0x10b: {  	v13 =	vor.u32 v1, v20;
	v18 =	vshll.u32 v11, $0x4;
	v4 =	vshrl.u32 v5, $0x9  }
0x10c: {  	v5 =	vor.u32 v1, v6;
	v6 =	vand.u32 $0x7FFFFFFF, v10;
	v10 =	vand.u32 $0x7FFFFFFF, v12  }
0x10d: {  	v9 =	vshll.u32 v6, $0x4;
	v16 =	vshrl.u32 v10, $0x9;
	v12 =	vshll.u32 v10, $0x4  }
0x10e: {  	v10 =	vor.u32 v1, v15;
	v15 =	vshrl.u32 v19, $0x9;
	v17 =	vor.u32 v1, v12  }
0x10f: {  	s28 =	simm.s32 $0x0;
	s29 =	simm.s32 $0x3F0;
	v12 =	vshrl.u32 v11, $0x9;
	v11 =	vor.u32 v1, v18;
	[tilespmem:v14+s18+$0x0] =	vst.idx.add.s32.msk vm0, v2;
	v14 =	vshrl.u32 v21, $0x9  }
.LBB2_31:
0x110: {  	v18 =	vld [tilespmem:s29+$0x0];
	s28 =	sadd.s32 $0x8, s28;
	v8 =	vor.u32 v1, v8;
	v6 =	vshrl.u32 v6, $0x9;
	v9 =	vor.u32 v1, v9  }
0x111: {  	vm6 =	veq.s32 v16, v3;
	v16 =	vand.u32 $0x1FFF, v17;
	vm5 =	veq.s32 v4, v3;
	v19 =	vld [tilespmem:s29+$0xFFFFFFA0];
	p1 =	slt.u32 s28, $0x3F8  }
0x112: {  	v5 =	vand.u32 $0x1FFF, v5;
	vm4 =	veq.s32 v7, v3;
	v7 =	vand.u32 $0x1FFF, v10;
	v4 =	vld [tilespmem:s29+$0xFFFFFFB0]  }
0x113: {  	vm3 =	veq.s32 v12, v3;
	v11 =	vand.u32 $0x1FFF, v11;
	vm2 =	veq.s32 v15, v3;
	v10 =	vld [tilespmem:s29+$0xFFFFFFC0]  }
0x114: {  	v13 =	vand.u32 $0x1FFF, v13;
	vm1 =	veq.s32 v14, v3;
	v14 =	vand.u32 $0x1FFF, v8;
	v12 =	vld [tilespmem:s29+$0xFFFFFFD0]  }
0x115: {  	vm0 =	veq.s32 v6, v3;
	v8 =	vld [tilespmem:s29+$0xFFFFFFE0];
	v15 =	vand.u32 $0x7FFFFFFF, v18;
	v18 =	vand.u32 $0x1FFF, v9  }
0x116: {  	v6 =	vand.u32 $0x7FFFFFFF, v19;
	v9 =	vld [tilespmem:s29+$0xFFFFFFF0];
	v17 =	vshrl.u32 v15, $0x9;
	v15 =	vshll.u32 v15, $0x4  }
0x117: {  	v19 =	vld [tilespmem:s29+$0xFFFFFF90];
	v20 =	vand.u32 $0x7FFFFFFF, v4;
	vm7 =	veq.s32 v17, v3;
	v4 =	vor.u32 v1, v15  }
0x118: {  	v15 =	vshll.u32 v6, $0x4;
	v21 =	vand.u32 $0x7FFFFFFF, v10;
	v17 =	vand.u32 $0x1FFF, v4;
	[tilespmem:v16+s18+$0x0] =	vst.idx.add.s32.msk vm6, v2  }
0x119: {  	v10 =	vshll.u32 v20, $0x4;
	v22 =	vshll.u32 v21, $0x4;
	v23 =	vand.u32 $0x7FFFFFFF, v12;
	[tilespmem:v5+s18+$0x0] =	vst.idx.add.s32.msk vm5, v2  }
0x11a: {  	v4 =	vshrl.u32 v6, $0x9;
	v24 =	vshll.u32 v23, $0x4;
	v25 =	vand.u32 $0x7FFFFFFF, v8;
	[tilespmem:v7+s18+$0x0] =	vst.idx.add.s32.msk vm4, v2  }
.Ltmp16:
0x11b: {  	v5 =	vor.u32 v1, v15;
	v8 =	vshll.u32 v25, $0x4;
	v6 =	vand.u32 $0x7FFFFFFF, v9;
	[tilespmem:v11+s18+$0x0] =	vst.idx.add.s32.msk vm3, v2;
	(pc) =	sbr.rel @p1 .LBB2_31-.Ltmp16, $4  }
0x11c: {  	v7 =	vshrl.u32 v20, $0x9;
	v11 =	vand.u32 $0x7FFFFFFF, v19;
	v9 =	vshll.u32 v6, $0x4;
	[tilespmem:v13+s18+$0x0] =	vst.idx.add.s32.msk vm2, v2  }
0x11d: {  	v10 =	vor.u32 v1, v10;
	v16 =	vshrl.u32 v11, $0x9;
	v11 =	vshll.u32 v11, $0x4;
	[tilespmem:v17+s18+$0x0] =	vst.idx.add.s32.msk vm7, v2  }
0x11e: {  	v12 =	vshrl.u32 v21, $0x9;
	v17 =	vor.u32 v1, v11;
	v11 =	vor.u32 v1, v22;
	[tilespmem:v14+s18+$0x0] =	vst.idx.add.s32.msk vm1, v2  }
0x11f: {  	s29 =	sadd.s32 $0x200, s29;
	v15 =	vshrl.u32 v23, $0x9;
	v13 =	vor.u32 v1, v24;
	v14 =	vshrl.u32 v25, $0x9;
	[tilespmem:v18+s18+$0x0] =	vst.idx.add.s32.msk vm0, v2  }
0x120: {  	vm0 =	veq.s32 v16, v3  }
0x121: {  	v59 =	vand.u32 $0x1FFF, v17;
	vm1 =	veq.s32 v4, v3  }
0x122: {  	v4 =	vand.u32 $0x1FFF, v5;
	vm2 =	veq.s32 v7, v3  }
0x123: {  	v5 =	vand.u32 $0x1FFF, v10;
	vm3 =	veq.s32 v12, v3  }
0x124: {  	v60 =	vor.u32 v1, v8;
	v61 =	vand.u32 $0x1FFF, v11;
	vm4 =	veq.s32 v15, v3  }
0x125: {  	v6 =	vshrl.u32 v6, $0x9;
	v62 =	vand.u32 $0x1FFF, v13;
	vm5 =	veq.s32 v14, v3  }
0x126: {  	v9 =	vor.u32 v1, v9;
	v7 =	vand.u32 $0x1FFF, v60;
	vm6 =	veq.s32 v6, v3;
	[tilespmem:v59+s18+$0x0] =	vst.idx.add.s32.msk vm0, v2  }
0x127: {  	v63 =	vand.u32 $0x1FFF, v9;
	[tilespmem:v4+s18+$0x0] =	vst.idx.add.s32.msk vm1, v2  }
.Ltmp17:
0x128: {  	[tilespmem:v5+s18+$0x0] =	vst.idx.add.s32.msk vm2, v2;
	(pc) =	sbr.rel @p0 .LBB2_36-.Ltmp17, $4  }
0x129: {  	[tilespmem:v61+s18+$0x0] =	vst.idx.add.s32.msk vm3, v2  }
0x12a: {  	[tilespmem:v62+s18+$0x0] =	vst.idx.add.s32.msk vm4, v2  }
0x12b: {  	[tilespmem:v7+s18+$0x0] =	vst.idx.add.s32.msk vm5, v2  }
0x12c: {  	[tilespmem:v63+s18+$0x0] =	vst.idx.add.s32.msk vm6, v2  }
0x12d: {  	s0 =	sadd.s32 s26, s12  }
0x12e: {  	s0 =	sshrl.u32 s0, $0x3  }
0x12f: {  	s28 =	simm.s32 $0x180;
	s26 =	sadd.s32 s4, s0  }
0x130: {  	s29 =	simm.s32 $0x10;
	s30 =	simm.s32 $0x380;
	s0 =	sadd.s32 $0x0, s26  }
.LBB2_34:
0x131: {  	[tilespmem:s28], [sflag:$0x4] =	stream.linear.gather [hbm4b:s0+s3], $0x80, $0x38;
	[tilespmem:$0x12080] =	vst v63  }
0x132: {  	s0 =	smov.u32 s29;
	s28 =	smov.u32 s30;
	p0 =	sne.s32 s29, $0x7F0  }
.Ltmp18:
0x133: {  	s29 =	sadd.s32 $0x10, s29;
	(pc) =	sbr.rel @p0 .LBB2_34-.Ltmp18, $2  }
0x134: {  	_ =	sdelay $0x2  }
0x135: {  	s30 =	sadd.s32 $0x200, s30;
	s0 =	sadd.s32 s0, s26  }
.Ltmp19:
0x136: {  	(pc) =	sbr.rel .LBB2_12-.Ltmp19, $3  }
0x137: {  	_ =	sdelay $0x1  }
0x138: {  	[tilespmem:s28], [sflag:$0x4] =	stream.linear.gather [hbm4b:s0+s3], $0x80, $0x38;
	[tilespmem:$0x12080] =	vst v63  }
0x139: {  	s25 =	sadd.s32 $0x1, s25  }
.LBB2_37:
0x13a: {  	_ =	sfence.sel $0x180000  }
0x13b: {  	[bflag:$0x0] =	sbarrier.arrive $0xFFFF  }
0x13c: {  	_ =	strace $0x9000004D  }
0x13d: {  	[bflag:$0x2] =	sbarrier.arrive $0xFFFF  }
0x13e: {  	p0 =	sne.s32 s2, $0x0;
	s0 =	rddreg [dreg:$0x3]  }
0x13f: {  	s0 =	sadd.s32 @!p0 $0x100000, s0  }
0x140: {  	[sflag:s0] =	ssyncadd.tile.s32 @!p0 $0x1;
	_ =	shalt  }
.Lfunc_end2:
_tile_overlayer_lowered:
.L_overlay_start_2:
0x141: {  	(tag) =	ssettag $0x2  }
0x142: {  	s0 =	rddreg [dreg:$0x0];
	s2 =	stileid.u32  }
0x143: {  	s1 =	rddreg [dreg:$0x1];
	p0 =	sne.s32 s2, $0x0  }
0x144: {  	s3 =	rddreg [dreg:$0x2];
	[bflag:$0x3] =	sbarrier.arrive $0xFFFF;
	s2 =	simm.s32 @!p0 $0x1C05  }
0x145: {  	[timem:s3], [sflag:s2] =	dma.local @!p0 [hbm:s0], s1  }
0x146: {  	s0 =	simm.s32 @!p0 $0x5  }
0x147: {  	_ =	swait.ge @!p0 [sflag:s0], s1  }
0x148: {  	s1 =	ssub.s32 @!p0 $0x0, s1;
	[sflag:s0] =	ssyncset.done @!p0 $0x0  }
0x149: {  	[sflag:s0] =	ssyncadd.s32 @!p0 s1  }
0x14a: {  	[bflag:$0x3] =	sbarrier.arrive $0xFFFF  }
0x14b: {  	_ =	shalt  }

// kernel: kernel.18.cloned.1.call-start
scs
__scs_entry_jumppad:
0x0: {  	(pc) =	sbr.rel $0x88, $3  }
0x1: {  	(tag) =	ssettag $0x0;
	lr =	simm.s32 $0x1  }
0x2: {  	[smem:$0x3F9F] =	sst lr;
	_ =	strace $0xD0000000  }
0x3: {  	_ = 	snop  }
0x4: {  	_ = 	snop  }
0x5: {  	_ = 	snop  }
0x6: {  	_ = 	snop  }
0x7: {  	_ = 	snop  }
__scs_overlays_trampoline_lowered:
0x8: {  	[smem:$0x3FAE] =	sst s0  }
0x9: {  	[smem:$0x3FAF] =	sst s1  }
0xa: {  	[smem:$0x3FB0] =	sst s2  }
0xb: {  	[smem:$0x3FB1] =	sst s3  }
0xc: {  	[smem:$0x3FB2] =	sst s4  }
0xd: {  	[smem:$0x3FB3] =	sst s5  }
0xe: {  	[smem:$0x3FB4] =	sst s6  }
0xf: {  	[smem:$0x3FB5] =	sst s7  }
0x10: {  	[smem:$0x3FB6] =	sst s8  }
0x11: {  	[smem:$0x3FB7] =	sst s9;
	s0 =	simm.s32 @!p0 $0x0  }
0x12: {  	s1 =	sld [smem:$0x3F9D];
	s0 =	simm.s32 @p0 $0x1  }
0x13: {  	[smem:$0x3FB8] =	sst s0;
	s0 =	simm.s32 @!p1 $0x0  }
0x14: {  	s2 =	sld [smem:$0x3F9C];
	s0 =	simm.s32 @p1 $0x1  }
0x15: {  	[smem:$0x3FB9] =	sst s0;
	s0 =	simm.s32 @!p2 $0x0  }
0x16: {  	s3 =	sld [smem:$0x3FDB];
	s0 =	simm.s32 @p2 $0x1  }
0x17: {  	s4 =	simm.s32 $0x1BF5;
	[smem:$0x3FBB] =	sst s0  }
0x18: {  	s0 =	sld [smem:$0x3F9E];
	_ =	swait.ge [sflag:s4], $0x0  }
0x19: {  	s7 =	sld [smem:$0x3F9F]  }
0x1a: {  	s8 =	sadd.s32 $0xFFFFE003, lr  }
0x1b: {  	s9 =	sadd.s32 $0xFFFFFEF7, lr;
	s5 =	simm.s32 $0xFFFFFFFF;
	p2 =	slt.u32 s8, $0xFFFFF086  }
0x1c: {  	p1 =	slt.u32 s9, $0xF7A;
	s5 =	simm.s32 @!p2 $0x0  }
0x1d: {  	s5 =	simm.s32 @p1 $0x1;
	p0 =	seq.s32 s7, s2  }
0x1e: {  	s7 =	smul.u32 @!p0 $0xF7A, s2;
	p2 =	seq.s32 @!p0 s5, $0x0  }
0x1f: {  	s9 =	smul.u32 $0xF7A, s1;
	s8 =	simm.s32 @!p0 $0x1BF5;
	p2 =	por !p2, p0  }
0x20: {  	[sflag:s8] =	ssyncset.s32 @!p0 $0xFFFFF086;
	s6 =	sadd.s32 @!p0 s3, s7;
	s7 =	simm.s32 @!p0 $0x108  }
0x21: {  	s3 =	sadd.s32 s3, s9;
	s6 =	sadd.s32 @!p0 $0x88, s6;
	s7 =	simm.s32 @p2 $0x1082  }
0x22: {  	[simem:s7], [sflag:s8] =	dma.local @!p0 [hbm:s6], $0xF7A  }
0x23: {  	s9 =	sor.u32 $0xD0000000, s2;
	s6 =	simm.s32 $0x108;
	_ =	swait.ge @!p0 [sflag:s8], $0x0  }
0x24: {  	s3 =	sadd.s32 $0x88, s3;
	s6 =	simm.s32 @!p1 $0x1082;
	[sflag:s4] =	ssyncset.s32 $0xFFFFF086  }
0x25: {  	[simem:s6], [sflag:s4] =	dma.local [hbm:s3], $0xF7A  }
0x26: {  	[smem:$0x3F9F] =	sst s1;
	(tag) =	ssettag s2;
	_ =	strace s9  }
0x27: {  	s1 =	sld [smem:$0x3FAF]  }
0x28: {  	s2 =	sld [smem:$0x3FB0]  }
0x29: {  	s4 =	sld [smem:$0x3FB2]  }
0x2a: {  	p0 =	seq.s32 s5, $0x0;
	s5 =	sld [smem:$0x3FB3]  }
0x2b: {  	s6 =	sld [smem:$0x3FB4]  }
0x2c: {  	s7 =	sld [smem:$0x3FB5]  }
0x2d: {  	s3 =	simm.s32 $0x108;
	s8 =	sld [smem:$0x3FB6]  }
0x2e: {  	s3 =	simm.s32 @!p0 $0x1082;
	s9 =	sld [smem:$0x3FB7]  }
0x2f: {  	lr =	sadd.s32 s0, s3;
	s0 =	sld [smem:$0x3FAE]  }
0x30: {  	s3 =	sld [smem:$0x3FB1]  }
0x31: {  	[smem:$0x3FBA] =	sst s10  }
0x32: {  	s10 =	sld [smem:$0x3FB8];
	_ =	sdelay $0x3  }
0x33: {  	p0 =	seq.s32 s10, $0x1;
	s10 =	sld [smem:$0x3FBA];
	_ =	sdelay $0x3  }
0x34: {  	[smem:$0x3FBA] =	sst s10  }
0x35: {  	s10 =	sld [smem:$0x3FB9];
	_ =	sdelay $0x3  }
0x36: {  	p1 =	seq.s32 s10, $0x1;
	s10 =	sld [smem:$0x3FBA];
	_ =	sdelay $0x3  }
0x37: {  	[smem:$0x3FBA] =	sst s10  }
0x38: {  	s10 =	sld [smem:$0x3FBB]  }
0x39: {  	_ = 	snop;
	(pc) =	sbr.ind lr, $3  }
0x3a: {  	_ = 	snop  }
0x3b: {  	_ = 	snop  }
0x3c: {  	p2 =	seq.s32 s10, $0x1;
	s10 =	sld [smem:$0x3FBA]  }
0x3d: {  	_ =	shalt  }
0x3e: {  	_ =	shalt  }
0x3f: {  	_ =	shalt  }
0x40: {  	_ =	shalt  }
0x41: {  	_ =	shalt  }
0x42: {  	_ =	shalt  }
0x43: {  	_ =	shalt  }
0x44: {  	_ =	shalt  }
0x45: {  	_ =	shalt  }
0x46: {  	_ =	shalt  }
0x47: {  	_ =	shalt  }
0x48: {  	_ =	shalt  }
0x49: {  	_ =	shalt  }
0x4a: {  	_ =	shalt  }
0x4b: {  	_ =	shalt  }
0x4c: {  	_ =	shalt  }
0x4d: {  	_ =	shalt  }
0x4e: {  	_ =	shalt  }
0x4f: {  	_ =	shalt  }
0x50: {  	_ =	shalt  }
0x51: {  	_ =	shalt  }
0x52: {  	_ =	shalt  }
0x53: {  	_ =	shalt  }
0x54: {  	_ =	shalt  }
0x55: {  	_ =	shalt  }
0x56: {  	_ =	shalt  }
0x57: {  	_ =	shalt  }
0x58: {  	_ =	shalt  }
0x59: {  	_ =	shalt  }
0x5a: {  	_ =	shalt  }
0x5b: {  	_ =	shalt  }
0x5c: {  	_ =	shalt  }
0x5d: {  	_ =	shalt  }
0x5e: {  	_ =	shalt  }
0x5f: {  	_ =	shalt  }
0x60: {  	_ =	shalt  }
0x61: {  	_ =	shalt  }
0x62: {  	_ =	shalt  }
0x63: {  	_ =	shalt  }
0x64: {  	_ =	shalt  }
0x65: {  	_ =	shalt  }
0x66: {  	_ =	shalt  }
0x67: {  	_ =	shalt  }
0x68: {  	_ =	shalt  }
0x69: {  	_ =	shalt  }
0x6a: {  	_ =	shalt  }
0x6b: {  	_ =	shalt  }
0x6c: {  	_ =	shalt  }
0x6d: {  	_ =	shalt  }
0x6e: {  	_ =	shalt  }
0x6f: {  	_ =	shalt  }
0x70: {  	_ =	shalt  }
0x71: {  	_ =	shalt  }
0x72: {  	_ =	shalt  }
0x73: {  	_ =	shalt  }
0x74: {  	_ =	shalt  }
0x75: {  	_ =	shalt  }
0x76: {  	_ =	shalt  }
0x77: {  	_ =	shalt  }
0x78: {  	_ =	shalt  }
0x79: {  	_ =	shalt  }
0x7a: {  	_ =	shalt  }
0x7b: {  	_ =	shalt  }
0x7c: {  	_ =	shalt  }
0x7d: {  	_ =	shalt  }
0x7e: {  	_ =	shalt  }
0x7f: {  	_ =	shalt  }
0x80: {  	_ =	shalt  }
0x81: {  	_ =	shalt  }
0x82: {  	_ =	shalt  }
0x83: {  	_ =	shalt  }
0x84: {  	_ =	shalt  }
0x85: {  	_ =	shalt  }
0x86: {  	_ =	shalt  }
0x87: {  	_ =	shalt  }
.Lfunc_end0:
.L_simem_size_0:
called_computation.3_lowered:
.L_overlay_start_0:
0x88: {  	s2 =	sld [smem:$0x3FD9]  }
0x89: {  	s3 =	sld [smem:$0x3FFE];
	_ =	sdelay $0x1  }
0x8a: {  	s1 =	srdreg.scid  }
0x8b: {  	s0 =	sand.u32 $0x1, s1  }
0x8c: {  	s14 =	sshll.u32 s0, $0xA;
	s2 =	sadd.s32 s3, s2  }
0x8d: {  	s2 =	sadd.s32 s2, s14  }
0x8e: {  	[smem:$0x3FC6] =	sst s2  }
0x8f: {  	_ = 	snop  }
0x90: {  	s2 =	sld [smem:$0x3FD0];
	_ =	sdelay $0x2  }
0x91: {  	s15 =	simm.s32 $0xA;
	s4 =	simm.s32 $0x10  }
0x92: {  	[smem:s4], [sflag:s15] =	dma.local [hbm:s2], $0x1  }
0x93: {  	_ =	swait.eq [sflag:s15], $0x1  }
0x94: {  	[sflag:s15] =	ssyncset.done $0x0  }
0x95: {  	s16 =	sld [smem:$0x10];
	[sflag:s15] =	ssyncadd.s32 $0xFFFFFFFF  }
0x96: {  	s17 =	sld [smem:$0x11];
	(tm) =	ssettm $0x1  }
0x97: {  	s18 =	sld [smem:$0x3FFB];
	_ =	sdelay $0x3  }
0x98: {  	_ =	strace s18  }
0x99: {  	s4 =	sld [smem:$0x3FFC];
	_ =	sdelay $0x3  }
0x9a: {  	_ =	strace s4  }
0x9b: {  	s4 =	sld [smem:$0x3FFD];
	_ =	sdelay $0x3  }
0x9c: {  	_ =	strace s4  }
0x9d: {  	_ =	strace $0x8FFFFFFF  }
0x9e: {  	s19 =	sld [smem:$0x3FDB];
	_ =	sdelay $0x1  }
0x9f: {  	s5 =	simm.s32 $_scs_section_size  }
0xa0: {  	s6 =	simm.s32 $_size__tile_overlayer_lowered;
	s7 =	simm.s32 $_tile_overlayer_lowered  }
0xa1: {  	s22 =	simm.s32 $0x1BFF;
	s21 =	sshll.u32 s7, $0x1;
	s4 =	sadd.s32 s5, s19  }
0xa2: {  	s8 =	simm.s32 $0x0;
	s20 =	sshll.u32 s6, $0x1;
	s6 =	sadd.s32 s21, s4  }
0xa3: {  	[timem:s8], [sflag:s22] =	dma.local [hbm:s6], s20  }
0xa4: {  	_ =	swait.ge [sflag:s22], s20  }
0xa5: {  	s5 =	ssub.s32 $0x0, s20;
	[sflag:s22] =	ssyncset.done $0x0  }
0xa6: {  	[sflag:s22] =	ssyncadd.s32 s5;
	_ =	sdelay $0x1  }
0xa7: {  	s23 =	simm.s32 $0x1B8B  }
0xa8: {  	_ =	swait.ge [sflag:s23], $0x1  }
0xa9: {  	[sflag:s23] =	ssyncset.done $0x0  }
0xaa: {  	s25 =	simm.s32 $0x1B8E;
	s24 =	sld [smem:$0x3FFE];
	[sflag:s23] =	ssyncadd.s32 $0xFFFFFFFF  }
0xab: {  	s26 =	simm.s32 $execute0_lowered;
	[smem:$0x3FD2] =	sst s25  }
0xac: {  	s6 =	sshll.u32 s26, $0x1;
	_ =	strace $0x8000004F;
	[dreg:$0x1] =	wrdreg $0xFFFFFFFF  }
0xad: {  	s28 =	simm.s32 $_size_execute0_lowered;
	s4 =	sadd.s32 s4, s6;
	[dreg:$0x0] =	wrdreg $0x0  }
0xae: {  	s6 =	sshll.u32 s28, $0x1;
	[dreg:$0x2] =	wrdreg s4  }
0xaf: {  	[dreg:$0x3] =	wrdreg s6  }
0xb0: {  	[dreg:$0x4] =	wrdreg $0xC0  }
0xb1: {  	_ =	task [dreg:s8], $0x5FFFF  }
0xb2: {  	[dreg:$0x1] =	wrdreg $0xFFFFFFFF  }
0xb3: {  	[dreg:$0x0] =	wrdreg $0x60  }
0xb4: {  	[dreg:$0x2] =	wrdreg s24  }
0xb5: {  	[dreg:$0x3] =	wrdreg s17  }
0xb6: {  	[dreg:$0x4] =	wrdreg s16  }
0xb7: {  	[dreg:$0x5] =	wrdreg $0x9  }
0xb8: {  	_ =	task.clear_ibuf [dreg:s8], $0x6FFFF;
	_ =	strace $0x9000004F  }
0xb9: {  	s29 =	simm.s32 $0x9;
	_ =	strace $0x80000051  }
0xba: {  	_ =	swait.ge [sflag:s29], $0x1  }
0xbb: {  	[sflag:s29] =	ssyncadd.s32 $0xFFFFFFFF  }
0xbc: {  	_ =	strace $0x90000051  }
0xbd: {  	_ =	sfence  }
0xbe: {  	s30 =	sld [smem:$0x0];
	_ =	sdelay $0x2  }
0xbf: {  	s31 =	sshll.u32 s1, $0xD;
	s1 =	sshrl.u32 s1, $0x2  }
0xc0: {  	s3 =	sand.u32 $0x4000, s31;
	s1 =	sadd.s32 s1, s30  }
0xc1: {  	s0 =	sor.u32 s3, s0;
	s1 =	sshll.u32 s1, $0x11  }
0xc2: {  	s0 =	sor.u32 s1, s0  }
0xc3: {  	s0 =	sadd.s32 $0x8F2B, s0  }
0xc4: {  	[sflag:s0] =	ssyncadd.remote.s32 $0x1  }
0xc5: {  	_ =	sfence.sel $0xFFFF  }
0xc6: {  	[dreg:$0x0] =	wrdreg $0xFFFFFFFF;
	(pc) =	sbr.abs _section_cstart, $3  }
0xc7: {  	[dreg:$0x1] =	wrdreg $0xFFFFFFFF  }
0xc8: {  	_ =	task.clear_ibuf [dreg:s8], $0x2FFFF;
	_ =	strace $0x9FFFFFFF  }
0xc9: {  	(tm) =	ssettm $0x7FFFFFFF  }
tec
execute0_lowered:
.L_overlay_start_1:
0x0: {  	(tag) =	ssettag $0x1  }
0x1: {  	s0 =	rddreg [dreg:$0x0]  }
0x2: {  	s1 =	rddreg [dreg:$0x1]  }
0x3: {  	s3 =	rddreg [dreg:$0x2]  }
0x4: {  	s2 =	srdreg.scid;
	s4 =	simm.s32 $0x0;
	s5 =	stileid.u32  }
0x5: {  	s19 =	simm.s32 $0x1;
	s20 =	simm.s32 $0x2;
	s21 =	simm.s32 $0x6  }
0x6: {  	s22 =	simm.s32 $0xA;
	s23 =	simm.s32 $0x3;
	s24 =	simm.s32 $0x7  }
0x7: {  	s25 =	simm.s32 $0xB;
	s26 =	simm.s32 $0x4;
	s28 =	simm.s32 $0x8  }
0x8: {  	s29 =	simm.s32 $0xC;
	s2 =	sand.u32 $0x1, s2;
	[smem:$0x7FF] =	sst s4  }
0x9: {  	s5 =	sshll.u32 s5, $0x14;
	s6 =	sshll.u32 s2, $0x13;
	_ =	strace $0x80000050  }
0xa: {  	s2 =	ssub.s32 $0x2, s2;
	s5 =	sor.u32 s6, s5;
	s6 =	sadd.s32 $0x2A00, s0  }
0xb: {  	s0 =	sadd.s32 $0x202A00, s0;
	s30 =	sshrl.u32 s2, $0x1;
	s7 =	sshrl.u32 s5, $0x3  }
.Ltmp0:
0xc: {  	[dreg:$0x4] =	wrdreg s0;
	s0 =	ssub.s32 s2, s30;
	(pc) =	sbr.rel .LBB2_1-.Ltmp0, $4  }
0xd: {  	s31 =	sor.u32 $0x8000, s5;
	s13 =	sor.u32 $0xA000, s5;
	s14 =	sor.u32 $0xC000, s5  }
0xe: {  	s15 =	sor.u32 $0xE000, s5;
	s2 =	simm.s32 $0x0;
	s8 =	sadd.s32 s6, s7  }
0xf: {  	[dreg:$0x5] =	wrdreg s31;
	s0 =	smax.u32 s0, $0x1;
	s9 =	sadd.s32 $0x400, s8  }
0x10: {  	v0 =	vimm.f32 $-5.000000000e+00;
	v1 =	vimm.f32 $6.692850960e-03;
	s10 =	sadd.s32 $0x800, s8;
	s11 =	sadd.s32 $0xC00, s8;
	[dreg:$0x6] =	wrdreg s0  }
.LBB2_56:
0x11: {  	s0 =	simm.s32 $0x5  }
0x12: {  	_ =	swait.ge [sflag:s0], $0x2000  }
0x13: {  	[sflag:s0] =	ssyncset.done $0x0  }
0x14: {  	s30 =	simm.s32 $0x9;
	[sflag:s0] =	ssyncadd.s32 $0xFFFFE000  }
0x15: {  	_ =	swait.ge [sflag:s30], $0x2000  }
0x16: {  	[sflag:s30] =	ssyncset.done $0x0  }
0x17: {  	[sflag:s30] =	ssyncadd.s32 $0xFFFFE000  }
0x18: {  	_ =	swait.ge [sflag:s21], $0x2000  }
0x19: {  	[sflag:s21] =	ssyncset.done $0x0  }
0x1a: {  	[sflag:s21] =	ssyncadd.s32 $0xFFFFE000  }
0x1b: {  	_ =	swait.ge [sflag:s22], $0x2000  }
0x1c: {  	[sflag:s22] =	ssyncset.done $0x0  }
0x1d: {  	[sflag:s22] =	ssyncadd.s32 $0xFFFFE000  }
0x1e: {  	_ =	swait.ge [sflag:s24], $0x2000  }
0x1f: {  	[sflag:s24] =	ssyncset.done $0x0  }
0x20: {  	[sflag:s24] =	ssyncadd.s32 $0xFFFFE000  }
0x21: {  	_ =	swait.ge [sflag:s25], $0x2000  }
0x22: {  	[sflag:s25] =	ssyncset.done $0x0  }
0x23: {  	[sflag:s25] =	ssyncadd.s32 $0xFFFFE000  }
0x24: {  	_ =	swait.ge [sflag:s28], $0x2000  }
0x25: {  	[sflag:s28] =	ssyncset.done $0x0  }
0x26: {  	[sflag:s28] =	ssyncadd.s32 $0xFFFFE000  }
0x27: {  	_ =	swait.ge [sflag:s29], $0x2000  }
0x28: {  	s2 =	rddreg [dreg:$0x7]  }
0x29: {  	s31 =	rddreg [dreg:$0x6];
	s2 =	sadd.s32 $0x1, s2  }
0x2a: {  	p0 =	sne.s32 s2, s31  }
.Ltmp1:
0x2b: {  	_ = 	snop;
	(pc) =	sbr.rel @!p0 .LBB2_57-.Ltmp1, $3  }
0x2c: {  	_ =	sdelay $0x1  }
0x2d: {  	[sflag:s29] =	ssyncset.done $0x0  }
0x2e: {  	[sflag:s29] =	ssyncadd.s32 $0xFFFFE000  }
.LBB2_1:
0x2f: {  	[dreg:$0x7] =	wrdreg s2;
	s0 =	simm.s32 $0x10  }
0x30: {  	s12 =	sadd.s32 $0x0, s8;
	s2 =	simm.s32 $0x200;
	s7 =	simm.s32 $0x0  }
.LBB2_2:
0x31: {  	[tilespmem:s7], [sflag:$0x1] =	stream.linear.gather [hbm4b:s12+s4], $0x80, $0x38;
	[tilespmem:$0x18080] =	vst v63  }
0x32: {  	s12 =	smov.u32 s0;
	s7 =	smov.u32 s2;
	p0 =	sne.s32 s0, $0x3F0  }
.Ltmp2:
0x33: {  	s0 =	sadd.s32 $0x10, s0;
	(pc) =	sbr.rel @p0 .LBB2_2-.Ltmp2, $2  }
0x34: {  	_ =	sdelay $0x2  }
0x35: {  	s2 =	sadd.s32 $0x200, s2;
	s12 =	sadd.s32 s12, s8  }
0x36: {  	[tilespmem:s7], [sflag:$0x1] =	stream.linear.gather [hbm4b:s12+s4], $0x80, $0x38;
	[tilespmem:$0x18080] =	vst v63  }
0x37: {  	s0 =	simm.s32 $0x80  }
0x38: {  	s2 =	simm.s32 $0x10;
	s12 =	sadd.s32 $0x0, s9;
	s7 =	simm.s32 $0x280  }
.LBB2_4:
0x39: {  	[tilespmem:s0], [sflag:$0x2] =	stream.linear.gather [hbm4b:s12+s4], $0x80, $0x38;
	[tilespmem:$0x18080] =	vst v63  }
0x3a: {  	s12 =	smov.u32 s2;
	s0 =	smov.u32 s7;
	p0 =	sne.s32 s2, $0x3F0  }
.Ltmp3:
0x3b: {  	s2 =	sadd.s32 $0x10, s2;
	(pc) =	sbr.rel @p0 .LBB2_4-.Ltmp3, $2  }
0x3c: {  	_ =	sdelay $0x2  }
0x3d: {  	s7 =	sadd.s32 $0x200, s7;
	s12 =	sadd.s32 s12, s9  }
0x3e: {  	[tilespmem:s0], [sflag:$0x2] =	stream.linear.gather [hbm4b:s12+s4], $0x80, $0x38;
	[tilespmem:$0x18080] =	vst v63  }
0x3f: {  	s0 =	simm.s32 $0x100  }
0x40: {  	s2 =	simm.s32 $0x10;
	s12 =	sadd.s32 $0x0, s10;
	s7 =	simm.s32 $0x300  }
.LBB2_6:
0x41: {  	[tilespmem:s0], [sflag:$0x3] =	stream.linear.gather [hbm4b:s12+s4], $0x80, $0x38;
	[tilespmem:$0x18080] =	vst v63  }
0x42: {  	s12 =	smov.u32 s2;
	s0 =	smov.u32 s7;
	p0 =	sne.s32 s2, $0x3F0  }
.Ltmp4:
0x43: {  	s2 =	sadd.s32 $0x10, s2;
	(pc) =	sbr.rel @p0 .LBB2_6-.Ltmp4, $2  }
0x44: {  	_ =	sdelay $0x2  }
0x45: {  	s7 =	sadd.s32 $0x200, s7;
	s12 =	sadd.s32 s12, s10  }
0x46: {  	[tilespmem:s0], [sflag:$0x3] =	stream.linear.gather [hbm4b:s12+s4], $0x80, $0x38;
	[tilespmem:$0x18080] =	vst v63  }
0x47: {  	s0 =	simm.s32 $0x180  }
0x48: {  	s2 =	simm.s32 $0x10;
	s12 =	sadd.s32 $0x0, s11;
	s7 =	simm.s32 $0x380  }
.LBB2_8:
0x49: {  	[tilespmem:s0], [sflag:$0x4] =	stream.linear.gather [hbm4b:s12+s4], $0x80, $0x38;
	[tilespmem:$0x18080] =	vst v63  }
0x4a: {  	s12 =	smov.u32 s2;
	s0 =	smov.u32 s7;
	p0 =	sne.s32 s2, $0x3F0  }
.Ltmp5:
0x4b: {  	s2 =	sadd.s32 $0x10, s2;
	(pc) =	sbr.rel @p0 .LBB2_8-.Ltmp5, $2  }
0x4c: {  	_ =	sdelay $0x2  }
0x4d: {  	s7 =	sadd.s32 $0x200, s7;
	s12 =	sadd.s32 s12, s11  }
0x4e: {  	[tilespmem:s0], [sflag:$0x4] =	stream.linear.gather [hbm4b:s12+s4], $0x80, $0x38;
	[tilespmem:$0x18080] =	vst v63  }
0x4f: {  	s2 =	simm.s32 $0x0  }
0x50: {  	s30 =	rddreg [dreg:$0x4];
	s7 =	simm.s32 $0x18000;
	s31 =	simm.s32 $0xD  }
0x51: {  	[tilespmem:s7], [sflag:$0xD] =	stream.linear.gather [hbm4b:s30+s2], $0x80, $0x38;
	[tilespmem:$0x18080] =	vst v63  }
0x52: {  	_ =	swait.ge [sflag:s31], $0x80  }
0x53: {  	[sflag:s31] =	ssyncset.done $0x0  }
0x54: {  	[sflag:s31] =	ssyncadd.s32 $0xFFFFFF80  }
0x55: {  	v2 =	vld [tilespmem:$0x18000]  }
.LBB2_10:
0x56: {  	_ =	swait.ge [sflag:s19], $0x2000  }
0x57: {  	p0 =	seq.s32 s2, $0x0;
	[sflag:s19] =	ssyncset.done $0x0  }
0x58: {  	s0 =	simm.s32 @!p0 $0x5;
	[sflag:s19] =	ssyncadd.s32 $0xFFFFE000  }
0x59: {  	_ =	swait.ge @!p0 [sflag:s0], $0x2000  }
0x5a: {  	[sflag:s0] =	ssyncset.done @!p0 $0x0  }
0x5b: {  	[sflag:s0] =	ssyncadd.s32 @!p0 $0xFFFFE000;
	s0 =	simm.s32 @!p0 $0x9  }
0x5c: {  	_ =	swait.ge @!p0 [sflag:s0], $0x2000  }
0x5d: {  	[sflag:s0] =	ssyncset.done @!p0 $0x0  }
0x5e: {  	s18 =	simm.s32 $0x40;
	[sflag:s0] =	ssyncadd.s32 @!p0 $0xFFFFE000  }
0x5f: {  	v7 =	vld [tilespmem:s18+$0x30]  }
0x60: {  	v9 =	vld [tilespmem:s18+$0x20]  }
0x61: {  	v8 =	vld [tilespmem:s18+$0xFFFFFFF0]  }
0x62: {  	v5 =	vld [tilespmem:s18+$0xFFFFFFE0];
	_ =	sdelay $0x1  }
0x63: {  	v10 =	vld [tilespmem:s18+$0x0]  }
0x64: {  	v3 =	vld [tilespmem:s18+$0xFFFFFFC0]  }
0x65: {  	v4 =	vand.u32 $0x7FFFFFFF, v7;
	v11 =	vand.u32 $0x7FFFFFFF, v9;
	v13 =	vand.u32 $0x7FFFFFFF, v8  }
0x66: {  	v6 =	vld [tilespmem:s18+$0x10];
	v15 =	vand.u32 $0x7FFFFFFF, v5;
	vm0 =	vgt.f32 v4, v2;
	vm1 =	vgt.f32 v11, v2  }
0x67: {  	v4 =	vld [tilespmem:s18+$0xFFFFFFD0];
	v11 =	vsel vm0, $0x40A00000, v0;
	v12 =	vsel vm0, $0x3F7E4961, v1;
	v14 =	vsel vm1, $0x40A00000, v0  }
0x68: {  	s7 =	simm.s32 $0x8040;
	vm0 =	vgt.f32 v13, v2;
	v13 =	vand.u32 $0x7FFFFFFF, v10;
	v17 =	vsel vm1, $0x3F7E4961, v1  }
0x69: {  	v12 =	vmul.f32 v12, v7;
	v7 =	vand.u32 $0x7FFFFFFF, v3;
	[tilespmem:s7+$0x30] =	vst v11;
	v11 =	vsel vm0, $0x40A00000, v0  }
0x6a: {  	v16 =	vsel vm0, $0x3F7E4961, v1;
	vm0 =	vgt.f32 v13, v2;
	v9 =	vmul.f32 v17, v9;
	[tilespmem:s7+$0x20] =	vst v14  }
0x6b: {  	s18 =	simm.s32 $0x10040;
	[tilespmem:s7+$0xFFFFFFF0] =	vst v11;
	v8 =	vmul.f32 v16, v8;
	v11 =	vand.u32 $0x7FFFFFFF, v6;
	v13 =	vsel vm0, $0x40A00000, v0  }
0x6c: {  	v63 =	vsel vm0, $0x3F7E4961, v1;
	vm0 =	vgt.f32 v15, v2;
	[tilespmem:s18+$0x30] =	vst v12;
	v12 =	vand.u32 $0x7FFFFFFF, v4  }
0x6d: {  	s17 =	sshll.u32 s2, $0xF;
	s31 =	simm.s32 $0x0;
	s12 =	simm.s32 $0x8040;
	[tilespmem:s7+$0x0] =	vst v13;
	vm2 =	vgt.f32 v11, v2;
	v10 =	vmul.f32 v63, v10;
	vm1 =	vgt.f32 v12, v2  }
0x6e: {  	s30 =	simm.s32 $0x10040;
	s16 =	sor.u32 s5, s17;
	s0 =	simm.s32 $0x240;
	[tilespmem:s18+$0xFFFFFFF0] =	vst v8;
	v11 =	vsel vm2, $0x3F7E4961, v1;
	v12 =	vsel vm2, $0x40A00000, v0;
	v8 =	vsel vm1, $0x3F7E4961, v1  }
.LBB2_11:
0x6f: {  	v13 =	vld [tilespmem:s0+$0x30];
	s31 =	sadd.s32 $0x8, s31;
	vm2 =	vgt.f32 v7, v2;
	v7 =	vsel vm0, $0x3F7E4961, v1;
	[tilespmem:s7+$0x10] =	vst v12;
	s12 =	sadd.s32 $0x200, s12;
	s18 =	sadd.s32 $0x200, s18  }
0x70: {  	v12 =	vld [tilespmem:s0+$0x20];
	p1 =	slt.u32 s31, $0x1F8;
	v14 =	vsel vm2, $0x3F7E4961, v1;
	v7 =	vmul.f32 v7, v5;
	[tilespmem:s30+$0x0] =	vst v10  }
0x71: {  	v6 =	vmul.f32 v11, v6;
	v5 =	vsel vm2, $0x40A00000, v0;
	v10 =	vld [tilespmem:s0+$0xFFFFFFF0];
	v14 =	vmul.f32 v14, v3;
	[tilespmem:s30+$0x20] =	vst v9  }
0x72: {  	v3 =	vld [tilespmem:s0+$0xFFFFFFC0];
	[tilespmem:s7+$0xFFFFFFC0] =	vst v5;
	v5 =	vsel vm1, $0x40A00000, v0  }
0x73: {  	v9 =	vld [tilespmem:s0+$0x0];
	[tilespmem:s7+$0xFFFFFFD0] =	vst v5  }
0x74: {  	v15 =	vsel vm0, $0x40A00000, v0;
	v5 =	vld [tilespmem:s0+$0xFFFFFFE0];
	v11 =	vand.u32 $0x7FFFFFFF, v13;
	[tilespmem:s30+$0x10] =	vst v6  }
0x75: {  	v8 =	vmul.f32 v8, v4;
	v6 =	vld [tilespmem:s0+$0x10];
	v16 =	vand.u32 $0x7FFFFFFF, v12;
	vm0 =	vgt.f32 v11, v2;
	[tilespmem:s7+$0xFFFFFFE0] =	vst v15;
	s7 =	smov.u32 s12  }
0x76: {  	v4 =	vld [tilespmem:s0+$0xFFFFFFD0];
	vm1 =	vgt.f32 v16, v2;
	v11 =	vsel vm0, $0x40A00000, v0;
	v15 =	vsel vm0, $0x3F7E4961, v1;
	[tilespmem:s30+$0xFFFFFFC0] =	vst v14  }
0x77: {  	v14 =	vand.u32 $0x7FFFFFFF, v10;
	v16 =	vsel vm1, $0x40A00000, v0;
	v13 =	vmul.f32 v15, v13;
	[tilespmem:s30+$0xFFFFFFE0] =	vst v7  }
0x78: {  	v7 =	vand.u32 $0x7FFFFFFF, v3;
	vm0 =	vgt.f32 v14, v2;
	v14 =	vand.u32 $0x7FFFFFFF, v9;
	[tilespmem:s12+$0x30] =	vst v11  }
0x79: {  	v15 =	vsel vm0, $0x40A00000, v0;
	v17 =	vsel vm0, $0x3F7E4961, v1;
	v11 =	vand.u32 $0x7FFFFFFF, v5;
	[tilespmem:s30+$0xFFFFFFD0] =	vst v8;
	s30 =	smov.u32 s18  }
.Ltmp6:
0x7a: {  	v8 =	vmul.f32 v17, v10;
	vm0 =	vgt.f32 v14, v2;
	[tilespmem:s12+$0xFFFFFFF0] =	vst v15;
	v14 =	vand.u32 $0x7FFFFFFF, v6;
	(pc) =	sbr.rel @p1 .LBB2_11-.Ltmp6, $4  }
0x7b: {  	v17 =	vsel vm1, $0x3F7E4961, v1;
	v10 =	vsel vm0, $0x40A00000, v0;
	v15 =	vsel vm0, $0x3F7E4961, v1;
	[tilespmem:s18+$0x30] =	vst v13  }
0x7c: {  	v13 =	vand.u32 $0x7FFFFFFF, v4;
	[tilespmem:s12+$0x0] =	vst v10;
	v10 =	vmul.f32 v15, v9;
	v9 =	vmul.f32 v17, v12  }
0x7d: {  	vm0 =	vgt.f32 v11, v2;
	vm2 =	vgt.f32 v14, v2;
	vm1 =	vgt.f32 v13, v2;
	[tilespmem:s18+$0xFFFFFFF0] =	vst v8  }
0x7e: {  	s0 =	sadd.s32 $0x200, s0;
	v12 =	vsel vm2, $0x40A00000, v0;
	v11 =	vsel vm2, $0x3F7E4961, v1;
	v8 =	vsel vm1, $0x3F7E4961, v1;
	[tilespmem:s12+$0x20] =	vst v16  }
0x7f: {  	[tilespmem:s7+$0x10] =	vst v12  }
0x80: {  	[tilespmem:s30+$0x0] =	vst v10  }
0x81: {  	[tilespmem:s30+$0x20] =	vst v9;
	v60 =	vsel vm1, $0x40A00000, v0  }
0x82: {  	vm2 =	vgt.f32 v7, v2;
	v63 =	vsel vm0, $0x40A00000, v0;
	[tilespmem:s7+$0xFFFFFFD0] =	vst v60  }
0x83: {  	v6 =	vmul.f32 v11, v6;
	v7 =	vsel vm2, $0x40A00000, v0;
	[tilespmem:s7+$0xFFFFFFE0] =	vst v63  }
0x84: {  	v62 =	vsel vm0, $0x3F7E4961, v1;
	v4 =	vmul.f32 v8, v4;
	[tilespmem:s7+$0xFFFFFFC0] =	vst v7  }
0x85: {  	v61 =	vsel vm2, $0x3F7E4961, v1;
	v5 =	vmul.f32 v62, v5;
	[tilespmem:s30+$0x10] =	vst v6  }
0x86: {  	v3 =	vmul.f32 v61, v3;
	s7 =	sshrl.u32 s16, $0x3;
	[tilespmem:s30+$0xFFFFFFD0] =	vst v4  }
0x87: {  	s12 =	simm.s32 $0x8000;
	[tilespmem:s30+$0xFFFFFFE0] =	vst v5;
	s0 =	sadd.s32 s1, s7  }
0x88: {  	s18 =	simm.s32 $0x8200;
	s16 =	simm.s32 $0x10;
	[tilespmem:s30+$0xFFFFFFC0] =	vst v3;
	s30 =	sadd.s32 $0x0, s0  }
.LBB2_13:
0x89: {  	[hbm4b:s30+s4] =	stream.linear.scatter [tilespmem:s12], [sflag:$0x5], $0x80, $0x38;
	[tilespmem:$0x18080] =	vst v63  }
0x8a: {  	s30 =	smov.u32 s16;
	s12 =	smov.u32 s18;
	p1 =	sne.s32 s16, $0x3F0  }
.Ltmp7:
0x8b: {  	s16 =	sadd.s32 $0x10, s16;
	(pc) =	sbr.rel @p1 .LBB2_13-.Ltmp7, $2  }
0x8c: {  	_ =	sdelay $0x2  }
0x8d: {  	s18 =	sadd.s32 $0x200, s18;
	s30 =	sadd.s32 s30, s0  }
0x8e: {  	[hbm4b:s30+s4] =	stream.linear.scatter [tilespmem:s12], [sflag:$0x5], $0x80, $0x38;
	[tilespmem:$0x18080] =	vst v63  }
0x8f: {  	s0 =	sadd.s32 s3, s7;
	s12 =	simm.s32 $0x10000  }
0x90: {  	s16 =	simm.s32 $0x10;
	s18 =	simm.s32 $0x10200;
	s30 =	sadd.s32 $0x0, s0  }
.LBB2_15:
0x91: {  	[hbm4b:s30+s4] =	stream.linear.scatter [tilespmem:s12], [sflag:$0x9], $0x80, $0x38;
	[tilespmem:$0x18080] =	vst v63  }
0x92: {  	s30 =	smov.u32 s16;
	s12 =	smov.u32 s18;
	p1 =	sne.s32 s16, $0x3F0  }
.Ltmp8:
0x93: {  	s16 =	sadd.s32 $0x10, s16;
	(pc) =	sbr.rel @p1 .LBB2_15-.Ltmp8, $2  }
0x94: {  	_ =	sdelay $0x2  }
0x95: {  	s18 =	sadd.s32 $0x200, s18;
	s30 =	sadd.s32 s30, s0  }
0x96: {  	p1 =	sne.s32 s2, $0xF  }
.Ltmp9:
0x97: {  	_ = 	snop;
	(pc) =	sbr.rel @p1 .LBB2_18-.Ltmp9, $2  }
0x98: {  	_ =	sdelay $0x2  }
0x99: {  	[hbm4b:s30+s4] =	stream.linear.scatter [tilespmem:s12], [sflag:$0x9], $0x80, $0x38;
	[tilespmem:$0x18080] =	vst v63  }
.Ltmp10:
0x9a: {  	(pc) =	sbr.rel .LBB2_21-.Ltmp10, $4  }
0x9b: {  	_ = 	snop  }
0x9c: {  	_ =	swait.ge [sflag:s20], $0x2000  }
0x9d: {  	[sflag:s20] =	ssyncset.done $0x0  }
0x9e: {  	[sflag:s20] =	ssyncadd.s32 $0xFFFFE000  }
.LBB2_18:
0x9f: {  	s0 =	rddreg [dreg:$0x5]  }
0xa0: {  	s0 =	sadd.s32 s17, s0  }
0xa1: {  	s0 =	sshrl.u32 s0, $0x3  }
0xa2: {  	s12 =	simm.s32 $0x0;
	s0 =	sadd.s32 s6, s0  }
0xa3: {  	s16 =	simm.s32 $0x10;
	s18 =	simm.s32 $0x200;
	s30 =	sadd.s32 $0x0, s0  }
.LBB2_19:
0xa4: {  	[tilespmem:s12], [sflag:$0x1] =	stream.linear.gather [hbm4b:s30+s4], $0x80, $0x38;
	[tilespmem:$0x18080] =	vst v63  }
0xa5: {  	s30 =	smov.u32 s16;
	s12 =	smov.u32 s18;
	p2 =	sne.s32 s16, $0x3F0  }
.Ltmp11:
0xa6: {  	s16 =	sadd.s32 $0x10, s16;
	(pc) =	sbr.rel @p2 .LBB2_19-.Ltmp11, $2  }
0xa7: {  	_ =	sdelay $0x2  }
0xa8: {  	s18 =	sadd.s32 $0x200, s18;
	s30 =	sadd.s32 s30, s0  }
.Ltmp12:
0xa9: {  	(pc) =	sbr.rel @p0 .LBB2_22-.Ltmp12, $4  }
0xaa: {  	[tilespmem:s12], [sflag:$0x1] =	stream.linear.gather [hbm4b:s30+s4], $0x80, $0x38;
	[tilespmem:$0x18080] =	vst v63  }
0xab: {  	_ =	swait.ge [sflag:s20], $0x2000  }
0xac: {  	[sflag:s20] =	ssyncset.done $0x0  }
0xad: {  	[sflag:s20] =	ssyncadd.s32 $0xFFFFE000  }
.LBB2_21:
0xae: {  	_ =	swait.ge [sflag:s21], $0x2000  }
0xaf: {  	[sflag:s21] =	ssyncset.done $0x0  }
0xb0: {  	[sflag:s21] =	ssyncadd.s32 $0xFFFFE000  }
0xb1: {  	_ =	swait.ge [sflag:s22], $0x2000  }
0xb2: {  	[sflag:s22] =	ssyncset.done $0x0  }
0xb3: {  	[sflag:s22] =	ssyncadd.s32 $0xFFFFE000  }
.LBB2_22:
0xb4: {  	s0 =	simm.s32 $0xF0  }
0xb5: {  	v7 =	vld [tilespmem:s0+$0x0]  }
0xb6: {  	v9 =	vld [tilespmem:s0+$0xFFFFFFF0]  }
0xb7: {  	v8 =	vld [tilespmem:s0+$0xFFFFFFC0]  }
0xb8: {  	v5 =	vld [tilespmem:s0+$0xFFFFFFB0];
	_ =	sdelay $0x1  }
0xb9: {  	v10 =	vld [tilespmem:s0+$0xFFFFFFD0]  }
0xba: {  	v3 =	vld [tilespmem:s0+$0xFFFFFF90]  }
0xbb: {  	v4 =	vand.u32 $0x7FFFFFFF, v7;
	v11 =	vand.u32 $0x7FFFFFFF, v9;
	v13 =	vand.u32 $0x7FFFFFFF, v8  }
0xbc: {  	v6 =	vld [tilespmem:s0+$0xFFFFFFE0];
	v15 =	vand.u32 $0x7FFFFFFF, v5;
	vm0 =	vgt.f32 v4, v2;
	vm1 =	vgt.f32 v11, v2  }
0xbd: {  	v4 =	vld [tilespmem:s0+$0xFFFFFFA0];
	v11 =	vsel vm0, $0x40A00000, v0;
	v12 =	vsel vm0, $0x3F7E4961, v1;
	v14 =	vsel vm1, $0x40A00000, v0  }
0xbe: {  	s16 =	simm.s32 $0x80F0;
	vm0 =	vgt.f32 v13, v2;
	v13 =	vand.u32 $0x7FFFFFFF, v10;
	v17 =	vsel vm1, $0x3F7E4961, v1  }
0xbf: {  	v12 =	vmul.f32 v12, v7;
	v7 =	vand.u32 $0x7FFFFFFF, v3;
	[tilespmem:s16+$0x0] =	vst v11;
	v11 =	vsel vm0, $0x40A00000, v0  }
0xc0: {  	v16 =	vsel vm0, $0x3F7E4961, v1;
	vm0 =	vgt.f32 v13, v2;
	v9 =	vmul.f32 v17, v9;
	[tilespmem:s16+$0xFFFFFFF0] =	vst v14  }
0xc1: {  	s18 =	simm.s32 $0x100F0;
	[tilespmem:s16+$0xFFFFFFC0] =	vst v11;
	v8 =	vmul.f32 v16, v8;
	v11 =	vand.u32 $0x7FFFFFFF, v6;
	v13 =	vsel vm0, $0x40A00000, v0  }
0xc2: {  	v63 =	vsel vm0, $0x3F7E4961, v1;
	vm0 =	vgt.f32 v15, v2;
	[tilespmem:s18+$0x0] =	vst v12;
	v12 =	vand.u32 $0x7FFFFFFF, v4  }
0xc3: {  	s12 =	simm.s32 $0x80F0;
	[tilespmem:s16+$0xFFFFFFD0] =	vst v13;
	vm2 =	vgt.f32 v11, v2;
	v10 =	vmul.f32 v63, v10;
	vm1 =	vgt.f32 v12, v2  }
0xc4: {  	s31 =	simm.s32 $0x0;
	s30 =	simm.s32 $0x100F0;
	s0 =	simm.s32 $0x2F0;
	[tilespmem:s18+$0xFFFFFFC0] =	vst v8;
	v11 =	vsel vm2, $0x3F7E4961, v1;
	v12 =	vsel vm2, $0x40A00000, v0;
	v8 =	vsel vm1, $0x3F7E4961, v1  }
.LBB2_23:
0xc5: {  	v13 =	vld [tilespmem:s0+$0x0];
	s31 =	sadd.s32 $0x8, s31;
	vm2 =	vgt.f32 v7, v2;
	v7 =	vsel vm0, $0x3F7E4961, v1;
	[tilespmem:s16+$0xFFFFFFE0] =	vst v12;
	s18 =	sadd.s32 $0x200, s18;
	s12 =	sadd.s32 $0x200, s12  }
0xc6: {  	v12 =	vld [tilespmem:s0+$0xFFFFFFF0];
	p2 =	slt.u32 s31, $0x1F8;
	v14 =	vsel vm2, $0x3F7E4961, v1;
	v7 =	vmul.f32 v7, v5;
	[tilespmem:s30+$0xFFFFFFD0] =	vst v10  }
0xc7: {  	v6 =	vmul.f32 v11, v6;
	v5 =	vsel vm2, $0x40A00000, v0;
	v10 =	vld [tilespmem:s0+$0xFFFFFFC0];
	v14 =	vmul.f32 v14, v3;
	[tilespmem:s30+$0xFFFFFFF0] =	vst v9  }
0xc8: {  	v3 =	vld [tilespmem:s0+$0xFFFFFF90];
	[tilespmem:s16+$0xFFFFFF90] =	vst v5;
	v5 =	vsel vm1, $0x40A00000, v0  }
0xc9: {  	v9 =	vld [tilespmem:s0+$0xFFFFFFD0];
	[tilespmem:s16+$0xFFFFFFA0] =	vst v5  }
0xca: {  	v15 =	vsel vm0, $0x40A00000, v0;
	v5 =	vld [tilespmem:s0+$0xFFFFFFB0];
	v11 =	vand.u32 $0x7FFFFFFF, v13;
	[tilespmem:s30+$0xFFFFFFE0] =	vst v6  }
0xcb: {  	v8 =	vmul.f32 v8, v4;
	v6 =	vld [tilespmem:s0+$0xFFFFFFE0];
	v16 =	vand.u32 $0x7FFFFFFF, v12;
	vm0 =	vgt.f32 v11, v2;
	[tilespmem:s16+$0xFFFFFFB0] =	vst v15;
	s16 =	smov.u32 s12  }
0xcc: {  	v4 =	vld [tilespmem:s0+$0xFFFFFFA0];
	vm1 =	vgt.f32 v16, v2;
	v11 =	vsel vm0, $0x40A00000, v0;
	v15 =	vsel vm0, $0x3F7E4961, v1;
	[tilespmem:s30+$0xFFFFFF90] =	vst v14  }
0xcd: {  	v14 =	vand.u32 $0x7FFFFFFF, v10;
	v16 =	vsel vm1, $0x40A00000, v0;
	v13 =	vmul.f32 v15, v13;
	[tilespmem:s30+$0xFFFFFFB0] =	vst v7  }
0xce: {  	v7 =	vand.u32 $0x7FFFFFFF, v3;
	vm0 =	vgt.f32 v14, v2;
	v14 =	vand.u32 $0x7FFFFFFF, v9;
	[tilespmem:s12+$0x0] =	vst v11  }
0xcf: {  	v15 =	vsel vm0, $0x40A00000, v0;
	v17 =	vsel vm0, $0x3F7E4961, v1;
	v11 =	vand.u32 $0x7FFFFFFF, v5;
	[tilespmem:s30+$0xFFFFFFA0] =	vst v8;
	s30 =	smov.u32 s18  }
.Ltmp13:
0xd0: {  	v8 =	vmul.f32 v17, v10;
	vm0 =	vgt.f32 v14, v2;
	[tilespmem:s12+$0xFFFFFFC0] =	vst v15;
	v14 =	vand.u32 $0x7FFFFFFF, v6;
	(pc) =	sbr.rel @p2 .LBB2_23-.Ltmp13, $4  }
0xd1: {  	v17 =	vsel vm1, $0x3F7E4961, v1;
	v10 =	vsel vm0, $0x40A00000, v0;
	v15 =	vsel vm0, $0x3F7E4961, v1;
	[tilespmem:s18+$0x0] =	vst v13  }
0xd2: {  	v13 =	vand.u32 $0x7FFFFFFF, v4;
	[tilespmem:s12+$0xFFFFFFD0] =	vst v10;
	v10 =	vmul.f32 v15, v9;
	v9 =	vmul.f32 v17, v12  }
0xd3: {  	vm0 =	vgt.f32 v11, v2;
	vm2 =	vgt.f32 v14, v2;
	vm1 =	vgt.f32 v13, v2;
	[tilespmem:s18+$0xFFFFFFC0] =	vst v8  }
0xd4: {  	s0 =	sadd.s32 $0x200, s0;
	v12 =	vsel vm2, $0x40A00000, v0;
	v11 =	vsel vm2, $0x3F7E4961, v1;
	v8 =	vsel vm1, $0x3F7E4961, v1;
	[tilespmem:s12+$0xFFFFFFF0] =	vst v16  }
0xd5: {  	[tilespmem:s16+$0xFFFFFFE0] =	vst v12  }
0xd6: {  	[tilespmem:s30+$0xFFFFFFD0] =	vst v10  }
0xd7: {  	[tilespmem:s30+$0xFFFFFFF0] =	vst v9;
	v60 =	vsel vm1, $0x40A00000, v0  }
0xd8: {  	vm2 =	vgt.f32 v7, v2;
	v63 =	vsel vm0, $0x40A00000, v0;
	[tilespmem:s16+$0xFFFFFFA0] =	vst v60  }
0xd9: {  	v6 =	vmul.f32 v11, v6;
	v7 =	vsel vm2, $0x40A00000, v0;
	[tilespmem:s16+$0xFFFFFFB0] =	vst v63  }
0xda: {  	v62 =	vsel vm0, $0x3F7E4961, v1;
	v4 =	vmul.f32 v8, v4;
	[tilespmem:s16+$0xFFFFFF90] =	vst v7  }
0xdb: {  	v61 =	vsel vm2, $0x3F7E4961, v1;
	v5 =	vmul.f32 v62, v5;
	[tilespmem:s30+$0xFFFFFFE0] =	vst v6  }
0xdc: {  	s0 =	sor.u32 $0x400, s7;
	v3 =	vmul.f32 v61, v3;
	[tilespmem:s30+$0xFFFFFFA0] =	vst v4  }
0xdd: {  	s18 =	simm.s32 $0x10;
	s12 =	sadd.s32 s1, s0;
	[tilespmem:s30+$0xFFFFFFB0] =	vst v5  }
0xde: {  	s16 =	simm.s32 $0x8080;
	s31 =	sadd.s32 $0x0, s12;
	[tilespmem:s30+$0xFFFFFF90] =	vst v3;
	s30 =	simm.s32 $0x8280  }
.LBB2_25:
0xdf: {  	[hbm4b:s31+s4] =	stream.linear.scatter [tilespmem:s16], [sflag:$0x6], $0x80, $0x38;
	[tilespmem:$0x18080] =	vst v63  }
0xe0: {  	s31 =	smov.u32 s18;
	s16 =	smov.u32 s30;
	p2 =	sne.s32 s18, $0x3F0  }
.Ltmp14:
0xe1: {  	s18 =	sadd.s32 $0x10, s18;
	(pc) =	sbr.rel @p2 .LBB2_25-.Ltmp14, $2  }
0xe2: {  	_ =	sdelay $0x2  }
0xe3: {  	s30 =	sadd.s32 $0x200, s30;
	s31 =	sadd.s32 s31, s12  }
0xe4: {  	[hbm4b:s31+s4] =	stream.linear.scatter [tilespmem:s16], [sflag:$0x6], $0x80, $0x38;
	[tilespmem:$0x18080] =	vst v63  }
0xe5: {  	s0 =	sadd.s32 s3, s0;
	s12 =	simm.s32 $0x10080  }
0xe6: {  	s16 =	simm.s32 $0x10;
	s18 =	simm.s32 $0x10280;
	s30 =	sadd.s32 $0x0, s0  }
.LBB2_27:
0xe7: {  	[hbm4b:s30+s4] =	stream.linear.scatter [tilespmem:s12], [sflag:$0xA], $0x80, $0x38;
	[tilespmem:$0x18080] =	vst v63  }
0xe8: {  	s30 =	smov.u32 s16;
	s12 =	smov.u32 s18;
	p2 =	sne.s32 s16, $0x3F0  }
.Ltmp15:
0xe9: {  	s16 =	sadd.s32 $0x10, s16;
	(pc) =	sbr.rel @p2 .LBB2_27-.Ltmp15, $2  }
0xea: {  	_ =	sdelay $0x2  }
0xeb: {  	s18 =	sadd.s32 $0x200, s18;
	s30 =	sadd.s32 s30, s0  }
.Ltmp16:
0xec: {  	(pc) =	sbr.rel @p1 .LBB2_30-.Ltmp16, $2  }
0xed: {  	_ =	sdelay $0x2  }
0xee: {  	[hbm4b:s30+s4] =	stream.linear.scatter [tilespmem:s12], [sflag:$0xA], $0x80, $0x38;
	[tilespmem:$0x18080] =	vst v63  }
.Ltmp17:
0xef: {  	(pc) =	sbr.rel .LBB2_33-.Ltmp17, $4  }
0xf0: {  	_ = 	snop  }
0xf1: {  	_ =	swait.ge [sflag:s23], $0x2000  }
0xf2: {  	[sflag:s23] =	ssyncset.done $0x0  }
0xf3: {  	[sflag:s23] =	ssyncadd.s32 $0xFFFFE000  }
.LBB2_30:
0xf4: {  	s0 =	sadd.s32 s17, s13  }
0xf5: {  	s0 =	sshrl.u32 s0, $0x3  }
0xf6: {  	s12 =	simm.s32 $0x80;
	s0 =	sadd.s32 s6, s0  }
0xf7: {  	s16 =	simm.s32 $0x10;
	s18 =	simm.s32 $0x280;
	s30 =	sadd.s32 $0x0, s0  }
.LBB2_31:
0xf8: {  	[tilespmem:s12], [sflag:$0x2] =	stream.linear.gather [hbm4b:s30+s4], $0x80, $0x38;
	[tilespmem:$0x18080] =	vst v63  }
0xf9: {  	s30 =	smov.u32 s16;
	s12 =	smov.u32 s18;
	p2 =	sne.s32 s16, $0x3F0  }
.Ltmp18:
0xfa: {  	s16 =	sadd.s32 $0x10, s16;
	(pc) =	sbr.rel @p2 .LBB2_31-.Ltmp18, $2  }
0xfb: {  	_ =	sdelay $0x2  }
0xfc: {  	s18 =	sadd.s32 $0x200, s18;
	s30 =	sadd.s32 s30, s0  }
.Ltmp19:
0xfd: {  	(pc) =	sbr.rel @p0 .LBB2_34-.Ltmp19, $4  }
0xfe: {  	[tilespmem:s12], [sflag:$0x2] =	stream.linear.gather [hbm4b:s30+s4], $0x80, $0x38;
	[tilespmem:$0x18080] =	vst v63  }
0xff: {  	_ =	swait.ge [sflag:s23], $0x2000  }
0x100: {  	[sflag:s23] =	ssyncset.done $0x0  }
0x101: {  	[sflag:s23] =	ssyncadd.s32 $0xFFFFE000  }
.LBB2_33:
0x102: {  	_ =	swait.ge [sflag:s24], $0x2000  }
0x103: {  	[sflag:s24] =	ssyncset.done $0x0  }
0x104: {  	[sflag:s24] =	ssyncadd.s32 $0xFFFFE000  }
0x105: {  	_ =	swait.ge [sflag:s25], $0x2000  }
0x106: {  	[sflag:s25] =	ssyncset.done $0x0  }
0x107: {  	[sflag:s25] =	ssyncadd.s32 $0xFFFFE000  }
.LBB2_34:
0x108: {  	s0 =	simm.s32 $0x170  }
0x109: {  	v7 =	vld [tilespmem:s0+$0x0]  }
0x10a: {  	v9 =	vld [tilespmem:s0+$0xFFFFFFF0]  }
0x10b: {  	v8 =	vld [tilespmem:s0+$0xFFFFFFC0]  }
0x10c: {  	v5 =	vld [tilespmem:s0+$0xFFFFFFB0];
	_ =	sdelay $0x1  }
0x10d: {  	v10 =	vld [tilespmem:s0+$0xFFFFFFD0]  }
0x10e: {  	v3 =	vld [tilespmem:s0+$0xFFFFFF90]  }
0x10f: {  	v4 =	vand.u32 $0x7FFFFFFF, v7;
	v11 =	vand.u32 $0x7FFFFFFF, v9;
	v13 =	vand.u32 $0x7FFFFFFF, v8  }
0x110: {  	v6 =	vld [tilespmem:s0+$0xFFFFFFE0];
	v15 =	vand.u32 $0x7FFFFFFF, v5;
	vm0 =	vgt.f32 v4, v2;
	vm1 =	vgt.f32 v11, v2  }
0x111: {  	v4 =	vld [tilespmem:s0+$0xFFFFFFA0];
	v11 =	vsel vm0, $0x40A00000, v0;
	v12 =	vsel vm0, $0x3F7E4961, v1;
	v14 =	vsel vm1, $0x40A00000, v0  }
0x112: {  	s16 =	simm.s32 $0x8170;
	vm0 =	vgt.f32 v13, v2;
	v13 =	vand.u32 $0x7FFFFFFF, v10;
	v17 =	vsel vm1, $0x3F7E4961, v1  }
0x113: {  	v12 =	vmul.f32 v12, v7;
	v7 =	vand.u32 $0x7FFFFFFF, v3;
	[tilespmem:s16+$0x0] =	vst v11;
	v11 =	vsel vm0, $0x40A00000, v0  }
0x114: {  	v16 =	vsel vm0, $0x3F7E4961, v1;
	vm0 =	vgt.f32 v13, v2;
	v9 =	vmul.f32 v17, v9;
	[tilespmem:s16+$0xFFFFFFF0] =	vst v14  }
0x115: {  	s18 =	simm.s32 $0x10170;
	[tilespmem:s16+$0xFFFFFFC0] =	vst v11;
	v8 =	vmul.f32 v16, v8;
	v11 =	vand.u32 $0x7FFFFFFF, v6;
	v13 =	vsel vm0, $0x40A00000, v0  }
0x116: {  	v63 =	vsel vm0, $0x3F7E4961, v1;
	vm0 =	vgt.f32 v15, v2;
	[tilespmem:s18+$0x0] =	vst v12;
	v12 =	vand.u32 $0x7FFFFFFF, v4  }
0x117: {  	s12 =	simm.s32 $0x8170;
	[tilespmem:s16+$0xFFFFFFD0] =	vst v13;
	vm2 =	vgt.f32 v11, v2;
	v10 =	vmul.f32 v63, v10;
	vm1 =	vgt.f32 v12, v2  }
0x118: {  	s31 =	simm.s32 $0x0;
	s30 =	simm.s32 $0x10170;
	s0 =	simm.s32 $0x370;
	[tilespmem:s18+$0xFFFFFFC0] =	vst v8;
	v11 =	vsel vm2, $0x3F7E4961, v1;
	v12 =	vsel vm2, $0x40A00000, v0;
	v8 =	vsel vm1, $0x3F7E4961, v1  }
.LBB2_35:
0x119: {  	v13 =	vld [tilespmem:s0+$0x0];
	s31 =	sadd.s32 $0x8, s31;
	vm2 =	vgt.f32 v7, v2;
	v7 =	vsel vm0, $0x3F7E4961, v1;
	[tilespmem:s16+$0xFFFFFFE0] =	vst v12;
	s18 =	sadd.s32 $0x200, s18;
	s12 =	sadd.s32 $0x200, s12  }
0x11a: {  	v12 =	vld [tilespmem:s0+$0xFFFFFFF0];
	p2 =	slt.u32 s31, $0x1F8;
	v14 =	vsel vm2, $0x3F7E4961, v1;
	v7 =	vmul.f32 v7, v5;
	[tilespmem:s30+$0xFFFFFFD0] =	vst v10  }
0x11b: {  	v6 =	vmul.f32 v11, v6;
	v5 =	vsel vm2, $0x40A00000, v0;
	v10 =	vld [tilespmem:s0+$0xFFFFFFC0];
	v14 =	vmul.f32 v14, v3;
	[tilespmem:s30+$0xFFFFFFF0] =	vst v9  }
0x11c: {  	v3 =	vld [tilespmem:s0+$0xFFFFFF90];
	[tilespmem:s16+$0xFFFFFF90] =	vst v5;
	v5 =	vsel vm1, $0x40A00000, v0  }
0x11d: {  	v9 =	vld [tilespmem:s0+$0xFFFFFFD0];
	[tilespmem:s16+$0xFFFFFFA0] =	vst v5  }
0x11e: {  	v15 =	vsel vm0, $0x40A00000, v0;
	v5 =	vld [tilespmem:s0+$0xFFFFFFB0];
	v11 =	vand.u32 $0x7FFFFFFF, v13;
	[tilespmem:s30+$0xFFFFFFE0] =	vst v6  }
0x11f: {  	v8 =	vmul.f32 v8, v4;
	v6 =	vld [tilespmem:s0+$0xFFFFFFE0];
	v16 =	vand.u32 $0x7FFFFFFF, v12;
	vm0 =	vgt.f32 v11, v2;
	[tilespmem:s16+$0xFFFFFFB0] =	vst v15;
	s16 =	smov.u32 s12  }
0x120: {  	v4 =	vld [tilespmem:s0+$0xFFFFFFA0];
	vm1 =	vgt.f32 v16, v2;
	v11 =	vsel vm0, $0x40A00000, v0;
	v15 =	vsel vm0, $0x3F7E4961, v1;
	[tilespmem:s30+$0xFFFFFF90] =	vst v14  }
0x121: {  	v14 =	vand.u32 $0x7FFFFFFF, v10;
	v16 =	vsel vm1, $0x40A00000, v0;
	v13 =	vmul.f32 v15, v13;
	[tilespmem:s30+$0xFFFFFFB0] =	vst v7  }
0x122: {  	v7 =	vand.u32 $0x7FFFFFFF, v3;
	vm0 =	vgt.f32 v14, v2;
	v14 =	vand.u32 $0x7FFFFFFF, v9;
	[tilespmem:s12+$0x0] =	vst v11  }
0x123: {  	v15 =	vsel vm0, $0x40A00000, v0;
	v17 =	vsel vm0, $0x3F7E4961, v1;
	v11 =	vand.u32 $0x7FFFFFFF, v5;
	[tilespmem:s30+$0xFFFFFFA0] =	vst v8;
	s30 =	smov.u32 s18  }
.Ltmp20:
0x124: {  	v8 =	vmul.f32 v17, v10;
	vm0 =	vgt.f32 v14, v2;
	[tilespmem:s12+$0xFFFFFFC0] =	vst v15;
	v14 =	vand.u32 $0x7FFFFFFF, v6;
	(pc) =	sbr.rel @p2 .LBB2_35-.Ltmp20, $4  }
0x125: {  	v17 =	vsel vm1, $0x3F7E4961, v1;
	v10 =	vsel vm0, $0x40A00000, v0;
	v15 =	vsel vm0, $0x3F7E4961, v1;
	[tilespmem:s18+$0x0] =	vst v13  }
0x126: {  	v13 =	vand.u32 $0x7FFFFFFF, v4;
	[tilespmem:s12+$0xFFFFFFD0] =	vst v10;
	v10 =	vmul.f32 v15, v9;
	v9 =	vmul.f32 v17, v12  }
0x127: {  	vm0 =	vgt.f32 v11, v2;
	vm2 =	vgt.f32 v14, v2;
	vm1 =	vgt.f32 v13, v2;
	[tilespmem:s18+$0xFFFFFFC0] =	vst v8  }
0x128: {  	s0 =	sadd.s32 $0x200, s0;
	v12 =	vsel vm2, $0x40A00000, v0;
	v11 =	vsel vm2, $0x3F7E4961, v1;
	v8 =	vsel vm1, $0x3F7E4961, v1;
	[tilespmem:s12+$0xFFFFFFF0] =	vst v16  }
0x129: {  	[tilespmem:s16+$0xFFFFFFE0] =	vst v12  }
0x12a: {  	[tilespmem:s30+$0xFFFFFFD0] =	vst v10  }
0x12b: {  	[tilespmem:s30+$0xFFFFFFF0] =	vst v9;
	v60 =	vsel vm1, $0x40A00000, v0  }
0x12c: {  	vm2 =	vgt.f32 v7, v2;
	v63 =	vsel vm0, $0x40A00000, v0;
	[tilespmem:s16+$0xFFFFFFA0] =	vst v60  }
0x12d: {  	v6 =	vmul.f32 v11, v6;
	v7 =	vsel vm2, $0x40A00000, v0;
	[tilespmem:s16+$0xFFFFFFB0] =	vst v63  }
0x12e: {  	v62 =	vsel vm0, $0x3F7E4961, v1;
	v4 =	vmul.f32 v8, v4;
	[tilespmem:s16+$0xFFFFFF90] =	vst v7  }
0x12f: {  	v61 =	vsel vm2, $0x3F7E4961, v1;
	v5 =	vmul.f32 v62, v5;
	[tilespmem:s30+$0xFFFFFFE0] =	vst v6  }
0x130: {  	s0 =	sor.u32 $0x800, s7;
	v3 =	vmul.f32 v61, v3;
	[tilespmem:s30+$0xFFFFFFA0] =	vst v4  }
0x131: {  	s18 =	simm.s32 $0x10;
	s12 =	sadd.s32 s1, s0;
	[tilespmem:s30+$0xFFFFFFB0] =	vst v5  }
0x132: {  	s16 =	simm.s32 $0x8100;
	s31 =	sadd.s32 $0x0, s12;
	[tilespmem:s30+$0xFFFFFF90] =	vst v3;
	s30 =	simm.s32 $0x8300  }
.LBB2_37:
0x133: {  	[hbm4b:s31+s4] =	stream.linear.scatter [tilespmem:s16], [sflag:$0x7], $0x80, $0x38;
	[tilespmem:$0x18080] =	vst v63  }
0x134: {  	s31 =	smov.u32 s18;
	s16 =	smov.u32 s30;
	p2 =	sne.s32 s18, $0x3F0  }
.Ltmp21:
0x135: {  	s18 =	sadd.s32 $0x10, s18;
	(pc) =	sbr.rel @p2 .LBB2_37-.Ltmp21, $2  }
0x136: {  	_ =	sdelay $0x2  }
0x137: {  	s30 =	sadd.s32 $0x200, s30;
	s31 =	sadd.s32 s31, s12  }
0x138: {  	[hbm4b:s31+s4] =	stream.linear.scatter [tilespmem:s16], [sflag:$0x7], $0x80, $0x38;
	[tilespmem:$0x18080] =	vst v63  }
0x139: {  	s0 =	sadd.s32 s3, s0;
	s12 =	simm.s32 $0x10100  }
0x13a: {  	s16 =	simm.s32 $0x10;
	s18 =	simm.s32 $0x10300;
	s30 =	sadd.s32 $0x0, s0  }
.LBB2_39:
0x13b: {  	[hbm4b:s30+s4] =	stream.linear.scatter [tilespmem:s12], [sflag:$0xB], $0x80, $0x38;
	[tilespmem:$0x18080] =	vst v63  }
0x13c: {  	s30 =	smov.u32 s16;
	s12 =	smov.u32 s18;
	p2 =	sne.s32 s16, $0x3F0  }
.Ltmp22:
0x13d: {  	s16 =	sadd.s32 $0x10, s16;
	(pc) =	sbr.rel @p2 .LBB2_39-.Ltmp22, $2  }
0x13e: {  	_ =	sdelay $0x2  }
0x13f: {  	s18 =	sadd.s32 $0x200, s18;
	s30 =	sadd.s32 s30, s0  }
.Ltmp23:
0x140: {  	(pc) =	sbr.rel @p1 .LBB2_42-.Ltmp23, $2  }
0x141: {  	_ =	sdelay $0x2  }
0x142: {  	[hbm4b:s30+s4] =	stream.linear.scatter [tilespmem:s12], [sflag:$0xB], $0x80, $0x38;
	[tilespmem:$0x18080] =	vst v63  }
.Ltmp24:
0x143: {  	(pc) =	sbr.rel .LBB2_45-.Ltmp24, $4  }
0x144: {  	_ = 	snop  }
0x145: {  	_ =	swait.ge [sflag:s26], $0x2000  }
0x146: {  	[sflag:s26] =	ssyncset.done $0x0  }
0x147: {  	[sflag:s26] =	ssyncadd.s32 $0xFFFFE000  }
.LBB2_42:
0x148: {  	s0 =	sadd.s32 s17, s14  }
0x149: {  	s0 =	sshrl.u32 s0, $0x3  }
0x14a: {  	s12 =	simm.s32 $0x100;
	s0 =	sadd.s32 s6, s0  }
0x14b: {  	s16 =	simm.s32 $0x10;
	s18 =	simm.s32 $0x300;
	s30 =	sadd.s32 $0x0, s0  }
.LBB2_43:
0x14c: {  	[tilespmem:s12], [sflag:$0x3] =	stream.linear.gather [hbm4b:s30+s4], $0x80, $0x38;
	[tilespmem:$0x18080] =	vst v63  }
0x14d: {  	s30 =	smov.u32 s16;
	s12 =	smov.u32 s18;
	p1 =	sne.s32 s16, $0x3F0  }
.Ltmp25:
0x14e: {  	s16 =	sadd.s32 $0x10, s16;
	(pc) =	sbr.rel @p1 .LBB2_43-.Ltmp25, $2  }
0x14f: {  	_ =	sdelay $0x2  }
0x150: {  	s18 =	sadd.s32 $0x200, s18;
	s30 =	sadd.s32 s30, s0  }
.Ltmp26:
0x151: {  	(pc) =	sbr.rel @p0 .LBB2_46-.Ltmp26, $4  }
0x152: {  	[tilespmem:s12], [sflag:$0x3] =	stream.linear.gather [hbm4b:s30+s4], $0x80, $0x38;
	[tilespmem:$0x18080] =	vst v63  }
0x153: {  	_ =	swait.ge [sflag:s26], $0x2000  }
0x154: {  	[sflag:s26] =	ssyncset.done $0x0  }
0x155: {  	[sflag:s26] =	ssyncadd.s32 $0xFFFFE000  }
.LBB2_45:
0x156: {  	_ =	swait.ge [sflag:s28], $0x2000  }
0x157: {  	[sflag:s28] =	ssyncset.done $0x0  }
0x158: {  	[sflag:s28] =	ssyncadd.s32 $0xFFFFE000  }
0x159: {  	_ =	swait.ge [sflag:s29], $0x2000  }
0x15a: {  	[sflag:s29] =	ssyncset.done $0x0  }
0x15b: {  	[sflag:s29] =	ssyncadd.s32 $0xFFFFE000  }
.LBB2_46:
0x15c: {  	s0 =	simm.s32 $0x1F0  }
0x15d: {  	v7 =	vld [tilespmem:s0+$0x0]  }
0x15e: {  	v9 =	vld [tilespmem:s0+$0xFFFFFFF0]  }
0x15f: {  	v8 =	vld [tilespmem:s0+$0xFFFFFFC0]  }
0x160: {  	v5 =	vld [tilespmem:s0+$0xFFFFFFB0];
	_ =	sdelay $0x1  }
0x161: {  	v10 =	vld [tilespmem:s0+$0xFFFFFFD0]  }
0x162: {  	v3 =	vld [tilespmem:s0+$0xFFFFFF90]  }
0x163: {  	v4 =	vand.u32 $0x7FFFFFFF, v7;
	v11 =	vand.u32 $0x7FFFFFFF, v9;
	v13 =	vand.u32 $0x7FFFFFFF, v8  }
0x164: {  	v6 =	vld [tilespmem:s0+$0xFFFFFFE0];
	v15 =	vand.u32 $0x7FFFFFFF, v5;
	vm0 =	vgt.f32 v4, v2;
	vm1 =	vgt.f32 v11, v2  }
0x165: {  	v4 =	vld [tilespmem:s0+$0xFFFFFFA0];
	v11 =	vsel vm0, $0x40A00000, v0;
	v12 =	vsel vm0, $0x3F7E4961, v1;
	v14 =	vsel vm1, $0x40A00000, v0  }
0x166: {  	s16 =	simm.s32 $0x81F0;
	vm0 =	vgt.f32 v13, v2;
	v13 =	vand.u32 $0x7FFFFFFF, v10;
	v17 =	vsel vm1, $0x3F7E4961, v1  }
0x167: {  	v12 =	vmul.f32 v12, v7;
	v7 =	vand.u32 $0x7FFFFFFF, v3;
	[tilespmem:s16+$0x0] =	vst v11;
	v11 =	vsel vm0, $0x40A00000, v0  }
0x168: {  	v16 =	vsel vm0, $0x3F7E4961, v1;
	vm0 =	vgt.f32 v13, v2;
	v9 =	vmul.f32 v17, v9;
	[tilespmem:s16+$0xFFFFFFF0] =	vst v14  }
0x169: {  	s18 =	simm.s32 $0x101F0;
	[tilespmem:s16+$0xFFFFFFC0] =	vst v11;
	v8 =	vmul.f32 v16, v8;
	v11 =	vand.u32 $0x7FFFFFFF, v6;
	v13 =	vsel vm0, $0x40A00000, v0  }
0x16a: {  	v63 =	vsel vm0, $0x3F7E4961, v1;
	vm0 =	vgt.f32 v15, v2;
	[tilespmem:s18+$0x0] =	vst v12;
	v12 =	vand.u32 $0x7FFFFFFF, v4  }
0x16b: {  	s12 =	simm.s32 $0x81F0;
	[tilespmem:s16+$0xFFFFFFD0] =	vst v13;
	vm2 =	vgt.f32 v11, v2;
	v10 =	vmul.f32 v63, v10;
	vm1 =	vgt.f32 v12, v2  }
0x16c: {  	s31 =	simm.s32 $0x0;
	s30 =	simm.s32 $0x101F0;
	s0 =	simm.s32 $0x3F0;
	[tilespmem:s18+$0xFFFFFFC0] =	vst v8;
	v11 =	vsel vm2, $0x3F7E4961, v1;
	v12 =	vsel vm2, $0x40A00000, v0;
	v8 =	vsel vm1, $0x3F7E4961, v1  }
.LBB2_47:
0x16d: {  	v13 =	vld [tilespmem:s0+$0x0];
	s31 =	sadd.s32 $0x8, s31;
	vm2 =	vgt.f32 v7, v2;
	v7 =	vsel vm0, $0x3F7E4961, v1;
	[tilespmem:s16+$0xFFFFFFE0] =	vst v12;
	s18 =	sadd.s32 $0x200, s18;
	s12 =	sadd.s32 $0x200, s12  }
0x16e: {  	v12 =	vld [tilespmem:s0+$0xFFFFFFF0];
	p0 =	slt.u32 s31, $0x1F8;
	v14 =	vsel vm2, $0x3F7E4961, v1;
	v7 =	vmul.f32 v7, v5;
	[tilespmem:s30+$0xFFFFFFD0] =	vst v10  }
0x16f: {  	v6 =	vmul.f32 v11, v6;
	v5 =	vsel vm2, $0x40A00000, v0;
	v10 =	vld [tilespmem:s0+$0xFFFFFFC0];
	v14 =	vmul.f32 v14, v3;
	[tilespmem:s30+$0xFFFFFFF0] =	vst v9  }
0x170: {  	v3 =	vld [tilespmem:s0+$0xFFFFFF90];
	[tilespmem:s16+$0xFFFFFF90] =	vst v5;
	v5 =	vsel vm1, $0x40A00000, v0  }
0x171: {  	v9 =	vld [tilespmem:s0+$0xFFFFFFD0];
	[tilespmem:s16+$0xFFFFFFA0] =	vst v5  }
0x172: {  	v15 =	vsel vm0, $0x40A00000, v0;
	v5 =	vld [tilespmem:s0+$0xFFFFFFB0];
	v11 =	vand.u32 $0x7FFFFFFF, v13;
	[tilespmem:s30+$0xFFFFFFE0] =	vst v6  }
0x173: {  	v8 =	vmul.f32 v8, v4;
	v6 =	vld [tilespmem:s0+$0xFFFFFFE0];
	v16 =	vand.u32 $0x7FFFFFFF, v12;
	vm0 =	vgt.f32 v11, v2;
	[tilespmem:s16+$0xFFFFFFB0] =	vst v15;
	s16 =	smov.u32 s12  }
0x174: {  	v4 =	vld [tilespmem:s0+$0xFFFFFFA0];
	vm1 =	vgt.f32 v16, v2;
	v11 =	vsel vm0, $0x40A00000, v0;
	v15 =	vsel vm0, $0x3F7E4961, v1;
	[tilespmem:s30+$0xFFFFFF90] =	vst v14  }
0x175: {  	v14 =	vand.u32 $0x7FFFFFFF, v10;
	v16 =	vsel vm1, $0x40A00000, v0;
	v13 =	vmul.f32 v15, v13;
	[tilespmem:s30+$0xFFFFFFB0] =	vst v7  }
0x176: {  	v7 =	vand.u32 $0x7FFFFFFF, v3;
	vm0 =	vgt.f32 v14, v2;
	v14 =	vand.u32 $0x7FFFFFFF, v9;
	[tilespmem:s12+$0x0] =	vst v11  }
0x177: {  	v15 =	vsel vm0, $0x40A00000, v0;
	v17 =	vsel vm0, $0x3F7E4961, v1;
	v11 =	vand.u32 $0x7FFFFFFF, v5;
	[tilespmem:s30+$0xFFFFFFA0] =	vst v8;
	s30 =	smov.u32 s18  }
.Ltmp27:
0x178: {  	v8 =	vmul.f32 v17, v10;
	vm0 =	vgt.f32 v14, v2;
	[tilespmem:s12+$0xFFFFFFC0] =	vst v15;
	v14 =	vand.u32 $0x7FFFFFFF, v6;
	(pc) =	sbr.rel @p0 .LBB2_47-.Ltmp27, $4  }
0x179: {  	v17 =	vsel vm1, $0x3F7E4961, v1;
	v10 =	vsel vm0, $0x40A00000, v0;
	v15 =	vsel vm0, $0x3F7E4961, v1;
	[tilespmem:s18+$0x0] =	vst v13  }
0x17a: {  	v13 =	vand.u32 $0x7FFFFFFF, v4;
	[tilespmem:s12+$0xFFFFFFD0] =	vst v10;
	v10 =	vmul.f32 v15, v9;
	v9 =	vmul.f32 v17, v12  }
0x17b: {  	vm0 =	vgt.f32 v11, v2;
	vm2 =	vgt.f32 v14, v2;
	vm1 =	vgt.f32 v13, v2;
	[tilespmem:s18+$0xFFFFFFC0] =	vst v8  }
0x17c: {  	s0 =	sadd.s32 $0x200, s0;
	v12 =	vsel vm2, $0x40A00000, v0;
	v11 =	vsel vm2, $0x3F7E4961, v1;
	v8 =	vsel vm1, $0x3F7E4961, v1;
	[tilespmem:s12+$0xFFFFFFF0] =	vst v16  }
0x17d: {  	[tilespmem:s16+$0xFFFFFFE0] =	vst v12  }
0x17e: {  	[tilespmem:s30+$0xFFFFFFD0] =	vst v10  }
0x17f: {  	[tilespmem:s30+$0xFFFFFFF0] =	vst v9;
	v60 =	vsel vm1, $0x40A00000, v0  }
0x180: {  	vm2 =	vgt.f32 v7, v2;
	v63 =	vsel vm0, $0x40A00000, v0;
	[tilespmem:s16+$0xFFFFFFA0] =	vst v60  }
0x181: {  	v6 =	vmul.f32 v11, v6;
	v7 =	vsel vm2, $0x40A00000, v0;
	[tilespmem:s16+$0xFFFFFFB0] =	vst v63  }
0x182: {  	v62 =	vsel vm0, $0x3F7E4961, v1;
	v4 =	vmul.f32 v8, v4;
	[tilespmem:s16+$0xFFFFFF90] =	vst v7  }
0x183: {  	v61 =	vsel vm2, $0x3F7E4961, v1;
	v5 =	vmul.f32 v62, v5;
	[tilespmem:s30+$0xFFFFFFE0] =	vst v6  }
0x184: {  	s0 =	sor.u32 $0xC00, s7;
	v3 =	vmul.f32 v61, v3;
	[tilespmem:s30+$0xFFFFFFA0] =	vst v4  }
0x185: {  	s12 =	simm.s32 $0x8180;
	s7 =	sadd.s32 s1, s0;
	[tilespmem:s30+$0xFFFFFFB0] =	vst v5  }
0x186: {  	s18 =	simm.s32 $0x8380;
	s16 =	simm.s32 $0x10;
	[tilespmem:s30+$0xFFFFFF90] =	vst v3;
	s30 =	sadd.s32 $0x0, s7  }
.LBB2_49:
0x187: {  	[hbm4b:s30+s4] =	stream.linear.scatter [tilespmem:s12], [sflag:$0x8], $0x80, $0x38;
	[tilespmem:$0x18080] =	vst v63  }
0x188: {  	s30 =	smov.u32 s16;
	s12 =	smov.u32 s18;
	p0 =	sne.s32 s16, $0x3F0  }
.Ltmp28:
0x189: {  	s16 =	sadd.s32 $0x10, s16;
	(pc) =	sbr.rel @p0 .LBB2_49-.Ltmp28, $2  }
0x18a: {  	_ =	sdelay $0x2  }
0x18b: {  	s18 =	sadd.s32 $0x200, s18;
	s30 =	sadd.s32 s30, s7  }
0x18c: {  	[hbm4b:s30+s4] =	stream.linear.scatter [tilespmem:s12], [sflag:$0x8], $0x80, $0x38;
	[tilespmem:$0x18080] =	vst v63  }
0x18d: {  	s0 =	sadd.s32 s3, s0;
	s7 =	simm.s32 $0x10180  }
0x18e: {  	s12 =	simm.s32 $0x10;
	s16 =	simm.s32 $0x10380;
	s18 =	sadd.s32 $0x0, s0  }
.LBB2_51:
0x18f: {  	[hbm4b:s18+s4] =	stream.linear.scatter [tilespmem:s7], [sflag:$0xC], $0x80, $0x38;
	[tilespmem:$0x18080] =	vst v63  }
0x190: {  	s18 =	smov.u32 s12;
	s7 =	smov.u32 s16;
	p0 =	sne.s32 s12, $0x3F0  }
.Ltmp29:
0x191: {  	s12 =	sadd.s32 $0x10, s12;
	(pc) =	sbr.rel @p0 .LBB2_51-.Ltmp29, $2  }
0x192: {  	_ =	sdelay $0x2  }
0x193: {  	s16 =	sadd.s32 $0x200, s16;
	s18 =	sadd.s32 s18, s0  }
0x194: {  	p0 =	seq.s32 s2, $0xF  }
.Ltmp30:
0x195: {  	_ = 	snop;
	(pc) =	sbr.rel @p0 .LBB2_56-.Ltmp30, $2  }
0x196: {  	_ =	sdelay $0x2  }
0x197: {  	[hbm4b:s18+s4] =	stream.linear.scatter [tilespmem:s7], [sflag:$0xC], $0x80, $0x38;
	[tilespmem:$0x18080] =	vst v63  }
0x198: {  	s0 =	sadd.s32 s17, s15  }
0x199: {  	s0 =	sshrl.u32 s0, $0x3  }
0x19a: {  	s7 =	simm.s32 $0x180;
	s0 =	sadd.s32 s6, s0  }
0x19b: {  	s12 =	simm.s32 $0x10;
	s16 =	simm.s32 $0x380;
	s17 =	sadd.s32 $0x0, s0  }
.LBB2_54:
0x19c: {  	[tilespmem:s7], [sflag:$0x4] =	stream.linear.gather [hbm4b:s17+s4], $0x80, $0x38;
	[tilespmem:$0x18080] =	vst v63  }
0x19d: {  	s17 =	smov.u32 s12;
	s7 =	smov.u32 s16;
	p0 =	sne.s32 s12, $0x3F0  }
.Ltmp31:
0x19e: {  	s12 =	sadd.s32 $0x10, s12;
	(pc) =	sbr.rel @p0 .LBB2_54-.Ltmp31, $2  }
0x19f: {  	_ =	sdelay $0x2  }
0x1a0: {  	s16 =	sadd.s32 $0x200, s16;
	s17 =	sadd.s32 s17, s0  }
.Ltmp32:
0x1a1: {  	(pc) =	sbr.rel .LBB2_10-.Ltmp32, $3  }
0x1a2: {  	_ =	sdelay $0x1  }
0x1a3: {  	[tilespmem:s7], [sflag:$0x4] =	stream.linear.gather [hbm4b:s17+s4], $0x80, $0x38;
	[tilespmem:$0x18080] =	vst v63  }
0x1a4: {  	s2 =	sadd.s32 $0x1, s2  }
.LBB2_57:
0x1a5: {  	_ =	sfence.sel $0x180000  }
0x1a6: {  	[bflag:$0x0] =	sbarrier.arrive $0xFFFF  }
0x1a7: {  	_ =	strace $0x90000050  }
0x1a8: {  	s0 =	stileid.u32;
	[bflag:$0x2] =	sbarrier.arrive $0xFFFF  }
0x1a9: {  	p0 =	sne.s32 s0, $0x0;
	s0 =	rddreg [dreg:$0x3]  }
0x1aa: {  	s0 =	sadd.s32 @!p0 $0x100000, s0  }
0x1ab: {  	[sflag:s0] =	ssyncadd.tile.s32 @!p0 $0x1;
	_ =	shalt  }
.Lfunc_end2:
_tile_overlayer_lowered:
.L_overlay_start_2:
0x1ac: {  	(tag) =	ssettag $0x2  }
0x1ad: {  	s0 =	rddreg [dreg:$0x0];
	s2 =	stileid.u32  }
0x1ae: {  	s1 =	rddreg [dreg:$0x1];
	p0 =	sne.s32 s2, $0x0  }
0x1af: {  	s3 =	rddreg [dreg:$0x2];
	[bflag:$0x3] =	sbarrier.arrive $0xFFFF;
	s2 =	simm.s32 @!p0 $0x1C0D  }
0x1b0: {  	[timem:s3], [sflag:s2] =	dma.local @!p0 [hbm:s0], s1  }
0x1b1: {  	s0 =	simm.s32 @!p0 $0xD  }
0x1b2: {  	_ =	swait.ge @!p0 [sflag:s0], s1  }
0x1b3: {  	s1 =	ssub.s32 @!p0 $0x0, s1;
	[sflag:s0] =	ssyncset.done @!p0 $0x0  }
0x1b4: {  	[sflag:s0] =	ssyncadd.s32 @!p0 s1  }
0x1b5: {  	[bflag:$0x3] =	sbarrier.arrive $0xFFFF  }
0x1b6: {  	_ =	shalt  }

// kernel: kernel.9.cloned.1.call-start
scs
__scs_entry_jumppad:
0x0: {  	(pc) =	sbr.rel $0x88, $3  }
0x1: {  	(tag) =	ssettag $0x0;
	lr =	simm.s32 $0x1  }
0x2: {  	[smem:$0x3F9F] =	sst lr;
	_ =	strace $0xD0000000  }
0x3: {  	_ = 	snop  }
0x4: {  	_ = 	snop  }
0x5: {  	_ = 	snop  }
0x6: {  	_ = 	snop  }
0x7: {  	_ = 	snop  }
__scs_overlays_trampoline_lowered:
0x8: {  	[smem:$0x3FAE] =	sst s0  }
0x9: {  	[smem:$0x3FAF] =	sst s1  }
0xa: {  	[smem:$0x3FB0] =	sst s2  }
0xb: {  	[smem:$0x3FB1] =	sst s3  }
0xc: {  	[smem:$0x3FB2] =	sst s4  }
0xd: {  	[smem:$0x3FB3] =	sst s5  }
0xe: {  	[smem:$0x3FB4] =	sst s6  }
0xf: {  	[smem:$0x3FB5] =	sst s7  }
0x10: {  	[smem:$0x3FB6] =	sst s8  }
0x11: {  	[smem:$0x3FB7] =	sst s9;
	s0 =	simm.s32 @!p0 $0x0  }
0x12: {  	s1 =	sld [smem:$0x3F9D];
	s0 =	simm.s32 @p0 $0x1  }
0x13: {  	[smem:$0x3FB8] =	sst s0;
	s0 =	simm.s32 @!p1 $0x0  }
0x14: {  	s2 =	sld [smem:$0x3F9C];
	s0 =	simm.s32 @p1 $0x1  }
0x15: {  	[smem:$0x3FB9] =	sst s0;
	s0 =	simm.s32 @!p2 $0x0  }
0x16: {  	s3 =	sld [smem:$0x3FDB];
	s0 =	simm.s32 @p2 $0x1  }
0x17: {  	s4 =	simm.s32 $0x1BF5;
	[smem:$0x3FBB] =	sst s0  }
0x18: {  	s0 =	sld [smem:$0x3F9E];
	_ =	swait.ge [sflag:s4], $0x0  }
0x19: {  	s7 =	sld [smem:$0x3F9F]  }
0x1a: {  	s8 =	sadd.s32 $0xFFFFE003, lr  }
0x1b: {  	s9 =	sadd.s32 $0xFFFFFEF7, lr;
	s5 =	simm.s32 $0xFFFFFFFF;
	p2 =	slt.u32 s8, $0xFFFFF086  }
0x1c: {  	p1 =	slt.u32 s9, $0xF7A;
	s5 =	simm.s32 @!p2 $0x0  }
0x1d: {  	s5 =	simm.s32 @p1 $0x1;
	p0 =	seq.s32 s7, s2  }
0x1e: {  	s7 =	smul.u32 @!p0 $0xF7A, s2;
	p2 =	seq.s32 @!p0 s5, $0x0  }
0x1f: {  	s9 =	smul.u32 $0xF7A, s1;
	s8 =	simm.s32 @!p0 $0x1BF5;
	p2 =	por !p2, p0  }
0x20: {  	[sflag:s8] =	ssyncset.s32 @!p0 $0xFFFFF086;
	s6 =	sadd.s32 @!p0 s3, s7;
	s7 =	simm.s32 @!p0 $0x108  }
0x21: {  	s3 =	sadd.s32 s3, s9;
	s6 =	sadd.s32 @!p0 $0x88, s6;
	s7 =	simm.s32 @p2 $0x1082  }
0x22: {  	[simem:s7], [sflag:s8] =	dma.local @!p0 [hbm:s6], $0xF7A  }
0x23: {  	s9 =	sor.u32 $0xD0000000, s2;
	s6 =	simm.s32 $0x108;
	_ =	swait.ge @!p0 [sflag:s8], $0x0  }
0x24: {  	s3 =	sadd.s32 $0x88, s3;
	s6 =	simm.s32 @!p1 $0x1082;
	[sflag:s4] =	ssyncset.s32 $0xFFFFF086  }
0x25: {  	[simem:s6], [sflag:s4] =	dma.local [hbm:s3], $0xF7A  }
0x26: {  	[smem:$0x3F9F] =	sst s1;
	(tag) =	ssettag s2;
	_ =	strace s9  }
0x27: {  	s1 =	sld [smem:$0x3FAF]  }
0x28: {  	s2 =	sld [smem:$0x3FB0]  }
0x29: {  	s4 =	sld [smem:$0x3FB2]  }
0x2a: {  	p0 =	seq.s32 s5, $0x0;
	s5 =	sld [smem:$0x3FB3]  }
0x2b: {  	s6 =	sld [smem:$0x3FB4]  }
0x2c: {  	s7 =	sld [smem:$0x3FB5]  }
0x2d: {  	s3 =	simm.s32 $0x108;
	s8 =	sld [smem:$0x3FB6]  }
0x2e: {  	s3 =	simm.s32 @!p0 $0x1082;
	s9 =	sld [smem:$0x3FB7]  }
0x2f: {  	lr =	sadd.s32 s0, s3;
	s0 =	sld [smem:$0x3FAE]  }
0x30: {  	s3 =	sld [smem:$0x3FB1]  }
0x31: {  	[smem:$0x3FBA] =	sst s10  }
0x32: {  	s10 =	sld [smem:$0x3FB8];
	_ =	sdelay $0x3  }
0x33: {  	p0 =	seq.s32 s10, $0x1;
	s10 =	sld [smem:$0x3FBA];
	_ =	sdelay $0x3  }
0x34: {  	[smem:$0x3FBA] =	sst s10  }
0x35: {  	s10 =	sld [smem:$0x3FB9];
	_ =	sdelay $0x3  }
0x36: {  	p1 =	seq.s32 s10, $0x1;
	s10 =	sld [smem:$0x3FBA];
	_ =	sdelay $0x3  }
0x37: {  	[smem:$0x3FBA] =	sst s10  }
0x38: {  	s10 =	sld [smem:$0x3FBB]  }
0x39: {  	_ = 	snop;
	(pc) =	sbr.ind lr, $3  }
0x3a: {  	_ = 	snop  }
0x3b: {  	_ = 	snop  }
0x3c: {  	p2 =	seq.s32 s10, $0x1;
	s10 =	sld [smem:$0x3FBA]  }
0x3d: {  	_ =	shalt  }
0x3e: {  	_ =	shalt  }
0x3f: {  	_ =	shalt  }
0x40: {  	_ =	shalt  }
0x41: {  	_ =	shalt  }
0x42: {  	_ =	shalt  }
0x43: {  	_ =	shalt  }
0x44: {  	_ =	shalt  }
0x45: {  	_ =	shalt  }
0x46: {  	_ =	shalt  }
0x47: {  	_ =	shalt  }
0x48: {  	_ =	shalt  }
0x49: {  	_ =	shalt  }
0x4a: {  	_ =	shalt  }
0x4b: {  	_ =	shalt  }
0x4c: {  	_ =	shalt  }
0x4d: {  	_ =	shalt  }
0x4e: {  	_ =	shalt  }
0x4f: {  	_ =	shalt  }
0x50: {  	_ =	shalt  }
0x51: {  	_ =	shalt  }
0x52: {  	_ =	shalt  }
0x53: {  	_ =	shalt  }
0x54: {  	_ =	shalt  }
0x55: {  	_ =	shalt  }
0x56: {  	_ =	shalt  }
0x57: {  	_ =	shalt  }
0x58: {  	_ =	shalt  }
0x59: {  	_ =	shalt  }
0x5a: {  	_ =	shalt  }
0x5b: {  	_ =	shalt  }
0x5c: {  	_ =	shalt  }
0x5d: {  	_ =	shalt  }
0x5e: {  	_ =	shalt  }
0x5f: {  	_ =	shalt  }
0x60: {  	_ =	shalt  }
0x61: {  	_ =	shalt  }
0x62: {  	_ =	shalt  }
0x63: {  	_ =	shalt  }
0x64: {  	_ =	shalt  }
0x65: {  	_ =	shalt  }
0x66: {  	_ =	shalt  }
0x67: {  	_ =	shalt  }
0x68: {  	_ =	shalt  }
0x69: {  	_ =	shalt  }
0x6a: {  	_ =	shalt  }
0x6b: {  	_ =	shalt  }
0x6c: {  	_ =	shalt  }
0x6d: {  	_ =	shalt  }
0x6e: {  	_ =	shalt  }
0x6f: {  	_ =	shalt  }
0x70: {  	_ =	shalt  }
0x71: {  	_ =	shalt  }
0x72: {  	_ =	shalt  }
0x73: {  	_ =	shalt  }
0x74: {  	_ =	shalt  }
0x75: {  	_ =	shalt  }
0x76: {  	_ =	shalt  }
0x77: {  	_ =	shalt  }
0x78: {  	_ =	shalt  }
0x79: {  	_ =	shalt  }
0x7a: {  	_ =	shalt  }
0x7b: {  	_ =	shalt  }
0x7c: {  	_ =	shalt  }
0x7d: {  	_ =	shalt  }
0x7e: {  	_ =	shalt  }
0x7f: {  	_ =	shalt  }
0x80: {  	_ =	shalt  }
0x81: {  	_ =	shalt  }
0x82: {  	_ =	shalt  }
0x83: {  	_ =	shalt  }
0x84: {  	_ =	shalt  }
0x85: {  	_ =	shalt  }
0x86: {  	_ =	shalt  }
0x87: {  	_ =	shalt  }
.Lfunc_end0:
.L_simem_size_0:
called_computation_lowered:
.L_overlay_start_0:
0x88: {  	s2 =	sld [smem:$0x3FD9]  }
0x89: {  	s3 =	sld [smem:$0x3FFE];
	_ =	sdelay $0x1  }
0x8a: {  	s1 =	srdreg.scid  }
0x8b: {  	s0 =	sand.u32 $0x1, s1  }
0x8c: {  	s14 =	sshll.u32 s0, $0xA;
	s2 =	sadd.s32 s3, s2  }
0x8d: {  	s2 =	sadd.s32 s2, s14  }
0x8e: {  	[smem:$0x3FC6] =	sst s2  }
0x8f: {  	_ = 	snop  }
0x90: {  	s2 =	sld [smem:$0x3FD0];
	_ =	sdelay $0x1  }
0x91: {  	s15 =	sld [smem:$0x3FC9]  }
0x92: {  	s5 =	simm.s32 $0xA;
	s6 =	simm.s32 $0x10;
	s4 =	sld [smem:$0x3FC8]  }
0x93: {  	[smem:s6], [sflag:s5] =	dma.local [hbm:s2], $0x1  }
0x94: {  	_ =	swait.eq [sflag:s5], $0x1  }
0x95: {  	[sflag:s5] =	ssyncset.done $0x0  }
0x96: {  	[sflag:s5] =	ssyncadd.s32 $0xFFFFFFFF  }
0x97: {  	s16 =	sld [smem:$0x10];
	(tm) =	ssettm $0x1  }
0x98: {  	s17 =	sld [smem:$0x3FFB];
	_ =	sdelay $0x3  }
0x99: {  	_ =	strace s17  }
0x9a: {  	s5 =	sld [smem:$0x3FFC];
	_ =	sdelay $0x3  }
0x9b: {  	_ =	strace s5  }
0x9c: {  	s5 =	sld [smem:$0x3FFD];
	_ =	sdelay $0x3  }
0x9d: {  	_ =	strace s5  }
0x9e: {  	_ =	strace $0x8FFFFFFF  }
0x9f: {  	s18 =	sld [smem:$0x3FDB];
	_ =	sdelay $0x1  }
0xa0: {  	s19 =	simm.s32 $_scs_section_size  }
0xa1: {  	s7 =	simm.s32 $_size__tile_overlayer_lowered;
	s8 =	simm.s32 $_tile_overlayer_lowered  }
0xa2: {  	s22 =	simm.s32 $0x1BFF;
	s21 =	sshll.u32 s8, $0x1;
	s5 =	sadd.s32 s19, s18  }
0xa3: {  	s9 =	simm.s32 $0x0;
	s20 =	sshll.u32 s7, $0x1;
	s7 =	sadd.s32 s21, s5  }
0xa4: {  	[timem:s9], [sflag:s22] =	dma.local [hbm:s7], s20  }
0xa5: {  	_ =	swait.ge [sflag:s22], s20  }
0xa6: {  	s6 =	ssub.s32 $0x0, s20;
	[sflag:s22] =	ssyncset.done $0x0  }
0xa7: {  	[sflag:s22] =	ssyncadd.s32 s6;
	_ =	sdelay $0x1  }
0xa8: {  	s23 =	simm.s32 $0x1B8B  }
0xa9: {  	_ =	swait.ge [sflag:s23], $0x1  }
0xaa: {  	[sflag:s23] =	ssyncset.done $0x0  }
0xab: {  	s25 =	simm.s32 $0x1B8E;
	s24 =	sld [smem:$0x3FFE];
	[sflag:s23] =	ssyncadd.s32 $0xFFFFFFFF  }
0xac: {  	s26 =	simm.s32 $execute0_lowered;
	[smem:$0x3FD2] =	sst s25  }
0xad: {  	s7 =	sshll.u32 s26, $0x1;
	_ =	strace $0x80000046;
	[dreg:$0x1] =	wrdreg $0xFFFFFFFF  }
0xae: {  	s28 =	simm.s32 $_size_execute0_lowered;
	s5 =	sadd.s32 s5, s7;
	[dreg:$0x0] =	wrdreg $0x0  }
0xaf: {  	s7 =	sshll.u32 s28, $0x1;
	[dreg:$0x2] =	wrdreg s5  }
0xb0: {  	[dreg:$0x3] =	wrdreg s7  }
0xb1: {  	[dreg:$0x4] =	wrdreg $0xC0  }
0xb2: {  	_ =	task [dreg:s9], $0x5FFFF  }
0xb3: {  	[dreg:$0x1] =	wrdreg $0xFFFFFFFF  }
0xb4: {  	[dreg:$0x0] =	wrdreg $0x60  }
0xb5: {  	[dreg:$0x2] =	wrdreg s15  }
0xb6: {  	[dreg:$0x3] =	wrdreg s4  }
0xb7: {  	[dreg:$0x4] =	wrdreg s24  }
0xb8: {  	[dreg:$0x5] =	wrdreg s16  }
0xb9: {  	[dreg:$0x6] =	wrdreg $0x9  }
0xba: {  	_ =	task.clear_ibuf [dreg:s9], $0x7FFFF;
	_ =	strace $0x90000046  }
0xbb: {  	s29 =	simm.s32 $0x9;
	_ =	strace $0x80000048  }
0xbc: {  	_ =	swait.ge [sflag:s29], $0x1  }
0xbd: {  	[sflag:s29] =	ssyncadd.s32 $0xFFFFFFFF  }
0xbe: {  	_ =	strace $0x90000048  }
0xbf: {  	_ =	sfence  }
0xc0: {  	s30 =	sld [smem:$0x0];
	_ =	sdelay $0x2  }
0xc1: {  	s31 =	sshll.u32 s1, $0xD;
	s1 =	sshrl.u32 s1, $0x2  }
0xc2: {  	s3 =	sand.u32 $0x4000, s31;
	s1 =	sadd.s32 s1, s30  }
0xc3: {  	s0 =	sor.u32 s3, s0;
	s1 =	sshll.u32 s1, $0x11  }
0xc4: {  	s0 =	sor.u32 s1, s0  }
0xc5: {  	s0 =	sadd.s32 $0x8F2B, s0  }
0xc6: {  	[sflag:s0] =	ssyncadd.remote.s32 $0x1  }
0xc7: {  	_ =	sfence.sel $0xFFFF  }
0xc8: {  	[dreg:$0x0] =	wrdreg $0xFFFFFFFF;
	(pc) =	sbr.abs _section_cstart, $3  }
0xc9: {  	[dreg:$0x1] =	wrdreg $0xFFFFFFFF  }
0xca: {  	_ =	task.clear_ibuf [dreg:s9], $0x2FFFF;
	_ =	strace $0x9FFFFFFF  }
0xcb: {  	(tm) =	ssettm $0x7FFFFFFF  }
tec
execute0_lowered:
.L_overlay_start_1:
0x0: {  	(tag) =	ssettag $0x1  }
0x1: {  	s1 =	rddreg [dreg:$0x0]  }
0x2: {  	s2 =	rddreg [dreg:$0x1]  }
0x3: {  	s0 =	rddreg [dreg:$0x2]  }
0x4: {  	s3 =	rddreg [dreg:$0x3];
	s4 =	simm.s32 $0x0;
	s5 =	srdreg.scid  }
0x5: {  	s16 =	stileid.u32;
	s21 =	simm.s32 $0x1;
	s22 =	simm.s32 $0x5  }
0x6: {  	s23 =	simm.s32 $0xC000;
	s28 =	simm.s32 $0x7;
	s29 =	simm.s32 $0x4  }
0x7: {  	s30 =	simm.s32 $0x8;
	[smem:$0x7FF] =	sst s4;
	s6 =	sand.u32 $0x1, s5  }
0x8: {  	s8 =	sshll.u32 s16, $0x1;
	s5 =	sadd.s32 $0x2A00, s0;
	s16 =	sshll.u32 s16, $0xD  }
0x9: {  	_ =	strace $0x80000047;
	s7 =	ssub.s32 $0x2, s6;
	s15 =	sor.u32 s6, s8  }
0xa: {  	s16 =	sand.u32 $0x18000, s16;
	s24 =	sshrl.u32 s7, $0x1;
	s6 =	sshll.u32 s15, $0x13  }
0xb: {  	s13 =	sshll.u32 s15, $0x10;
	s15 =	sshll.u32 s15, $0x4;
	s3 =	sadd.s32 s3, s16  }
0xc: {  	s0 =	ssub.s32 s7, s24;
	s7 =	sadd.s32 s1, s13;
	s8 =	sadd.s32 s2, s13  }
0xd: {  	s10 =	sor.u32 $0x200, s13;
	s12 =	sor.u32 $0x400, s13;
	s14 =	sor.u32 $0x600, s13  }
0xe: {  	s17 =	sor.u32 $0x4000, s6;
	s25 =	sor.u32 $0x5000, s6;
	s15 =	sand.u32 $0x70, s15  }
0xf: {  	s26 =	sor.u32 $0x6000, s6;
	s31 =	sor.u32 $0x7000, s6;
	s24 =	simm.s32 $0x2  }
0x10: {  	s9 =	sadd.s32 s1, s10;
	s10 =	sadd.s32 s2, s10;
	[dreg:$0x5] =	wrdreg s17  }
.Ltmp0:
0x11: {  	s11 =	sadd.s32 s1, s12;
	[dreg:$0x6] =	wrdreg s25;
	(pc) =	sbr.rel .LBB2_1-.Ltmp0, $4  }
0x12: {  	s12 =	sadd.s32 s2, s12;
	s13 =	sadd.s32 s1, s14;
	[dreg:$0x7] =	wrdreg s26  }
0x13: {  	s14 =	sadd.s32 s2, s14;
	[dreg:$0x8] =	wrdreg s31;
	s3 =	sadd.s32 s15, s3  }
0x14: {  	s0 =	smax.u32 s0, $0x1;
	s25 =	simm.s32 $0x6;
	[dreg:$0x9] =	wrdreg s3  }
0x15: {  	v0 =	vimm.s32 $0x0;
	v1 =	vlaneseq.u32;
	v2 =	vimm.s32 $0x1;
	s26 =	simm.s32 $0x3;
	s15 =	simm.s32 $0x0;
	[dreg:$0xa] =	wrdreg s0  }
.LBB2_60:
0x16: {  	s0 =	simm.s32 $0x9  }
0x17: {  	_ =	swait.ge [sflag:s0], $0x1000  }
0x18: {  	[sflag:s0] =	ssyncset.done $0x0  }
0x19: {  	s15 =	simm.s32 $0xA;
	[sflag:s0] =	ssyncadd.s32 $0xFFFFF000  }
0x1a: {  	_ =	swait.ge [sflag:s15], $0x1000  }
0x1b: {  	[sflag:s15] =	ssyncset.done $0x0  }
0x1c: {  	s16 =	simm.s32 $0xB;
	[sflag:s15] =	ssyncadd.s32 $0xFFFFF000  }
0x1d: {  	_ =	swait.ge [sflag:s16], $0x1000  }
0x1e: {  	[sflag:s16] =	ssyncset.done $0x0  }
0x1f: {  	s17 =	simm.s32 $0xC;
	[sflag:s16] =	ssyncadd.s32 $0xFFFFF000  }
0x20: {  	_ =	swait.ge [sflag:s17], $0x1000  }
0x21: {  	s3 =	simm.s32 $0x80;
	s19 =	simm.s32 $0xD;
	[sflag:s17] =	ssyncset.done $0x0  }
0x22: {  	s15 =	simm.s32 $0x400;
	s18 =	rddreg [dreg:$0x9];
	[sflag:s17] =	ssyncadd.s32 $0xFFFFF000  }
0x23: {  	[hbm4b:s18+s3] =	stream.strided.scatter [tilespmem:s23], [sflag:$0xD], $0x8000, s15, s3, $0x38;
	[tilespmem:$0x14000] =	vst v63  }
0x24: {  	_ =	swait.ge [sflag:s19], $0x8000  }
0x25: {  	s20 =	rddreg [dreg:$0xb]  }
0x26: {  	s31 =	rddreg [dreg:$0xa];
	s15 =	sadd.s32 $0x1, s20  }
0x27: {  	p0 =	sne.s32 s15, s31  }
.Ltmp1:
0x28: {  	_ = 	snop;
	(pc) =	sbr.rel @!p0 .LBB2_61-.Ltmp1, $3  }
0x29: {  	_ =	sdelay $0x1  }
0x2a: {  	[sflag:s19] =	ssyncset.done $0x0  }
0x2b: {  	[sflag:s19] =	ssyncadd.s32 $0xFFFF8000  }
.LBB2_1:
0x2c: {  	[dreg:$0xb] =	wrdreg s15;
	s0 =	simm.s32 $0x10  }
0x2d: {  	s16 =	sadd.s32 $0x0, s7;
	s3 =	simm.s32 $0x200;
	s15 =	simm.s32 $0x0  }
.LBB2_2:
0x2e: {  	[tilespmem:s15], [sflag:$0x1] =	stream.linear.gather [hbm4b:s16+s4], $0x80, $0x38;
	[tilespmem:$0x14000] =	vst v63  }
0x2f: {  	s16 =	smov.u32 s0;
	s15 =	smov.u32 s3;
	p0 =	sne.s32 s0, $0x1F0  }
.Ltmp2:
0x30: {  	s0 =	sadd.s32 $0x10, s0;
	(pc) =	sbr.rel @p0 .LBB2_2-.Ltmp2, $2  }
0x31: {  	_ =	sdelay $0x2  }
0x32: {  	s3 =	sadd.s32 $0x200, s3;
	s16 =	sadd.s32 s16, s7  }
0x33: {  	[tilespmem:s15], [sflag:$0x1] =	stream.linear.gather [hbm4b:s16+s4], $0x80, $0x38;
	[tilespmem:$0x14000] =	vst v63  }
0x34: {  	s0 =	simm.s32 $0x4000  }
0x35: {  	s3 =	simm.s32 $0x10;
	s16 =	sadd.s32 $0x0, s8;
	s15 =	simm.s32 $0x4200  }
.LBB2_4:
0x36: {  	[tilespmem:s0], [sflag:$0x5] =	stream.linear.gather [hbm4b:s16+s4], $0x80, $0x38;
	[tilespmem:$0x14000] =	vst v63  }
0x37: {  	s16 =	smov.u32 s3;
	s0 =	smov.u32 s15;
	p0 =	sne.s32 s3, $0x1F0  }
.Ltmp3:
0x38: {  	s3 =	sadd.s32 $0x10, s3;
	(pc) =	sbr.rel @p0 .LBB2_4-.Ltmp3, $2  }
0x39: {  	_ =	sdelay $0x2  }
0x3a: {  	s15 =	sadd.s32 $0x200, s15;
	s16 =	sadd.s32 s16, s8  }
0x3b: {  	[tilespmem:s0], [sflag:$0x5] =	stream.linear.gather [hbm4b:s16+s4], $0x80, $0x38;
	[tilespmem:$0x14000] =	vst v63  }
0x3c: {  	s0 =	simm.s32 $0x80  }
0x3d: {  	s3 =	simm.s32 $0x10;
	s16 =	sadd.s32 $0x0, s9;
	s15 =	simm.s32 $0x280  }
.LBB2_6:
0x3e: {  	[tilespmem:s0], [sflag:$0x2] =	stream.linear.gather [hbm4b:s16+s4], $0x80, $0x38;
	[tilespmem:$0x14000] =	vst v63  }
0x3f: {  	s16 =	smov.u32 s3;
	s0 =	smov.u32 s15;
	p0 =	sne.s32 s3, $0x1F0  }
.Ltmp4:
0x40: {  	s3 =	sadd.s32 $0x10, s3;
	(pc) =	sbr.rel @p0 .LBB2_6-.Ltmp4, $2  }
0x41: {  	_ =	sdelay $0x2  }
0x42: {  	s15 =	sadd.s32 $0x200, s15;
	s16 =	sadd.s32 s16, s9  }
0x43: {  	[tilespmem:s0], [sflag:$0x2] =	stream.linear.gather [hbm4b:s16+s4], $0x80, $0x38;
	[tilespmem:$0x14000] =	vst v63  }
0x44: {  	s0 =	simm.s32 $0x4080  }
0x45: {  	s3 =	simm.s32 $0x10;
	s16 =	sadd.s32 $0x0, s10;
	s15 =	simm.s32 $0x4280  }
.LBB2_8:
0x46: {  	[tilespmem:s0], [sflag:$0x6] =	stream.linear.gather [hbm4b:s16+s4], $0x80, $0x38;
	[tilespmem:$0x14000] =	vst v63  }
0x47: {  	s16 =	smov.u32 s3;
	s0 =	smov.u32 s15;
	p0 =	sne.s32 s3, $0x1F0  }
.Ltmp5:
0x48: {  	s3 =	sadd.s32 $0x10, s3;
	(pc) =	sbr.rel @p0 .LBB2_8-.Ltmp5, $2  }
0x49: {  	_ =	sdelay $0x2  }
0x4a: {  	s15 =	sadd.s32 $0x200, s15;
	s16 =	sadd.s32 s16, s10  }
0x4b: {  	[tilespmem:s0], [sflag:$0x6] =	stream.linear.gather [hbm4b:s16+s4], $0x80, $0x38;
	[tilespmem:$0x14000] =	vst v63  }
0x4c: {  	s0 =	simm.s32 $0x100  }
0x4d: {  	s3 =	simm.s32 $0x10;
	s16 =	sadd.s32 $0x0, s11;
	s15 =	simm.s32 $0x300  }
.LBB2_10:
0x4e: {  	[tilespmem:s0], [sflag:$0x3] =	stream.linear.gather [hbm4b:s16+s4], $0x80, $0x38;
	[tilespmem:$0x14000] =	vst v63  }
0x4f: {  	s16 =	smov.u32 s3;
	s0 =	smov.u32 s15;
	p0 =	sne.s32 s3, $0x1F0  }
.Ltmp6:
0x50: {  	s3 =	sadd.s32 $0x10, s3;
	(pc) =	sbr.rel @p0 .LBB2_10-.Ltmp6, $2  }
0x51: {  	_ =	sdelay $0x2  }
0x52: {  	s15 =	sadd.s32 $0x200, s15;
	s16 =	sadd.s32 s16, s11  }
0x53: {  	[tilespmem:s0], [sflag:$0x3] =	stream.linear.gather [hbm4b:s16+s4], $0x80, $0x38;
	[tilespmem:$0x14000] =	vst v63  }
0x54: {  	s0 =	simm.s32 $0x4100  }
0x55: {  	s3 =	simm.s32 $0x10;
	s16 =	sadd.s32 $0x0, s12;
	s15 =	simm.s32 $0x4300  }
.LBB2_12:
0x56: {  	[tilespmem:s0], [sflag:$0x7] =	stream.linear.gather [hbm4b:s16+s4], $0x80, $0x38;
	[tilespmem:$0x14000] =	vst v63  }
0x57: {  	s16 =	smov.u32 s3;
	s0 =	smov.u32 s15;
	p0 =	sne.s32 s3, $0x1F0  }
.Ltmp7:
0x58: {  	s3 =	sadd.s32 $0x10, s3;
	(pc) =	sbr.rel @p0 .LBB2_12-.Ltmp7, $2  }
0x59: {  	_ =	sdelay $0x2  }
0x5a: {  	s15 =	sadd.s32 $0x200, s15;
	s16 =	sadd.s32 s16, s12  }
0x5b: {  	[tilespmem:s0], [sflag:$0x7] =	stream.linear.gather [hbm4b:s16+s4], $0x80, $0x38;
	[tilespmem:$0x14000] =	vst v63  }
0x5c: {  	s0 =	simm.s32 $0x180  }
0x5d: {  	s3 =	simm.s32 $0x10;
	s16 =	sadd.s32 $0x0, s13;
	s15 =	simm.s32 $0x380  }
.LBB2_14:
0x5e: {  	[tilespmem:s0], [sflag:$0x4] =	stream.linear.gather [hbm4b:s16+s4], $0x80, $0x38;
	[tilespmem:$0x14000] =	vst v63  }
0x5f: {  	s16 =	smov.u32 s3;
	s0 =	smov.u32 s15;
	p0 =	sne.s32 s3, $0x1F0  }
.Ltmp8:
0x60: {  	s3 =	sadd.s32 $0x10, s3;
	(pc) =	sbr.rel @p0 .LBB2_14-.Ltmp8, $2  }
0x61: {  	_ =	sdelay $0x2  }
0x62: {  	s15 =	sadd.s32 $0x200, s15;
	s16 =	sadd.s32 s16, s13  }
0x63: {  	[tilespmem:s0], [sflag:$0x4] =	stream.linear.gather [hbm4b:s16+s4], $0x80, $0x38;
	[tilespmem:$0x14000] =	vst v63  }
0x64: {  	s0 =	simm.s32 $0x0;
	s3 =	simm.s32 $0x4180  }
.LBB2_16:
0x65: {  	p0 =	sne.s32 s0, $0x1F0  }
.Ltmp9:
0x66: {  	_ = 	snop;
	(pc) =	sbr.rel @p0 .LBB2_16-.Ltmp9, $4  }
0x67: {  	_ = 	snop  }
0x68: {  	s15 =	sadd.s32 s0, s14  }
0x69: {  	[tilespmem:s3], [sflag:$0x8] =	stream.linear.gather [hbm4b:s15+s4], $0x80, $0x38;
	[tilespmem:$0x14000] =	vst v63  }
0x6a: {  	s0 =	sadd.s32 $0x10, s0;
	s3 =	sadd.s32 $0x200, s3  }
0x6b: {  	s0 =	simm.s32 $0xC040  }
0x6c: {  	[tilespmem:s0+$0xFFFFFFC0] =	vst v0  }
0x6d: {  	[tilespmem:s0+$0x30] =	vst v0  }
0x6e: {  	[tilespmem:s0+$0x20] =	vst v0  }
0x6f: {  	[tilespmem:s0+$0x10] =	vst v0  }
0x70: {  	[tilespmem:s0+$0x0] =	vst v0  }
0x71: {  	[tilespmem:s0+$0xFFFFFFF0] =	vst v0  }
0x72: {  	s3 =	simm.s32 $0x0;
	[tilespmem:s0+$0xFFFFFFE0] =	vst v0  }
.LBB2_18:
0x73: {  	s3 =	sadd.s32 $0x8, s3;
	[tilespmem:s0+$0xFFFFFFD0] =	vst v0;
	s0 =	sadd.s32 $0x80, s0  }
0x74: {  	[tilespmem:s0+$0xFFFFFFC0] =	vst v0;
	p0 =	slt.u32 s3, $0x7F8  }
0x75: {  	[tilespmem:s0+$0x30] =	vst v0  }
.Ltmp10:
0x76: {  	[tilespmem:s0+$0x20] =	vst v0;
	(pc) =	sbr.rel @p0 .LBB2_18-.Ltmp10, $4  }
0x77: {  	[tilespmem:s0+$0x10] =	vst v0  }
0x78: {  	[tilespmem:s0+$0x0] =	vst v0  }
0x79: {  	[tilespmem:s0+$0xFFFFFFF0] =	vst v0  }
0x7a: {  	[tilespmem:s0+$0xFFFFFFE0] =	vst v0  }
0x7b: {  	[tilespmem:s0+$0xFFFFFFD0] =	vst v0;
	s0 =	simm.s32 $0x0  }
.LBB2_20:
0x7c: {  	_ =	swait.ge [sflag:s21], $0x1000  }
0x7d: {  	[sflag:s21] =	ssyncset.done $0x0  }
0x7e: {  	[sflag:s21] =	ssyncadd.s32 $0xFFFFF000  }
0x7f: {  	_ =	swait.ge [sflag:s22], $0x1000  }
0x80: {  	p0 =	seq.s32 s0, $0x0;
	[sflag:s22] =	ssyncset.done $0x0  }
0x81: {  	s3 =	simm.s32 @!p0 $0x9;
	[sflag:s22] =	ssyncadd.s32 $0xFFFFF000  }
0x82: {  	_ =	swait.ge @!p0 [sflag:s3], $0x1000  }
0x83: {  	[sflag:s3] =	ssyncset.done @!p0 $0x0  }
0x84: {  	s19 =	simm.s32 $0x40;
	[sflag:s3] =	ssyncadd.s32 @!p0 $0xFFFFF000  }
0x85: {  	v4 =	vld [tilespmem:s19+$0x30]  }
0x86: {  	s18 =	simm.s32 $0x4040;
	v5 =	vld [tilespmem:s19+$0x20]  }
0x87: {  	v6 =	vld [tilespmem:s18+$0x20]  }
0x88: {  	v7 =	vld [tilespmem:s18+$0x30]  }
0x89: {  	v8 =	vld [tilespmem:s18+$0xFFFFFFC0]  }
0x8a: {  	v3 =	vld [tilespmem:s18+$0xFFFFFFE0]  }
0x8b: {  	v9 =	vld [tilespmem:s19+$0xFFFFFFC0]  }
0x8c: {  	v10 =	vld [tilespmem:s19+$0xFFFFFFF0];
	v11 =	vsub.f32 v6, v5  }
0x8d: {  	v12 =	vld [tilespmem:s18+$0xFFFFFFF0];
	v4 =	vsub.f32 v7, v4  }
0x8e: {  	v13 =	vld [tilespmem:s18+$0xFFFFFFD0];
	v6 =	vshrl.u32 v11, $0x10  }
0x8f: {  	v16 =	vld [tilespmem:s19+$0xFFFFFFD0];
	v7 =	vshrl.u32 v4, $0x10;
	v6 =	vand.u32 $0x7FF0, v6  }
0x90: {  	s20 =	simm.s32 $0x8040;
	v5 =	vld [tilespmem:s19+$0x10];
	v9 =	vsub.f32 v8, v9;
	v7 =	vand.u32 $0x7FF0, v7;
	v14 =	vor.u32 v1, v6  }
0x91: {  	v8 =	vld [tilespmem:s18+$0x10];
	[tilespmem:s20+$0x30] =	vst v4;
	v15 =	vor.u32 v1, v7  }
0x92: {  	[tilespmem:s20+$0xFFFFFFC0] =	vst v9;
	v4 =	vshrl.u32 v9, $0x10;
	v9 =	vld [tilespmem:s19+$0xFFFFFFE0]  }
0x93: {  	v6 =	vld [tilespmem:s18+$0x0]  }
0x94: {  	v12 =	vsub.f32 v12, v10;
	[tilespmem:s20+$0x20] =	vst v11;
	v7 =	vld [tilespmem:s19+$0x0]  }
0x95: {  	s15 =	simm.s32 $0x0;
	s3 =	sshll.u32 s0, $0xE;
	v4 =	vand.u32 $0x7FF0, v4;
	[tilespmem:v14+s23+$0x0] =	vst.idx.add.s32.msk $0xffff, v2  }
0x96: {  	s16 =	simm.s32 $0x4240;
	s17 =	simm.s32 $0x8040;
	s31 =	sor.u32 s6, s3;
	v11 =	vsub.f32 v13, v16;
	v10 =	vshrl.u32 v12, $0x10;
	v4 =	vor.u32 v1, v4;
	[tilespmem:v15+s23+$0x0] =	vst.idx.add.s32.msk $0xffff, v2  }
.LBB2_21:
0x97: {  	v13 =	vld [tilespmem:s16+$0xFFFFFFC0];
	s15 =	sadd.s32 $0x8, s15;
	[tilespmem:s20+$0xFFFFFFF0] =	vst v12;
	v10 =	vand.u32 $0x7FF0, v10;
	s19 =	sadd.s32 $0x200, s19;
	s17 =	sadd.s32 $0x200, s17  }
0x98: {  	v5 =	vsub.f32 v8, v5;
	v12 =	vld [tilespmem:s19+$0x30];
	p1 =	slt.u32 s15, $0xF8;
	[tilespmem:s20+$0xFFFFFFD0] =	vst v11;
	v11 =	vshrl.u32 v11, $0x10;
	v10 =	vor.u32 v1, v10  }
0x99: {  	v6 =	vsub.f32 v6, v7;
	v8 =	vld [tilespmem:s16+$0x30];
	v11 =	vand.u32 $0x7FF0, v11;
	v9 =	vsub.f32 v3, v9  }
0x9a: {  	v7 =	vld [tilespmem:s19+$0x20];
	v11 =	vor.u32 v1, v11;
	[tilespmem:s20+$0x10] =	vst v5;
	v5 =	vshrl.u32 v5, $0x10  }
0x9b: {  	v3 =	vld [tilespmem:s16+$0xFFFFFFE0];
	v14 =	vshrl.u32 v9, $0x10;
	[tilespmem:s20+$0x0] =	vst v6;
	v6 =	vshrl.u32 v6, $0x10;
	v5 =	vand.u32 $0x7FF0, v5  }
0x9c: {  	v15 =	vld [tilespmem:s16+$0x20];
	[tilespmem:s20+$0xFFFFFFE0] =	vst v9;
	v9 =	vand.u32 $0x7FF0, v14;
	v6 =	vand.u32 $0x7FF0, v6;
	v5 =	vor.u32 v1, v5;
	s20 =	smov.u32 s17  }
0x9d: {  	v14 =	vld [tilespmem:s19+$0xFFFFFFF0];
	v9 =	vor.u32 v1, v9;
	v6 =	vor.u32 v1, v6  }
0x9e: {  	v16 =	vld [tilespmem:s19+$0xFFFFFFC0]  }
0x9f: {  	v8 =	vsub.f32 v8, v12;
	[tilespmem:v11+s23+$0x0] =	vst.idx.add.s32.msk $0xffff, v2  }
0xa0: {  	[tilespmem:v4+s23+$0x0] =	vst.idx.add.s32.msk $0xffff, v2  }
0xa1: {  	v4 =	vsub.f32 v15, v7;
	v7 =	vshrl.u32 v8, $0x10;
	[tilespmem:v5+s23+$0x0] =	vst.idx.add.s32.msk $0xffff, v2  }
0xa2: {  	v5 =	vand.u32 $0x7FF0, v7;
	[tilespmem:v9+s23+$0x0] =	vst.idx.add.s32.msk $0xffff, v2  }
0xa3: {  	v7 =	vshrl.u32 v4, $0x10;
	[tilespmem:v6+s23+$0x0] =	vst.idx.add.s32.msk $0xffff, v2  }
0xa4: {  	v11 =	vld [tilespmem:s16+$0xFFFFFFF0];
	[tilespmem:s17+$0x20] =	vst v4;
	v4 =	vand.u32 $0x7FF0, v7  }
0xa5: {  	v15 =	vor.u32 v1, v5;
	[tilespmem:v10+s23+$0x0] =	vst.idx.add.s32.msk $0xffff, v2  }
0xa6: {  	v6 =	vsub.f32 v13, v16;
	v10 =	vor.u32 v1, v4;
	v5 =	vld [tilespmem:s19+$0x10];
	[tilespmem:s17+$0x30] =	vst v8  }
0xa7: {  	v13 =	vld [tilespmem:s16+$0xFFFFFFD0]  }
0xa8: {  	v4 =	vshrl.u32 v6, $0x10;
	[tilespmem:s17+$0xFFFFFFC0] =	vst v6;
	v6 =	vld [tilespmem:s16+$0x0]  }
0xa9: {  	v4 =	vand.u32 $0x7FF0, v4;
	v16 =	vld [tilespmem:s19+$0xFFFFFFD0]  }
.Ltmp11:
0xaa: {  	v4 =	vor.u32 v1, v4;
	v8 =	vld [tilespmem:s16+$0x10];
	(pc) =	sbr.rel @p1 .LBB2_21-.Ltmp11, $4  }
0xab: {  	v7 =	vld [tilespmem:s19+$0x0]  }
0xac: {  	v12 =	vsub.f32 v11, v14;
	v9 =	vld [tilespmem:s19+$0xFFFFFFE0]  }
0xad: {  	[tilespmem:v10+s23+$0x0] =	vst.idx.add.s32.msk $0xffff, v2  }
0xae: {  	s16 =	sadd.s32 $0x200, s16;
	v10 =	vshrl.u32 v12, $0x10;
	v11 =	vsub.f32 v13, v16;
	[tilespmem:v15+s23+$0x0] =	vst.idx.add.s32.msk $0xffff, v2  }
0xaf: {  	_ =	sdelay $0x1  }
0xb0: {  	v5 =	vsub.f32 v8, v5;
	v62 =	vand.u32 $0x7FF0, v10  }
0xb1: {  	[tilespmem:s20+$0xFFFFFFF0] =	vst v12;
	v57 =	vshrl.u32 v11, $0x10;
	v6 =	vsub.f32 v6, v7;
	v63 =	vor.u32 v1, v62  }
0xb2: {  	[tilespmem:v4+s23+$0x0] =	vst.idx.add.s32.msk $0xffff, v2;
	v8 =	vand.u32 $0x7FF0, v57;
	v3 =	vsub.f32 v3, v9;
	v59 =	vshrl.u32 v5, $0x10  }
0xb3: {  	[tilespmem:s20+$0xFFFFFFD0] =	vst v11;
	v58 =	vor.u32 v1, v8;
	v8 =	vand.u32 $0x7FF0, v59;
	v60 =	vshrl.u32 v6, $0x10  }
0xb4: {  	[tilespmem:s20+$0x10] =	vst v5;
	v9 =	vshrl.u32 v3, $0x10;
	v8 =	vor.u32 v1, v8;
	v5 =	vand.u32 $0x7FF0, v60  }
0xb5: {  	[tilespmem:s20+$0xFFFFFFE0] =	vst v3;
	v9 =	vand.u32 $0x7FF0, v9;
	v3 =	vor.u32 v1, v5  }
0xb6: {  	[tilespmem:s20+$0x0] =	vst v6;
	v61 =	vor.u32 v1, v9  }
0xb7: {  	[tilespmem:v63+s23+$0x0] =	vst.idx.add.s32.msk $0xffff, v2  }
0xb8: {  	[tilespmem:v58+s23+$0x0] =	vst.idx.add.s32.msk $0xffff, v2  }
0xb9: {  	s19 =	sshrl.u32 s31, $0x3;
	[tilespmem:v8+s23+$0x0] =	vst.idx.add.s32.msk $0xffff, v2  }
0xba: {  	s16 =	simm.s32 $0x8000;
	s15 =	sadd.s32 s5, s19;
	[tilespmem:v3+s23+$0x0] =	vst.idx.add.s32.msk $0xffff, v2  }
0xbb: {  	s17 =	simm.s32 $0x10;
	s31 =	sadd.s32 $0x0, s15;
	s20 =	simm.s32 $0x8200;
	[tilespmem:v61+s23+$0x0] =	vst.idx.add.s32.msk $0xffff, v2  }
.LBB2_23:
0xbc: {  	[hbm4b:s31+s4] =	stream.linear.scatter [tilespmem:s16], [sflag:$0x9], $0x80, $0x38;
	[tilespmem:$0x14000] =	vst v63  }
0xbd: {  	s18 =	smov.u32 s17;
	s16 =	smov.u32 s20;
	p1 =	sne.s32 s17, $0x1F0  }
.Ltmp12:
0xbe: {  	s17 =	sadd.s32 $0x10, s17;
	(pc) =	sbr.rel @p1 .LBB2_23-.Ltmp12, $2  }
0xbf: {  	_ =	sdelay $0x2  }
0xc0: {  	s20 =	sadd.s32 $0x200, s20;
	s31 =	sadd.s32 s18, s15  }
0xc1: {  	p1 =	seq.s32 s0, $0x1F  }
.Ltmp13:
0xc2: {  	_ = 	snop;
	(pc) =	sbr.rel @p1 .LBB2_30-.Ltmp13, $2  }
0xc3: {  	_ =	sdelay $0x2  }
0xc4: {  	[hbm4b:s31+s4] =	stream.linear.scatter [tilespmem:s16], [sflag:$0x9], $0x80, $0x38;
	[tilespmem:$0x14000] =	vst v63  }
0xc5: {  	s15 =	rddreg [dreg:$0x5]  }
0xc6: {  	s15 =	sadd.s32 s3, s15  }
0xc7: {  	s15 =	sshrl.u32 s15, $0x3  }
0xc8: {  	s17 =	simm.s32 $0x0;
	s16 =	sadd.s32 s1, s15  }
0xc9: {  	s20 =	simm.s32 $0x10;
	s31 =	simm.s32 $0x200;
	s18 =	sadd.s32 $0x0, s16  }
.LBB2_26:
0xca: {  	[tilespmem:s17], [sflag:$0x1] =	stream.linear.gather [hbm4b:s18+s4], $0x80, $0x38;
	[tilespmem:$0x14000] =	vst v63  }
0xcb: {  	s18 =	smov.u32 s20;
	s17 =	smov.u32 s31;
	p2 =	sne.s32 s20, $0x1F0  }
.Ltmp14:
0xcc: {  	s20 =	sadd.s32 $0x10, s20;
	(pc) =	sbr.rel @p2 .LBB2_26-.Ltmp14, $2  }
0xcd: {  	_ =	sdelay $0x2  }
0xce: {  	s31 =	sadd.s32 $0x200, s31;
	s18 =	sadd.s32 s18, s16  }
0xcf: {  	[tilespmem:s17], [sflag:$0x1] =	stream.linear.gather [hbm4b:s18+s4], $0x80, $0x38;
	[tilespmem:$0x14000] =	vst v63  }
0xd0: {  	s15 =	sadd.s32 s2, s15;
	s16 =	simm.s32 $0x4000  }
0xd1: {  	s17 =	simm.s32 $0x10;
	s20 =	simm.s32 $0x4200;
	s18 =	sadd.s32 $0x0, s15  }
.LBB2_28:
0xd2: {  	[tilespmem:s16], [sflag:$0x5] =	stream.linear.gather [hbm4b:s18+s4], $0x80, $0x38;
	[tilespmem:$0x14000] =	vst v63  }
0xd3: {  	s18 =	smov.u32 s17;
	s16 =	smov.u32 s20;
	p2 =	sne.s32 s17, $0x1F0  }
.Ltmp15:
0xd4: {  	s17 =	sadd.s32 $0x10, s17;
	(pc) =	sbr.rel @p2 .LBB2_28-.Ltmp15, $2  }
0xd5: {  	_ =	sdelay $0x2  }
0xd6: {  	s20 =	sadd.s32 $0x200, s20;
	s18 =	sadd.s32 s18, s15  }
0xd7: {  	[tilespmem:s16], [sflag:$0x5] =	stream.linear.gather [hbm4b:s18+s4], $0x80, $0x38;
	[tilespmem:$0x14000] =	vst v63  }
.LBB2_30:
0xd8: {  	_ =	swait.ge [sflag:s24], $0x1000  }
0xd9: {  	[sflag:s24] =	ssyncset.done $0x0  }
0xda: {  	[sflag:s24] =	ssyncadd.s32 $0xFFFFF000  }
0xdb: {  	_ =	swait.ge [sflag:s25], $0x1000  }
0xdc: {  	[sflag:s25] =	ssyncset.done $0x0  }
0xdd: {  	s15 =	simm.s32 @!p0 $0xA;
	[sflag:s25] =	ssyncadd.s32 $0xFFFFF000  }
0xde: {  	_ =	swait.ge @!p0 [sflag:s15], $0x1000  }
0xdf: {  	[sflag:s15] =	ssyncset.done @!p0 $0x0  }
0xe0: {  	s20 =	simm.s32 $0xF0;
	[sflag:s15] =	ssyncadd.s32 @!p0 $0xFFFFF000  }
0xe1: {  	v4 =	vld [tilespmem:s20+$0x0]  }
0xe2: {  	s18 =	simm.s32 $0x40F0;
	v5 =	vld [tilespmem:s20+$0xFFFFFFF0]  }
0xe3: {  	v6 =	vld [tilespmem:s18+$0xFFFFFFF0]  }
0xe4: {  	v7 =	vld [tilespmem:s18+$0x0]  }
0xe5: {  	v8 =	vld [tilespmem:s18+$0xFFFFFF90]  }
0xe6: {  	v3 =	vld [tilespmem:s18+$0xFFFFFFB0]  }
0xe7: {  	v9 =	vld [tilespmem:s20+$0xFFFFFF90]  }
0xe8: {  	v10 =	vld [tilespmem:s20+$0xFFFFFFC0];
	v11 =	vsub.f32 v6, v5  }
0xe9: {  	v12 =	vld [tilespmem:s18+$0xFFFFFFC0];
	v4 =	vsub.f32 v7, v4  }
0xea: {  	v13 =	vld [tilespmem:s18+$0xFFFFFFA0];
	v6 =	vshrl.u32 v11, $0x10  }
0xeb: {  	v16 =	vld [tilespmem:s20+$0xFFFFFFA0];
	v7 =	vshrl.u32 v4, $0x10;
	v6 =	vand.u32 $0x7FF0, v6  }
0xec: {  	s31 =	simm.s32 $0x80F0;
	v5 =	vld [tilespmem:s20+$0xFFFFFFE0];
	v9 =	vsub.f32 v8, v9;
	v7 =	vand.u32 $0x7FF0, v7;
	v14 =	vor.u32 v1, v6  }
0xed: {  	v8 =	vld [tilespmem:s18+$0xFFFFFFE0];
	[tilespmem:s31+$0x0] =	vst v4;
	v15 =	vor.u32 v1, v7  }
0xee: {  	[tilespmem:s31+$0xFFFFFF90] =	vst v9;
	v4 =	vshrl.u32 v9, $0x10;
	v9 =	vld [tilespmem:s20+$0xFFFFFFB0]  }
0xef: {  	v6 =	vld [tilespmem:s18+$0xFFFFFFD0]  }
0xf0: {  	v12 =	vsub.f32 v12, v10;
	[tilespmem:s31+$0xFFFFFFF0] =	vst v11;
	v7 =	vld [tilespmem:s20+$0xFFFFFFD0]  }
0xf1: {  	v4 =	vand.u32 $0x7FF0, v4;
	[tilespmem:v14+s23+$0x0] =	vst.idx.add.s32.msk $0xffff, v2  }
0xf2: {  	s16 =	simm.s32 $0x42F0;
	s17 =	simm.s32 $0x80F0;
	s15 =	simm.s32 $0x0;
	v11 =	vsub.f32 v13, v16;
	v10 =	vshrl.u32 v12, $0x10;
	v4 =	vor.u32 v1, v4;
	[tilespmem:v15+s23+$0x0] =	vst.idx.add.s32.msk $0xffff, v2  }
.LBB2_31:
0xf3: {  	v13 =	vld [tilespmem:s16+$0xFFFFFF90];
	s15 =	sadd.s32 $0x8, s15;
	[tilespmem:s31+$0xFFFFFFC0] =	vst v12;
	v10 =	vand.u32 $0x7FF0, v10;
	s17 =	sadd.s32 $0x200, s17;
	s20 =	sadd.s32 $0x200, s20  }
0xf4: {  	v5 =	vsub.f32 v8, v5;
	v12 =	vld [tilespmem:s20+$0x0];
	p2 =	slt.u32 s15, $0xF8;
	[tilespmem:s31+$0xFFFFFFA0] =	vst v11;
	v11 =	vshrl.u32 v11, $0x10;
	v10 =	vor.u32 v1, v10  }
0xf5: {  	v6 =	vsub.f32 v6, v7;
	v8 =	vld [tilespmem:s16+$0x0];
	v11 =	vand.u32 $0x7FF0, v11;
	v9 =	vsub.f32 v3, v9  }
0xf6: {  	v7 =	vld [tilespmem:s20+$0xFFFFFFF0];
	v11 =	vor.u32 v1, v11;
	[tilespmem:s31+$0xFFFFFFE0] =	vst v5;
	v5 =	vshrl.u32 v5, $0x10  }
0xf7: {  	v3 =	vld [tilespmem:s16+$0xFFFFFFB0];
	v14 =	vshrl.u32 v9, $0x10;
	[tilespmem:s31+$0xFFFFFFD0] =	vst v6;
	v6 =	vshrl.u32 v6, $0x10;
	v5 =	vand.u32 $0x7FF0, v5  }
0xf8: {  	v15 =	vld [tilespmem:s16+$0xFFFFFFF0];
	[tilespmem:s31+$0xFFFFFFB0] =	vst v9;
	v9 =	vand.u32 $0x7FF0, v14;
	v6 =	vand.u32 $0x7FF0, v6;
	v5 =	vor.u32 v1, v5;
	s31 =	smov.u32 s17  }
0xf9: {  	v14 =	vld [tilespmem:s20+$0xFFFFFFC0];
	v9 =	vor.u32 v1, v9;
	v6 =	vor.u32 v1, v6  }
0xfa: {  	v16 =	vld [tilespmem:s20+$0xFFFFFF90]  }
0xfb: {  	v8 =	vsub.f32 v8, v12;
	[tilespmem:v11+s23+$0x0] =	vst.idx.add.s32.msk $0xffff, v2  }
0xfc: {  	[tilespmem:v4+s23+$0x0] =	vst.idx.add.s32.msk $0xffff, v2  }
0xfd: {  	v4 =	vsub.f32 v15, v7;
	v7 =	vshrl.u32 v8, $0x10;
	[tilespmem:v5+s23+$0x0] =	vst.idx.add.s32.msk $0xffff, v2  }
0xfe: {  	v5 =	vand.u32 $0x7FF0, v7;
	[tilespmem:v9+s23+$0x0] =	vst.idx.add.s32.msk $0xffff, v2  }
0xff: {  	v7 =	vshrl.u32 v4, $0x10;
	[tilespmem:v6+s23+$0x0] =	vst.idx.add.s32.msk $0xffff, v2  }
0x100: {  	v11 =	vld [tilespmem:s16+$0xFFFFFFC0];
	[tilespmem:s17+$0xFFFFFFF0] =	vst v4;
	v4 =	vand.u32 $0x7FF0, v7  }
0x101: {  	v15 =	vor.u32 v1, v5;
	[tilespmem:v10+s23+$0x0] =	vst.idx.add.s32.msk $0xffff, v2  }
0x102: {  	v6 =	vsub.f32 v13, v16;
	v10 =	vor.u32 v1, v4;
	v5 =	vld [tilespmem:s20+$0xFFFFFFE0];
	[tilespmem:s17+$0x0] =	vst v8  }
0x103: {  	v13 =	vld [tilespmem:s16+$0xFFFFFFA0]  }
0x104: {  	v4 =	vshrl.u32 v6, $0x10;
	[tilespmem:s17+$0xFFFFFF90] =	vst v6;
	v6 =	vld [tilespmem:s16+$0xFFFFFFD0]  }
0x105: {  	v4 =	vand.u32 $0x7FF0, v4;
	v16 =	vld [tilespmem:s20+$0xFFFFFFA0]  }
.Ltmp16:
0x106: {  	v4 =	vor.u32 v1, v4;
	v8 =	vld [tilespmem:s16+$0xFFFFFFE0];
	(pc) =	sbr.rel @p2 .LBB2_31-.Ltmp16, $4  }
0x107: {  	v7 =	vld [tilespmem:s20+$0xFFFFFFD0]  }
0x108: {  	v12 =	vsub.f32 v11, v14;
	v9 =	vld [tilespmem:s20+$0xFFFFFFB0]  }
0x109: {  	[tilespmem:v10+s23+$0x0] =	vst.idx.add.s32.msk $0xffff, v2  }
0x10a: {  	s16 =	sadd.s32 $0x200, s16;
	v10 =	vshrl.u32 v12, $0x10;
	v11 =	vsub.f32 v13, v16;
	[tilespmem:v15+s23+$0x0] =	vst.idx.add.s32.msk $0xffff, v2  }
0x10b: {  	_ =	sdelay $0x1  }
0x10c: {  	v5 =	vsub.f32 v8, v5;
	v62 =	vand.u32 $0x7FF0, v10  }
0x10d: {  	[tilespmem:s31+$0xFFFFFFC0] =	vst v12;
	v57 =	vshrl.u32 v11, $0x10;
	v6 =	vsub.f32 v6, v7;
	v63 =	vor.u32 v1, v62  }
0x10e: {  	[tilespmem:v4+s23+$0x0] =	vst.idx.add.s32.msk $0xffff, v2;
	v8 =	vand.u32 $0x7FF0, v57;
	v3 =	vsub.f32 v3, v9;
	v59 =	vshrl.u32 v5, $0x10  }
0x10f: {  	[tilespmem:s31+$0xFFFFFFA0] =	vst v11;
	v58 =	vor.u32 v1, v8;
	v8 =	vand.u32 $0x7FF0, v59;
	v60 =	vshrl.u32 v6, $0x10  }
0x110: {  	[tilespmem:s31+$0xFFFFFFE0] =	vst v5;
	v9 =	vshrl.u32 v3, $0x10;
	v8 =	vor.u32 v1, v8;
	v5 =	vand.u32 $0x7FF0, v60  }
0x111: {  	[tilespmem:s31+$0xFFFFFFB0] =	vst v3;
	v9 =	vand.u32 $0x7FF0, v9;
	v3 =	vor.u32 v1, v5  }
0x112: {  	[tilespmem:s31+$0xFFFFFFD0] =	vst v6;
	v61 =	vor.u32 v1, v9  }
0x113: {  	[tilespmem:v63+s23+$0x0] =	vst.idx.add.s32.msk $0xffff, v2  }
0x114: {  	[tilespmem:v58+s23+$0x0] =	vst.idx.add.s32.msk $0xffff, v2  }
0x115: {  	s19 =	sadd.s32 s19, s5;
	[tilespmem:v8+s23+$0x0] =	vst.idx.add.s32.msk $0xffff, v2  }
0x116: {  	s16 =	simm.s32 $0x8080;
	s15 =	sadd.s32 $0x200, s19;
	[tilespmem:v3+s23+$0x0] =	vst.idx.add.s32.msk $0xffff, v2  }
0x117: {  	s17 =	simm.s32 $0x10;
	s20 =	simm.s32 $0x8280;
	s18 =	sadd.s32 $0x0, s15;
	[tilespmem:v61+s23+$0x0] =	vst.idx.add.s32.msk $0xffff, v2  }
.LBB2_33:
0x118: {  	[hbm4b:s18+s4] =	stream.linear.scatter [tilespmem:s16], [sflag:$0xA], $0x80, $0x38;
	[tilespmem:$0x14000] =	vst v63  }
0x119: {  	s18 =	smov.u32 s17;
	s16 =	smov.u32 s20;
	p2 =	sne.s32 s17, $0x1F0  }
.Ltmp17:
0x11a: {  	s17 =	sadd.s32 $0x10, s17;
	(pc) =	sbr.rel @p2 .LBB2_33-.Ltmp17, $2  }
0x11b: {  	_ =	sdelay $0x2  }
0x11c: {  	s20 =	sadd.s32 $0x200, s20;
	s18 =	sadd.s32 s18, s15  }
.Ltmp18:
0x11d: {  	(pc) =	sbr.rel @p1 .LBB2_40-.Ltmp18, $2  }
0x11e: {  	_ =	sdelay $0x2  }
0x11f: {  	[hbm4b:s18+s4] =	stream.linear.scatter [tilespmem:s16], [sflag:$0xA], $0x80, $0x38;
	[tilespmem:$0x14000] =	vst v63  }
0x120: {  	s15 =	rddreg [dreg:$0x6]  }
0x121: {  	s15 =	sadd.s32 s3, s15  }
0x122: {  	s15 =	sshrl.u32 s15, $0x3  }
0x123: {  	s17 =	simm.s32 $0x80;
	s16 =	sadd.s32 s1, s15  }
0x124: {  	s20 =	simm.s32 $0x10;
	s31 =	simm.s32 $0x280;
	s18 =	sadd.s32 $0x0, s16  }
.LBB2_36:
0x125: {  	[tilespmem:s17], [sflag:$0x2] =	stream.linear.gather [hbm4b:s18+s4], $0x80, $0x38;
	[tilespmem:$0x14000] =	vst v63  }
0x126: {  	s18 =	smov.u32 s20;
	s17 =	smov.u32 s31;
	p2 =	sne.s32 s20, $0x1F0  }
.Ltmp19:
0x127: {  	s20 =	sadd.s32 $0x10, s20;
	(pc) =	sbr.rel @p2 .LBB2_36-.Ltmp19, $2  }
0x128: {  	_ =	sdelay $0x2  }
0x129: {  	s31 =	sadd.s32 $0x200, s31;
	s18 =	sadd.s32 s18, s16  }
0x12a: {  	[tilespmem:s17], [sflag:$0x2] =	stream.linear.gather [hbm4b:s18+s4], $0x80, $0x38;
	[tilespmem:$0x14000] =	vst v63  }
0x12b: {  	s15 =	sadd.s32 s2, s15;
	s16 =	simm.s32 $0x4080  }
0x12c: {  	s17 =	simm.s32 $0x10;
	s20 =	simm.s32 $0x4280;
	s18 =	sadd.s32 $0x0, s15  }
.LBB2_38:
0x12d: {  	[tilespmem:s16], [sflag:$0x6] =	stream.linear.gather [hbm4b:s18+s4], $0x80, $0x38;
	[tilespmem:$0x14000] =	vst v63  }
0x12e: {  	s18 =	smov.u32 s17;
	s16 =	smov.u32 s20;
	p2 =	sne.s32 s17, $0x1F0  }
.Ltmp20:
0x12f: {  	s17 =	sadd.s32 $0x10, s17;
	(pc) =	sbr.rel @p2 .LBB2_38-.Ltmp20, $2  }
0x130: {  	_ =	sdelay $0x2  }
0x131: {  	s20 =	sadd.s32 $0x200, s20;
	s18 =	sadd.s32 s18, s15  }
0x132: {  	[tilespmem:s16], [sflag:$0x6] =	stream.linear.gather [hbm4b:s18+s4], $0x80, $0x38;
	[tilespmem:$0x14000] =	vst v63  }
.LBB2_40:
0x133: {  	_ =	swait.ge [sflag:s26], $0x1000  }
0x134: {  	[sflag:s26] =	ssyncset.done $0x0  }
0x135: {  	[sflag:s26] =	ssyncadd.s32 $0xFFFFF000  }
0x136: {  	_ =	swait.ge [sflag:s28], $0x1000  }
0x137: {  	[sflag:s28] =	ssyncset.done $0x0  }
0x138: {  	s15 =	simm.s32 @!p0 $0xB;
	[sflag:s28] =	ssyncadd.s32 $0xFFFFF000  }
0x139: {  	_ =	swait.ge @!p0 [sflag:s15], $0x1000  }
0x13a: {  	[sflag:s15] =	ssyncset.done @!p0 $0x0  }
0x13b: {  	s20 =	simm.s32 $0x170;
	[sflag:s15] =	ssyncadd.s32 @!p0 $0xFFFFF000  }
0x13c: {  	v4 =	vld [tilespmem:s20+$0x0]  }
0x13d: {  	s18 =	simm.s32 $0x4170;
	v5 =	vld [tilespmem:s20+$0xFFFFFFF0]  }
0x13e: {  	v6 =	vld [tilespmem:s18+$0xFFFFFFF0]  }
0x13f: {  	v7 =	vld [tilespmem:s18+$0x0]  }
0x140: {  	v8 =	vld [tilespmem:s18+$0xFFFFFF90]  }
0x141: {  	v3 =	vld [tilespmem:s18+$0xFFFFFFB0]  }
0x142: {  	v9 =	vld [tilespmem:s20+$0xFFFFFF90]  }
0x143: {  	v10 =	vld [tilespmem:s20+$0xFFFFFFC0];
	v11 =	vsub.f32 v6, v5  }
0x144: {  	v12 =	vld [tilespmem:s18+$0xFFFFFFC0];
	v4 =	vsub.f32 v7, v4  }
0x145: {  	v13 =	vld [tilespmem:s18+$0xFFFFFFA0];
	v6 =	vshrl.u32 v11, $0x10  }
0x146: {  	v16 =	vld [tilespmem:s20+$0xFFFFFFA0];
	v7 =	vshrl.u32 v4, $0x10;
	v6 =	vand.u32 $0x7FF0, v6  }
0x147: {  	s31 =	simm.s32 $0x8170;
	v5 =	vld [tilespmem:s20+$0xFFFFFFE0];
	v9 =	vsub.f32 v8, v9;
	v7 =	vand.u32 $0x7FF0, v7;
	v14 =	vor.u32 v1, v6  }
0x148: {  	v8 =	vld [tilespmem:s18+$0xFFFFFFE0];
	[tilespmem:s31+$0x0] =	vst v4;
	v15 =	vor.u32 v1, v7  }
0x149: {  	[tilespmem:s31+$0xFFFFFF90] =	vst v9;
	v4 =	vshrl.u32 v9, $0x10;
	v9 =	vld [tilespmem:s20+$0xFFFFFFB0]  }
0x14a: {  	v6 =	vld [tilespmem:s18+$0xFFFFFFD0]  }
0x14b: {  	v12 =	vsub.f32 v12, v10;
	[tilespmem:s31+$0xFFFFFFF0] =	vst v11;
	v7 =	vld [tilespmem:s20+$0xFFFFFFD0]  }
0x14c: {  	v4 =	vand.u32 $0x7FF0, v4;
	[tilespmem:v14+s23+$0x0] =	vst.idx.add.s32.msk $0xffff, v2  }
0x14d: {  	s16 =	simm.s32 $0x4370;
	s17 =	simm.s32 $0x8170;
	s15 =	simm.s32 $0x0;
	v11 =	vsub.f32 v13, v16;
	v10 =	vshrl.u32 v12, $0x10;
	v4 =	vor.u32 v1, v4;
	[tilespmem:v15+s23+$0x0] =	vst.idx.add.s32.msk $0xffff, v2  }
.LBB2_41:
0x14e: {  	v13 =	vld [tilespmem:s16+$0xFFFFFF90];
	s15 =	sadd.s32 $0x8, s15;
	[tilespmem:s31+$0xFFFFFFC0] =	vst v12;
	v10 =	vand.u32 $0x7FF0, v10;
	s17 =	sadd.s32 $0x200, s17;
	s20 =	sadd.s32 $0x200, s20  }
0x14f: {  	v5 =	vsub.f32 v8, v5;
	v12 =	vld [tilespmem:s20+$0x0];
	p2 =	slt.u32 s15, $0xF8;
	[tilespmem:s31+$0xFFFFFFA0] =	vst v11;
	v11 =	vshrl.u32 v11, $0x10;
	v10 =	vor.u32 v1, v10  }
0x150: {  	v6 =	vsub.f32 v6, v7;
	v8 =	vld [tilespmem:s16+$0x0];
	v11 =	vand.u32 $0x7FF0, v11;
	v9 =	vsub.f32 v3, v9  }
0x151: {  	v7 =	vld [tilespmem:s20+$0xFFFFFFF0];
	v11 =	vor.u32 v1, v11;
	[tilespmem:s31+$0xFFFFFFE0] =	vst v5;
	v5 =	vshrl.u32 v5, $0x10  }
0x152: {  	v3 =	vld [tilespmem:s16+$0xFFFFFFB0];
	v14 =	vshrl.u32 v9, $0x10;
	[tilespmem:s31+$0xFFFFFFD0] =	vst v6;
	v6 =	vshrl.u32 v6, $0x10;
	v5 =	vand.u32 $0x7FF0, v5  }
0x153: {  	v15 =	vld [tilespmem:s16+$0xFFFFFFF0];
	[tilespmem:s31+$0xFFFFFFB0] =	vst v9;
	v9 =	vand.u32 $0x7FF0, v14;
	v6 =	vand.u32 $0x7FF0, v6;
	v5 =	vor.u32 v1, v5;
	s31 =	smov.u32 s17  }
0x154: {  	v14 =	vld [tilespmem:s20+$0xFFFFFFC0];
	v9 =	vor.u32 v1, v9;
	v6 =	vor.u32 v1, v6  }
0x155: {  	v16 =	vld [tilespmem:s20+$0xFFFFFF90]  }
0x156: {  	v8 =	vsub.f32 v8, v12;
	[tilespmem:v11+s23+$0x0] =	vst.idx.add.s32.msk $0xffff, v2  }
0x157: {  	[tilespmem:v4+s23+$0x0] =	vst.idx.add.s32.msk $0xffff, v2  }
0x158: {  	v4 =	vsub.f32 v15, v7;
	v7 =	vshrl.u32 v8, $0x10;
	[tilespmem:v5+s23+$0x0] =	vst.idx.add.s32.msk $0xffff, v2  }
0x159: {  	v5 =	vand.u32 $0x7FF0, v7;
	[tilespmem:v9+s23+$0x0] =	vst.idx.add.s32.msk $0xffff, v2  }
0x15a: {  	v7 =	vshrl.u32 v4, $0x10;
	[tilespmem:v6+s23+$0x0] =	vst.idx.add.s32.msk $0xffff, v2  }
0x15b: {  	v11 =	vld [tilespmem:s16+$0xFFFFFFC0];
	[tilespmem:s17+$0xFFFFFFF0] =	vst v4;
	v4 =	vand.u32 $0x7FF0, v7  }
0x15c: {  	v15 =	vor.u32 v1, v5;
	[tilespmem:v10+s23+$0x0] =	vst.idx.add.s32.msk $0xffff, v2  }
0x15d: {  	v6 =	vsub.f32 v13, v16;
	v10 =	vor.u32 v1, v4;
	v5 =	vld [tilespmem:s20+$0xFFFFFFE0];
	[tilespmem:s17+$0x0] =	vst v8  }
0x15e: {  	v13 =	vld [tilespmem:s16+$0xFFFFFFA0]  }
0x15f: {  	v4 =	vshrl.u32 v6, $0x10;
	[tilespmem:s17+$0xFFFFFF90] =	vst v6;
	v6 =	vld [tilespmem:s16+$0xFFFFFFD0]  }
0x160: {  	v4 =	vand.u32 $0x7FF0, v4;
	v16 =	vld [tilespmem:s20+$0xFFFFFFA0]  }
.Ltmp21:
0x161: {  	v4 =	vor.u32 v1, v4;
	v8 =	vld [tilespmem:s16+$0xFFFFFFE0];
	(pc) =	sbr.rel @p2 .LBB2_41-.Ltmp21, $4  }
0x162: {  	v7 =	vld [tilespmem:s20+$0xFFFFFFD0]  }
0x163: {  	v12 =	vsub.f32 v11, v14;
	v9 =	vld [tilespmem:s20+$0xFFFFFFB0]  }
0x164: {  	[tilespmem:v10+s23+$0x0] =	vst.idx.add.s32.msk $0xffff, v2  }
0x165: {  	s16 =	sadd.s32 $0x200, s16;
	v10 =	vshrl.u32 v12, $0x10;
	v11 =	vsub.f32 v13, v16;
	[tilespmem:v15+s23+$0x0] =	vst.idx.add.s32.msk $0xffff, v2  }
0x166: {  	_ =	sdelay $0x1  }
0x167: {  	v5 =	vsub.f32 v8, v5;
	v62 =	vand.u32 $0x7FF0, v10  }
0x168: {  	[tilespmem:s31+$0xFFFFFFC0] =	vst v12;
	v57 =	vshrl.u32 v11, $0x10;
	v6 =	vsub.f32 v6, v7;
	v63 =	vor.u32 v1, v62  }
0x169: {  	[tilespmem:v4+s23+$0x0] =	vst.idx.add.s32.msk $0xffff, v2;
	v8 =	vand.u32 $0x7FF0, v57;
	v3 =	vsub.f32 v3, v9;
	v59 =	vshrl.u32 v5, $0x10  }
0x16a: {  	[tilespmem:s31+$0xFFFFFFA0] =	vst v11;
	v58 =	vor.u32 v1, v8;
	v8 =	vand.u32 $0x7FF0, v59;
	v60 =	vshrl.u32 v6, $0x10  }
0x16b: {  	[tilespmem:s31+$0xFFFFFFE0] =	vst v5;
	v9 =	vshrl.u32 v3, $0x10;
	v8 =	vor.u32 v1, v8;
	v5 =	vand.u32 $0x7FF0, v60  }
0x16c: {  	[tilespmem:s31+$0xFFFFFFB0] =	vst v3;
	v9 =	vand.u32 $0x7FF0, v9;
	v3 =	vor.u32 v1, v5  }
0x16d: {  	[tilespmem:s31+$0xFFFFFFD0] =	vst v6;
	v61 =	vor.u32 v1, v9  }
0x16e: {  	[tilespmem:v63+s23+$0x0] =	vst.idx.add.s32.msk $0xffff, v2  }
0x16f: {  	[tilespmem:v58+s23+$0x0] =	vst.idx.add.s32.msk $0xffff, v2  }
0x170: {  	[tilespmem:v8+s23+$0x0] =	vst.idx.add.s32.msk $0xffff, v2  }
0x171: {  	s15 =	sadd.s32 $0x400, s19;
	s16 =	simm.s32 $0x8100;
	[tilespmem:v3+s23+$0x0] =	vst.idx.add.s32.msk $0xffff, v2  }
0x172: {  	s17 =	simm.s32 $0x10;
	s20 =	simm.s32 $0x8300;
	s18 =	sadd.s32 $0x0, s15;
	[tilespmem:v61+s23+$0x0] =	vst.idx.add.s32.msk $0xffff, v2  }
.LBB2_43:
0x173: {  	[hbm4b:s18+s4] =	stream.linear.scatter [tilespmem:s16], [sflag:$0xB], $0x80, $0x38;
	[tilespmem:$0x14000] =	vst v63  }
0x174: {  	s18 =	smov.u32 s17;
	s16 =	smov.u32 s20;
	p2 =	sne.s32 s17, $0x1F0  }
.Ltmp22:
0x175: {  	s17 =	sadd.s32 $0x10, s17;
	(pc) =	sbr.rel @p2 .LBB2_43-.Ltmp22, $2  }
0x176: {  	_ =	sdelay $0x2  }
0x177: {  	s20 =	sadd.s32 $0x200, s20;
	s18 =	sadd.s32 s18, s15  }
.Ltmp23:
0x178: {  	(pc) =	sbr.rel @p1 .LBB2_50-.Ltmp23, $2  }
0x179: {  	_ =	sdelay $0x2  }
0x17a: {  	[hbm4b:s18+s4] =	stream.linear.scatter [tilespmem:s16], [sflag:$0xB], $0x80, $0x38;
	[tilespmem:$0x14000] =	vst v63  }
0x17b: {  	s15 =	rddreg [dreg:$0x7]  }
0x17c: {  	s15 =	sadd.s32 s3, s15  }
0x17d: {  	s15 =	sshrl.u32 s15, $0x3  }
0x17e: {  	s17 =	simm.s32 $0x100;
	s16 =	sadd.s32 s1, s15  }
0x17f: {  	s20 =	simm.s32 $0x10;
	s31 =	simm.s32 $0x300;
	s18 =	sadd.s32 $0x0, s16  }
.LBB2_46:
0x180: {  	[tilespmem:s17], [sflag:$0x3] =	stream.linear.gather [hbm4b:s18+s4], $0x80, $0x38;
	[tilespmem:$0x14000] =	vst v63  }
0x181: {  	s18 =	smov.u32 s20;
	s17 =	smov.u32 s31;
	p2 =	sne.s32 s20, $0x1F0  }
.Ltmp24:
0x182: {  	s20 =	sadd.s32 $0x10, s20;
	(pc) =	sbr.rel @p2 .LBB2_46-.Ltmp24, $2  }
0x183: {  	_ =	sdelay $0x2  }
0x184: {  	s31 =	sadd.s32 $0x200, s31;
	s18 =	sadd.s32 s18, s16  }
0x185: {  	[tilespmem:s17], [sflag:$0x3] =	stream.linear.gather [hbm4b:s18+s4], $0x80, $0x38;
	[tilespmem:$0x14000] =	vst v63  }
0x186: {  	s15 =	sadd.s32 s2, s15;
	s16 =	simm.s32 $0x4100  }
0x187: {  	s17 =	simm.s32 $0x10;
	s20 =	simm.s32 $0x4300;
	s18 =	sadd.s32 $0x0, s15  }
.LBB2_48:
0x188: {  	[tilespmem:s16], [sflag:$0x7] =	stream.linear.gather [hbm4b:s18+s4], $0x80, $0x38;
	[tilespmem:$0x14000] =	vst v63  }
0x189: {  	s18 =	smov.u32 s17;
	s16 =	smov.u32 s20;
	p2 =	sne.s32 s17, $0x1F0  }
.Ltmp25:
0x18a: {  	s17 =	sadd.s32 $0x10, s17;
	(pc) =	sbr.rel @p2 .LBB2_48-.Ltmp25, $2  }
0x18b: {  	_ =	sdelay $0x2  }
0x18c: {  	s20 =	sadd.s32 $0x200, s20;
	s18 =	sadd.s32 s18, s15  }
0x18d: {  	[tilespmem:s16], [sflag:$0x7] =	stream.linear.gather [hbm4b:s18+s4], $0x80, $0x38;
	[tilespmem:$0x14000] =	vst v63  }
.LBB2_50:
0x18e: {  	_ =	swait.ge [sflag:s29], $0x1000  }
0x18f: {  	[sflag:s29] =	ssyncset.done $0x0  }
0x190: {  	[sflag:s29] =	ssyncadd.s32 $0xFFFFF000  }
0x191: {  	_ =	swait.ge [sflag:s30], $0x1000  }
0x192: {  	[sflag:s30] =	ssyncset.done $0x0  }
0x193: {  	s15 =	simm.s32 @!p0 $0xC;
	[sflag:s30] =	ssyncadd.s32 $0xFFFFF000  }
0x194: {  	_ =	swait.ge @!p0 [sflag:s15], $0x1000  }
0x195: {  	[sflag:s15] =	ssyncset.done @!p0 $0x0  }
0x196: {  	s20 =	simm.s32 $0x1F0;
	[sflag:s15] =	ssyncadd.s32 @!p0 $0xFFFFF000  }
0x197: {  	v4 =	vld [tilespmem:s20+$0x0]  }
0x198: {  	s18 =	simm.s32 $0x41F0;
	v5 =	vld [tilespmem:s20+$0xFFFFFFF0]  }
0x199: {  	v6 =	vld [tilespmem:s18+$0xFFFFFFF0]  }
0x19a: {  	v7 =	vld [tilespmem:s18+$0x0]  }
0x19b: {  	v8 =	vld [tilespmem:s18+$0xFFFFFF90]  }
0x19c: {  	v3 =	vld [tilespmem:s18+$0xFFFFFFB0]  }
0x19d: {  	v9 =	vld [tilespmem:s20+$0xFFFFFF90]  }
0x19e: {  	v10 =	vld [tilespmem:s20+$0xFFFFFFC0];
	v11 =	vsub.f32 v6, v5  }
0x19f: {  	v12 =	vld [tilespmem:s18+$0xFFFFFFC0];
	v4 =	vsub.f32 v7, v4  }
0x1a0: {  	v13 =	vld [tilespmem:s18+$0xFFFFFFA0];
	v6 =	vshrl.u32 v11, $0x10  }
0x1a1: {  	v16 =	vld [tilespmem:s20+$0xFFFFFFA0];
	v7 =	vshrl.u32 v4, $0x10;
	v6 =	vand.u32 $0x7FF0, v6  }
0x1a2: {  	s31 =	simm.s32 $0x81F0;
	v5 =	vld [tilespmem:s20+$0xFFFFFFE0];
	v9 =	vsub.f32 v8, v9;
	v7 =	vand.u32 $0x7FF0, v7;
	v14 =	vor.u32 v1, v6  }
0x1a3: {  	v8 =	vld [tilespmem:s18+$0xFFFFFFE0];
	[tilespmem:s31+$0x0] =	vst v4;
	v15 =	vor.u32 v1, v7  }
0x1a4: {  	[tilespmem:s31+$0xFFFFFF90] =	vst v9;
	v4 =	vshrl.u32 v9, $0x10;
	v9 =	vld [tilespmem:s20+$0xFFFFFFB0]  }
0x1a5: {  	v6 =	vld [tilespmem:s18+$0xFFFFFFD0]  }
0x1a6: {  	v12 =	vsub.f32 v12, v10;
	[tilespmem:s31+$0xFFFFFFF0] =	vst v11;
	v7 =	vld [tilespmem:s20+$0xFFFFFFD0]  }
0x1a7: {  	v4 =	vand.u32 $0x7FF0, v4;
	[tilespmem:v14+s23+$0x0] =	vst.idx.add.s32.msk $0xffff, v2  }
0x1a8: {  	s16 =	simm.s32 $0x43F0;
	s17 =	simm.s32 $0x81F0;
	s15 =	simm.s32 $0x0;
	v11 =	vsub.f32 v13, v16;
	v10 =	vshrl.u32 v12, $0x10;
	v4 =	vor.u32 v1, v4;
	[tilespmem:v15+s23+$0x0] =	vst.idx.add.s32.msk $0xffff, v2  }
.LBB2_51:
0x1a9: {  	v13 =	vld [tilespmem:s16+$0xFFFFFF90];
	s15 =	sadd.s32 $0x8, s15;
	[tilespmem:s31+$0xFFFFFFC0] =	vst v12;
	v10 =	vand.u32 $0x7FF0, v10;
	s17 =	sadd.s32 $0x200, s17;
	s20 =	sadd.s32 $0x200, s20  }
0x1aa: {  	v5 =	vsub.f32 v8, v5;
	v12 =	vld [tilespmem:s20+$0x0];
	p0 =	slt.u32 s15, $0xF8;
	[tilespmem:s31+$0xFFFFFFA0] =	vst v11;
	v11 =	vshrl.u32 v11, $0x10;
	v10 =	vor.u32 v1, v10  }
0x1ab: {  	v6 =	vsub.f32 v6, v7;
	v8 =	vld [tilespmem:s16+$0x0];
	v11 =	vand.u32 $0x7FF0, v11;
	v9 =	vsub.f32 v3, v9  }
0x1ac: {  	v7 =	vld [tilespmem:s20+$0xFFFFFFF0];
	v11 =	vor.u32 v1, v11;
	[tilespmem:s31+$0xFFFFFFE0] =	vst v5;
	v5 =	vshrl.u32 v5, $0x10  }
0x1ad: {  	v3 =	vld [tilespmem:s16+$0xFFFFFFB0];
	v14 =	vshrl.u32 v9, $0x10;
	[tilespmem:s31+$0xFFFFFFD0] =	vst v6;
	v6 =	vshrl.u32 v6, $0x10;
	v5 =	vand.u32 $0x7FF0, v5  }
0x1ae: {  	v15 =	vld [tilespmem:s16+$0xFFFFFFF0];
	[tilespmem:s31+$0xFFFFFFB0] =	vst v9;
	v9 =	vand.u32 $0x7FF0, v14;
	v6 =	vand.u32 $0x7FF0, v6;
	v5 =	vor.u32 v1, v5;
	s31 =	smov.u32 s17  }
0x1af: {  	v14 =	vld [tilespmem:s20+$0xFFFFFFC0];
	v9 =	vor.u32 v1, v9;
	v6 =	vor.u32 v1, v6  }
0x1b0: {  	v16 =	vld [tilespmem:s20+$0xFFFFFF90]  }
0x1b1: {  	v8 =	vsub.f32 v8, v12;
	[tilespmem:v11+s23+$0x0] =	vst.idx.add.s32.msk $0xffff, v2  }
0x1b2: {  	[tilespmem:v4+s23+$0x0] =	vst.idx.add.s32.msk $0xffff, v2  }
0x1b3: {  	v4 =	vsub.f32 v15, v7;
	v7 =	vshrl.u32 v8, $0x10;
	[tilespmem:v5+s23+$0x0] =	vst.idx.add.s32.msk $0xffff, v2  }
0x1b4: {  	v5 =	vand.u32 $0x7FF0, v7;
	[tilespmem:v9+s23+$0x0] =	vst.idx.add.s32.msk $0xffff, v2  }
0x1b5: {  	v7 =	vshrl.u32 v4, $0x10;
	[tilespmem:v6+s23+$0x0] =	vst.idx.add.s32.msk $0xffff, v2  }
0x1b6: {  	v11 =	vld [tilespmem:s16+$0xFFFFFFC0];
	[tilespmem:s17+$0xFFFFFFF0] =	vst v4;
	v4 =	vand.u32 $0x7FF0, v7  }
0x1b7: {  	v15 =	vor.u32 v1, v5;
	[tilespmem:v10+s23+$0x0] =	vst.idx.add.s32.msk $0xffff, v2  }
0x1b8: {  	v6 =	vsub.f32 v13, v16;
	v10 =	vor.u32 v1, v4;
	v5 =	vld [tilespmem:s20+$0xFFFFFFE0];
	[tilespmem:s17+$0x0] =	vst v8  }
0x1b9: {  	v13 =	vld [tilespmem:s16+$0xFFFFFFA0]  }
0x1ba: {  	v4 =	vshrl.u32 v6, $0x10;
	[tilespmem:s17+$0xFFFFFF90] =	vst v6;
	v6 =	vld [tilespmem:s16+$0xFFFFFFD0]  }
0x1bb: {  	v4 =	vand.u32 $0x7FF0, v4;
	v16 =	vld [tilespmem:s20+$0xFFFFFFA0]  }
.Ltmp26:
0x1bc: {  	v4 =	vor.u32 v1, v4;
	v8 =	vld [tilespmem:s16+$0xFFFFFFE0];
	(pc) =	sbr.rel @p0 .LBB2_51-.Ltmp26, $4  }
0x1bd: {  	v7 =	vld [tilespmem:s20+$0xFFFFFFD0]  }
0x1be: {  	v12 =	vsub.f32 v11, v14;
	v9 =	vld [tilespmem:s20+$0xFFFFFFB0]  }
0x1bf: {  	[tilespmem:v10+s23+$0x0] =	vst.idx.add.s32.msk $0xffff, v2  }
0x1c0: {  	s16 =	sadd.s32 $0x200, s16;
	v10 =	vshrl.u32 v12, $0x10;
	v11 =	vsub.f32 v13, v16;
	[tilespmem:v15+s23+$0x0] =	vst.idx.add.s32.msk $0xffff, v2  }
0x1c1: {  	_ =	sdelay $0x1  }
0x1c2: {  	v5 =	vsub.f32 v8, v5;
	v62 =	vand.u32 $0x7FF0, v10  }
0x1c3: {  	[tilespmem:s31+$0xFFFFFFC0] =	vst v12;
	v57 =	vshrl.u32 v11, $0x10;
	v6 =	vsub.f32 v6, v7;
	v63 =	vor.u32 v1, v62  }
0x1c4: {  	[tilespmem:v4+s23+$0x0] =	vst.idx.add.s32.msk $0xffff, v2;
	v8 =	vand.u32 $0x7FF0, v57;
	v3 =	vsub.f32 v3, v9;
	v59 =	vshrl.u32 v5, $0x10  }
0x1c5: {  	[tilespmem:s31+$0xFFFFFFA0] =	vst v11;
	v58 =	vor.u32 v1, v8;
	v8 =	vand.u32 $0x7FF0, v59;
	v60 =	vshrl.u32 v6, $0x10  }
0x1c6: {  	[tilespmem:s31+$0xFFFFFFE0] =	vst v5;
	v9 =	vshrl.u32 v3, $0x10;
	v8 =	vor.u32 v1, v8;
	v5 =	vand.u32 $0x7FF0, v60  }
0x1c7: {  	[tilespmem:s31+$0xFFFFFFB0] =	vst v3;
	v9 =	vand.u32 $0x7FF0, v9;
	v3 =	vor.u32 v1, v5  }
0x1c8: {  	[tilespmem:s31+$0xFFFFFFD0] =	vst v6;
	v61 =	vor.u32 v1, v9  }
0x1c9: {  	[tilespmem:v63+s23+$0x0] =	vst.idx.add.s32.msk $0xffff, v2  }
0x1ca: {  	[tilespmem:v58+s23+$0x0] =	vst.idx.add.s32.msk $0xffff, v2  }
0x1cb: {  	[tilespmem:v8+s23+$0x0] =	vst.idx.add.s32.msk $0xffff, v2  }
0x1cc: {  	s15 =	sadd.s32 $0x600, s19;
	s16 =	simm.s32 $0x8180;
	[tilespmem:v3+s23+$0x0] =	vst.idx.add.s32.msk $0xffff, v2  }
0x1cd: {  	s17 =	simm.s32 $0x10;
	s19 =	simm.s32 $0x8380;
	s18 =	sadd.s32 $0x0, s15;
	[tilespmem:v61+s23+$0x0] =	vst.idx.add.s32.msk $0xffff, v2  }
.LBB2_53:
0x1ce: {  	[hbm4b:s18+s4] =	stream.linear.scatter [tilespmem:s16], [sflag:$0xC], $0x80, $0x38;
	[tilespmem:$0x14000] =	vst v63  }
0x1cf: {  	s18 =	smov.u32 s17;
	s16 =	smov.u32 s19;
	p0 =	sne.s32 s17, $0x1F0  }
.Ltmp27:
0x1d0: {  	s17 =	sadd.s32 $0x10, s17;
	(pc) =	sbr.rel @p0 .LBB2_53-.Ltmp27, $2  }
0x1d1: {  	_ =	sdelay $0x2  }
0x1d2: {  	s19 =	sadd.s32 $0x200, s19;
	s18 =	sadd.s32 s18, s15  }
.Ltmp28:
0x1d3: {  	(pc) =	sbr.rel @p1 .LBB2_60-.Ltmp28, $2  }
0x1d4: {  	_ =	sdelay $0x2  }
0x1d5: {  	[hbm4b:s18+s4] =	stream.linear.scatter [tilespmem:s16], [sflag:$0xC], $0x80, $0x38;
	[tilespmem:$0x14000] =	vst v63  }
0x1d6: {  	s15 =	rddreg [dreg:$0x8]  }
0x1d7: {  	s3 =	sadd.s32 s3, s15  }
0x1d8: {  	s3 =	sshrl.u32 s3, $0x3  }
0x1d9: {  	s16 =	simm.s32 $0x180;
	s15 =	sadd.s32 s1, s3  }
0x1da: {  	s17 =	simm.s32 $0x10;
	s19 =	simm.s32 $0x380;
	s18 =	sadd.s32 $0x0, s15  }
.LBB2_56:
0x1db: {  	[tilespmem:s16], [sflag:$0x4] =	stream.linear.gather [hbm4b:s18+s4], $0x80, $0x38;
	[tilespmem:$0x14000] =	vst v63  }
0x1dc: {  	s18 =	smov.u32 s17;
	s16 =	smov.u32 s19;
	p0 =	sne.s32 s17, $0x1F0  }
.Ltmp29:
0x1dd: {  	s17 =	sadd.s32 $0x10, s17;
	(pc) =	sbr.rel @p0 .LBB2_56-.Ltmp29, $2  }
0x1de: {  	_ =	sdelay $0x2  }
0x1df: {  	s19 =	sadd.s32 $0x200, s19;
	s18 =	sadd.s32 s18, s15  }
0x1e0: {  	[tilespmem:s16], [sflag:$0x4] =	stream.linear.gather [hbm4b:s18+s4], $0x80, $0x38;
	[tilespmem:$0x14000] =	vst v63  }
0x1e1: {  	s3 =	sadd.s32 s2, s3;
	s15 =	simm.s32 $0x4180  }
0x1e2: {  	s16 =	simm.s32 $0x10;
	s17 =	simm.s32 $0x4380;
	s18 =	sadd.s32 $0x0, s3  }
.LBB2_58:
0x1e3: {  	[tilespmem:s15], [sflag:$0x8] =	stream.linear.gather [hbm4b:s18+s4], $0x80, $0x38;
	[tilespmem:$0x14000] =	vst v63  }
0x1e4: {  	s18 =	smov.u32 s16;
	s15 =	smov.u32 s17;
	p0 =	sne.s32 s16, $0x1F0  }
.Ltmp30:
0x1e5: {  	s16 =	sadd.s32 $0x10, s16;
	(pc) =	sbr.rel @p0 .LBB2_58-.Ltmp30, $2  }
0x1e6: {  	_ =	sdelay $0x2  }
0x1e7: {  	s17 =	sadd.s32 $0x200, s17;
	s18 =	sadd.s32 s18, s3  }
.Ltmp31:
0x1e8: {  	(pc) =	sbr.rel .LBB2_20-.Ltmp31, $3  }
0x1e9: {  	_ =	sdelay $0x1  }
0x1ea: {  	[tilespmem:s15], [sflag:$0x8] =	stream.linear.gather [hbm4b:s18+s4], $0x80, $0x38;
	[tilespmem:$0x14000] =	vst v63  }
0x1eb: {  	s0 =	sadd.s32 $0x1, s0  }
.LBB2_61:
0x1ec: {  	_ =	sfence.sel $0x180000  }
0x1ed: {  	[bflag:$0x0] =	sbarrier.arrive $0xFFFF  }
0x1ee: {  	_ =	strace $0x90000047  }
0x1ef: {  	s0 =	stileid.u32;
	[bflag:$0x2] =	sbarrier.arrive $0xFFFF  }
0x1f0: {  	p0 =	sne.s32 s0, $0x0;
	s0 =	rddreg [dreg:$0x4]  }
0x1f1: {  	s0 =	sadd.s32 @!p0 $0x100000, s0  }
0x1f2: {  	[sflag:s0] =	ssyncadd.tile.s32 @!p0 $0x1;
	_ =	shalt  }
.Lfunc_end2:
_tile_overlayer_lowered:
.L_overlay_start_2:
0x1f3: {  	(tag) =	ssettag $0x2  }
0x1f4: {  	s0 =	rddreg [dreg:$0x0];
	s2 =	stileid.u32  }
0x1f5: {  	s1 =	rddreg [dreg:$0x1];
	p0 =	sne.s32 s2, $0x0  }
0x1f6: {  	s3 =	rddreg [dreg:$0x2];
	[bflag:$0x3] =	sbarrier.arrive $0xFFFF;
	s2 =	simm.s32 @!p0 $0x1C0D  }
0x1f7: {  	[timem:s3], [sflag:s2] =	dma.local @!p0 [hbm:s0], s1  }
0x1f8: {  	s0 =	simm.s32 @!p0 $0xD  }
0x1f9: {  	_ =	swait.ge @!p0 [sflag:s0], s1  }
0x1fa: {  	s1 =	ssub.s32 @!p0 $0x0, s1;
	[sflag:s0] =	ssyncset.done @!p0 $0x0  }
0x1fb: {  	[sflag:s0] =	ssyncadd.s32 @!p0 s1  }
0x1fc: {  	[bflag:$0x3] =	sbarrier.arrive $0xFFFF  }
0x1fd: {  	_ =	shalt  }

</sc_bundles>
